<compile_context>
chip_gen: v7x
topology: tpu7x:2x2x1
jax: 0.10.2.dev20260603
libtpu: 0.0.44.dev20260713+nightly
codegen_flags: <defaults>
</compile_context>

<pallas_src>
import functools

import jax
import jax.numpy as jnp
from jax import lax
from jax.experimental import pallas as pl
from jax.experimental.pallas import tpu as pltpu
from jax.experimental.pallas import tpu_sc as plsc

_B = 16384
_DM = 512
_DX = 1024
_NC = 2
_NS = 16
_NW = _NC * _NS
_P = 8
_BP = _B // _P
_RPW = _BP // _NW
_CHUNK = 64
_NCHUNK = _RPW // _CHUNK


def _sc_gather_body(nodes_hbm, mail_hbm, mem_hbm, lu_hbm,
                    x_out, h_out, lu_out,
                    idx_v, xbuf, hbuf, lubuf, semx, semh, seml):
    wid = lax.axis_index("s") * _NC + lax.axis_index("c")
    pltpu.sync_copy(nodes_hbm.at[wid], idx_v)
    for j in range(_NCHUNK):
        base = wid * _RPW + j * _CHUNK
        cx = pltpu.async_copy(mail_hbm.at[idx_v.at[j]], xbuf, semx)
        ch = pltpu.async_copy(mem_hbm.at[idx_v.at[j]], hbuf, semh)
        cl = pltpu.async_copy(lu_hbm.at[idx_v.at[j]], lubuf, seml)
        cx.wait()
        ch.wait()
        cl.wait()
        pltpu.sync_copy(xbuf, x_out.at[pl.ds(base, _CHUNK)])
        pltpu.sync_copy(hbuf, h_out.at[pl.ds(base, _CHUNK)])
        pltpu.sync_copy(lubuf, lu_out.at[pl.ds(base, _CHUNK)])


_sc_gather = functools.partial(
    pl.kernel,
    out_type=(
        jax.ShapeDtypeStruct((_BP, 8, 128), jnp.float32),
        jax.ShapeDtypeStruct((_BP, _DM), jnp.float32),
        jax.ShapeDtypeStruct((_BP,), jnp.float32),
    ),
    mesh=plsc.VectorSubcoreMesh(
        core_axis_name="c", subcore_axis_name="s",
        num_cores=_NC, num_subcores=_NS),
    scratch_types=[
        pltpu.VMEM((_NCHUNK, _CHUNK), jnp.int32),
        pltpu.VMEM((_CHUNK, 8, 128), jnp.float32),
        pltpu.VMEM((_CHUNK, _DM), jnp.float32),
        pltpu.VMEM((_CHUNK,), jnp.float32),
        pltpu.SemaphoreType.DMA,
        pltpu.SemaphoreType.DMA,
        pltpu.SemaphoreType.DMA,
    ],
)(_sc_gather_body)


def _gru_body(x_ref, h_ref, wi_ref, wh_ref, bi_ref, bh_ref, o_ref):
    h = h_ref[...]
    x = x_ref[...].reshape(x_ref.shape[0], _DX).astype(jnp.bfloat16)
    gi = lax.dot_general(x, wi_ref[...], (((1,), (1,)), ((), ())),
                         preferred_element_type=jnp.float32) + bi_ref[...]
    gh = lax.dot_general(h.astype(jnp.bfloat16), wh_ref[...],
                         (((1,), (1,)), ((), ())),
                         preferred_element_type=jnp.float32) + bh_ref[...]
    r = jax.nn.sigmoid(gi[:, :_DM] + gh[:, :_DM])
    z = jax.nn.sigmoid(gi[:, _DM:2 * _DM] + gh[:, _DM:2 * _DM])
    n = jnp.tanh(gi[:, 2 * _DM:] + r * gh[:, 2 * _DM:])
    o_ref[...] = (1.0 - z) * n + z * h


_BM = 1024
_SPP = _BP // _BM


def _tc_gru_part(p, acc, x3, h, wi, wh, bi2, bh2):
    data_specs = [
        pl.BlockSpec((_BM, 8, 128), lambda i: (i, 0, 0)),
        pl.BlockSpec((_BM, _DM), lambda i: (i, 0)),
        pl.BlockSpec((3 * _DM, _DX), lambda i: (0, 0)),
        pl.BlockSpec((3 * _DM, _DM), lambda i: (0, 0)),
        pl.BlockSpec((1, 3 * _DM), lambda i: (0, 0)),
        pl.BlockSpec((1, 3 * _DM), lambda i: (0, 0)),
    ]
    if p == 0:
        body, in_specs, args = _gru_body, data_specs, ()
        aliases = {}
    else:
        body = lambda acc_ref, *refs: _gru_body(*refs)
        in_specs = [pl.BlockSpec(memory_space=pl.ANY)] + data_specs
        args = (acc,)
        aliases = {0: 0}
    return pl.pallas_call(
        body,
        grid=(_SPP,),
        in_specs=in_specs,
        out_specs=pl.BlockSpec((_BM, _DM), lambda i, p=p: (p * _SPP + i, 0)),
        out_shape=jax.ShapeDtypeStruct((_B, _DM), jnp.float32),
        input_output_aliases=aliases,
        compiler_params=pltpu.CompilerParams(
            dimension_semantics=("parallel",)),
    )(*args, x3, h, wi, wh, bi2, bh2)


def kernel(nodes, memory, mailbox, last_update, W_ih, W_hh, b_ih, b_hh):
    n_nodes = memory.shape[0]
    mail3 = mailbox.reshape(n_nodes, 8, 128)
    nodes4 = nodes.reshape(_P, _NW, _NCHUNK, _CHUNK)
    wi = W_ih.astype(jnp.bfloat16)
    wh = W_hh.astype(jnp.bfloat16)
    bi2 = b_ih.reshape(1, 3 * _DM)
    bh2 = b_hh.reshape(1, 3 * _DM)
    parts = [_sc_gather(nodes4[p], mail3, memory, last_update)
             for p in range(_P)]
    acc = None
    for p in range(_P):
        x3, h, _ = parts[p]
        acc = _tc_gru_part(p, acc, x3, h, wi, wh, bi2, bh2)
    lu = jnp.concatenate([parts[p][2] for p in range(_P)])
    return acc, lu

# --- scband reference (transcript-rebuilt; emitter-appended) ---
"""Pipeline reference for scband-grumemory-84756884620123 (READ-ONLY COPY).

The authoritative reference and input builder live on the scoring server;
editing this copy changes nothing except your own understanding.
"""

import jax, jax.numpy as jnp
import numpy as np

N_NODES = 100000
DIM_MEMORY = 512
DIM_MSG = 1024
BATCH = 16384


def setup_inputs(seed: int = 0) -> dict:
    key = jax.random.key(seed)
    ks = jax.random.split(key, 8)
    nodes = jax.random.randint(ks[0], (BATCH,), 0, N_NODES, dtype=jnp.int32)
    memory = jax.random.normal(ks[1], (N_NODES, DIM_MEMORY), dtype=jnp.float32)
    mailbox = jax.random.normal(ks[2], (N_NODES, 1, DIM_MSG), dtype=jnp.float32)
    last_update = jnp.zeros((N_NODES,), dtype=jnp.float32)
    s = 1.0 / np.sqrt(DIM_MEMORY)
    W_ih = jax.random.uniform(ks[3], (3 * DIM_MEMORY, DIM_MSG), minval=-s, maxval=s, dtype=jnp.float32)
    W_hh = jax.random.uniform(ks[4], (3 * DIM_MEMORY, DIM_MEMORY), minval=-s, maxval=s, dtype=jnp.float32)
    b_ih = jax.random.uniform(ks[5], (3 * DIM_MEMORY,), minval=-s, maxval=s, dtype=jnp.float32)
    b_hh = jax.random.uniform(ks[6], (3 * DIM_MEMORY,), minval=-s, maxval=s, dtype=jnp.float32)
    return {"nodes": nodes, "memory": memory, "mailbox": mailbox, "last_update": last_update,
            "W_ih": W_ih, "W_hh": W_hh, "b_ih": b_ih, "b_hh": b_hh}


def _gru_cell(x, h, W_ih, W_hh, b_ih, b_hh):
    # faithful PyTorch nn.GRUCell math
    gi = x @ W_ih.T + b_ih
    gh = h @ W_hh.T + b_hh
    i_r, i_z, i_n = jnp.split(gi, 3, axis=1)
    h_r, h_z, h_n = jnp.split(gh, 3, axis=1)
    r = jax.nn.sigmoid(i_r + h_r)
    z = jax.nn.sigmoid(i_z + h_z)
    n = jnp.tanh(i_n + r * h_n)
    return (1.0 - z) * n + z * h


def reference(nodes, memory, mailbox, last_update, W_ih, W_hh, b_ih, b_hh):
    # GRUMemory.get_updated_memory(nodes)
    # Per-node GRU output is a pure function of that node's rows, so duplicate
    # indices in `nodes` scatter identical values; this matches the
    # unique-index scatter-overwrite exactly while keeping shapes static.
    x = mailbox[nodes, 0, :]                  # mailbox[to_update_nids].squeeze()
    h = memory[nodes, :]
    new_h = _gru_cell(x, h, W_ih, W_hh, b_ih, b_hh)
    updated_memory = memory.at[nodes].set(new_h)         # scatter-overwrite
    return updated_memory[nodes, :], last_update[nodes]

if __name__ == "__main__":
    import jax
    _d = setup_inputs()
    print(jax.jit(kernel)(*tuple(_d.values())))

</pallas_src>

<mosaic_0001>
#map = affine_map<(d0, d1) -> (0, 0, 0)>
#map1 = affine_map<(d0, d1) -> (0, 0)>
#map2 = affine_map<(d0, d1) -> (0)>
module attributes {stable_mosaic.version = 14 : i64} {
  func.func @_sc_gather_body(%arg0: i32, %arg1: i32, %arg2: memref<32x1x64xi32, #tpu.memory_space<hbm>>, %arg3: memref<100000x8x128xf32, #tpu.memory_space<hbm>>, %arg4: memref<100000x512xf32, #tpu.memory_space<hbm>>, %arg5: memref<100000xf32, #tpu.memory_space<hbm>>, %arg6: memref<2048x8x128xf32, #tpu.memory_space<hbm>>, %arg7: memref<2048x512xf32, #tpu.memory_space<hbm>>, %arg8: memref<2048xf32, #tpu.memory_space<hbm>>, %arg9: memref<1x64xi32, #tpu.memory_space<vmem>>, %arg10: memref<64x8x128xf32, #tpu.memory_space<vmem>>, %arg11: memref<64x512xf32, #tpu.memory_space<vmem>>, %arg12: memref<64xf32, #tpu.memory_space<vmem>>, %arg13: memref<!tpu.dma_semaphore, #tpu.memory_space<semaphore_mem>>, %arg14: memref<!tpu.dma_semaphore, #tpu.memory_space<semaphore_mem>>, %arg15: memref<!tpu.dma_semaphore, #tpu.memory_space<semaphore_mem>>) attributes {dimension_semantics = [#tpu.dimension_semantics<core_parallel>, #tpu.dimension_semantics<subcore_parallel>], iteration_bounds = array<i64: 2, 16>, scalar_prefetch = 0 : i64, scratch_operands = 7 : i64, tpu.core_type = #tpu.core_type<sc_vector_subcore>, window_params = [{transform_indices = #map}, {transform_indices = #map}, {transform_indices = #map1}, {transform_indices = #map2}, {transform_indices = #map}, {transform_indices = #map1}, {transform_indices = #map2}]} {
    %mul3A = arith.constant 2 : i32
    %mul3A_0 = arith.muli %arg1, %mul3A : i32
    %add3A = arith.addi %mul3A_0, %arg0 : i32
    "tpu.region"() ({
      %run_scoped3A = tpu.sem_alloc : memref<!tpu.dma_semaphore, #tpu.memory_space<semaphore_mem>>
      %dma_start3A_45 = arith.constant 0 : i32
      %dma_start3A_46 = arith.constant 0 : i32
      %dma_start3A_47 = tpu.memref_slice %arg2[%add3A, %dma_start3A_45, %dma_start3A_46] : memref<32x1x64xi32, #tpu.memory_space<hbm>> -> memref<1x1x64xi32, #tpu.memory_space<hbm>>
      %dma_start3A_48 = tpu.memref_squeeze %dma_start3A_47 : memref<1x1x64xi32, #tpu.memory_space<hbm>> -> memref<1x64xi32, #tpu.memory_space<hbm>>
      %dma_start3A_49 = arith.constant 0 : i32
      %dma_start3A_50 = arith.constant 0 : i32
      %dma_start3A_51 = tpu.memref_slice %arg2[%add3A, %dma_start3A_49, %dma_start3A_50] : memref<32x1x64xi32, #tpu.memory_space<hbm>> -> memref<1x1x64xi32, #tpu.memory_space<hbm>>
      %dma_start3A_52 = tpu.memref_squeeze %dma_start3A_51 : memref<1x1x64xi32, #tpu.memory_space<hbm>> -> memref<1x64xi32, #tpu.memory_space<hbm>>
      tpu.enqueue_dma source(%dma_start3A_52 : memref<1x64xi32, #tpu.memory_space<hbm>>) target(%arg9 : memref<1x64xi32, #tpu.memory_space<vmem>>) target_semaphore(%run_scoped3A : memref<!tpu.dma_semaphore, #tpu.memory_space<semaphore_mem>>)
      %dma_wait3A_53 = arith.constant 0 : i32
      %dma_wait3A_54 = arith.constant 0 : i32
      %dma_wait3A_55 = tpu.memref_slice %arg2[%add3A, %dma_wait3A_53, %dma_wait3A_54] : memref<32x1x64xi32, #tpu.memory_space<hbm>> -> memref<1x1x64xi32, #tpu.memory_space<hbm>>
      %dma_wait3A_56 = tpu.memref_squeeze %dma_wait3A_55 : memref<1x1x64xi32, #tpu.memory_space<hbm>> -> memref<1x64xi32, #tpu.memory_space<hbm>>
      %dma_wait3A_57 = arith.constant 0 : i32
      %dma_wait3A_58 = arith.constant 0 : i32
      %dma_wait3A_59 = tpu.memref_slice %arg2[%add3A, %dma_wait3A_57, %dma_wait3A_58] : memref<32x1x64xi32, #tpu.memory_space<hbm>> -> memref<1x1x64xi32, #tpu.memory_space<hbm>>
      %dma_wait3A_60 = tpu.memref_squeeze %dma_wait3A_59 : memref<1x1x64xi32, #tpu.memory_space<hbm>> -> memref<1x64xi32, #tpu.memory_space<hbm>>
      tpu.wait_dma2 semaphore(%run_scoped3A : memref<!tpu.dma_semaphore, #tpu.memory_space<semaphore_mem>>) src(%dma_wait3A_60 : memref<1x64xi32, #tpu.memory_space<hbm>>) dst(%arg9 : memref<1x64xi32, #tpu.memory_space<vmem>>)
      tpu.yield
    }) : () -> ()
    %mul3A_1 = arith.constant 64 : i32
    %mul3A_2 = arith.muli %add3A, %mul3A_1 : i32
    %add3A_3 = arith.constant 0 : i32
    %add3A_4 = arith.addi %mul3A_2, %add3A_3 : i32
    %dma_start3A = arith.constant 0 : i32
    %dma_start3A_5 = arith.constant 0 : i32
    %dma_start3A_6 = tpu.memref_slice %arg9[%dma_start3A, %dma_start3A_5] : memref<1x64xi32, #tpu.memory_space<vmem>> -> memref<1x64xi32, #tpu.memory_space<vmem>>
    %dma_start3A_7 = tpu.memref_squeeze %dma_start3A_6 : memref<1x64xi32, #tpu.memory_space<vmem>> -> memref<64xi32, #tpu.memory_space<vmem>>
    %dma_start3A_8 = arith.constant 0 : i32
    %dma_start3A_9 = arith.constant 0 : i32
    %dma_start3A_10 = arith.constant 0 : i32
    %dma_start3A_11 = tpu.memref_slice %arg3[%dma_start3A_8, %dma_start3A_9, %dma_start3A_10] : memref<100000x8x128xf32, #tpu.memory_space<hbm>> -> memref<100000x8x128xf32, #tpu.memory_space<hbm>>
    tpu.enqueue_indirect_dma source(%dma_start3A_11 : memref<100000x8x128xf32, #tpu.memory_space<hbm>>) target(%arg10 : memref<64x8x128xf32, #tpu.memory_space<vmem>>) offsets(%dma_start3A_7 : memref<64xi32, #tpu.memory_space<vmem>>) semaphore(%arg13 : memref<!tpu.dma_semaphore, #tpu.memory_space<semaphore_mem>>)
    %dma_start3A_12 = arith.constant 0 : i32
    %dma_start3A_13 = arith.constant 0 : i32
    %dma_start3A_14 = tpu.memref_slice %arg9[%dma_start3A_12, %dma_start3A_13] : memref<1x64xi32, #tpu.memory_space<vmem>> -> memref<1x64xi32, #tpu.memory_space<vmem>>
    %dma_start3A_15 = tpu.memref_squeeze %dma_start3A_14 : memref<1x64xi32, #tpu.memory_space<vmem>> -> memref<64xi32, #tpu.memory_space<vmem>>
    %dma_start3A_16 = arith.constant 0 : i32
    %dma_start3A_17 = arith.constant 0 : i32
    %dma_start3A_18 = tpu.memref_slice %arg4[%dma_start3A_16, %dma_start3A_17] : memref<100000x512xf32, #tpu.memory_space<hbm>> -> memref<100000x512xf32, #tpu.memory_space<hbm>>
    tpu.enqueue_indirect_dma source(%dma_start3A_18 : memref<100000x512xf32, #tpu.memory_space<hbm>>) target(%arg11 : memref<64x512xf32, #tpu.memory_space<vmem>>) offsets(%dma_start3A_15 : memref<64xi32, #tpu.memory_space<vmem>>) semaphore(%arg14 : memref<!tpu.dma_semaphore, #tpu.memory_space<semaphore_mem>>)
    %dma_start3A_19 = arith.constant 0 : i32
    %dma_start3A_20 = arith.constant 0 : i32
    %dma_start3A_21 = tpu.memref_slice %arg9[%dma_start3A_19, %dma_start3A_20] : memref<1x64xi32, #tpu.memory_space<vmem>> -> memref<1x64xi32, #tpu.memory_space<vmem>>
    %dma_start3A_22 = tpu.memref_squeeze %dma_start3A_21 : memref<1x64xi32, #tpu.memory_space<vmem>> -> memref<64xi32, #tpu.memory_space<vmem>>
    %dma_start3A_23 = arith.constant 0 : i32
    %dma_start3A_24 = tpu.memref_slice %arg5[%dma_start3A_23] : memref<100000xf32, #tpu.memory_space<hbm>> -> memref<100000xf32, #tpu.memory_space<hbm>>
    tpu.enqueue_indirect_dma source(%dma_start3A_24 : memref<100000xf32, #tpu.memory_space<hbm>>) target(%arg12 : memref<64xf32, #tpu.memory_space<vmem>>) offsets(%dma_start3A_22 : memref<64xi32, #tpu.memory_space<vmem>>) semaphore(%arg15 : memref<!tpu.dma_semaphore, #tpu.memory_space<semaphore_mem>>)
    %dma_wait3A = arith.constant 0 : i32
    %dma_wait3A_25 = arith.constant 0 : i32
    %dma_wait3A_26 = tpu.memref_slice %arg9[%dma_wait3A, %dma_wait3A_25] : memref<1x64xi32, #tpu.memory_space<vmem>> -> memref<1x64xi32, #tpu.memory_space<vmem>>
    %dma_wait3A_27 = tpu.memref_squeeze %dma_wait3A_26 : memref<1x64xi32, #tpu.memory_space<vmem>> -> memref<64xi32, #tpu.memory_space<vmem>>
    %dma_wait3A_28 = arith.constant 0 : i32
    %dma_wait3A_29 = arith.constant 0 : i32
    %dma_wait3A_30 = arith.constant 0 : i32
    %dma_wait3A_31 = tpu.memref_slice %arg3[%dma_wait3A_28, %dma_wait3A_29, %dma_wait3A_30] : memref<100000x8x128xf32, #tpu.memory_space<hbm>> -> memref<100000x8x128xf32, #tpu.memory_space<hbm>>
    tpu.wait_indirect_dma semaphore(%arg13 : memref<!tpu.dma_semaphore, #tpu.memory_space<semaphore_mem>>) src(%dma_wait3A_31 : memref<100000x8x128xf32, #tpu.memory_space<hbm>>) dst(%arg10 : memref<64x8x128xf32, #tpu.memory_space<vmem>>)
    %dma_wait3A_32 = arith.constant 0 : i32
    %dma_wait3A_33 = arith.constant 0 : i32
    %dma_wait3A_34 = tpu.memref_slice %arg9[%dma_wait3A_32, %dma_wait3A_33] : memref<1x64xi32, #tpu.memory_space<vmem>> -> memref<1x64xi32, #tpu.memory_space<vmem>>
    %dma_wait3A_35 = tpu.memref_squeeze %dma_wait3A_34 : memref<1x64xi32, #tpu.memory_space<vmem>> -> memref<64xi32, #tpu.memory_space<vmem>>
    %dma_wait3A_36 = arith.constant 0 : i32
    %dma_wait3A_37 = arith.constant 0 : i32
    %dma_wait3A_38 = tpu.memref_slice %arg4[%dma_wait3A_36, %dma_wait3A_37] : memref<100000x512xf32, #tpu.memory_space<hbm>> -> memref<100000x512xf32, #tpu.memory_space<hbm>>
    tpu.wait_indirect_dma semaphore(%arg14 : memref<!tpu.dma_semaphore, #tpu.memory_space<semaphore_mem>>) src(%dma_wait3A_38 : memref<100000x512xf32, #tpu.memory_space<hbm>>) dst(%arg11 : memref<64x512xf32, #tpu.memory_space<vmem>>)
    %dma_wait3A_39 = arith.constant 0 : i32
    %dma_wait3A_40 = arith.constant 0 : i32
    %dma_wait3A_41 = tpu.memref_slice %arg9[%dma_wait3A_39, %dma_wait3A_40] : memref<1x64xi32, #tpu.memory_space<vmem>> -> memref<1x64xi32, #tpu.memory_space<vmem>>
    %dma_wait3A_42 = tpu.memref_squeeze %dma_wait3A_41 : memref<1x64xi32, #tpu.memory_space<vmem>> -> memref<64xi32, #tpu.memory_space<vmem>>
    %dma_wait3A_43 = arith.constant 0 : i32
    %dma_wait3A_44 = tpu.memref_slice %arg5[%dma_wait3A_43] : memref<100000xf32, #tpu.memory_space<hbm>> -> memref<100000xf32, #tpu.memory_space<hbm>>
    tpu.wait_indirect_dma semaphore(%arg15 : memref<!tpu.dma_semaphore, #tpu.memory_space<semaphore_mem>>) src(%dma_wait3A_44 : memref<100000xf32, #tpu.memory_space<hbm>>) dst(%arg12 : memref<64xf32, #tpu.memory_space<vmem>>)
    "tpu.region"() ({
      %run_scoped3A = tpu.sem_alloc : memref<!tpu.dma_semaphore, #tpu.memory_space<semaphore_mem>>
      %dma_start3A_45 = arith.constant 0 : i32
      %dma_start3A_46 = arith.constant 0 : i32
      %dma_start3A_47 = tpu.memref_slice %arg6[%add3A_4, %dma_start3A_45, %dma_start3A_46] : memref<2048x8x128xf32, #tpu.memory_space<hbm>> -> memref<64x8x128xf32, #tpu.memory_space<hbm>>
      %dma_start3A_48 = arith.constant 0 : i32
      %dma_start3A_49 = arith.constant 0 : i32
      %dma_start3A_50 = tpu.memref_slice %arg6[%add3A_4, %dma_start3A_48, %dma_start3A_49] : memref<2048x8x128xf32, #tpu.memory_space<hbm>> -> memref<64x8x128xf32, #tpu.memory_space<hbm>>
      tpu.enqueue_dma source(%arg10 : memref<64x8x128xf32, #tpu.memory_space<vmem>>) target(%dma_start3A_50 : memref<64x8x128xf32, #tpu.memory_space<hbm>>) target_semaphore(%run_scoped3A : memref<!tpu.dma_semaphore, #tpu.memory_space<semaphore_mem>>)
      %dma_wait3A_51 = arith.constant 0 : i32
      %dma_wait3A_52 = arith.constant 0 : i32
      %dma_wait3A_53 = tpu.memref_slice %arg6[%add3A_4, %dma_wait3A_51, %dma_wait3A_52] : memref<2048x8x128xf32, #tpu.memory_space<hbm>> -> memref<64x8x128xf32, #tpu.memory_space<hbm>>
      %dma_wait3A_54 = arith.constant 0 : i32
      %dma_wait3A_55 = arith.constant 0 : i32
      %dma_wait3A_56 = tpu.memref_slice %arg6[%add3A_4, %dma_wait3A_54, %dma_wait3A_55] : memref<2048x8x128xf32, #tpu.memory_space<hbm>> -> memref<64x8x128xf32, #tpu.memory_space<hbm>>
      tpu.wait_dma2 semaphore(%run_scoped3A : memref<!tpu.dma_semaphore, #tpu.memory_space<semaphore_mem>>) src(%arg10 : memref<64x8x128xf32, #tpu.memory_space<vmem>>) dst(%dma_wait3A_56 : memref<64x8x128xf32, #tpu.memory_space<hbm>>)
      tpu.yield
    }) : () -> ()
    "tpu.region"() ({
      %run_scoped3A = tpu.sem_alloc : memref<!tpu.dma_semaphore, #tpu.memory_space<semaphore_mem>>
      %dma_start3A_45 = arith.constant 0 : i32
      %dma_start3A_46 = tpu.memref_slice %arg7[%add3A_4, %dma_start3A_45] : memref<2048x512xf32, #tpu.memory_space<hbm>> -> memref<64x512xf32, #tpu.memory_space<hbm>>
      %dma_start3A_47 = arith.constant 0 : i32
      %dma_start3A_48 = tpu.memref_slice %arg7[%add3A_4, %dma_start3A_47] : memref<2048x512xf32, #tpu.memory_space<hbm>> -> memref<64x512xf32, #tpu.memory_space<hbm>>
      tpu.enqueue_dma source(%arg11 : memref<64x512xf32, #tpu.memory_space<vmem>>) target(%dma_start3A_48 : memref<64x512xf32, #tpu.memory_space<hbm>>) target_semaphore(%run_scoped3A : memref<!tpu.dma_semaphore, #tpu.memory_space<semaphore_mem>>)
      %dma_wait3A_49 = arith.constant 0 : i32
      %dma_wait3A_50 = tpu.memref_slice %arg7[%add3A_4, %dma_wait3A_49] : memref<2048x512xf32, #tpu.memory_space<hbm>> -> memref<64x512xf32, #tpu.memory_space<hbm>>
      %dma_wait3A_51 = arith.constant 0 : i32
      %dma_wait3A_52 = tpu.memref_slice %arg7[%add3A_4, %dma_wait3A_51] : memref<2048x512xf32, #tpu.memory_space<hbm>> -> memref<64x512xf32, #tpu.memory_space<hbm>>
      tpu.wait_dma2 semaphore(%run_scoped3A : memref<!tpu.dma_semaphore, #tpu.memory_space<semaphore_mem>>) src(%arg11 : memref<64x512xf32, #tpu.memory_space<vmem>>) dst(%dma_wait3A_52 : memref<64x512xf32, #tpu.memory_space<hbm>>)
      tpu.yield
    }) : () -> ()
    "tpu.region"() ({
      %run_scoped3A = tpu.sem_alloc : memref<!tpu.dma_semaphore, #tpu.memory_space<semaphore_mem>>
      %dma_start3A_45 = tpu.memref_slice %arg8[%add3A_4] : memref<2048xf32, #tpu.memory_space<hbm>> -> memref<64xf32, #tpu.memory_space<hbm>>
      %dma_start3A_46 = tpu.memref_slice %arg8[%add3A_4] : memref<2048xf32, #tpu.memory_space<hbm>> -> memref<64xf32, #tpu.memory_space<hbm>>
      tpu.enqueue_dma source(%arg12 : memref<64xf32, #tpu.memory_space<vmem>>) target(%dma_start3A_46 : memref<64xf32, #tpu.memory_space<hbm>>) target_semaphore(%run_scoped3A : memref<!tpu.dma_semaphore, #tpu.memory_space<semaphore_mem>>)
      %dma_wait3A_47 = tpu.memref_slice %arg8[%add3A_4] : memref<2048xf32, #tpu.memory_space<hbm>> -> memref<64xf32, #tpu.memory_space<hbm>>
      %dma_wait3A_48 = tpu.memref_slice %arg8[%add3A_4] : memref<2048xf32, #tpu.memory_space<hbm>> -> memref<64xf32, #tpu.memory_space<hbm>>
      tpu.wait_dma2 semaphore(%run_scoped3A : memref<!tpu.dma_semaphore, #tpu.memory_space<semaphore_mem>>) src(%arg12 : memref<64xf32, #tpu.memory_space<vmem>>) dst(%dma_wait3A_48 : memref<64xf32, #tpu.memory_space<hbm>>)
      tpu.yield
    }) : () -> ()
    return
  }
}

#map = affine_map<(d0, d1) -> (0, 0, 0)>
#map1 = affine_map<(d0, d1) -> (0, 0)>
#map2 = affine_map<(d0, d1) -> (0)>
module attributes {stable_mosaic.version = 14 : i64} {
  func.func @_sc_gather_body(%arg0: i32, %arg1: i32, %arg2: memref<32x1x64xi32, #tpu.memory_space<hbm>>, %arg3: memref<100000x8x128xf32, #tpu.memory_space<hbm>>, %arg4: memref<100000x512xf32, #tpu.memory_space<hbm>>, %arg5: memref<100000xf32, #tpu.memory_space<hbm>>, %arg6: memref<2048x8x128xf32, #tpu.memory_space<hbm>>, %arg7: memref<2048x512xf32, #tpu.memory_space<hbm>>, %arg8: memref<2048xf32, #tpu.memory_space<hbm>>, %arg9: memref<1x64xi32, #tpu.memory_space<vmem>>, %arg10: memref<64x8x128xf32, #tpu.memory_space<vmem>>, %arg11: memref<64x512xf32, #tpu.memory_space<vmem>>, %arg12: memref<64xf32, #tpu.memory_space<vmem>>, %arg13: memref<!tpu.dma_semaphore, #tpu.memory_space<semaphore_mem>>, %arg14: memref<!tpu.dma_semaphore, #tpu.memory_space<semaphore_mem>>, %arg15: memref<!tpu.dma_semaphore, #tpu.memory_space<semaphore_mem>>) attributes {dimension_semantics = [#tpu.dimension_semantics<core_parallel>, #tpu.dimension_semantics<subcore_parallel>], iteration_bounds = array<i64: 2, 16>, scalar_prefetch = 0 : i64, scratch_operands = 7 : i64, tpu.core_type = #tpu.core_type<sc_vector_subcore>, window_params = [{transform_indices = #map}, {transform_indices = #map}, {transform_indices = #map1}, {transform_indices = #map2}, {transform_indices = #map}, {transform_indices = #map1}, {transform_indices = #map2}]} {
    %mul3A = arith.constant 2 : i32
    %mul3A_0 = arith.muli %arg1, %mul3A : i32
    %add3A = arith.addi %mul3A_0, %arg0 : i32
    "tpu.region"() ({
      %run_scoped3A = tpu.sem_alloc : memref<!tpu.dma_semaphore, #tpu.memory_space<semaphore_mem>>
      %dma_start3A_45 = arith.constant 0 : i32
      %dma_start3A_46 = arith.constant 0 : i32
      %dma_start3A_47 = tpu.memref_slice %arg2[%add3A, %dma_start3A_45, %dma_start3A_46] : memref<32x1x64xi32, #tpu.memory_space<hbm>> -> memref<1x1x64xi32, #tpu.memory_space<hbm>>
      %dma_start3A_48 = tpu.memref_squeeze %dma_start3A_47 : memref<1x1x64xi32, #tpu.memory_space<hbm>> -> memref<1x64xi32, #tpu.memory_space<hbm>>
      %dma_start3A_49 = arith.constant 0 : i32
      %dma_start3A_50 = arith.constant 0 : i32
      %dma_start3A_51 = tpu.memref_slice %arg2[%add3A, %dma_start3A_49, %dma_start3A_50] : memref<32x1x64xi32, #tpu.memory_space<hbm>> -> memref<1x1x64xi32, #tpu.memory_space<hbm>>
      %dma_start3A_52 = tpu.memref_squeeze %dma_start3A_51 : memref<1x1x64xi32, #tpu.memory_space<hbm>> -> memref<1x64xi32, #tpu.memory_space<hbm>>
      tpu.enqueue_dma source(%dma_start3A_52 : memref<1x64xi32, #tpu.memory_space<hbm>>) target(%arg9 : memref<1x64xi32, #tpu.memory_space<vmem>>) target_semaphore(%run_scoped3A : memref<!tpu.dma_semaphore, #tpu.memory_space<semaphore_mem>>)
      %dma_wait3A_53 = arith.constant 0 : i32
      %dma_wait3A_54 = arith.constant 0 : i32
      %dma_wait3A_55 = tpu.memref_slice %arg2[%add3A, %dma_wait3A_53, %dma_wait3A_54] : memref<32x1x64xi32, #tpu.memory_space<hbm>> -> memref<1x1x64xi32, #tpu.memory_space<hbm>>
      %dma_wait3A_56 = tpu.memref_squeeze %dma_wait3A_55 : memref<1x1x64xi32, #tpu.memory_space<hbm>> -> memref<1x64xi32, #tpu.memory_space<hbm>>
      %dma_wait3A_57 = arith.constant 0 : i32
      %dma_wait3A_58 = arith.constant 0 : i32
      %dma_wait3A_59 = tpu.memref_slice %arg2[%add3A, %dma_wait3A_57, %dma_wait3A_58] : memref<32x1x64xi32, #tpu.memory_space<hbm>> -> memref<1x1x64xi32, #tpu.memory_space<hbm>>
      %dma_wait3A_60 = tpu.memref_squeeze %dma_wait3A_59 : memref<1x1x64xi32, #tpu.memory_space<hbm>> -> memref<1x64xi32, #tpu.memory_space<hbm>>
      tpu.wait_dma2 semaphore(%run_scoped3A : memref<!tpu.dma_semaphore, #tpu.memory_space<semaphore_mem>>) src(%dma_wait3A_60 : memref<1x64xi32, #tpu.memory_space<hbm>>) dst(%arg9 : memref<1x64xi32, #tpu.memory_space<vmem>>)
      tpu.yield
    }) : () -> ()
    %mul3A_1 = arith.constant 64 : i32
    %mul3A_2 = arith.muli %add3A, %mul3A_1 : i32
    %add3A_3 = arith.constant 0 : i32
    %add3A_4 = arith.addi %mul3A_2, %add3A_3 : i32
    %dma_start3A = arith.constant 0 : i32
    %dma_start3A_5 = arith.constant 0 : i32
    %dma_start3A_6 = tpu.memref_slice %arg9[%dma_start3A, %dma_start3A_5] : memref<1x64xi32, #tpu.memory_space<vmem>> -> memref<1x64xi32, #tpu.memory_space<vmem>>
    %dma_start3A_7 = tpu.memref_squeeze %dma_start3A_6 : memref<1x64xi32, #tpu.memory_space<vmem>> -> memref<64xi32, #tpu.memory_space<vmem>>
    %dma_start3A_8 = arith.constant 0 : i32
    %dma_start3A_9 = arith.constant 0 : i32
    %dma_start3A_10 = arith.constant 0 : i32
    %dma_start3A_11 = tpu.memref_slice %arg3[%dma_start3A_8, %dma_start3A_9, %dma_start3A_10] : memref<100000x8x128xf32, #tpu.memory_space<hbm>> -> memref<100000x8x128xf32, #tpu.memory_space<hbm>>
    tpu.enqueue_indirect_dma source(%dma_start3A_11 : memref<100000x8x128xf32, #tpu.memory_space<hbm>>) target(%arg10 : memref<64x8x128xf32, #tpu.memory_space<vmem>>) offsets(%dma_start3A_7 : memref<64xi32, #tpu.memory_space<vmem>>) semaphore(%arg13 : memref<!tpu.dma_semaphore, #tpu.memory_space<semaphore_mem>>)
    %dma_start3A_12 = arith.constant 0 : i32
    %dma_start3A_13 = arith.constant 0 : i32
    %dma_start3A_14 = tpu.memref_slice %arg9[%dma_start3A_12, %dma_start3A_13] : memref<1x64xi32, #tpu.memory_space<vmem>> -> memref<1x64xi32, #tpu.memory_space<vmem>>
    %dma_start3A_15 = tpu.memref_squeeze %dma_start3A_14 : memref<1x64xi32, #tpu.memory_space<vmem>> -> memref<64xi32, #tpu.memory_space<vmem>>
    %dma_start3A_16 = arith.constant 0 : i32
    %dma_start3A_17 = arith.constant 0 : i32
    %dma_start3A_18 = tpu.memref_slice %arg4[%dma_start3A_16, %dma_start3A_17] : memref<100000x512xf32, #tpu.memory_space<hbm>> -> memref<100000x512xf32, #tpu.memory_space<hbm>>
    tpu.enqueue_indirect_dma source(%dma_start3A_18 : memref<100000x512xf32, #tpu.memory_space<hbm>>) target(%arg11 : memref<64x512xf32, #tpu.memory_space<vmem>>) offsets(%dma_start3A_15 : memref<64xi32, #tpu.memory_space<vmem>>) semaphore(%arg14 : memref<!tpu.dma_semaphore, #tpu.memory_space<semaphore_mem>>)
    %dma_start3A_19 = arith.constant 0 : i32
    %dma_start3A_20 = arith.constant 0 : i32
    %dma_start3A_21 = tpu.memref_slice %arg9[%dma_start3A_19, %dma_start3A_20] : memref<1x64xi32, #tpu.memory_space<vmem>> -> memref<1x64xi32, #tpu.memory_space<vmem>>
    %dma_start3A_22 = tpu.memref_squeeze %dma_start3A_21 : memref<1x64xi32, #tpu.memory_space<vmem>> -> memref<64xi32, #tpu.memory_space<vmem>>
    %dma_start3A_23 = arith.constant 0 : i32
    %dma_start3A_24 = tpu.memref_slice %arg5[%dma_start3A_23] : memref<100000xf32, #tpu.memory_space<hbm>> -> memref<100000xf32, #tpu.memory_space<hbm>>
    tpu.enqueue_indirect_dma source(%dma_start3A_24 : memref<100000xf32, #tpu.memory_space<hbm>>) target(%arg12 : memref<64xf32, #tpu.memory_space<vmem>>) offsets(%dma_start3A_22 : memref<64xi32, #tpu.memory_space<vmem>>) semaphore(%arg15 : memref<!tpu.dma_semaphore, #tpu.memory_space<semaphore_mem>>)
    %dma_wait3A = arith.constant 0 : i32
    %dma_wait3A_25 = arith.constant 0 : i32
    %dma_wait3A_26 = tpu.memref_slice %arg9[%dma_wait3A, %dma_wait3A_25] : memref<1x64xi32, #tpu.memory_space<vmem>> -> memref<1x64xi32, #tpu.memory_space<vmem>>
    %dma_wait3A_27 = tpu.memref_squeeze %dma_wait3A_26 : memref<1x64xi32, #tpu.memory_space<vmem>> -> memref<64xi32, #tpu.memory_space<vmem>>
    %dma_wait3A_28 = arith.constant 0 : i32
    %dma_wait3A_29 = arith.constant 0 : i32
    %dma_wait3A_30 = arith.constant 0 : i32
    %dma_wait3A_31 = tpu.memref_slice %arg3[%dma_wait3A_28, %dma_wait3A_29, %dma_wait3A_30] : memref<100000x8x128xf32, #tpu.memory_space<hbm>> -> memref<100000x8x128xf32, #tpu.memory_space<hbm>>
    tpu.wait_indirect_dma semaphore(%arg13 : memref<!tpu.dma_semaphore, #tpu.memory_space<semaphore_mem>>) src(%dma_wait3A_31 : memref<100000x8x128xf32, #tpu.memory_space<hbm>>) dst(%arg10 : memref<64x8x128xf32, #tpu.memory_space<vmem>>)
    %dma_wait3A_32 = arith.constant 0 : i32
    %dma_wait3A_33 = arith.constant 0 : i32
    %dma_wait3A_34 = tpu.memref_slice %arg9[%dma_wait3A_32, %dma_wait3A_33] : memref<1x64xi32, #tpu.memory_space<vmem>> -> memref<1x64xi32, #tpu.memory_space<vmem>>
    %dma_wait3A_35 = tpu.memref_squeeze %dma_wait3A_34 : memref<1x64xi32, #tpu.memory_space<vmem>> -> memref<64xi32, #tpu.memory_space<vmem>>
    %dma_wait3A_36 = arith.constant 0 : i32
    %dma_wait3A_37 = arith.constant 0 : i32
    %dma_wait3A_38 = tpu.memref_slice %arg4[%dma_wait3A_36, %dma_wait3A_37] : memref<100000x512xf32, #tpu.memory_space<hbm>> -> memref<100000x512xf32, #tpu.memory_space<hbm>>
    tpu.wait_indirect_dma semaphore(%arg14 : memref<!tpu.dma_semaphore, #tpu.memory_space<semaphore_mem>>) src(%dma_wait3A_38 : memref<100000x512xf32, #tpu.memory_space<hbm>>) dst(%arg11 : memref<64x512xf32, #tpu.memory_space<vmem>>)
    %dma_wait3A_39 = arith.constant 0 : i32
    %dma_wait3A_40 = arith.constant 0 : i32
    %dma_wait3A_41 = tpu.memref_slice %arg9[%dma_wait3A_39, %dma_wait3A_40] : memref<1x64xi32, #tpu.memory_space<vmem>> -> memref<1x64xi32, #tpu.memory_space<vmem>>
    %dma_wait3A_42 = tpu.memref_squeeze %dma_wait3A_41 : memref<1x64xi32, #tpu.memory_space<vmem>> -> memref<64xi32, #tpu.memory_space<vmem>>
    %dma_wait3A_43 = arith.constant 0 : i32
    %dma_wait3A_44 = tpu.memref_slice %arg5[%dma_wait3A_43] : memref<100000xf32, #tpu.memory_space<hbm>> -> memref<100000xf32, #tpu.memory_space<hbm>>
    tpu.wait_indirect_dma semaphore(%arg15 : memref<!tpu.dma_semaphore, #tpu.memory_space<semaphore_mem>>) src(%dma_wait3A_44 : memref<100000xf32, #tpu.memory_space<hbm>>) dst(%arg12 : memref<64xf32, #tpu.memory_space<vmem>>)
    "tpu.region"() ({
      %run_scoped3A = tpu.sem_alloc : memref<!tpu.dma_semaphore, #tpu.memory_space<semaphore_mem>>
      %dma_start3A_45 = arith.constant 0 : i32
      %dma_start3A_46 = arith.constant 0 : i32
      %dma_start3A_47 = tpu.memref_slice %arg6[%add3A_4, %dma_start3A_45, %dma_start3A_46] : memref<2048x8x128xf32, #tpu.memory_space<hbm>> -> memref<64x8x128xf32, #tpu.memory_space<hbm>>
      %dma_start3A_48 = arith.constant 0 : i32
      %dma_start3A_49 = arith.constant 0 : i32
      %dma_start3A_50 = tpu.memref_slice %arg6[%add3A_4, %dma_start3A_48, %dma_start3A_49] : memref<2048x8x128xf32, #tpu.memory_space<hbm>> -> memref<64x8x128xf32, #tpu.memory_space<hbm>>
      tpu.enqueue_dma source(%arg10 : memref<64x8x128xf32, #tpu.memory_space<vmem>>) target(%dma_start3A_50 : memref<64x8x128xf32, #tpu.memory_space<hbm>>) target_semaphore(%run_scoped3A : memref<!tpu.dma_semaphore, #tpu.memory_space<semaphore_mem>>)
      %dma_wait3A_51 = arith.constant 0 : i32
      %dma_wait3A_52 = arith.constant 0 : i32
      %dma_wait3A_53 = tpu.memref_slice %arg6[%add3A_4, %dma_wait3A_51, %dma_wait3A_52] : memref<2048x8x128xf32, #tpu.memory_space<hbm>> -> memref<64x8x128xf32, #tpu.memory_space<hbm>>
      %dma_wait3A_54 = arith.constant 0 : i32
      %dma_wait3A_55 = arith.constant 0 : i32
      %dma_wait3A_56 = tpu.memref_slice %arg6[%add3A_4, %dma_wait3A_54, %dma_wait3A_55] : memref<2048x8x128xf32, #tpu.memory_space<hbm>> -> memref<64x8x128xf32, #tpu.memory_space<hbm>>
      tpu.wait_dma2 semaphore(%run_scoped3A : memref<!tpu.dma_semaphore, #tpu.memory_space<semaphore_mem>>) src(%arg10 : memref<64x8x128xf32, #tpu.memory_space<vmem>>) dst(%dma_wait3A_56 : memref<64x8x128xf32, #tpu.memory_space<hbm>>)
      tpu.yield
    }) : () -> ()
    "tpu.region"() ({
      %run_scoped3A = tpu.sem_alloc : memref<!tpu.dma_semaphore, #tpu.memory_space<semaphore_mem>>
      %dma_start3A_45 = arith.constant 0 : i32
      %dma_start3A_46 = tpu.memref_slice %arg7[%add3A_4, %dma_start3A_45] : memref<2048x512xf32, #tpu.memory_space<hbm>> -> memref<64x512xf32, #tpu.memory_space<hbm>>
      %dma_start3A_47 = arith.constant 0 : i32
      %dma_start3A_48 = tpu.memref_slice %arg7[%add3A_4, %dma_start3A_47] : memref<2048x512xf32, #tpu.memory_space<hbm>> -> memref<64x512xf32, #tpu.memory_space<hbm>>
      tpu.enqueue_dma source(%arg11 : memref<64x512xf32, #tpu.memory_space<vmem>>) target(%dma_start3A_48 : memref<64x512xf32, #tpu.memory_space<hbm>>) target_semaphore(%run_scoped3A : memref<!tpu.dma_semaphore, #tpu.memory_space<semaphore_mem>>)
      %dma_wait3A_49 = arith.constant 0 : i32
      %dma_wait3A_50 = tpu.memref_slice %arg7[%add3A_4, %dma_wait3A_49] : memref<2048x512xf32, #tpu.memory_space<hbm>> -> memref<64x512xf32, #tpu.memory_space<hbm>>
      %dma_wait3A_51 = arith.constant 0 : i32
      %dma_wait3A_52 = tpu.memref_slice %arg7[%add3A_4, %dma_wait3A_51] : memref<2048x512xf32, #tpu.memory_space<hbm>> -> memref<64x512xf32, #tpu.memory_space<hbm>>
      tpu.wait_dma2 semaphore(%run_scoped3A : memref<!tpu.dma_semaphore, #tpu.memory_space<semaphore_mem>>) src(%arg11 : memref<64x512xf32, #tpu.memory_space<vmem>>) dst(%dma_wait3A_52 : memref<64x512xf32, #tpu.memory_space<hbm>>)
      tpu.yield
    }) : () -> ()
    "tpu.region"() ({
      %run_scoped3A = tpu.sem_alloc : memref<!tpu.dma_semaphore, #tpu.memory_space<semaphore_mem>>
      %dma_start3A_45 = tpu.memref_slice %arg8[%add3A_4] : memref<2048xf32, #tpu.memory_space<hbm>> -> memref<64xf32, #tpu.memory_space<hbm>>
      %dma_start3A_46 = tpu.memref_slice %arg8[%add3A_4] : memref<2048xf32, #tpu.memory_space<hbm>> -> memref<64xf32, #tpu.memory_space<hbm>>
      tpu.enqueue_dma source(%arg12 : memref<64xf32, #tpu.memory_space<vmem>>) target(%dma_start3A_46 : memref<64xf32, #tpu.memory_space<hbm>>) target_semaphore(%run_scoped3A : memref<!tpu.dma_semaphore, #tpu.memory_space<semaphore_mem>>)
      %dma_wait3A_47 = tpu.memref_slice %arg8[%add3A_4] : memref<2048xf32, #tpu.memory_space<hbm>> -> memref<64xf32, #tpu.memory_space<hbm>>
      %dma_wait3A_48 = tpu.memref_slice %arg8[%add3A_4] : memref<2048xf32, #tpu.memory_space<hbm>> -> memref<64xf32, #tpu.memory_space<hbm>>
      tpu.wait_dma2 semaphore(%run_scoped3A : memref<!tpu.dma_semaphore, #tpu.memory_space<semaphore_mem>>) src(%arg12 : memref<64xf32, #tpu.memory_space<vmem>>) dst(%dma_wait3A_48 : memref<64xf32, #tpu.memory_space<hbm>>)
      tpu.yield
    }) : () -> ()
    return
  }
}

#map = affine_map<(d0, d1) -> (0, 0, 0)>
#map1 = affine_map<(d0, d1) -> (0, 0)>
#map2 = affine_map<(d0, d1) -> (0)>
module attributes {stable_mosaic.version = 14 : i64} {
  func.func @_sc_gather_body(%arg0: i32, %arg1: i32, %arg2: memref<32x1x64xi32, #tpu.memory_space<hbm>>, %arg3: memref<100000x8x128xf32, #tpu.memory_space<hbm>>, %arg4: memref<100000x512xf32, #tpu.memory_space<hbm>>, %arg5: memref<100000xf32, #tpu.memory_space<hbm>>, %arg6: memref<2048x8x128xf32, #tpu.memory_space<hbm>>, %arg7: memref<2048x512xf32, #tpu.memory_space<hbm>>, %arg8: memref<2048xf32, #tpu.memory_space<hbm>>, %arg9: memref<1x64xi32, #tpu.memory_space<vmem>>, %arg10: memref<64x8x128xf32, #tpu.memory_space<vmem>>, %arg11: memref<64x512xf32, #tpu.memory_space<vmem>>, %arg12: memref<64xf32, #tpu.memory_space<vmem>>, %arg13: memref<!tpu.dma_semaphore, #tpu.memory_space<semaphore_mem>>, %arg14: memref<!tpu.dma_semaphore, #tpu.memory_space<semaphore_mem>>, %arg15: memref<!tpu.dma_semaphore, #tpu.memory_space<semaphore_mem>>) attributes {dimension_semantics = [#tpu.dimension_semantics<core_parallel>, #tpu.dimension_semantics<subcore_parallel>], iteration_bounds = array<i64: 2, 16>, scalar_prefetch = 0 : i64, scratch_operands = 7 : i64, tpu.core_type = #tpu.core_type<sc_vector_subcore>, window_params = [{transform_indices = #map}, {transform_indices = #map}, {transform_indices = #map1}, {transform_indices = #map2}, {transform_indices = #map}, {transform_indices = #map1}, {transform_indices = #map2}]} {
    %mul3A = arith.constant 2 : i32
    %mul3A_0 = arith.muli %arg1, %mul3A : i32
    %add3A = arith.addi %mul3A_0, %arg0 : i32
    "tpu.region"() ({
      %run_scoped3A = tpu.sem_alloc : memref<!tpu.dma_semaphore, #tpu.memory_space<semaphore_mem>>
      %dma_start3A_45 = arith.constant 0 : i32
      %dma_start3A_46 = arith.constant 0 : i32
      %dma_start3A_47 = tpu.memref_slice %arg2[%add3A, %dma_start3A_45, %dma_start3A_46] : memref<32x1x64xi32, #tpu.memory_space<hbm>> -> memref<1x1x64xi32, #tpu.memory_space<hbm>>
      %dma_start3A_48 = tpu.memref_squeeze %dma_start3A_47 : memref<1x1x64xi32, #tpu.memory_space<hbm>> -> memref<1x64xi32, #tpu.memory_space<hbm>>
      %dma_start3A_49 = arith.constant 0 : i32
      %dma_start3A_50 = arith.constant 0 : i32
      %dma_start3A_51 = tpu.memref_slice %arg2[%add3A, %dma_start3A_49, %dma_start3A_50] : memref<32x1x64xi32, #tpu.memory_space<hbm>> -> memref<1x1x64xi32, #tpu.memory_space<hbm>>
      %dma_start3A_52 = tpu.memref_squeeze %dma_start3A_51 : memref<1x1x64xi32, #tpu.memory_space<hbm>> -> memref<1x64xi32, #tpu.memory_space<hbm>>
      tpu.enqueue_dma source(%dma_start3A_52 : memref<1x64xi32, #tpu.memory_space<hbm>>) target(%arg9 : memref<1x64xi32, #tpu.memory_space<vmem>>) target_semaphore(%run_scoped3A : memref<!tpu.dma_semaphore, #tpu.memory_space<semaphore_mem>>)
      %dma_wait3A_53 = arith.constant 0 : i32
      %dma_wait3A_54 = arith.constant 0 : i32
      %dma_wait3A_55 = tpu.memref_slice %arg2[%add3A, %dma_wait3A_53, %dma_wait3A_54] : memref<32x1x64xi32, #tpu.memory_space<hbm>> -> memref<1x1x64xi32, #tpu.memory_space<hbm>>
      %dma_wait3A_56 = tpu.memref_squeeze %dma_wait3A_55 : memref<1x1x64xi32, #tpu.memory_space<hbm>> -> memref<1x64xi32, #tpu.memory_space<hbm>>
      %dma_wait3A_57 = arith.constant 0 : i32
      %dma_wait3A_58 = arith.constant 0 : i32
      %dma_wait3A_59 = tpu.memref_slice %arg2[%add3A, %dma_wait3A_57, %dma_wait3A_58] : memref<32x1x64xi32, #tpu.memory_space<hbm>> -> memref<1x1x64xi32, #tpu.memory_space<hbm>>
      %dma_wait3A_60 = tpu.memref_squeeze %dma_wait3A_59 : memref<1x1x64xi32, #tpu.memory_space<hbm>> -> memref<1x64xi32, #tpu.memory_space<hbm>>
      tpu.wait_dma2 semaphore(%run_scoped3A : memref<!tpu.dma_semaphore, #tpu.memory_space<semaphore_mem>>) src(%dma_wait3A_60 : memref<1x64xi32, #tpu.memory_space<hbm>>) dst(%arg9 : memref<1x64xi32, #tpu.memory_space<vmem>>)
      tpu.yield
    }) : () -> ()
    %mul3A_1 = arith.constant 64 : i32
    %mul3A_2 = arith.muli %add3A, %mul3A_1 : i32
    %add3A_3 = arith.constant 0 : i32
    %add3A_4 = arith.addi %mul3A_2, %add3A_3 : i32
    %dma_start3A = arith.constant 0 : i32
    %dma_start3A_5 = arith.constant 0 : i32
    %dma_start3A_6 = tpu.memref_slice %arg9[%dma_start3A, %dma_start3A_5] : memref<1x64xi32, #tpu.memory_space<vmem>> -> memref<1x64xi32, #tpu.memory_space<vmem>>
    %dma_start3A_7 = tpu.memref_squeeze %dma_start3A_6 : memref<1x64xi32, #tpu.memory_space<vmem>> -> memref<64xi32, #tpu.memory_space<vmem>>
    %dma_start3A_8 = arith.constant 0 : i32
    %dma_start3A_9 = arith.constant 0 : i32
    %dma_start3A_10 = arith.constant 0 : i32
    %dma_start3A_11 = tpu.memref_slice %arg3[%dma_start3A_8, %dma_start3A_9, %dma_start3A_10] : memref<100000x8x128xf32, #tpu.memory_space<hbm>> -> memref<100000x8x128xf32, #tpu.memory_space<hbm>>
    tpu.enqueue_indirect_dma source(%dma_start3A_11 : memref<100000x8x128xf32, #tpu.memory_space<hbm>>) target(%arg10 : memref<64x8x128xf32, #tpu.memory_space<vmem>>) offsets(%dma_start3A_7 : memref<64xi32, #tpu.memory_space<vmem>>) semaphore(%arg13 : memref<!tpu.dma_semaphore, #tpu.memory_space<semaphore_mem>>)
    %dma_start3A_12 = arith.constant 0 : i32
    %dma_start3A_13 = arith.constant 0 : i32
    %dma_start3A_14 = tpu.memref_slice %arg9[%dma_start3A_12, %dma_start3A_13] : memref<1x64xi32, #tpu.memory_space<vmem>> -> memref<1x64xi32, #tpu.memory_space<vmem>>
    %dma_start3A_15 = tpu.memref_squeeze %dma_start3A_14 : memref<1x64xi32, #tpu.memory_space<vmem>> -> memref<64xi32, #tpu.memory_space<vmem>>
    %dma_start3A_16 = arith.constant 0 : i32
    %dma_start3A_17 = arith.constant 0 : i32
    %dma_start3A_18 = tpu.memref_slice %arg4[%dma_start3A_16, %dma_start3A_17] : memref<100000x512xf32, #tpu.memory_space<hbm>> -> memref<100000x512xf32, #tpu.memory_space<hbm>>
    tpu.enqueue_indirect_dma source(%dma_start3A_18 : memref<100000x512xf32, #tpu.memory_space<hbm>>) target(%arg11 : memref<64x512xf32, #tpu.memory_space<vmem>>) offsets(%dma_start3A_15 : memref<64xi32, #tpu.memory_space<vmem>>) semaphore(%arg14 : memref<!tpu.dma_semaphore, #tpu.memory_space<semaphore_mem>>)
    %dma_start3A_19 = arith.constant 0 : i32
    %dma_start3A_20 = arith.constant 0 : i32
    %dma_start3A_21 = tpu.memref_slice %arg9[%dma_start3A_19, %dma_start3A_20] : memref<1x64xi32, #tpu.memory_space<vmem>> -> memref<1x64xi32, #tpu.memory_space<vmem>>
    %dma_start3A_22 = tpu.memref_squeeze %dma_start3A_21 : memref<1x64xi32, #tpu.memory_space<vmem>> -> memref<64xi32, #tpu.memory_space<vmem>>
    %dma_start3A_23 = arith.constant 0 : i32
    %dma_start3A_24 = tpu.memref_slice %arg5[%dma_start3A_23] : memref<100000xf32, #tpu.memory_space<hbm>> -> memref<100000xf32, #tpu.memory_space<hbm>>
    tpu.enqueue_indirect_dma source(%dma_start3A_24 : memref<100000xf32, #tpu.memory_space<hbm>>) target(%arg12 : memref<64xf32, #tpu.memory_space<vmem>>) offsets(%dma_start3A_22 : memref<64xi32, #tpu.memory_space<vmem>>) semaphore(%arg15 : memref<!tpu.dma_semaphore, #tpu.memory_space<semaphore_mem>>)
    %dma_wait3A = arith.constant 0 : i32
    %dma_wait3A_25 = arith.constant 0 : i32
    %dma_wait3A_26 = tpu.memref_slice %arg9[%dma_wait3A, %dma_wait3A_25] : memref<1x64xi32, #tpu.memory_space<vmem>> -> memref<1x64xi32, #tpu.memory_space<vmem>>
    %dma_wait3A_27 = tpu.memref_squeeze %dma_wait3A_26 : memref<1x64xi32, #tpu.memory_space<vmem>> -> memref<64xi32, #tpu.memory_space<vmem>>
    %dma_wait3A_28 = arith.constant 0 : i32
    %dma_wait3A_29 = arith.constant 0 : i32
    %dma_wait3A_30 = arith.constant 0 : i32
    %dma_wait3A_31 = tpu.memref_slice %arg3[%dma_wait3A_28, %dma_wait3A_29, %dma_wait3A_30] : memref<100000x8x128xf32, #tpu.memory_space<hbm>> -> memref<100000x8x128xf32, #tpu.memory_space<hbm>>
    tpu.wait_indirect_dma semaphore(%arg13 : memref<!tpu.dma_semaphore, #tpu.memory_space<semaphore_mem>>) src(%dma_wait3A_31 : memref<100000x8x128xf32, #tpu.memory_space<hbm>>) dst(%arg10 : memref<64x8x128xf32, #tpu.memory_space<vmem>>)
    %dma_wait3A_32 = arith.constant 0 : i32
    %dma_wait3A_33 = arith.constant 0 : i32
    %dma_wait3A_34 = tpu.memref_slice %arg9[%dma_wait3A_32, %dma_wait3A_33] : memref<1x64xi32, #tpu.memory_space<vmem>> -> memref<1x64xi32, #tpu.memory_space<vmem>>
    %dma_wait3A_35 = tpu.memref_squeeze %dma_wait3A_34 : memref<1x64xi32, #tpu.memory_space<vmem>> -> memref<64xi32, #tpu.memory_space<vmem>>
    %dma_wait3A_36 = arith.constant 0 : i32
    %dma_wait3A_37 = arith.constant 0 : i32
    %dma_wait3A_38 = tpu.memref_slice %arg4[%dma_wait3A_36, %dma_wait3A_37] : memref<100000x512xf32, #tpu.memory_space<hbm>> -> memref<100000x512xf32, #tpu.memory_space<hbm>>
    tpu.wait_indirect_dma semaphore(%arg14 : memref<!tpu.dma_semaphore, #tpu.memory_space<semaphore_mem>>) src(%dma_wait3A_38 : memref<100000x512xf32, #tpu.memory_space<hbm>>) dst(%arg11 : memref<64x512xf32, #tpu.memory_space<vmem>>)
    %dma_wait3A_39 = arith.constant 0 : i32
    %dma_wait3A_40 = arith.constant 0 : i32
    %dma_wait3A_41 = tpu.memref_slice %arg9[%dma_wait3A_39, %dma_wait3A_40] : memref<1x64xi32, #tpu.memory_space<vmem>> -> memref<1x64xi32, #tpu.memory_space<vmem>>
    %dma_wait3A_42 = tpu.memref_squeeze %dma_wait3A_41 : memref<1x64xi32, #tpu.memory_space<vmem>> -> memref<64xi32, #tpu.memory_space<vmem>>
    %dma_wait3A_43 = arith.constant 0 : i32
    %dma_wait3A_44 = tpu.memref_slice %arg5[%dma_wait3A_43] : memref<100000xf32, #tpu.memory_space<hbm>> -> memref<100000xf32, #tpu.memory_space<hbm>>
    tpu.wait_indirect_dma semaphore(%arg15 : memref<!tpu.dma_semaphore, #tpu.memory_space<semaphore_mem>>) src(%dma_wait3A_44 : memref<100000xf32, #tpu.memory_space<hbm>>) dst(%arg12 : memref<64xf32, #tpu.memory_space<vmem>>)
    "tpu.region"() ({
      %run_scoped3A = tpu.sem_alloc : memref<!tpu.dma_semaphore, #tpu.memory_space<semaphore_mem>>
      %dma_start3A_45 = arith.constant 0 : i32
      %dma_start3A_46 = arith.constant 0 : i32
      %dma_start3A_47 = tpu.memref_slice %arg6[%add3A_4, %dma_start3A_45, %dma_start3A_46] : memref<2048x8x128xf32, #tpu.memory_space<hbm>> -> memref<64x8x128xf32, #tpu.memory_space<hbm>>
      %dma_start3A_48 = arith.constant 0 : i32
      %dma_start3A_49 = arith.constant 0 : i32
      %dma_start3A_50 = tpu.memref_slice %arg6[%add3A_4, %dma_start3A_48, %dma_start3A_49] : memref<2048x8x128xf32, #tpu.memory_space<hbm>> -> memref<64x8x128xf32, #tpu.memory_space<hbm>>
      tpu.enqueue_dma source(%arg10 : memref<64x8x128xf32, #tpu.memory_space<vmem>>) target(%dma_start3A_50 : memref<64x8x128xf32, #tpu.memory_space<hbm>>) target_semaphore(%run_scoped3A : memref<!tpu.dma_semaphore, #tpu.memory_space<semaphore_mem>>)
      %dma_wait3A_51 = arith.constant 0 : i32
      %dma_wait3A_52 = arith.constant 0 : i32
      %dma_wait3A_53 = tpu.memref_slice %arg6[%add3A_4, %dma_wait3A_51, %dma_wait3A_52] : memref<2048x8x128xf32, #tpu.memory_space<hbm>> -> memref<64x8x128xf32, #tpu.memory_space<hbm>>
      %dma_wait3A_54 = arith.constant 0 : i32
      %dma_wait3A_55 = arith.constant 0 : i32
      %dma_wait3A_56 = tpu.memref_slice %arg6[%add3A_4, %dma_wait3A_54, %dma_wait3A_55] : memref<2048x8x128xf32, #tpu.memory_space<hbm>> -> memref<64x8x128xf32, #tpu.memory_space<hbm>>
      tpu.wait_dma2 semaphore(%run_scoped3A : memref<!tpu.dma_semaphore, #tpu.memory_space<semaphore_mem>>) src(%arg10 : memref<64x8x128xf32, #tpu.memory_space<vmem>>) dst(%dma_wait3A_56 : memref<64x8x128xf32, #tpu.memory_space<hbm>>)
      tpu.yield
    }) : () -> ()
    "tpu.region"() ({
      %run_scoped3A = tpu.sem_alloc : memref<!tpu.dma_semaphore, #tpu.memory_space<semaphore_mem>>
      %dma_start3A_45 = arith.constant 0 : i32
      %dma_start3A_46 = tpu.memref_slice %arg7[%add3A_4, %dma_start3A_45] : memref<2048x512xf32, #tpu.memory_space<hbm>> -> memref<64x512xf32, #tpu.memory_space<hbm>>
      %dma_start3A_47 = arith.constant 0 : i32
      %dma_start3A_48 = tpu.memref_slice %arg7[%add3A_4, %dma_start3A_47] : memref<2048x512xf32, #tpu.memory_space<hbm>> -> memref<64x512xf32, #tpu.memory_space<hbm>>
      tpu.enqueue_dma source(%arg11 : memref<64x512xf32, #tpu.memory_space<vmem>>) target(%dma_start3A_48 : memref<64x512xf32, #tpu.memory_space<hbm>>) target_semaphore(%run_scoped3A : memref<!tpu.dma_semaphore, #tpu.memory_space<semaphore_mem>>)
      %dma_wait3A_49 = arith.constant 0 : i32
      %dma_wait3A_50 = tpu.memref_slice %arg7[%add3A_4, %dma_wait3A_49] : memref<2048x512xf32, #tpu.memory_space<hbm>> -> memref<64x512xf32, #tpu.memory_space<hbm>>
      %dma_wait3A_51 = arith.constant 0 : i32
      %dma_wait3A_52 = tpu.memref_slice %arg7[%add3A_4, %dma_wait3A_51] : memref<2048x512xf32, #tpu.memory_space<hbm>> -> memref<64x512xf32, #tpu.memory_space<hbm>>
      tpu.wait_dma2 semaphore(%run_scoped3A : memref<!tpu.dma_semaphore, #tpu.memory_space<semaphore_mem>>) src(%arg11 : memref<64x512xf32, #tpu.memory_space<vmem>>) dst(%dma_wait3A_52 : memref<64x512xf32, #tpu.memory_space<hbm>>)
      tpu.yield
    }) : () -> ()
    "tpu.region"() ({
      %run_scoped3A = tpu.sem_alloc : memref<!tpu.dma_semaphore, #tpu.memory_space<semaphore_mem>>
      %dma_start3A_45 = tpu.memref_slice %arg8[%add3A_4] : memref<2048xf32, #tpu.memory_space<hbm>> -> memref<64xf32, #tpu.memory_space<hbm>>
      %dma_start3A_46 = tpu.memref_slice %arg8[%add3A_4] : memref<2048xf32, #tpu.memory_space<hbm>> -> memref<64xf32, #tpu.memory_space<hbm>>
      tpu.enqueue_dma source(%arg12 : memref<64xf32, #tpu.memory_space<vmem>>) target(%dma_start3A_46 : memref<64xf32, #tpu.memory_space<hbm>>) target_semaphore(%run_scoped3A : memref<!tpu.dma_semaphore, #tpu.memory_space<semaphore_mem>>)
      %dma_wait3A_47 = tpu.memref_slice %arg8[%add3A_4] : memref<2048xf32, #tpu.memory_space<hbm>> -> memref<64xf32, #tpu.memory_space<hbm>>
      %dma_wait3A_48 = tpu.memref_slice %arg8[%add3A_4] : memref<2048xf32, #tpu.memory_space<hbm>> -> memref<64xf32, #tpu.memory_space<hbm>>
      tpu.wait_dma2 semaphore(%run_scoped3A : memref<!tpu.dma_semaphore, #tpu.memory_space<semaphore_mem>>) src(%arg12 : memref<64xf32, #tpu.memory_space<vmem>>) dst(%dma_wait3A_48 : memref<64xf32, #tpu.memory_space<hbm>>)
      tpu.yield
    }) : () -> ()
    return
  }
}

#map = affine_map<(d0, d1) -> (0, 0, 0)>
#map1 = affine_map<(d0, d1) -> (0, 0)>
#map2 = affine_map<(d0, d1) -> (0)>
module attributes {stable_mosaic.version = 14 : i64} {
  func.func @_sc_gather_body(%arg0: i32, %arg1: i32, %arg2: memref<32x1x64xi32, #tpu.memory_space<hbm>>, %arg3: memref<100000x8x128xf32, #tpu.memory_space<hbm>>, %arg4: memref<100000x512xf32, #tpu.memory_space<hbm>>, %arg5: memref<100000xf32, #tpu.memory_space<hbm>>, %arg6: memref<2048x8x128xf32, #tpu.memory_space<hbm>>, %arg7: memref<2048x512xf32, #tpu.memory_space<hbm>>, %arg8: memref<2048xf32, #tpu.memory_space<hbm>>, %arg9: memref<1x64xi32, #tpu.memory_space<vmem>>, %arg10: memref<64x8x128xf32, #tpu.memory_space<vmem>>, %arg11: memref<64x512xf32, #tpu.memory_space<vmem>>, %arg12: memref<64xf32, #tpu.memory_space<vmem>>, %arg13: memref<!tpu.dma_semaphore, #tpu.memory_space<semaphore_mem>>, %arg14: memref<!tpu.dma_semaphore, #tpu.memory_space<semaphore_mem>>, %arg15: memref<!tpu.dma_semaphore, #tpu.memory_space<semaphore_mem>>) attributes {dimension_semantics = [#tpu.dimension_semantics<core_parallel>, #tpu.dimension_semantics<subcore_parallel>], iteration_bounds = array<i64: 2, 16>, scalar_prefetch = 0 : i64, scratch_operands = 7 : i64, tpu.core_type = #tpu.core_type<sc_vector_subcore>, window_params = [{transform_indices = #map}, {transform_indices = #map}, {transform_indices = #map1}, {transform_indices = #map2}, {transform_indices = #map}, {transform_indices = #map1}, {transform_indices = #map2}]} {
    %mul3A = arith.constant 2 : i32
    %mul3A_0 = arith.muli %arg1, %mul3A : i32
    %add3A = arith.addi %mul3A_0, %arg0 : i32
    "tpu.region"() ({
      %run_scoped3A = tpu.sem_alloc : memref<!tpu.dma_semaphore, #tpu.memory_space<semaphore_mem>>
      %dma_start3A_45 = arith.constant 0 : i32
      %dma_start3A_46 = arith.constant 0 : i32
      %dma_start3A_47 = tpu.memref_slice %arg2[%add3A, %dma_start3A_45, %dma_start3A_46] : memref<32x1x64xi32, #tpu.memory_space<hbm>> -> memref<1x1x64xi32, #tpu.memory_space<hbm>>
      %dma_start3A_48 = tpu.memref_squeeze %dma_start3A_47 : memref<1x1x64xi32, #tpu.memory_space<hbm>> -> memref<1x64xi32, #tpu.memory_space<hbm>>
      %dma_start3A_49 = arith.constant 0 : i32
      %dma_start3A_50 = arith.constant 0 : i32
      %dma_start3A_51 = tpu.memref_slice %arg2[%add3A, %dma_start3A_49, %dma_start3A_50] : memref<32x1x64xi32, #tpu.memory_space<hbm>> -> memref<1x1x64xi32, #tpu.memory_space<hbm>>
      %dma_start3A_52 = tpu.memref_squeeze %dma_start3A_51 : memref<1x1x64xi32, #tpu.memory_space<hbm>> -> memref<1x64xi32, #tpu.memory_space<hbm>>
      tpu.enqueue_dma source(%dma_start3A_52 : memref<1x64xi32, #tpu.memory_space<hbm>>) target(%arg9 : memref<1x64xi32, #tpu.memory_space<vmem>>) target_semaphore(%run_scoped3A : memref<!tpu.dma_semaphore, #tpu.memory_space<semaphore_mem>>)
      %dma_wait3A_53 = arith.constant 0 : i32
      %dma_wait3A_54 = arith.constant 0 : i32
      %dma_wait3A_55 = tpu.memref_slice %arg2[%add3A, %dma_wait3A_53, %dma_wait3A_54] : memref<32x1x64xi32, #tpu.memory_space<hbm>> -> memref<1x1x64xi32, #tpu.memory_space<hbm>>
      %dma_wait3A_56 = tpu.memref_squeeze %dma_wait3A_55 : memref<1x1x64xi32, #tpu.memory_space<hbm>> -> memref<1x64xi32, #tpu.memory_space<hbm>>
      %dma_wait3A_57 = arith.constant 0 : i32
      %dma_wait3A_58 = arith.constant 0 : i32
      %dma_wait3A_59 = tpu.memref_slice %arg2[%add3A, %dma_wait3A_57, %dma_wait3A_58] : memref<32x1x64xi32, #tpu.memory_space<hbm>> -> memref<1x1x64xi32, #tpu.memory_space<hbm>>
      %dma_wait3A_60 = tpu.memref_squeeze %dma_wait3A_59 : memref<1x1x64xi32, #tpu.memory_space<hbm>> -> memref<1x64xi32, #tpu.memory_space<hbm>>
      tpu.wait_dma2 semaphore(%run_scoped3A : memref<!tpu.dma_semaphore, #tpu.memory_space<semaphore_mem>>) src(%dma_wait3A_60 : memref<1x64xi32, #tpu.memory_space<hbm>>) dst(%arg9 : memref<1x64xi32, #tpu.memory_space<vmem>>)
      tpu.yield
    }) : () -> ()
    %mul3A_1 = arith.constant 64 : i32
    %mul3A_2 = arith.muli %add3A, %mul3A_1 : i32
    %add3A_3 = arith.constant 0 : i32
    %add3A_4 = arith.addi %mul3A_2, %add3A_3 : i32
    %dma_start3A = arith.constant 0 : i32
    %dma_start3A_5 = arith.constant 0 : i32
    %dma_start3A_6 = tpu.memref_slice %arg9[%dma_start3A, %dma_start3A_5] : memref<1x64xi32, #tpu.memory_space<vmem>> -> memref<1x64xi32, #tpu.memory_space<vmem>>
    %dma_start3A_7 = tpu.memref_squeeze %dma_start3A_6 : memref<1x64xi32, #tpu.memory_space<vmem>> -> memref<64xi32, #tpu.memory_space<vmem>>
    %dma_start3A_8 = arith.constant 0 : i32
    %dma_start3A_9 = arith.constant 0 : i32
    %dma_start3A_10 = arith.constant 0 : i32
    %dma_start3A_11 = tpu.memref_slice %arg3[%dma_start3A_8, %dma_start3A_9, %dma_start3A_10] : memref<100000x8x128xf32, #tpu.memory_space<hbm>> -> memref<100000x8x128xf32, #tpu.memory_space<hbm>>
    tpu.enqueue_indirect_dma source(%dma_start3A_11 : memref<100000x8x128xf32, #tpu.memory_space<hbm>>) target(%arg10 : memref<64x8x128xf32, #tpu.memory_space<vmem>>) offsets(%dma_start3A_7 : memref<64xi32, #tpu.memory_space<vmem>>) semaphore(%arg13 : memref<!tpu.dma_semaphore, #tpu.memory_space<semaphore_mem>>)
    %dma_start3A_12 = arith.constant 0 : i32
    %dma_start3A_13 = arith.constant 0 : i32
    %dma_start3A_14 = tpu.memref_slice %arg9[%dma_start3A_12, %dma_start3A_13] : memref<1x64xi32, #tpu.memory_space<vmem>> -> memref<1x64xi32, #tpu.memory_space<vmem>>
    %dma_start3A_15 = tpu.memref_squeeze %dma_start3A_14 : memref<1x64xi32, #tpu.memory_space<vmem>> -> memref<64xi32, #tpu.memory_space<vmem>>
    %dma_start3A_16 = arith.constant 0 : i32
    %dma_start3A_17 = arith.constant 0 : i32
    %dma_start3A_18 = tpu.memref_slice %arg4[%dma_start3A_16, %dma_start3A_17] : memref<100000x512xf32, #tpu.memory_space<hbm>> -> memref<100000x512xf32, #tpu.memory_space<hbm>>
    tpu.enqueue_indirect_dma source(%dma_start3A_18 : memref<100000x512xf32, #tpu.memory_space<hbm>>) target(%arg11 : memref<64x512xf32, #tpu.memory_space<vmem>>) offsets(%dma_start3A_15 : memref<64xi32, #tpu.memory_space<vmem>>) semaphore(%arg14 : memref<!tpu.dma_semaphore, #tpu.memory_space<semaphore_mem>>)
    %dma_start3A_19 = arith.constant 0 : i32
    %dma_start3A_20 = arith.constant 0 : i32
    %dma_start3A_21 = tpu.memref_slice %arg9[%dma_start3A_19, %dma_start3A_20] : memref<1x64xi32, #tpu.memory_space<vmem>> -> memref<1x64xi32, #tpu.memory_space<vmem>>
    %dma_start3A_22 = tpu.memref_squeeze %dma_start3A_21 : memref<1x64xi32, #tpu.memory_space<vmem>> -> memref<64xi32, #tpu.memory_space<vmem>>
    %dma_start3A_23 = arith.constant 0 : i32
    %dma_start3A_24 = tpu.memref_slice %arg5[%dma_start3A_23] : memref<100000xf32, #tpu.memory_space<hbm>> -> memref<100000xf32, #tpu.memory_space<hbm>>
    tpu.enqueue_indirect_dma source(%dma_start3A_24 : memref<100000xf32, #tpu.memory_space<hbm>>) target(%arg12 : memref<64xf32, #tpu.memory_space<vmem>>) offsets(%dma_start3A_22 : memref<64xi32, #tpu.memory_space<vmem>>) semaphore(%arg15 : memref<!tpu.dma_semaphore, #tpu.memory_space<semaphore_mem>>)
    %dma_wait3A = arith.constant 0 : i32
    %dma_wait3A_25 = arith.constant 0 : i32
    %dma_wait3A_26 = tpu.memref_slice %arg9[%dma_wait3A, %dma_wait3A_25] : memref<1x64xi32, #tpu.memory_space<vmem>> -> memref<1x64xi32, #tpu.memory_space<vmem>>
    %dma_wait3A_27 = tpu.memref_squeeze %dma_wait3A_26 : memref<1x64xi32, #tpu.memory_space<vmem>> -> memref<64xi32, #tpu.memory_space<vmem>>
    %dma_wait3A_28 = arith.constant 0 : i32
    %dma_wait3A_29 = arith.constant 0 : i32
    %dma_wait3A_30 = arith.constant 0 : i32
    %dma_wait3A_31 = tpu.memref_slice %arg3[%dma_wait3A_28, %dma_wait3A_29, %dma_wait3A_30] : memref<100000x8x128xf32, #tpu.memory_space<hbm>> -> memref<100000x8x128xf32, #tpu.memory_space<hbm>>
    tpu.wait_indirect_dma semaphore(%arg13 : memref<!tpu.dma_semaphore, #tpu.memory_space<semaphore_mem>>) src(%dma_wait3A_31 : memref<100000x8x128xf32, #tpu.memory_space<hbm>>) dst(%arg10 : memref<64x8x128xf32, #tpu.memory_space<vmem>>)
    %dma_wait3A_32 = arith.constant 0 : i32
    %dma_wait3A_33 = arith.constant 0 : i32
    %dma_wait3A_34 = tpu.memref_slice %arg9[%dma_wait3A_32, %dma_wait3A_33] : memref<1x64xi32, #tpu.memory_space<vmem>> -> memref<1x64xi32, #tpu.memory_space<vmem>>
    %dma_wait3A_35 = tpu.memref_squeeze %dma_wait3A_34 : memref<1x64xi32, #tpu.memory_space<vmem>> -> memref<64xi32, #tpu.memory_space<vmem>>
    %dma_wait3A_36 = arith.constant 0 : i32
    %dma_wait3A_37 = arith.constant 0 : i32
    %dma_wait3A_38 = tpu.memref_slice %arg4[%dma_wait3A_36, %dma_wait3A_37] : memref<100000x512xf32, #tpu.memory_space<hbm>> -> memref<100000x512xf32, #tpu.memory_space<hbm>>
    tpu.wait_indirect_dma semaphore(%arg14 : memref<!tpu.dma_semaphore, #tpu.memory_space<semaphore_mem>>) src(%dma_wait3A_38 : memref<100000x512xf32, #tpu.memory_space<hbm>>) dst(%arg11 : memref<64x512xf32, #tpu.memory_space<vmem>>)
    %dma_wait3A_39 = arith.constant 0 : i32
    %dma_wait3A_40 = arith.constant 0 : i32
    %dma_wait3A_41 = tpu.memref_slice %arg9[%dma_wait3A_39, %dma_wait3A_40] : memref<1x64xi32, #tpu.memory_space<vmem>> -> memref<1x64xi32, #tpu.memory_space<vmem>>
    %dma_wait3A_42 = tpu.memref_squeeze %dma_wait3A_41 : memref<1x64xi32, #tpu.memory_space<vmem>> -> memref<64xi32, #tpu.memory_space<vmem>>
    %dma_wait3A_43 = arith.constant 0 : i32
    %dma_wait3A_44 = tpu.memref_slice %arg5[%dma_wait3A_43] : memref<100000xf32, #tpu.memory_space<hbm>> -> memref<100000xf32, #tpu.memory_space<hbm>>
    tpu.wait_indirect_dma semaphore(%arg15 : memref<!tpu.dma_semaphore, #tpu.memory_space<semaphore_mem>>) src(%dma_wait3A_44 : memref<100000xf32, #tpu.memory_space<hbm>>) dst(%arg12 : memref<64xf32, #tpu.memory_space<vmem>>)
    "tpu.region"() ({
      %run_scoped3A = tpu.sem_alloc : memref<!tpu.dma_semaphore, #tpu.memory_space<semaphore_mem>>
      %dma_start3A_45 = arith.constant 0 : i32
      %dma_start3A_46 = arith.constant 0 : i32
      %dma_start3A_47 = tpu.memref_slice %arg6[%add3A_4, %dma_start3A_45, %dma_start3A_46] : memref<2048x8x128xf32, #tpu.memory_space<hbm>> -> memref<64x8x128xf32, #tpu.memory_space<hbm>>
      %dma_start3A_48 = arith.constant 0 : i32
      %dma_start3A_49 = arith.constant 0 : i32
      %dma_start3A_50 = tpu.memref_slice %arg6[%add3A_4, %dma_start3A_48, %dma_start3A_49] : memref<2048x8x128xf32, #tpu.memory_space<hbm>> -> memref<64x8x128xf32, #tpu.memory_space<hbm>>
      tpu.enqueue_dma source(%arg10 : memref<64x8x128xf32, #tpu.memory_space<vmem>>) target(%dma_start3A_50 : memref<64x8x128xf32, #tpu.memory_space<hbm>>) target_semaphore(%run_scoped3A : memref<!tpu.dma_semaphore, #tpu.memory_space<semaphore_mem>>)
      %dma_wait3A_51 = arith.constant 0 : i32
      %dma_wait3A_52 = arith.constant 0 : i32
      %dma_wait3A_53 = tpu.memref_slice %arg6[%add3A_4, %dma_wait3A_51, %dma_wait3A_52] : memref<2048x8x128xf32, #tpu.memory_space<hbm>> -> memref<64x8x128xf32, #tpu.memory_space<hbm>>
      %dma_wait3A_54 = arith.constant 0 : i32
      %dma_wait3A_55 = arith.constant 0 : i32
      %dma_wait3A_56 = tpu.memref_slice %arg6[%add3A_4, %dma_wait3A_54, %dma_wait3A_55] : memref<2048x8x128xf32, #tpu.memory_space<hbm>> -> memref<64x8x128xf32, #tpu.memory_space<hbm>>
      tpu.wait_dma2 semaphore(%run_scoped3A : memref<!tpu.dma_semaphore, #tpu.memory_space<semaphore_mem>>) src(%arg10 : memref<64x8x128xf32, #tpu.memory_space<vmem>>) dst(%dma_wait3A_56 : memref<64x8x128xf32, #tpu.memory_space<hbm>>)
      tpu.yield
    }) : () -> ()
    "tpu.region"() ({
      %run_scoped3A = tpu.sem_alloc : memref<!tpu.dma_semaphore, #tpu.memory_space<semaphore_mem>>
      %dma_start3A_45 = arith.constant 0 : i32
      %dma_start3A_46 = tpu.memref_slice %arg7[%add3A_4, %dma_start3A_45] : memref<2048x512xf32, #tpu.memory_space<hbm>> -> memref<64x512xf32, #tpu.memory_space<hbm>>
      %dma_start3A_47 = arith.constant 0 : i32
      %dma_start3A_48 = tpu.memref_slice %arg7[%add3A_4, %dma_start3A_47] : memref<2048x512xf32, #tpu.memory_space<hbm>> -> memref<64x512xf32, #tpu.memory_space<hbm>>
      tpu.enqueue_dma source(%arg11 : memref<64x512xf32, #tpu.memory_space<vmem>>) target(%dma_start3A_48 : memref<64x512xf32, #tpu.memory_space<hbm>>) target_semaphore(%run_scoped3A : memref<!tpu.dma_semaphore, #tpu.memory_space<semaphore_mem>>)
      %dma_wait3A_49 = arith.constant 0 : i32
      %dma_wait3A_50 = tpu.memref_slice %arg7[%add3A_4, %dma_wait3A_49] : memref<2048x512xf32, #tpu.memory_space<hbm>> -> memref<64x512xf32, #tpu.memory_space<hbm>>
      %dma_wait3A_51 = arith.constant 0 : i32
      %dma_wait3A_52 = tpu.memref_slice %arg7[%add3A_4, %dma_wait3A_51] : memref<2048x512xf32, #tpu.memory_space<hbm>> -> memref<64x512xf32, #tpu.memory_space<hbm>>
      tpu.wait_dma2 semaphore(%run_scoped3A : memref<!tpu.dma_semaphore, #tpu.memory_space<semaphore_mem>>) src(%arg11 : memref<64x512xf32, #tpu.memory_space<vmem>>) dst(%dma_wait3A_52 : memref<64x512xf32, #tpu.memory_space<hbm>>)
      tpu.yield
    }) : () -> ()
    "tpu.region"() ({
      %run_scoped3A = tpu.sem_alloc : memref<!tpu.dma_semaphore, #tpu.memory_space<semaphore_mem>>
      %dma_start3A_45 = tpu.memref_slice %arg8[%add3A_4] : memref<2048xf32, #tpu.memory_space<hbm>> -> memref<64xf32, #tpu.memory_space<hbm>>
      %dma_start3A_46 = tpu.memref_slice %arg8[%add3A_4] : memref<2048xf32, #tpu.memory_space<hbm>> -> memref<64xf32, #tpu.memory_space<hbm>>
      tpu.enqueue_dma source(%arg12 : memref<64xf32, #tpu.memory_space<vmem>>) target(%dma_start3A_46 : memref<64xf32, #tpu.memory_space<hbm>>) target_semaphore(%run_scoped3A : memref<!tpu.dma_semaphore, #tpu.memory_space<semaphore_mem>>)
      %dma_wait3A_47 = tpu.memref_slice %arg8[%add3A_4] : memref<2048xf32, #tpu.memory_space<hbm>> -> memref<64xf32, #tpu.memory_space<hbm>>
      %dma_wait3A_48 = tpu.memref_slice %arg8[%add3A_4] : memref<2048xf32, #tpu.memory_space<hbm>> -> memref<64xf32, #tpu.memory_space<hbm>>
      tpu.wait_dma2 semaphore(%run_scoped3A : memref<!tpu.dma_semaphore, #tpu.memory_space<semaphore_mem>>) src(%arg12 : memref<64xf32, #tpu.memory_space<vmem>>) dst(%dma_wait3A_48 : memref<64xf32, #tpu.memory_space<hbm>>)
      tpu.yield
    }) : () -> ()
    return
  }
}

#map = affine_map<(d0, d1) -> (0, 0, 0)>
#map1 = affine_map<(d0, d1) -> (0, 0)>
#map2 = affine_map<(d0, d1) -> (0)>
module attributes {stable_mosaic.version = 14 : i64} {
  func.func @_sc_gather_body(%arg0: i32, %arg1: i32, %arg2: memref<32x1x64xi32, #tpu.memory_space<hbm>>, %arg3: memref<100000x8x128xf32, #tpu.memory_space<hbm>>, %arg4: memref<100000x512xf32, #tpu.memory_space<hbm>>, %arg5: memref<100000xf32, #tpu.memory_space<hbm>>, %arg6: memref<2048x8x128xf32, #tpu.memory_space<hbm>>, %arg7: memref<2048x512xf32, #tpu.memory_space<hbm>>, %arg8: memref<2048xf32, #tpu.memory_space<hbm>>, %arg9: memref<1x64xi32, #tpu.memory_space<vmem>>, %arg10: memref<64x8x128xf32, #tpu.memory_space<vmem>>, %arg11: memref<64x512xf32, #tpu.memory_space<vmem>>, %arg12: memref<64xf32, #tpu.memory_space<vmem>>, %arg13: memref<!tpu.dma_semaphore, #tpu.memory_space<semaphore_mem>>, %arg14: memref<!tpu.dma_semaphore, #tpu.memory_space<semaphore_mem>>, %arg15: memref<!tpu.dma_semaphore, #tpu.memory_space<semaphore_mem>>) attributes {dimension_semantics = [#tpu.dimension_semantics<core_parallel>, #tpu.dimension_semantics<subcore_parallel>], iteration_bounds = array<i64: 2, 16>, scalar_prefetch = 0 : i64, scratch_operands = 7 : i64, tpu.core_type = #tpu.core_type<sc_vector_subcore>, window_params = [{transform_indices = #map}, {transform_indices = #map}, {transform_indices = #map1}, {transform_indices = #map2}, {transform_indices = #map}, {transform_indices = #map1}, {transform_indices = #map2}]} {
    %mul3A = arith.constant 2 : i32
    %mul3A_0 = arith.muli %arg1, %mul3A : i32
    %add3A = arith.addi %mul3A_0, %arg0 : i32
    "tpu.region"() ({
      %run_scoped3A = tpu.sem_alloc : memref<!tpu.dma_semaphore, #tpu.memory_space<semaphore_mem>>
      %dma_start3A_45 = arith.constant 0 : i32
      %dma_start3A_46 = arith.constant 0 : i32
      %dma_start3A_47 = tpu.memref_slice %arg2[%add3A, %dma_start3A_45, %dma_start3A_46] : memref<32x1x64xi32, #tpu.memory_space<hbm>> -> memref<1x1x64xi32, #tpu.memory_space<hbm>>
      %dma_start3A_48 = tpu.memref_squeeze %dma_start3A_47 : memref<1x1x64xi32, #tpu.memory_space<hbm>> -> memref<1x64xi32, #tpu.memory_space<hbm>>
      %dma_start3A_49 = arith.constant 0 : i32
      %dma_start3A_50 = arith.constant 0 : i32
      %dma_start3A_51 = tpu.memref_slice %arg2[%add3A, %dma_start3A_49, %dma_start3A_50] : memref<32x1x64xi32, #tpu.memory_space<hbm>> -> memref<1x1x64xi32, #tpu.memory_space<hbm>>
      %dma_start3A_52 = tpu.memref_squeeze %dma_start3A_51 : memref<1x1x64xi32, #tpu.memory_space<hbm>> -> memref<1x64xi32, #tpu.memory_space<hbm>>
      tpu.enqueue_dma source(%dma_start3A_52 : memref<1x64xi32, #tpu.memory_space<hbm>>) target(%arg9 : memref<1x64xi32, #tpu.memory_space<vmem>>) target_semaphore(%run_scoped3A : memref<!tpu.dma_semaphore, #tpu.memory_space<semaphore_mem>>)
      %dma_wait3A_53 = arith.constant 0 : i32
      %dma_wait3A_54 = arith.constant 0 : i32
      %dma_wait3A_55 = tpu.memref_slice %arg2[%add3A, %dma_wait3A_53, %dma_wait3A_54] : memref<32x1x64xi32, #tpu.memory_space<hbm>> -> memref<1x1x64xi32, #tpu.memory_space<hbm>>
      %dma_wait3A_56 = tpu.memref_squeeze %dma_wait3A_55 : memref<1x1x64xi32, #tpu.memory_space<hbm>> -> memref<1x64xi32, #tpu.memory_space<hbm>>
      %dma_wait3A_57 = arith.constant 0 : i32
      %dma_wait3A_58 = arith.constant 0 : i32
      %dma_wait3A_59 = tpu.memref_slice %arg2[%add3A, %dma_wait3A_57, %dma_wait3A_58] : memref<32x1x64xi32, #tpu.memory_space<hbm>> -> memref<1x1x64xi32, #tpu.memory_space<hbm>>
      %dma_wait3A_60 = tpu.memref_squeeze %dma_wait3A_59 : memref<1x1x64xi32, #tpu.memory_space<hbm>> -> memref<1x64xi32, #tpu.memory_space<hbm>>
      tpu.wait_dma2 semaphore(%run_scoped3A : memref<!tpu.dma_semaphore, #tpu.memory_space<semaphore_mem>>) src(%dma_wait3A_60 : memref<1x64xi32, #tpu.memory_space<hbm>>) dst(%arg9 : memref<1x64xi32, #tpu.memory_space<vmem>>)
      tpu.yield
    }) : () -> ()
    %mul3A_1 = arith.constant 64 : i32
    %mul3A_2 = arith.muli %add3A, %mul3A_1 : i32
    %add3A_3 = arith.constant 0 : i32
    %add3A_4 = arith.addi %mul3A_2, %add3A_3 : i32
    %dma_start3A = arith.constant 0 : i32
    %dma_start3A_5 = arith.constant 0 : i32
    %dma_start3A_6 = tpu.memref_slice %arg9[%dma_start3A, %dma_start3A_5] : memref<1x64xi32, #tpu.memory_space<vmem>> -> memref<1x64xi32, #tpu.memory_space<vmem>>
    %dma_start3A_7 = tpu.memref_squeeze %dma_start3A_6 : memref<1x64xi32, #tpu.memory_space<vmem>> -> memref<64xi32, #tpu.memory_space<vmem>>
    %dma_start3A_8 = arith.constant 0 : i32
    %dma_start3A_9 = arith.constant 0 : i32
    %dma_start3A_10 = arith.constant 0 : i32
    %dma_start3A_11 = tpu.memref_slice %arg3[%dma_start3A_8, %dma_start3A_9, %dma_start3A_10] : memref<100000x8x128xf32, #tpu.memory_space<hbm>> -> memref<100000x8x128xf32, #tpu.memory_space<hbm>>
    tpu.enqueue_indirect_dma source(%dma_start3A_11 : memref<100000x8x128xf32, #tpu.memory_space<hbm>>) target(%arg10 : memref<64x8x128xf32, #tpu.memory_space<vmem>>) offsets(%dma_start3A_7 : memref<64xi32, #tpu.memory_space<vmem>>) semaphore(%arg13 : memref<!tpu.dma_semaphore, #tpu.memory_space<semaphore_mem>>)
    %dma_start3A_12 = arith.constant 0 : i32
    %dma_start3A_13 = arith.constant 0 : i32
    %dma_start3A_14 = tpu.memref_slice %arg9[%dma_start3A_12, %dma_start3A_13] : memref<1x64xi32, #tpu.memory_space<vmem>> -> memref<1x64xi32, #tpu.memory_space<vmem>>
    %dma_start3A_15 = tpu.memref_squeeze %dma_start3A_14 : memref<1x64xi32, #tpu.memory_space<vmem>> -> memref<64xi32, #tpu.memory_space<vmem>>
    %dma_start3A_16 = arith.constant 0 : i32
    %dma_start3A_17 = arith.constant 0 : i32
    %dma_start3A_18 = tpu.memref_slice %arg4[%dma_start3A_16, %dma_start3A_17] : memref<100000x512xf32, #tpu.memory_space<hbm>> -> memref<100000x512xf32, #tpu.memory_space<hbm>>
    tpu.enqueue_indirect_dma source(%dma_start3A_18 : memref<100000x512xf32, #tpu.memory_space<hbm>>) target(%arg11 : memref<64x512xf32, #tpu.memory_space<vmem>>) offsets(%dma_start3A_15 : memref<64xi32, #tpu.memory_space<vmem>>) semaphore(%arg14 : memref<!tpu.dma_semaphore, #tpu.memory_space<semaphore_mem>>)
    %dma_start3A_19 = arith.constant 0 : i32
    %dma_start3A_20 = arith.constant 0 : i32
    %dma_start3A_21 = tpu.memref_slice %arg9[%dma_start3A_19, %dma_start3A_20] : memref<1x64xi32, #tpu.memory_space<vmem>> -> memref<1x64xi32, #tpu.memory_space<vmem>>
    %dma_start3A_22 = tpu.memref_squeeze %dma_start3A_21 : memref<1x64xi32, #tpu.memory_space<vmem>> -> memref<64xi32, #tpu.memory_space<vmem>>
    %dma_start3A_23 = arith.constant 0 : i32
    %dma_start3A_24 = tpu.memref_slice %arg5[%dma_start3A_23] : memref<100000xf32, #tpu.memory_space<hbm>> -> memref<100000xf32, #tpu.memory_space<hbm>>
    tpu.enqueue_indirect_dma source(%dma_start3A_24 : memref<100000xf32, #tpu.memory_space<hbm>>) target(%arg12 : memref<64xf32, #tpu.memory_space<vmem>>) offsets(%dma_start3A_22 : memref<64xi32, #tpu.memory_space<vmem>>) semaphore(%arg15 : memref<!tpu.dma_semaphore, #tpu.memory_space<semaphore_mem>>)
    %dma_wait3A = arith.constant 0 : i32
    %dma_wait3A_25 = arith.constant 0 : i32
    %dma_wait3A_26 = tpu.memref_slice %arg9[%dma_wait3A, %dma_wait3A_25] : memref<1x64xi32, #tpu.memory_space<vmem>> -> memref<1x64xi32, #tpu.memory_space<vmem>>
    %dma_wait3A_27 = tpu.memref_squeeze %dma_wait3A_26 : memref<1x64xi32, #tpu.memory_space<vmem>> -> memref<64xi32, #tpu.memory_space<vmem>>
    %dma_wait3A_28 = arith.constant 0 : i32
    %dma_wait3A_29 = arith.constant 0 : i32
    %dma_wait3A_30 = arith.constant 0 : i32
    %dma_wait3A_31 = tpu.memref_slice %arg3[%dma_wait3A_28, %dma_wait3A_29, %dma_wait3A_30] : memref<100000x8x128xf32, #tpu.memory_space<hbm>> -> memref<100000x8x128xf32, #tpu.memory_space<hbm>>
    tpu.wait_indirect_dma semaphore(%arg13 : memref<!tpu.dma_semaphore, #tpu.memory_space<semaphore_mem>>) src(%dma_wait3A_31 : memref<100000x8x128xf32, #tpu.memory_space<hbm>>) dst(%arg10 : memref<64x8x128xf32, #tpu.memory_space<vmem>>)
    %dma_wait3A_32 = arith.constant 0 : i32
    %dma_wait3A_33 = arith.constant 0 : i32
    %dma_wait3A_34 = tpu.memref_slice %arg9[%dma_wait3A_32, %dma_wait3A_33] : memref<1x64xi32, #tpu.memory_space<vmem>> -> memref<1x64xi32, #tpu.memory_space<vmem>>
    %dma_wait3A_35 = tpu.memref_squeeze %dma_wait3A_34 : memref<1x64xi32, #tpu.memory_space<vmem>> -> memref<64xi32, #tpu.memory_space<vmem>>
    %dma_wait3A_36 = arith.constant 0 : i32
    %dma_wait3A_37 = arith.constant 0 : i32
    %dma_wait3A_38 = tpu.memref_slice %arg4[%dma_wait3A_36, %dma_wait3A_37] : memref<100000x512xf32, #tpu.memory_space<hbm>> -> memref<100000x512xf32, #tpu.memory_space<hbm>>
    tpu.wait_indirect_dma semaphore(%arg14 : memref<!tpu.dma_semaphore, #tpu.memory_space<semaphore_mem>>) src(%dma_wait3A_38 : memref<100000x512xf32, #tpu.memory_space<hbm>>) dst(%arg11 : memref<64x512xf32, #tpu.memory_space<vmem>>)
    %dma_wait3A_39 = arith.constant 0 : i32
    %dma_wait3A_40 = arith.constant 0 : i32
    %dma_wait3A_41 = tpu.memref_slice %arg9[%dma_wait3A_39, %dma_wait3A_40] : memref<1x64xi32, #tpu.memory_space<vmem>> -> memref<1x64xi32, #tpu.memory_space<vmem>>
    %dma_wait3A_42 = tpu.memref_squeeze %dma_wait3A_41 : memref<1x64xi32, #tpu.memory_space<vmem>> -> memref<64xi32, #tpu.memory_space<vmem>>
    %dma_wait3A_43 = arith.constant 0 : i32
    %dma_wait3A_44 = tpu.memref_slice %arg5[%dma_wait3A_43] : memref<100000xf32, #tpu.memory_space<hbm>> -> memref<100000xf32, #tpu.memory_space<hbm>>
    tpu.wait_indirect_dma semaphore(%arg15 : memref<!tpu.dma_semaphore, #tpu.memory_space<semaphore_mem>>) src(%dma_wait3A_44 : memref<100000xf32, #tpu.memory_space<hbm>>) dst(%arg12 : memref<64xf32, #tpu.memory_space<vmem>>)
    "tpu.region"() ({
      %run_scoped3A = tpu.sem_alloc : memref<!tpu.dma_semaphore, #tpu.memory_space<semaphore_mem>>
      %dma_start3A_45 = arith.constant 0 : i32
      %dma_start3A_46 = arith.constant 0 : i32
      %dma_start3A_47 = tpu.memref_slice %arg6[%add3A_4, %dma_start3A_45, %dma_start3A_46] : memref<2048x8x128xf32, #tpu.memory_space<hbm>> -> memref<64x8x128xf32, #tpu.memory_space<hbm>>
      %dma_start3A_48 = arith.constant 0 : i32
      %dma_start3A_49 = arith.constant 0 : i32
      %dma_start3A_50 = tpu.memref_slice %arg6[%add3A_4, %dma_start3A_48, %dma_start3A_49] : memref<2048x8x128xf32, #tpu.memory_space<hbm>> -> memref<64x8x128xf32, #tpu.memory_space<hbm>>
      tpu.enqueue_dma source(%arg10 : memref<64x8x128xf32, #tpu.memory_space<vmem>>) target(%dma_start3A_50 : memref<64x8x128xf32, #tpu.memory_space<hbm>>) target_semaphore(%run_scoped3A : memref<!tpu.dma_semaphore, #tpu.memory_space<semaphore_mem>>)
      %dma_wait3A_51 = arith.constant 0 : i32
      %dma_wait3A_52 = arith.constant 0 : i32
      %dma_wait3A_53 = tpu.memref_slice %arg6[%add3A_4, %dma_wait3A_51, %dma_wait3A_52] : memref<2048x8x128xf32, #tpu.memory_space<hbm>> -> memref<64x8x128xf32, #tpu.memory_space<hbm>>
      %dma_wait3A_54 = arith.constant 0 : i32
      %dma_wait3A_55 = arith.constant 0 : i32
      %dma_wait3A_56 = tpu.memref_slice %arg6[%add3A_4, %dma_wait3A_54, %dma_wait3A_55] : memref<2048x8x128xf32, #tpu.memory_space<hbm>> -> memref<64x8x128xf32, #tpu.memory_space<hbm>>
      tpu.wait_dma2 semaphore(%run_scoped3A : memref<!tpu.dma_semaphore, #tpu.memory_space<semaphore_mem>>) src(%arg10 : memref<64x8x128xf32, #tpu.memory_space<vmem>>) dst(%dma_wait3A_56 : memref<64x8x128xf32, #tpu.memory_space<hbm>>)
      tpu.yield
    }) : () -> ()
    "tpu.region"() ({
      %run_scoped3A = tpu.sem_alloc : memref<!tpu.dma_semaphore, #tpu.memory_space<semaphore_mem>>
      %dma_start3A_45 = arith.constant 0 : i32
      %dma_start3A_46 = tpu.memref_slice %arg7[%add3A_4, %dma_start3A_45] : memref<2048x512xf32, #tpu.memory_space<hbm>> -> memref<64x512xf32, #tpu.memory_space<hbm>>
      %dma_start3A_47 = arith.constant 0 : i32
      %dma_start3A_48 = tpu.memref_slice %arg7[%add3A_4, %dma_start3A_47] : memref<2048x512xf32, #tpu.memory_space<hbm>> -> memref<64x512xf32, #tpu.memory_space<hbm>>
      tpu.enqueue_dma source(%arg11 : memref<64x512xf32, #tpu.memory_space<vmem>>) target(%dma_start3A_48 : memref<64x512xf32, #tpu.memory_space<hbm>>) target_semaphore(%run_scoped3A : memref<!tpu.dma_semaphore, #tpu.memory_space<semaphore_mem>>)
      %dma_wait3A_49 = arith.constant 0 : i32
      %dma_wait3A_50 = tpu.memref_slice %arg7[%add3A_4, %dma_wait3A_49] : memref<2048x512xf32, #tpu.memory_space<hbm>> -> memref<64x512xf32, #tpu.memory_space<hbm>>
      %dma_wait3A_51 = arith.constant 0 : i32
      %dma_wait3A_52 = tpu.memref_slice %arg7[%add3A_4, %dma_wait3A_51] : memref<2048x512xf32, #tpu.memory_space<hbm>> -> memref<64x512xf32, #tpu.memory_space<hbm>>
      tpu.wait_dma2 semaphore(%run_scoped3A : memref<!tpu.dma_semaphore, #tpu.memory_space<semaphore_mem>>) src(%arg11 : memref<64x512xf32, #tpu.memory_space<vmem>>) dst(%dma_wait3A_52 : memref<64x512xf32, #tpu.memory_space<hbm>>)
      tpu.yield
    }) : () -> ()
    "tpu.region"() ({
      %run_scoped3A = tpu.sem_alloc : memref<!tpu.dma_semaphore, #tpu.memory_space<semaphore_mem>>
      %dma_start3A_45 = tpu.memref_slice %arg8[%add3A_4] : memref<2048xf32, #tpu.memory_space<hbm>> -> memref<64xf32, #tpu.memory_space<hbm>>
      %dma_start3A_46 = tpu.memref_slice %arg8[%add3A_4] : memref<2048xf32, #tpu.memory_space<hbm>> -> memref<64xf32, #tpu.memory_space<hbm>>
      tpu.enqueue_dma source(%arg12 : memref<64xf32, #tpu.memory_space<vmem>>) target(%dma_start3A_46 : memref<64xf32, #tpu.memory_space<hbm>>) target_semaphore(%run_scoped3A : memref<!tpu.dma_semaphore, #tpu.memory_space<semaphore_mem>>)
      %dma_wait3A_47 = tpu.memref_slice %arg8[%add3A_4] : memref<2048xf32, #tpu.memory_space<hbm>> -> memref<64xf32, #tpu.memory_space<hbm>>
      %dma_wait3A_48 = tpu.memref_slice %arg8[%add3A_4] : memref<2048xf32, #tpu.memory_space<hbm>> -> memref<64xf32, #tpu.memory_space<hbm>>
      tpu.wait_dma2 semaphore(%run_scoped3A : memref<!tpu.dma_semaphore, #tpu.memory_space<semaphore_mem>>) src(%arg12 : memref<64xf32, #tpu.memory_space<vmem>>) dst(%dma_wait3A_48 : memref<64xf32, #tpu.memory_space<hbm>>)
      tpu.yield
    }) : () -> ()
    return
  }
}

#map = affine_map<(d0, d1) -> (0, 0, 0)>
#map1 = affine_map<(d0, d1) -> (0, 0)>
#map2 = affine_map<(d0, d1) -> (0)>
module attributes {stable_mosaic.version = 14 : i64} {
  func.func @_sc_gather_body(%arg0: i32, %arg1: i32, %arg2: memref<32x1x64xi32, #tpu.memory_space<hbm>>, %arg3: memref<100000x8x128xf32, #tpu.memory_space<hbm>>, %arg4: memref<100000x512xf32, #tpu.memory_space<hbm>>, %arg5: memref<100000xf32, #tpu.memory_space<hbm>>, %arg6: memref<2048x8x128xf32, #tpu.memory_space<hbm>>, %arg7: memref<2048x512xf32, #tpu.memory_space<hbm>>, %arg8: memref<2048xf32, #tpu.memory_space<hbm>>, %arg9: memref<1x64xi32, #tpu.memory_space<vmem>>, %arg10: memref<64x8x128xf32, #tpu.memory_space<vmem>>, %arg11: memref<64x512xf32, #tpu.memory_space<vmem>>, %arg12: memref<64xf32, #tpu.memory_space<vmem>>, %arg13: memref<!tpu.dma_semaphore, #tpu.memory_space<semaphore_mem>>, %arg14: memref<!tpu.dma_semaphore, #tpu.memory_space<semaphore_mem>>, %arg15: memref<!tpu.dma_semaphore, #tpu.memory_space<semaphore_mem>>) attributes {dimension_semantics = [#tpu.dimension_semantics<core_parallel>, #tpu.dimension_semantics<subcore_parallel>], iteration_bounds = array<i64: 2, 16>, scalar_prefetch = 0 : i64, scratch_operands = 7 : i64, tpu.core_type = #tpu.core_type<sc_vector_subcore>, window_params = [{transform_indices = #map}, {transform_indices = #map}, {transform_indices = #map1}, {transform_indices = #map2}, {transform_indices = #map}, {transform_indices = #map1}, {transform_indices = #map2}]} {
    %mul3A = arith.constant 2 : i32
    %mul3A_0 = arith.muli %arg1, %mul3A : i32
    %add3A = arith.addi %mul3A_0, %arg0 : i32
    "tpu.region"() ({
      %run_scoped3A = tpu.sem_alloc : memref<!tpu.dma_semaphore, #tpu.memory_space<semaphore_mem>>
      %dma_start3A_45 = arith.constant 0 : i32
      %dma_start3A_46 = arith.constant 0 : i32
      %dma_start3A_47 = tpu.memref_slice %arg2[%add3A, %dma_start3A_45, %dma_start3A_46] : memref<32x1x64xi32, #tpu.memory_space<hbm>> -> memref<1x1x64xi32, #tpu.memory_space<hbm>>
      %dma_start3A_48 = tpu.memref_squeeze %dma_start3A_47 : memref<1x1x64xi32, #tpu.memory_space<hbm>> -> memref<1x64xi32, #tpu.memory_space<hbm>>
      %dma_start3A_49 = arith.constant 0 : i32
      %dma_start3A_50 = arith.constant 0 : i32
      %dma_start3A_51 = tpu.memref_slice %arg2[%add3A, %dma_start3A_49, %dma_start3A_50] : memref<32x1x64xi32, #tpu.memory_space<hbm>> -> memref<1x1x64xi32, #tpu.memory_space<hbm>>
      %dma_start3A_52 = tpu.memref_squeeze %dma_start3A_51 : memref<1x1x64xi32, #tpu.memory_space<hbm>> -> memref<1x64xi32, #tpu.memory_space<hbm>>
      tpu.enqueue_dma source(%dma_start3A_52 : memref<1x64xi32, #tpu.memory_space<hbm>>) target(%arg9 : memref<1x64xi32, #tpu.memory_space<vmem>>) target_semaphore(%run_scoped3A : memref<!tpu.dma_semaphore, #tpu.memory_space<semaphore_mem>>)
      %dma_wait3A_53 = arith.constant 0 : i32
      %dma_wait3A_54 = arith.constant 0 : i32
      %dma_wait3A_55 = tpu.memref_slice %arg2[%add3A, %dma_wait3A_53, %dma_wait3A_54] : memref<32x1x64xi32, #tpu.memory_space<hbm>> -> memref<1x1x64xi32, #tpu.memory_space<hbm>>
      %dma_wait3A_56 = tpu.memref_squeeze %dma_wait3A_55 : memref<1x1x64xi32, #tpu.memory_space<hbm>> -> memref<1x64xi32, #tpu.memory_space<hbm>>
      %dma_wait3A_57 = arith.constant 0 : i32
      %dma_wait3A_58 = arith.constant 0 : i32
      %dma_wait3A_59 = tpu.memref_slice %arg2[%add3A, %dma_wait3A_57, %dma_wait3A_58] : memref<32x1x64xi32, #tpu.memory_space<hbm>> -> memref<1x1x64xi32, #tpu.memory_space<hbm>>
      %dma_wait3A_60 = tpu.memref_squeeze %dma_wait3A_59 : memref<1x1x64xi32, #tpu.memory_space<hbm>> -> memref<1x64xi32, #tpu.memory_space<hbm>>
      tpu.wait_dma2 semaphore(%run_scoped3A : memref<!tpu.dma_semaphore, #tpu.memory_space<semaphore_mem>>) src(%dma_wait3A_60 : memref<1x64xi32, #tpu.memory_space<hbm>>) dst(%arg9 : memref<1x64xi32, #tpu.memory_space<vmem>>)
      tpu.yield
    }) : () -> ()
    %mul3A_1 = arith.constant 64 : i32
    %mul3A_2 = arith.muli %add3A, %mul3A_1 : i32
    %add3A_3 = arith.constant 0 : i32
    %add3A_4 = arith.addi %mul3A_2, %add3A_3 : i32
    %dma_start3A = arith.constant 0 : i32
    %dma_start3A_5 = arith.constant 0 : i32
    %dma_start3A_6 = tpu.memref_slice %arg9[%dma_start3A, %dma_start3A_5] : memref<1x64xi32, #tpu.memory_space<vmem>> -> memref<1x64xi32, #tpu.memory_space<vmem>>
    %dma_start3A_7 = tpu.memref_squeeze %dma_start3A_6 : memref<1x64xi32, #tpu.memory_space<vmem>> -> memref<64xi32, #tpu.memory_space<vmem>>
    %dma_start3A_8 = arith.constant 0 : i32
    %dma_start3A_9 = arith.constant 0 : i32
    %dma_start3A_10 = arith.constant 0 : i32
    %dma_start3A_11 = tpu.memref_slice %arg3[%dma_start3A_8, %dma_start3A_9, %dma_start3A_10] : memref<100000x8x128xf32, #tpu.memory_space<hbm>> -> memref<100000x8x128xf32, #tpu.memory_space<hbm>>
    tpu.enqueue_indirect_dma source(%dma_start3A_11 : memref<100000x8x128xf32, #tpu.memory_space<hbm>>) target(%arg10 : memref<64x8x128xf32, #tpu.memory_space<vmem>>) offsets(%dma_start3A_7 : memref<64xi32, #tpu.memory_space<vmem>>) semaphore(%arg13 : memref<!tpu.dma_semaphore, #tpu.memory_space<semaphore_mem>>)
    %dma_start3A_12 = arith.constant 0 : i32
    %dma_start3A_13 = arith.constant 0 : i32
    %dma_start3A_14 = tpu.memref_slice %arg9[%dma_start3A_12, %dma_start3A_13] : memref<1x64xi32, #tpu.memory_space<vmem>> -> memref<1x64xi32, #tpu.memory_space<vmem>>
    %dma_start3A_15 = tpu.memref_squeeze %dma_start3A_14 : memref<1x64xi32, #tpu.memory_space<vmem>> -> memref<64xi32, #tpu.memory_space<vmem>>
    %dma_start3A_16 = arith.constant 0 : i32
    %dma_start3A_17 = arith.constant 0 : i32
    %dma_start3A_18 = tpu.memref_slice %arg4[%dma_start3A_16, %dma_start3A_17] : memref<100000x512xf32, #tpu.memory_space<hbm>> -> memref<100000x512xf32, #tpu.memory_space<hbm>>
    tpu.enqueue_indirect_dma source(%dma_start3A_18 : memref<100000x512xf32, #tpu.memory_space<hbm>>) target(%arg11 : memref<64x512xf32, #tpu.memory_space<vmem>>) offsets(%dma_start3A_15 : memref<64xi32, #tpu.memory_space<vmem>>) semaphore(%arg14 : memref<!tpu.dma_semaphore, #tpu.memory_space<semaphore_mem>>)
    %dma_start3A_19 = arith.constant 0 : i32
    %dma_start3A_20 = arith.constant 0 : i32
    %dma_start3A_21 = tpu.memref_slice %arg9[%dma_start3A_19, %dma_start3A_20] : memref<1x64xi32, #tpu.memory_space<vmem>> -> memref<1x64xi32, #tpu.memory_space<vmem>>
    %dma_start3A_22 = tpu.memref_squeeze %dma_start3A_21 : memref<1x64xi32, #tpu.memory_space<vmem>> -> memref<64xi32, #tpu.memory_space<vmem>>
    %dma_start3A_23 = arith.constant 0 : i32
    %dma_start3A_24 = tpu.memref_slice %arg5[%dma_start3A_23] : memref<100000xf32, #tpu.memory_space<hbm>> -> memref<100000xf32, #tpu.memory_space<hbm>>
    tpu.enqueue_indirect_dma source(%dma_start3A_24 : memref<100000xf32, #tpu.memory_space<hbm>>) target(%arg12 : memref<64xf32, #tpu.memory_space<vmem>>) offsets(%dma_start3A_22 : memref<64xi32, #tpu.memory_space<vmem>>) semaphore(%arg15 : memref<!tpu.dma_semaphore, #tpu.memory_space<semaphore_mem>>)
    %dma_wait3A = arith.constant 0 : i32
    %dma_wait3A_25 = arith.constant 0 : i32
    %dma_wait3A_26 = tpu.memref_slice %arg9[%dma_wait3A, %dma_wait3A_25] : memref<1x64xi32, #tpu.memory_space<vmem>> -> memref<1x64xi32, #tpu.memory_space<vmem>>
    %dma_wait3A_27 = tpu.memref_squeeze %dma_wait3A_26 : memref<1x64xi32, #tpu.memory_space<vmem>> -> memref<64xi32, #tpu.memory_space<vmem>>
    %dma_wait3A_28 = arith.constant 0 : i32
    %dma_wait3A_29 = arith.constant 0 : i32
    %dma_wait3A_30 = arith.constant 0 : i32
    %dma_wait3A_31 = tpu.memref_slice %arg3[%dma_wait3A_28, %dma_wait3A_29, %dma_wait3A_30] : memref<100000x8x128xf32, #tpu.memory_space<hbm>> -> memref<100000x8x128xf32, #tpu.memory_space<hbm>>
    tpu.wait_indirect_dma semaphore(%arg13 : memref<!tpu.dma_semaphore, #tpu.memory_space<semaphore_mem>>) src(%dma_wait3A_31 : memref<100000x8x128xf32, #tpu.memory_space<hbm>>) dst(%arg10 : memref<64x8x128xf32, #tpu.memory_space<vmem>>)
    %dma_wait3A_32 = arith.constant 0 : i32
    %dma_wait3A_33 = arith.constant 0 : i32
    %dma_wait3A_34 = tpu.memref_slice %arg9[%dma_wait3A_32, %dma_wait3A_33] : memref<1x64xi32, #tpu.memory_space<vmem>> -> memref<1x64xi32, #tpu.memory_space<vmem>>
    %dma_wait3A_35 = tpu.memref_squeeze %dma_wait3A_34 : memref<1x64xi32, #tpu.memory_space<vmem>> -> memref<64xi32, #tpu.memory_space<vmem>>
    %dma_wait3A_36 = arith.constant 0 : i32
    %dma_wait3A_37 = arith.constant 0 : i32
    %dma_wait3A_38 = tpu.memref_slice %arg4[%dma_wait3A_36, %dma_wait3A_37] : memref<100000x512xf32, #tpu.memory_space<hbm>> -> memref<100000x512xf32, #tpu.memory_space<hbm>>
    tpu.wait_indirect_dma semaphore(%arg14 : memref<!tpu.dma_semaphore, #tpu.memory_space<semaphore_mem>>) src(%dma_wait3A_38 : memref<100000x512xf32, #tpu.memory_space<hbm>>) dst(%arg11 : memref<64x512xf32, #tpu.memory_space<vmem>>)
    %dma_wait3A_39 = arith.constant 0 : i32
    %dma_wait3A_40 = arith.constant 0 : i32
    %dma_wait3A_41 = tpu.memref_slice %arg9[%dma_wait3A_39, %dma_wait3A_40] : memref<1x64xi32, #tpu.memory_space<vmem>> -> memref<1x64xi32, #tpu.memory_space<vmem>>
    %dma_wait3A_42 = tpu.memref_squeeze %dma_wait3A_41 : memref<1x64xi32, #tpu.memory_space<vmem>> -> memref<64xi32, #tpu.memory_space<vmem>>
    %dma_wait3A_43 = arith.constant 0 : i32
    %dma_wait3A_44 = tpu.memref_slice %arg5[%dma_wait3A_43] : memref<100000xf32, #tpu.memory_space<hbm>> -> memref<100000xf32, #tpu.memory_space<hbm>>
    tpu.wait_indirect_dma semaphore(%arg15 : memref<!tpu.dma_semaphore, #tpu.memory_space<semaphore_mem>>) src(%dma_wait3A_44 : memref<100000xf32, #tpu.memory_space<hbm>>) dst(%arg12 : memref<64xf32, #tpu.memory_space<vmem>>)
    "tpu.region"() ({
      %run_scoped3A = tpu.sem_alloc : memref<!tpu.dma_semaphore, #tpu.memory_space<semaphore_mem>>
      %dma_start3A_45 = arith.constant 0 : i32
      %dma_start3A_46 = arith.constant 0 : i32
      %dma_start3A_47 = tpu.memref_slice %arg6[%add3A_4, %dma_start3A_45, %dma_start3A_46] : memref<2048x8x128xf32, #tpu.memory_space<hbm>> -> memref<64x8x128xf32, #tpu.memory_space<hbm>>
      %dma_start3A_48 = arith.constant 0 : i32
      %dma_start3A_49 = arith.constant 0 : i32
      %dma_start3A_50 = tpu.memref_slice %arg6[%add3A_4, %dma_start3A_48, %dma_start3A_49] : memref<2048x8x128xf32, #tpu.memory_space<hbm>> -> memref<64x8x128xf32, #tpu.memory_space<hbm>>
      tpu.enqueue_dma source(%arg10 : memref<64x8x128xf32, #tpu.memory_space<vmem>>) target(%dma_start3A_50 : memref<64x8x128xf32, #tpu.memory_space<hbm>>) target_semaphore(%run_scoped3A : memref<!tpu.dma_semaphore, #tpu.memory_space<semaphore_mem>>)
      %dma_wait3A_51 = arith.constant 0 : i32
      %dma_wait3A_52 = arith.constant 0 : i32
      %dma_wait3A_53 = tpu.memref_slice %arg6[%add3A_4, %dma_wait3A_51, %dma_wait3A_52] : memref<2048x8x128xf32, #tpu.memory_space<hbm>> -> memref<64x8x128xf32, #tpu.memory_space<hbm>>
      %dma_wait3A_54 = arith.constant 0 : i32
      %dma_wait3A_55 = arith.constant 0 : i32
      %dma_wait3A_56 = tpu.memref_slice %arg6[%add3A_4, %dma_wait3A_54, %dma_wait3A_55] : memref<2048x8x128xf32, #tpu.memory_space<hbm>> -> memref<64x8x128xf32, #tpu.memory_space<hbm>>
      tpu.wait_dma2 semaphore(%run_scoped3A : memref<!tpu.dma_semaphore, #tpu.memory_space<semaphore_mem>>) src(%arg10 : memref<64x8x128xf32, #tpu.memory_space<vmem>>) dst(%dma_wait3A_56 : memref<64x8x128xf32, #tpu.memory_space<hbm>>)
      tpu.yield
    }) : () -> ()
    "tpu.region"() ({
      %run_scoped3A = tpu.sem_alloc : memref<!tpu.dma_semaphore, #tpu.memory_space<semaphore_mem>>
      %dma_start3A_45 = arith.constant 0 : i32
      %dma_start3A_46 = tpu.memref_slice %arg7[%add3A_4, %dma_start3A_45] : memref<2048x512xf32, #tpu.memory_space<hbm>> -> memref<64x512xf32, #tpu.memory_space<hbm>>
      %dma_start3A_47 = arith.constant 0 : i32
      %dma_start3A_48 = tpu.memref_slice %arg7[%add3A_4, %dma_start3A_47] : memref<2048x512xf32, #tpu.memory_space<hbm>> -> memref<64x512xf32, #tpu.memory_space<hbm>>
      tpu.enqueue_dma source(%arg11 : memref<64x512xf32, #tpu.memory_space<vmem>>) target(%dma_start3A_48 : memref<64x512xf32, #tpu.memory_space<hbm>>) target_semaphore(%run_scoped3A : memref<!tpu.dma_semaphore, #tpu.memory_space<semaphore_mem>>)
      %dma_wait3A_49 = arith.constant 0 : i32
      %dma_wait3A_50 = tpu.memref_slice %arg7[%add3A_4, %dma_wait3A_49] : memref<2048x512xf32, #tpu.memory_space<hbm>> -> memref<64x512xf32, #tpu.memory_space<hbm>>
      %dma_wait3A_51 = arith.constant 0 : i32
      %dma_wait3A_52 = tpu.memref_slice %arg7[%add3A_4, %dma_wait3A_51] : memref<2048x512xf32, #tpu.memory_space<hbm>> -> memref<64x512xf32, #tpu.memory_space<hbm>>
      tpu.wait_dma2 semaphore(%run_scoped3A : memref<!tpu.dma_semaphore, #tpu.memory_space<semaphore_mem>>) src(%arg11 : memref<64x512xf32, #tpu.memory_space<vmem>>) dst(%dma_wait3A_52 : memref<64x512xf32, #tpu.memory_space<hbm>>)
      tpu.yield
    }) : () -> ()
    "tpu.region"() ({
      %run_scoped3A = tpu.sem_alloc : memref<!tpu.dma_semaphore, #tpu.memory_space<semaphore_mem>>
      %dma_start3A_45 = tpu.memref_slice %arg8[%add3A_4] : memref<2048xf32, #tpu.memory_space<hbm>> -> memref<64xf32, #tpu.memory_space<hbm>>
      %dma_start3A_46 = tpu.memref_slice %arg8[%add3A_4] : memref<2048xf32, #tpu.memory_space<hbm>> -> memref<64xf32, #tpu.memory_space<hbm>>
      tpu.enqueue_dma source(%arg12 : memref<64xf32, #tpu.memory_space<vmem>>) target(%dma_start3A_46 : memref<64xf32, #tpu.memory_space<hbm>>) target_semaphore(%run_scoped3A : memref<!tpu.dma_semaphore, #tpu.memory_space<semaphore_mem>>)
      %dma_wait3A_47 = tpu.memref_slice %arg8[%add3A_4] : memref<2048xf32, #tpu.memory_space<hbm>> -> memref<64xf32, #tpu.memory_space<hbm>>
      %dma_wait3A_48 = tpu.memref_slice %arg8[%add3A_4] : memref<2048xf32, #tpu.memory_space<hbm>> -> memref<64xf32, #tpu.memory_space<hbm>>
      tpu.wait_dma2 semaphore(%run_scoped3A : memref<!tpu.dma_semaphore, #tpu.memory_space<semaphore_mem>>) src(%arg12 : memref<64xf32, #tpu.memory_space<vmem>>) dst(%dma_wait3A_48 : memref<64xf32, #tpu.memory_space<hbm>>)
      tpu.yield
    }) : () -> ()
    return
  }
}

#map = affine_map<(d0, d1) -> (0, 0, 0)>
#map1 = affine_map<(d0, d1) -> (0, 0)>
#map2 = affine_map<(d0, d1) -> (0)>
module attributes {stable_mosaic.version = 14 : i64} {
  func.func @_sc_gather_body(%arg0: i32, %arg1: i32, %arg2: memref<32x1x64xi32, #tpu.memory_space<hbm>>, %arg3: memref<100000x8x128xf32, #tpu.memory_space<hbm>>, %arg4: memref<100000x512xf32, #tpu.memory_space<hbm>>, %arg5: memref<100000xf32, #tpu.memory_space<hbm>>, %arg6: memref<2048x8x128xf32, #tpu.memory_space<hbm>>, %arg7: memref<2048x512xf32, #tpu.memory_space<hbm>>, %arg8: memref<2048xf32, #tpu.memory_space<hbm>>, %arg9: memref<1x64xi32, #tpu.memory_space<vmem>>, %arg10: memref<64x8x128xf32, #tpu.memory_space<vmem>>, %arg11: memref<64x512xf32, #tpu.memory_space<vmem>>, %arg12: memref<64xf32, #tpu.memory_space<vmem>>, %arg13: memref<!tpu.dma_semaphore, #tpu.memory_space<semaphore_mem>>, %arg14: memref<!tpu.dma_semaphore, #tpu.memory_space<semaphore_mem>>, %arg15: memref<!tpu.dma_semaphore, #tpu.memory_space<semaphore_mem>>) attributes {dimension_semantics = [#tpu.dimension_semantics<core_parallel>, #tpu.dimension_semantics<subcore_parallel>], iteration_bounds = array<i64: 2, 16>, scalar_prefetch = 0 : i64, scratch_operands = 7 : i64, tpu.core_type = #tpu.core_type<sc_vector_subcore>, window_params = [{transform_indices = #map}, {transform_indices = #map}, {transform_indices = #map1}, {transform_indices = #map2}, {transform_indices = #map}, {transform_indices = #map1}, {transform_indices = #map2}]} {
    %mul3A = arith.constant 2 : i32
    %mul3A_0 = arith.muli %arg1, %mul3A : i32
    %add3A = arith.addi %mul3A_0, %arg0 : i32
    "tpu.region"() ({
      %run_scoped3A = tpu.sem_alloc : memref<!tpu.dma_semaphore, #tpu.memory_space<semaphore_mem>>
      %dma_start3A_45 = arith.constant 0 : i32
      %dma_start3A_46 = arith.constant 0 : i32
      %dma_start3A_47 = tpu.memref_slice %arg2[%add3A, %dma_start3A_45, %dma_start3A_46] : memref<32x1x64xi32, #tpu.memory_space<hbm>> -> memref<1x1x64xi32, #tpu.memory_space<hbm>>
      %dma_start3A_48 = tpu.memref_squeeze %dma_start3A_47 : memref<1x1x64xi32, #tpu.memory_space<hbm>> -> memref<1x64xi32, #tpu.memory_space<hbm>>
      %dma_start3A_49 = arith.constant 0 : i32
      %dma_start3A_50 = arith.constant 0 : i32
      %dma_start3A_51 = tpu.memref_slice %arg2[%add3A, %dma_start3A_49, %dma_start3A_50] : memref<32x1x64xi32, #tpu.memory_space<hbm>> -> memref<1x1x64xi32, #tpu.memory_space<hbm>>
      %dma_start3A_52 = tpu.memref_squeeze %dma_start3A_51 : memref<1x1x64xi32, #tpu.memory_space<hbm>> -> memref<1x64xi32, #tpu.memory_space<hbm>>
      tpu.enqueue_dma source(%dma_start3A_52 : memref<1x64xi32, #tpu.memory_space<hbm>>) target(%arg9 : memref<1x64xi32, #tpu.memory_space<vmem>>) target_semaphore(%run_scoped3A : memref<!tpu.dma_semaphore, #tpu.memory_space<semaphore_mem>>)
      %dma_wait3A_53 = arith.constant 0 : i32
      %dma_wait3A_54 = arith.constant 0 : i32
      %dma_wait3A_55 = tpu.memref_slice %arg2[%add3A, %dma_wait3A_53, %dma_wait3A_54] : memref<32x1x64xi32, #tpu.memory_space<hbm>> -> memref<1x1x64xi32, #tpu.memory_space<hbm>>
      %dma_wait3A_56 = tpu.memref_squeeze %dma_wait3A_55 : memref<1x1x64xi32, #tpu.memory_space<hbm>> -> memref<1x64xi32, #tpu.memory_space<hbm>>
      %dma_wait3A_57 = arith.constant 0 : i32
      %dma_wait3A_58 = arith.constant 0 : i32
      %dma_wait3A_59 = tpu.memref_slice %arg2[%add3A, %dma_wait3A_57, %dma_wait3A_58] : memref<32x1x64xi32, #tpu.memory_space<hbm>> -> memref<1x1x64xi32, #tpu.memory_space<hbm>>
      %dma_wait3A_60 = tpu.memref_squeeze %dma_wait3A_59 : memref<1x1x64xi32, #tpu.memory_space<hbm>> -> memref<1x64xi32, #tpu.memory_space<hbm>>
      tpu.wait_dma2 semaphore(%run_scoped3A : memref<!tpu.dma_semaphore, #tpu.memory_space<semaphore_mem>>) src(%dma_wait3A_60 : memref<1x64xi32, #tpu.memory_space<hbm>>) dst(%arg9 : memref<1x64xi32, #tpu.memory_space<vmem>>)
      tpu.yield
    }) : () -> ()
    %mul3A_1 = arith.constant 64 : i32
    %mul3A_2 = arith.muli %add3A, %mul3A_1 : i32
    %add3A_3 = arith.constant 0 : i32
    %add3A_4 = arith.addi %mul3A_2, %add3A_3 : i32
    %dma_start3A = arith.constant 0 : i32
    %dma_start3A_5 = arith.constant 0 : i32
    %dma_start3A_6 = tpu.memref_slice %arg9[%dma_start3A, %dma_start3A_5] : memref<1x64xi32, #tpu.memory_space<vmem>> -> memref<1x64xi32, #tpu.memory_space<vmem>>
    %dma_start3A_7 = tpu.memref_squeeze %dma_start3A_6 : memref<1x64xi32, #tpu.memory_space<vmem>> -> memref<64xi32, #tpu.memory_space<vmem>>
    %dma_start3A_8 = arith.constant 0 : i32
    %dma_start3A_9 = arith.constant 0 : i32
    %dma_start3A_10 = arith.constant 0 : i32
    %dma_start3A_11 = tpu.memref_slice %arg3[%dma_start3A_8, %dma_start3A_9, %dma_start3A_10] : memref<100000x8x128xf32, #tpu.memory_space<hbm>> -> memref<100000x8x128xf32, #tpu.memory_space<hbm>>
    tpu.enqueue_indirect_dma source(%dma_start3A_11 : memref<100000x8x128xf32, #tpu.memory_space<hbm>>) target(%arg10 : memref<64x8x128xf32, #tpu.memory_space<vmem>>) offsets(%dma_start3A_7 : memref<64xi32, #tpu.memory_space<vmem>>) semaphore(%arg13 : memref<!tpu.dma_semaphore, #tpu.memory_space<semaphore_mem>>)
    %dma_start3A_12 = arith.constant 0 : i32
    %dma_start3A_13 = arith.constant 0 : i32
    %dma_start3A_14 = tpu.memref_slice %arg9[%dma_start3A_12, %dma_start3A_13] : memref<1x64xi32, #tpu.memory_space<vmem>> -> memref<1x64xi32, #tpu.memory_space<vmem>>
    %dma_start3A_15 = tpu.memref_squeeze %dma_start3A_14 : memref<1x64xi32, #tpu.memory_space<vmem>> -> memref<64xi32, #tpu.memory_space<vmem>>
    %dma_start3A_16 = arith.constant 0 : i32
    %dma_start3A_17 = arith.constant 0 : i32
    %dma_start3A_18 = tpu.memref_slice %arg4[%dma_start3A_16, %dma_start3A_17] : memref<100000x512xf32, #tpu.memory_space<hbm>> -> memref<100000x512xf32, #tpu.memory_space<hbm>>
    tpu.enqueue_indirect_dma source(%dma_start3A_18 : memref<100000x512xf32, #tpu.memory_space<hbm>>) target(%arg11 : memref<64x512xf32, #tpu.memory_space<vmem>>) offsets(%dma_start3A_15 : memref<64xi32, #tpu.memory_space<vmem>>) semaphore(%arg14 : memref<!tpu.dma_semaphore, #tpu.memory_space<semaphore_mem>>)
    %dma_start3A_19 = arith.constant 0 : i32
    %dma_start3A_20 = arith.constant 0 : i32
    %dma_start3A_21 = tpu.memref_slice %arg9[%dma_start3A_19, %dma_start3A_20] : memref<1x64xi32, #tpu.memory_space<vmem>> -> memref<1x64xi32, #tpu.memory_space<vmem>>
    %dma_start3A_22 = tpu.memref_squeeze %dma_start3A_21 : memref<1x64xi32, #tpu.memory_space<vmem>> -> memref<64xi32, #tpu.memory_space<vmem>>
    %dma_start3A_23 = arith.constant 0 : i32
    %dma_start3A_24 = tpu.memref_slice %arg5[%dma_start3A_23] : memref<100000xf32, #tpu.memory_space<hbm>> -> memref<100000xf32, #tpu.memory_space<hbm>>
    tpu.enqueue_indirect_dma source(%dma_start3A_24 : memref<100000xf32, #tpu.memory_space<hbm>>) target(%arg12 : memref<64xf32, #tpu.memory_space<vmem>>) offsets(%dma_start3A_22 : memref<64xi32, #tpu.memory_space<vmem>>) semaphore(%arg15 : memref<!tpu.dma_semaphore, #tpu.memory_space<semaphore_mem>>)
    %dma_wait3A = arith.constant 0 : i32
    %dma_wait3A_25 = arith.constant 0 : i32
    %dma_wait3A_26 = tpu.memref_slice %arg9[%dma_wait3A, %dma_wait3A_25] : memref<1x64xi32, #tpu.memory_space<vmem>> -> memref<1x64xi32, #tpu.memory_space<vmem>>
    %dma_wait3A_27 = tpu.memref_squeeze %dma_wait3A_26 : memref<1x64xi32, #tpu.memory_space<vmem>> -> memref<64xi32, #tpu.memory_space<vmem>>
    %dma_wait3A_28 = arith.constant 0 : i32
    %dma_wait3A_29 = arith.constant 0 : i32
    %dma_wait3A_30 = arith.constant 0 : i32
    %dma_wait3A_31 = tpu.memref_slice %arg3[%dma_wait3A_28, %dma_wait3A_29, %dma_wait3A_30] : memref<100000x8x128xf32, #tpu.memory_space<hbm>> -> memref<100000x8x128xf32, #tpu.memory_space<hbm>>
    tpu.wait_indirect_dma semaphore(%arg13 : memref<!tpu.dma_semaphore, #tpu.memory_space<semaphore_mem>>) src(%dma_wait3A_31 : memref<100000x8x128xf32, #tpu.memory_space<hbm>>) dst(%arg10 : memref<64x8x128xf32, #tpu.memory_space<vmem>>)
    %dma_wait3A_32 = arith.constant 0 : i32
    %dma_wait3A_33 = arith.constant 0 : i32
    %dma_wait3A_34 = tpu.memref_slice %arg9[%dma_wait3A_32, %dma_wait3A_33] : memref<1x64xi32, #tpu.memory_space<vmem>> -> memref<1x64xi32, #tpu.memory_space<vmem>>
    %dma_wait3A_35 = tpu.memref_squeeze %dma_wait3A_34 : memref<1x64xi32, #tpu.memory_space<vmem>> -> memref<64xi32, #tpu.memory_space<vmem>>
    %dma_wait3A_36 = arith.constant 0 : i32
    %dma_wait3A_37 = arith.constant 0 : i32
    %dma_wait3A_38 = tpu.memref_slice %arg4[%dma_wait3A_36, %dma_wait3A_37] : memref<100000x512xf32, #tpu.memory_space<hbm>> -> memref<100000x512xf32, #tpu.memory_space<hbm>>
    tpu.wait_indirect_dma semaphore(%arg14 : memref<!tpu.dma_semaphore, #tpu.memory_space<semaphore_mem>>) src(%dma_wait3A_38 : memref<100000x512xf32, #tpu.memory_space<hbm>>) dst(%arg11 : memref<64x512xf32, #tpu.memory_space<vmem>>)
    %dma_wait3A_39 = arith.constant 0 : i32
    %dma_wait3A_40 = arith.constant 0 : i32
    %dma_wait3A_41 = tpu.memref_slice %arg9[%dma_wait3A_39, %dma_wait3A_40] : memref<1x64xi32, #tpu.memory_space<vmem>> -> memref<1x64xi32, #tpu.memory_space<vmem>>
    %dma_wait3A_42 = tpu.memref_squeeze %dma_wait3A_41 : memref<1x64xi32, #tpu.memory_space<vmem>> -> memref<64xi32, #tpu.memory_space<vmem>>
    %dma_wait3A_43 = arith.constant 0 : i32
    %dma_wait3A_44 = tpu.memref_slice %arg5[%dma_wait3A_43] : memref<100000xf32, #tpu.memory_space<hbm>> -> memref<100000xf32, #tpu.memory_space<hbm>>
    tpu.wait_indirect_dma semaphore(%arg15 : memref<!tpu.dma_semaphore, #tpu.memory_space<semaphore_mem>>) src(%dma_wait3A_44 : memref<100000xf32, #tpu.memory_space<hbm>>) dst(%arg12 : memref<64xf32, #tpu.memory_space<vmem>>)
    "tpu.region"() ({
      %run_scoped3A = tpu.sem_alloc : memref<!tpu.dma_semaphore, #tpu.memory_space<semaphore_mem>>
      %dma_start3A_45 = arith.constant 0 : i32
      %dma_start3A_46 = arith.constant 0 : i32
      %dma_start3A_47 = tpu.memref_slice %arg6[%add3A_4, %dma_start3A_45, %dma_start3A_46] : memref<2048x8x128xf32, #tpu.memory_space<hbm>> -> memref<64x8x128xf32, #tpu.memory_space<hbm>>
      %dma_start3A_48 = arith.constant 0 : i32
      %dma_start3A_49 = arith.constant 0 : i32
      %dma_start3A_50 = tpu.memref_slice %arg6[%add3A_4, %dma_start3A_48, %dma_start3A_49] : memref<2048x8x128xf32, #tpu.memory_space<hbm>> -> memref<64x8x128xf32, #tpu.memory_space<hbm>>
      tpu.enqueue_dma source(%arg10 : memref<64x8x128xf32, #tpu.memory_space<vmem>>) target(%dma_start3A_50 : memref<64x8x128xf32, #tpu.memory_space<hbm>>) target_semaphore(%run_scoped3A : memref<!tpu.dma_semaphore, #tpu.memory_space<semaphore_mem>>)
      %dma_wait3A_51 = arith.constant 0 : i32
      %dma_wait3A_52 = arith.constant 0 : i32
      %dma_wait3A_53 = tpu.memref_slice %arg6[%add3A_4, %dma_wait3A_51, %dma_wait3A_52] : memref<2048x8x128xf32, #tpu.memory_space<hbm>> -> memref<64x8x128xf32, #tpu.memory_space<hbm>>
      %dma_wait3A_54 = arith.constant 0 : i32
      %dma_wait3A_55 = arith.constant 0 : i32
      %dma_wait3A_56 = tpu.memref_slice %arg6[%add3A_4, %dma_wait3A_54, %dma_wait3A_55] : memref<2048x8x128xf32, #tpu.memory_space<hbm>> -> memref<64x8x128xf32, #tpu.memory_space<hbm>>
      tpu.wait_dma2 semaphore(%run_scoped3A : memref<!tpu.dma_semaphore, #tpu.memory_space<semaphore_mem>>) src(%arg10 : memref<64x8x128xf32, #tpu.memory_space<vmem>>) dst(%dma_wait3A_56 : memref<64x8x128xf32, #tpu.memory_space<hbm>>)
      tpu.yield
    }) : () -> ()
    "tpu.region"() ({
      %run_scoped3A = tpu.sem_alloc : memref<!tpu.dma_semaphore, #tpu.memory_space<semaphore_mem>>
      %dma_start3A_45 = arith.constant 0 : i32
      %dma_start3A_46 = tpu.memref_slice %arg7[%add3A_4, %dma_start3A_45] : memref<2048x512xf32, #tpu.memory_space<hbm>> -> memref<64x512xf32, #tpu.memory_space<hbm>>
      %dma_start3A_47 = arith.constant 0 : i32
      %dma_start3A_48 = tpu.memref_slice %arg7[%add3A_4, %dma_start3A_47] : memref<2048x512xf32, #tpu.memory_space<hbm>> -> memref<64x512xf32, #tpu.memory_space<hbm>>
      tpu.enqueue_dma source(%arg11 : memref<64x512xf32, #tpu.memory_space<vmem>>) target(%dma_start3A_48 : memref<64x512xf32, #tpu.memory_space<hbm>>) target_semaphore(%run_scoped3A : memref<!tpu.dma_semaphore, #tpu.memory_space<semaphore_mem>>)
      %dma_wait3A_49 = arith.constant 0 : i32
      %dma_wait3A_50 = tpu.memref_slice %arg7[%add3A_4, %dma_wait3A_49] : memref<2048x512xf32, #tpu.memory_space<hbm>> -> memref<64x512xf32, #tpu.memory_space<hbm>>
      %dma_wait3A_51 = arith.constant 0 : i32
      %dma_wait3A_52 = tpu.memref_slice %arg7[%add3A_4, %dma_wait3A_51] : memref<2048x512xf32, #tpu.memory_space<hbm>> -> memref<64x512xf32, #tpu.memory_space<hbm>>
      tpu.wait_dma2 semaphore(%run_scoped3A : memref<!tpu.dma_semaphore, #tpu.memory_space<semaphore_mem>>) src(%arg11 : memref<64x512xf32, #tpu.memory_space<vmem>>) dst(%dma_wait3A_52 : memref<64x512xf32, #tpu.memory_space<hbm>>)
      tpu.yield
    }) : () -> ()
    "tpu.region"() ({
      %run_scoped3A = tpu.sem_alloc : memref<!tpu.dma_semaphore, #tpu.memory_space<semaphore_mem>>
      %dma_start3A_45 = tpu.memref_slice %arg8[%add3A_4] : memref<2048xf32, #tpu.memory_space<hbm>> -> memref<64xf32, #tpu.memory_space<hbm>>
      %dma_start3A_46 = tpu.memref_slice %arg8[%add3A_4] : memref<2048xf32, #tpu.memory_space<hbm>> -> memref<64xf32, #tpu.memory_space<hbm>>
      tpu.enqueue_dma source(%arg12 : memref<64xf32, #tpu.memory_space<vmem>>) target(%dma_start3A_46 : memref<64xf32, #tpu.memory_space<hbm>>) target_semaphore(%run_scoped3A : memref<!tpu.dma_semaphore, #tpu.memory_space<semaphore_mem>>)
      %dma_wait3A_47 = tpu.memref_slice %arg8[%add3A_4] : memref<2048xf32, #tpu.memory_space<hbm>> -> memref<64xf32, #tpu.memory_space<hbm>>
      %dma_wait3A_48 = tpu.memref_slice %arg8[%add3A_4] : memref<2048xf32, #tpu.memory_space<hbm>> -> memref<64xf32, #tpu.memory_space<hbm>>
      tpu.wait_dma2 semaphore(%run_scoped3A : memref<!tpu.dma_semaphore, #tpu.memory_space<semaphore_mem>>) src(%arg12 : memref<64xf32, #tpu.memory_space<vmem>>) dst(%dma_wait3A_48 : memref<64xf32, #tpu.memory_space<hbm>>)
      tpu.yield
    }) : () -> ()
    return
  }
}

#map = affine_map<(d0, d1) -> (0, 0, 0)>
#map1 = affine_map<(d0, d1) -> (0, 0)>
#map2 = affine_map<(d0, d1) -> (0)>
module attributes {stable_mosaic.version = 14 : i64} {
  func.func @_sc_gather_body(%arg0: i32, %arg1: i32, %arg2: memref<32x1x64xi32, #tpu.memory_space<hbm>>, %arg3: memref<100000x8x128xf32, #tpu.memory_space<hbm>>, %arg4: memref<100000x512xf32, #tpu.memory_space<hbm>>, %arg5: memref<100000xf32, #tpu.memory_space<hbm>>, %arg6: memref<2048x8x128xf32, #tpu.memory_space<hbm>>, %arg7: memref<2048x512xf32, #tpu.memory_space<hbm>>, %arg8: memref<2048xf32, #tpu.memory_space<hbm>>, %arg9: memref<1x64xi32, #tpu.memory_space<vmem>>, %arg10: memref<64x8x128xf32, #tpu.memory_space<vmem>>, %arg11: memref<64x512xf32, #tpu.memory_space<vmem>>, %arg12: memref<64xf32, #tpu.memory_space<vmem>>, %arg13: memref<!tpu.dma_semaphore, #tpu.memory_space<semaphore_mem>>, %arg14: memref<!tpu.dma_semaphore, #tpu.memory_space<semaphore_mem>>, %arg15: memref<!tpu.dma_semaphore, #tpu.memory_space<semaphore_mem>>) attributes {dimension_semantics = [#tpu.dimension_semantics<core_parallel>, #tpu.dimension_semantics<subcore_parallel>], iteration_bounds = array<i64: 2, 16>, scalar_prefetch = 0 : i64, scratch_operands = 7 : i64, tpu.core_type = #tpu.core_type<sc_vector_subcore>, window_params = [{transform_indices = #map}, {transform_indices = #map}, {transform_indices = #map1}, {transform_indices = #map2}, {transform_indices = #map}, {transform_indices = #map1}, {transform_indices = #map2}]} {
    %mul3A = arith.constant 2 : i32
    %mul3A_0 = arith.muli %arg1, %mul3A : i32
    %add3A = arith.addi %mul3A_0, %arg0 : i32
    "tpu.region"() ({
      %run_scoped3A = tpu.sem_alloc : memref<!tpu.dma_semaphore, #tpu.memory_space<semaphore_mem>>
      %dma_start3A_45 = arith.constant 0 : i32
      %dma_start3A_46 = arith.constant 0 : i32
      %dma_start3A_47 = tpu.memref_slice %arg2[%add3A, %dma_start3A_45, %dma_start3A_46] : memref<32x1x64xi32, #tpu.memory_space<hbm>> -> memref<1x1x64xi32, #tpu.memory_space<hbm>>
      %dma_start3A_48 = tpu.memref_squeeze %dma_start3A_47 : memref<1x1x64xi32, #tpu.memory_space<hbm>> -> memref<1x64xi32, #tpu.memory_space<hbm>>
      %dma_start3A_49 = arith.constant 0 : i32
      %dma_start3A_50 = arith.constant 0 : i32
      %dma_start3A_51 = tpu.memref_slice %arg2[%add3A, %dma_start3A_49, %dma_start3A_50] : memref<32x1x64xi32, #tpu.memory_space<hbm>> -> memref<1x1x64xi32, #tpu.memory_space<hbm>>
      %dma_start3A_52 = tpu.memref_squeeze %dma_start3A_51 : memref<1x1x64xi32, #tpu.memory_space<hbm>> -> memref<1x64xi32, #tpu.memory_space<hbm>>
      tpu.enqueue_dma source(%dma_start3A_52 : memref<1x64xi32, #tpu.memory_space<hbm>>) target(%arg9 : memref<1x64xi32, #tpu.memory_space<vmem>>) target_semaphore(%run_scoped3A : memref<!tpu.dma_semaphore, #tpu.memory_space<semaphore_mem>>)
      %dma_wait3A_53 = arith.constant 0 : i32
      %dma_wait3A_54 = arith.constant 0 : i32
      %dma_wait3A_55 = tpu.memref_slice %arg2[%add3A, %dma_wait3A_53, %dma_wait3A_54] : memref<32x1x64xi32, #tpu.memory_space<hbm>> -> memref<1x1x64xi32, #tpu.memory_space<hbm>>
      %dma_wait3A_56 = tpu.memref_squeeze %dma_wait3A_55 : memref<1x1x64xi32, #tpu.memory_space<hbm>> -> memref<1x64xi32, #tpu.memory_space<hbm>>
      %dma_wait3A_57 = arith.constant 0 : i32
      %dma_wait3A_58 = arith.constant 0 : i32
      %dma_wait3A_59 = tpu.memref_slice %arg2[%add3A, %dma_wait3A_57, %dma_wait3A_58] : memref<32x1x64xi32, #tpu.memory_space<hbm>> -> memref<1x1x64xi32, #tpu.memory_space<hbm>>
      %dma_wait3A_60 = tpu.memref_squeeze %dma_wait3A_59 : memref<1x1x64xi32, #tpu.memory_space<hbm>> -> memref<1x64xi32, #tpu.memory_space<hbm>>
      tpu.wait_dma2 semaphore(%run_scoped3A : memref<!tpu.dma_semaphore, #tpu.memory_space<semaphore_mem>>) src(%dma_wait3A_60 : memref<1x64xi32, #tpu.memory_space<hbm>>) dst(%arg9 : memref<1x64xi32, #tpu.memory_space<vmem>>)
      tpu.yield
    }) : () -> ()
    %mul3A_1 = arith.constant 64 : i32
    %mul3A_2 = arith.muli %add3A, %mul3A_1 : i32
    %add3A_3 = arith.constant 0 : i32
    %add3A_4 = arith.addi %mul3A_2, %add3A_3 : i32
    %dma_start3A = arith.constant 0 : i32
    %dma_start3A_5 = arith.constant 0 : i32
    %dma_start3A_6 = tpu.memref_slice %arg9[%dma_start3A, %dma_start3A_5] : memref<1x64xi32, #tpu.memory_space<vmem>> -> memref<1x64xi32, #tpu.memory_space<vmem>>
    %dma_start3A_7 = tpu.memref_squeeze %dma_start3A_6 : memref<1x64xi32, #tpu.memory_space<vmem>> -> memref<64xi32, #tpu.memory_space<vmem>>
    %dma_start3A_8 = arith.constant 0 : i32
    %dma_start3A_9 = arith.constant 0 : i32
    %dma_start3A_10 = arith.constant 0 : i32
    %dma_start3A_11 = tpu.memref_slice %arg3[%dma_start3A_8, %dma_start3A_9, %dma_start3A_10] : memref<100000x8x128xf32, #tpu.memory_space<hbm>> -> memref<100000x8x128xf32, #tpu.memory_space<hbm>>
    tpu.enqueue_indirect_dma source(%dma_start3A_11 : memref<100000x8x128xf32, #tpu.memory_space<hbm>>) target(%arg10 : memref<64x8x128xf32, #tpu.memory_space<vmem>>) offsets(%dma_start3A_7 : memref<64xi32, #tpu.memory_space<vmem>>) semaphore(%arg13 : memref<!tpu.dma_semaphore, #tpu.memory_space<semaphore_mem>>)
    %dma_start3A_12 = arith.constant 0 : i32
    %dma_start3A_13 = arith.constant 0 : i32
    %dma_start3A_14 = tpu.memref_slice %arg9[%dma_start3A_12, %dma_start3A_13] : memref<1x64xi32, #tpu.memory_space<vmem>> -> memref<1x64xi32, #tpu.memory_space<vmem>>
    %dma_start3A_15 = tpu.memref_squeeze %dma_start3A_14 : memref<1x64xi32, #tpu.memory_space<vmem>> -> memref<64xi32, #tpu.memory_space<vmem>>
    %dma_start3A_16 = arith.constant 0 : i32
    %dma_start3A_17 = arith.constant 0 : i32
    %dma_start3A_18 = tpu.memref_slice %arg4[%dma_start3A_16, %dma_start3A_17] : memref<100000x512xf32, #tpu.memory_space<hbm>> -> memref<100000x512xf32, #tpu.memory_space<hbm>>
    tpu.enqueue_indirect_dma source(%dma_start3A_18 : memref<100000x512xf32, #tpu.memory_space<hbm>>) target(%arg11 : memref<64x512xf32, #tpu.memory_space<vmem>>) offsets(%dma_start3A_15 : memref<64xi32, #tpu.memory_space<vmem>>) semaphore(%arg14 : memref<!tpu.dma_semaphore, #tpu.memory_space<semaphore_mem>>)
    %dma_start3A_19 = arith.constant 0 : i32
    %dma_start3A_20 = arith.constant 0 : i32
    %dma_start3A_21 = tpu.memref_slice %arg9[%dma_start3A_19, %dma_start3A_20] : memref<1x64xi32, #tpu.memory_space<vmem>> -> memref<1x64xi32, #tpu.memory_space<vmem>>
    %dma_start3A_22 = tpu.memref_squeeze %dma_start3A_21 : memref<1x64xi32, #tpu.memory_space<vmem>> -> memref<64xi32, #tpu.memory_space<vmem>>
    %dma_start3A_23 = arith.constant 0 : i32
    %dma_start3A_24 = tpu.memref_slice %arg5[%dma_start3A_23] : memref<100000xf32, #tpu.memory_space<hbm>> -> memref<100000xf32, #tpu.memory_space<hbm>>
    tpu.enqueue_indirect_dma source(%dma_start3A_24 : memref<100000xf32, #tpu.memory_space<hbm>>) target(%arg12 : memref<64xf32, #tpu.memory_space<vmem>>) offsets(%dma_start3A_22 : memref<64xi32, #tpu.memory_space<vmem>>) semaphore(%arg15 : memref<!tpu.dma_semaphore, #tpu.memory_space<semaphore_mem>>)
    %dma_wait3A = arith.constant 0 : i32
    %dma_wait3A_25 = arith.constant 0 : i32
    %dma_wait3A_26 = tpu.memref_slice %arg9[%dma_wait3A, %dma_wait3A_25] : memref<1x64xi32, #tpu.memory_space<vmem>> -> memref<1x64xi32, #tpu.memory_space<vmem>>
    %dma_wait3A_27 = tpu.memref_squeeze %dma_wait3A_26 : memref<1x64xi32, #tpu.memory_space<vmem>> -> memref<64xi32, #tpu.memory_space<vmem>>
    %dma_wait3A_28 = arith.constant 0 : i32
    %dma_wait3A_29 = arith.constant 0 : i32
    %dma_wait3A_30 = arith.constant 0 : i32
    %dma_wait3A_31 = tpu.memref_slice %arg3[%dma_wait3A_28, %dma_wait3A_29, %dma_wait3A_30] : memref<100000x8x128xf32, #tpu.memory_space<hbm>> -> memref<100000x8x128xf32, #tpu.memory_space<hbm>>
    tpu.wait_indirect_dma semaphore(%arg13 : memref<!tpu.dma_semaphore, #tpu.memory_space<semaphore_mem>>) src(%dma_wait3A_31 : memref<100000x8x128xf32, #tpu.memory_space<hbm>>) dst(%arg10 : memref<64x8x128xf32, #tpu.memory_space<vmem>>)
    %dma_wait3A_32 = arith.constant 0 : i32
    %dma_wait3A_33 = arith.constant 0 : i32
    %dma_wait3A_34 = tpu.memref_slice %arg9[%dma_wait3A_32, %dma_wait3A_33] : memref<1x64xi32, #tpu.memory_space<vmem>> -> memref<1x64xi32, #tpu.memory_space<vmem>>
    %dma_wait3A_35 = tpu.memref_squeeze %dma_wait3A_34 : memref<1x64xi32, #tpu.memory_space<vmem>> -> memref<64xi32, #tpu.memory_space<vmem>>
    %dma_wait3A_36 = arith.constant 0 : i32
    %dma_wait3A_37 = arith.constant 0 : i32
    %dma_wait3A_38 = tpu.memref_slice %arg4[%dma_wait3A_36, %dma_wait3A_37] : memref<100000x512xf32, #tpu.memory_space<hbm>> -> memref<100000x512xf32, #tpu.memory_space<hbm>>
    tpu.wait_indirect_dma semaphore(%arg14 : memref<!tpu.dma_semaphore, #tpu.memory_space<semaphore_mem>>) src(%dma_wait3A_38 : memref<100000x512xf32, #tpu.memory_space<hbm>>) dst(%arg11 : memref<64x512xf32, #tpu.memory_space<vmem>>)
    %dma_wait3A_39 = arith.constant 0 : i32
    %dma_wait3A_40 = arith.constant 0 : i32
    %dma_wait3A_41 = tpu.memref_slice %arg9[%dma_wait3A_39, %dma_wait3A_40] : memref<1x64xi32, #tpu.memory_space<vmem>> -> memref<1x64xi32, #tpu.memory_space<vmem>>
    %dma_wait3A_42 = tpu.memref_squeeze %dma_wait3A_41 : memref<1x64xi32, #tpu.memory_space<vmem>> -> memref<64xi32, #tpu.memory_space<vmem>>
    %dma_wait3A_43 = arith.constant 0 : i32
    %dma_wait3A_44 = tpu.memref_slice %arg5[%dma_wait3A_43] : memref<100000xf32, #tpu.memory_space<hbm>> -> memref<100000xf32, #tpu.memory_space<hbm>>
    tpu.wait_indirect_dma semaphore(%arg15 : memref<!tpu.dma_semaphore, #tpu.memory_space<semaphore_mem>>) src(%dma_wait3A_44 : memref<100000xf32, #tpu.memory_space<hbm>>) dst(%arg12 : memref<64xf32, #tpu.memory_space<vmem>>)
    "tpu.region"() ({
      %run_scoped3A = tpu.sem_alloc : memref<!tpu.dma_semaphore, #tpu.memory_space<semaphore_mem>>
      %dma_start3A_45 = arith.constant 0 : i32
      %dma_start3A_46 = arith.constant 0 : i32
      %dma_start3A_47 = tpu.memref_slice %arg6[%add3A_4, %dma_start3A_45, %dma_start3A_46] : memref<2048x8x128xf32, #tpu.memory_space<hbm>> -> memref<64x8x128xf32, #tpu.memory_space<hbm>>
      %dma_start3A_48 = arith.constant 0 : i32
      %dma_start3A_49 = arith.constant 0 : i32
      %dma_start3A_50 = tpu.memref_slice %arg6[%add3A_4, %dma_start3A_48, %dma_start3A_49] : memref<2048x8x128xf32, #tpu.memory_space<hbm>> -> memref<64x8x128xf32, #tpu.memory_space<hbm>>
      tpu.enqueue_dma source(%arg10 : memref<64x8x128xf32, #tpu.memory_space<vmem>>) target(%dma_start3A_50 : memref<64x8x128xf32, #tpu.memory_space<hbm>>) target_semaphore(%run_scoped3A : memref<!tpu.dma_semaphore, #tpu.memory_space<semaphore_mem>>)
      %dma_wait3A_51 = arith.constant 0 : i32
      %dma_wait3A_52 = arith.constant 0 : i32
      %dma_wait3A_53 = tpu.memref_slice %arg6[%add3A_4, %dma_wait3A_51, %dma_wait3A_52] : memref<2048x8x128xf32, #tpu.memory_space<hbm>> -> memref<64x8x128xf32, #tpu.memory_space<hbm>>
      %dma_wait3A_54 = arith.constant 0 : i32
      %dma_wait3A_55 = arith.constant 0 : i32
      %dma_wait3A_56 = tpu.memref_slice %arg6[%add3A_4, %dma_wait3A_54, %dma_wait3A_55] : memref<2048x8x128xf32, #tpu.memory_space<hbm>> -> memref<64x8x128xf32, #tpu.memory_space<hbm>>
      tpu.wait_dma2 semaphore(%run_scoped3A : memref<!tpu.dma_semaphore, #tpu.memory_space<semaphore_mem>>) src(%arg10 : memref<64x8x128xf32, #tpu.memory_space<vmem>>) dst(%dma_wait3A_56 : memref<64x8x128xf32, #tpu.memory_space<hbm>>)
      tpu.yield
    }) : () -> ()
    "tpu.region"() ({
      %run_scoped3A = tpu.sem_alloc : memref<!tpu.dma_semaphore, #tpu.memory_space<semaphore_mem>>
      %dma_start3A_45 = arith.constant 0 : i32
      %dma_start3A_46 = tpu.memref_slice %arg7[%add3A_4, %dma_start3A_45] : memref<2048x512xf32, #tpu.memory_space<hbm>> -> memref<64x512xf32, #tpu.memory_space<hbm>>
      %dma_start3A_47 = arith.constant 0 : i32
      %dma_start3A_48 = tpu.memref_slice %arg7[%add3A_4, %dma_start3A_47] : memref<2048x512xf32, #tpu.memory_space<hbm>> -> memref<64x512xf32, #tpu.memory_space<hbm>>
      tpu.enqueue_dma source(%arg11 : memref<64x512xf32, #tpu.memory_space<vmem>>) target(%dma_start3A_48 : memref<64x512xf32, #tpu.memory_space<hbm>>) target_semaphore(%run_scoped3A : memref<!tpu.dma_semaphore, #tpu.memory_space<semaphore_mem>>)
      %dma_wait3A_49 = arith.constant 0 : i32
      %dma_wait3A_50 = tpu.memref_slice %arg7[%add3A_4, %dma_wait3A_49] : memref<2048x512xf32, #tpu.memory_space<hbm>> -> memref<64x512xf32, #tpu.memory_space<hbm>>
      %dma_wait3A_51 = arith.constant 0 : i32
      %dma_wait3A_52 = tpu.memref_slice %arg7[%add3A_4, %dma_wait3A_51] : memref<2048x512xf32, #tpu.memory_space<hbm>> -> memref<64x512xf32, #tpu.memory_space<hbm>>
      tpu.wait_dma2 semaphore(%run_scoped3A : memref<!tpu.dma_semaphore, #tpu.memory_space<semaphore_mem>>) src(%arg11 : memref<64x512xf32, #tpu.memory_space<vmem>>) dst(%dma_wait3A_52 : memref<64x512xf32, #tpu.memory_space<hbm>>)
      tpu.yield
    }) : () -> ()
    "tpu.region"() ({
      %run_scoped3A = tpu.sem_alloc : memref<!tpu.dma_semaphore, #tpu.memory_space<semaphore_mem>>
      %dma_start3A_45 = tpu.memref_slice %arg8[%add3A_4] : memref<2048xf32, #tpu.memory_space<hbm>> -> memref<64xf32, #tpu.memory_space<hbm>>
      %dma_start3A_46 = tpu.memref_slice %arg8[%add3A_4] : memref<2048xf32, #tpu.memory_space<hbm>> -> memref<64xf32, #tpu.memory_space<hbm>>
      tpu.enqueue_dma source(%arg12 : memref<64xf32, #tpu.memory_space<vmem>>) target(%dma_start3A_46 : memref<64xf32, #tpu.memory_space<hbm>>) target_semaphore(%run_scoped3A : memref<!tpu.dma_semaphore, #tpu.memory_space<semaphore_mem>>)
      %dma_wait3A_47 = tpu.memref_slice %arg8[%add3A_4] : memref<2048xf32, #tpu.memory_space<hbm>> -> memref<64xf32, #tpu.memory_space<hbm>>
      %dma_wait3A_48 = tpu.memref_slice %arg8[%add3A_4] : memref<2048xf32, #tpu.memory_space<hbm>> -> memref<64xf32, #tpu.memory_space<hbm>>
      tpu.wait_dma2 semaphore(%run_scoped3A : memref<!tpu.dma_semaphore, #tpu.memory_space<semaphore_mem>>) src(%arg12 : memref<64xf32, #tpu.memory_space<vmem>>) dst(%dma_wait3A_48 : memref<64xf32, #tpu.memory_space<hbm>>)
      tpu.yield
    }) : () -> ()
    return
  }
}

module attributes {stable_mosaic.version = 14 : i64} {
  func.func @_gru_body(%arg0: i32, %arg1: memref<1024x8x128xf32, #tpu.memory_space<vmem>>, %arg2: memref<1024x512xf32, #tpu.memory_space<vmem>>, %arg3: memref<1536x1024xbf16, #tpu.memory_space<vmem>>, %arg4: memref<1536x512xbf16, #tpu.memory_space<vmem>>, %arg5: memref<1x1536xf32, #tpu.memory_space<vmem>>, %arg6: memref<1x1536xf32, #tpu.memory_space<vmem>>, %arg7: memref<1024x512xf32, #tpu.memory_space<vmem>>) attributes {dimension_semantics = [#tpu.dimension_semantics<parallel>], iteration_bounds = array<i64: 2>, scalar_prefetch = 0 : i64, scratch_operands = 0 : i64, tpu.core_type = #tpu.core_type<tc>, window_params = [{transform_indices = @transform_0, window_bounds = array<i64: 1024, 8, 128>}, {transform_indices = @transform_1, window_bounds = array<i64: 1024, 512>}, {pipeline_mode = #tpu.pipeline_mode<synchronous>, transform_indices = @transform_2, window_bounds = array<i64: 1536, 1024>}, {pipeline_mode = #tpu.pipeline_mode<synchronous>, transform_indices = @transform_3, window_bounds = array<i64: 1536, 512>}, {pipeline_mode = #tpu.pipeline_mode<synchronous>, transform_indices = @transform_4, window_bounds = array<i64: 1, 1536>}, {pipeline_mode = #tpu.pipeline_mode<synchronous>, transform_indices = @transform_5, window_bounds = array<i64: 1, 1536>}, {transform_indices = @transform_6, window_bounds = array<i64: 1024, 512>}]} {
    %get3A = arith.constant 0 : index
    %get3A_0 = arith.constant 0 : index
    %get3A_1 = vector.load %arg2[%get3A, %get3A_0] : memref<1024x512xf32, #tpu.memory_space<vmem>>, vector<1024x512xf32>
    %get3A_2 = arith.constant 0 : index
    %get3A_3 = arith.constant 0 : index
    %get3A_4 = arith.constant 0 : index
    %get3A_5 = vector.load %arg1[%get3A_2, %get3A_3, %get3A_4] : memref<1024x8x128xf32, #tpu.memory_space<vmem>>, vector<1024x8x128xf32>
    %reshape3A = vector.shape_cast %get3A_5 : vector<1024x8x128xf32> to vector<1024x1024xf32>
    %convert_element_type3A = arith.truncf %reshape3A : vector<1024x1024xf32> to vector<1024x1024xbf16>
    %get3A_6 = arith.constant 0 : index
    %get3A_7 = arith.constant 0 : index
    %get3A_8 = vector.load %arg3[%get3A_6, %get3A_7] : memref<1536x1024xbf16, #tpu.memory_space<vmem>>, vector<1536x1024xbf16>
    %dot_general3A = arith.constant dense<0.000000e+00> : vector<1024x1536xf32>
    %dot_general3A_9 = tpu.matmul %convert_element_type3A, %get3A_8, %dot_general3A {dimension_numbers = #tpu.dot_dimension_numbers<[1], [1], [0], [0], [0, 0, 1, 0], [], []>, transpose_lhs_hint = false} : vector<1024x1024xbf16>, vector<1536x1024xbf16>, vector<1024x1536xf32> -> vector<1024x1536xf32>
    %get3A_10 = arith.constant 0 : index
    %get3A_11 = arith.constant 0 : index
    %get3A_12 = vector.load %arg5[%get3A_10, %get3A_11] : memref<1x1536xf32, #tpu.memory_space<vmem>>, vector<1x1536xf32>
    %add3A = vector.broadcast %get3A_12 : vector<1x1536xf32> to vector<1024x1536xf32>
    %add3A_13 = arith.addf %dot_general3A_9, %add3A : vector<1024x1536xf32>
    %convert_element_type3A_14 = arith.truncf %get3A_1 : vector<1024x512xf32> to vector<1024x512xbf16>
    %get3A_15 = arith.constant 0 : index
    %get3A_16 = arith.constant 0 : index
    %get3A_17 = vector.load %arg4[%get3A_15, %get3A_16] : memref<1536x512xbf16, #tpu.memory_space<vmem>>, vector<1536x512xbf16>
    %dot_general3A_18 = arith.constant dense<0.000000e+00> : vector<1024x1536xf32>
    %dot_general3A_19 = tpu.matmul %convert_element_type3A_14, %get3A_17, %dot_general3A_18 {dimension_numbers = #tpu.dot_dimension_numbers<[1], [1], [0], [0], [0, 0, 1, 0], [], []>, transpose_lhs_hint = false} : vector<1024x512xbf16>, vector<1536x512xbf16>, vector<1024x1536xf32> -> vector<1024x1536xf32>
    %get3A_20 = arith.constant 0 : index
    %get3A_21 = arith.constant 0 : index
    %get3A_22 = vector.load %arg6[%get3A_20, %get3A_21] : memref<1x1536xf32, #tpu.memory_space<vmem>>, vector<1x1536xf32>
    %add3A_23 = vector.broadcast %get3A_22 : vector<1x1536xf32> to vector<1024x1536xf32>
    %add3A_24 = arith.addf %dot_general3A_19, %add3A_23 : vector<1024x1536xf32>
    %slice3A = vector.extract_strided_slice %add3A_13 {offsets = [0, 0], sizes = [1024, 512], strides = [1, 1]} : vector<1024x1536xf32> to vector<1024x512xf32>
    %slice3A_25 = vector.extract_strided_slice %add3A_24 {offsets = [0, 0], sizes = [1024, 512], strides = [1, 1]} : vector<1024x1536xf32> to vector<1024x512xf32>
    %add3A_26 = arith.addf %slice3A, %slice3A_25 : vector<1024x512xf32>
    %logistic3A = arith.negf %add3A_26 : vector<1024x512xf32>
    %logistic3A_27 = math.exp %logistic3A : vector<1024x512xf32>
    %logistic3A_28 = arith.constant 1.000000e+00 : f32
    %logistic3A_29 = vector.broadcast %logistic3A_28 : f32 to vector<1024x512xf32>
    %logistic3A_30 = arith.addf %logistic3A_29, %logistic3A_27 : vector<1024x512xf32>
    %logistic3A_31 = arith.divf %logistic3A_29, %logistic3A_30 : vector<1024x512xf32>
    %slice3A_32 = vector.extract_strided_slice %add3A_13 {offsets = [0, 512], sizes = [1024, 512], strides = [1, 1]} : vector<1024x1536xf32> to vector<1024x512xf32>
    %slice3A_33 = vector.extract_strided_slice %add3A_24 {offsets = [0, 512], sizes = [1024, 512], strides = [1, 1]} : vector<1024x1536xf32> to vector<1024x512xf32>
    %add3A_34 = arith.addf %slice3A_32, %slice3A_33 : vector<1024x512xf32>
    %logistic3A_35 = arith.negf %add3A_34 : vector<1024x512xf32>
    %logistic3A_36 = math.exp %logistic3A_35 : vector<1024x512xf32>
    %logistic3A_37 = arith.constant 1.000000e+00 : f32
    %logistic3A_38 = vector.broadcast %logistic3A_37 : f32 to vector<1024x512xf32>
    %logistic3A_39 = arith.addf %logistic3A_38, %logistic3A_36 : vector<1024x512xf32>
    %logistic3A_40 = arith.divf %logistic3A_38, %logistic3A_39 : vector<1024x512xf32>
    %slice3A_41 = vector.extract_strided_slice %add3A_13 {offsets = [0, 1024], sizes = [1024, 512], strides = [1, 1]} : vector<1024x1536xf32> to vector<1024x512xf32>
    %slice3A_42 = vector.extract_strided_slice %add3A_24 {offsets = [0, 1024], sizes = [1024, 512], strides = [1, 1]} : vector<1024x1536xf32> to vector<1024x512xf32>
    %mul3A = arith.mulf %logistic3A_31, %slice3A_42 : vector<1024x512xf32>
    %add3A_43 = arith.addf %slice3A_41, %mul3A : vector<1024x512xf32>
    %tanh3A = math.tanh %add3A_43 : vector<1024x512xf32>
    %sub3A = arith.constant 1.000000e+00 : f32
    %sub3A_44 = vector.broadcast %sub3A : f32 to vector<1024x512xf32>
    %sub3A_45 = arith.subf %sub3A_44, %logistic3A_40 : vector<1024x512xf32>
    %mul3A_46 = arith.mulf %sub3A_45, %tanh3A : vector<1024x512xf32>
    %mul3A_47 = arith.mulf %logistic3A_40, %get3A_1 : vector<1024x512xf32>
    %add3A_48 = arith.addf %mul3A_46, %mul3A_47 : vector<1024x512xf32>
    %swap3A = arith.constant 0 : index
    %swap3A_49 = arith.constant 0 : index
    %swap3A_50 = vector.load %arg7[%swap3A, %swap3A_49] : memref<1024x512xf32, #tpu.memory_space<vmem>>, vector<1024x512xf32>
    tpu.vector_store %arg7[%swap3A, %swap3A_49], %add3A_48 {strides = array<i32>} : memref<1024x512xf32, #tpu.memory_space<vmem>>, vector<1024x512xf32>,
    return
  }
  func.func @transform_0(%arg0: i32) -> (i32, i32, i32) {
    %c0_i32 = arith.constant 0 : i32
    %c0_i32_0 = arith.constant 0 : i32
    %c0_i32_1 = arith.constant 0 : i32
    return %arg0, %c0_i32, %c0_i32_0 : i32, i32, i32
  }
  func.func @transform_1(%arg0: i32) -> (i32, i32) {
    %c0_i32 = arith.constant 0 : i32
    %c0_i32_0 = arith.constant 0 : i32
    return %arg0, %c0_i32 : i32, i32
  }
  func.func @transform_2(%arg0: i32) -> (i32, i32) {
    %c0_i32 = arith.constant 0 : i32
    %c0_i32_0 = arith.constant 0 : i32
    %c0_i32_1 = arith.constant 0 : i32
    return %c0_i32, %c0_i32_0 : i32, i32
  }
  func.func @transform_3(%arg0: i32) -> (i32, i32) {
    %c0_i32 = arith.constant 0 : i32
    %c0_i32_0 = arith.constant 0 : i32
    %c0_i32_1 = arith.constant 0 : i32
    return %c0_i32, %c0_i32_0 : i32, i32
  }
  func.func @transform_4(%arg0: i32) -> (i32, i32) {
    %c0_i32 = arith.constant 0 : i32
    %c0_i32_0 = arith.constant 0 : i32
    %c0_i32_1 = arith.constant 0 : i32
    return %c0_i32, %c0_i32_0 : i32, i32
  }
  func.func @transform_5(%arg0: i32) -> (i32, i32) {
    %c0_i32 = arith.constant 0 : i32
    %c0_i32_0 = arith.constant 0 : i32
    %c0_i32_1 = arith.constant 0 : i32
    return %c0_i32, %c0_i32_0 : i32, i32
  }
  func.func @transform_6(%arg0: i32) -> (i32, i32) {
    %add3A = arith.constant 0 : i32
    %add3A_0 = arith.addi %add3A, %arg0 : i32
    %c0_i32 = arith.constant 0 : i32
    %c0_i32_1 = arith.constant 0 : i32
    return %add3A_0, %c0_i32 : i32, i32
  }
}

module attributes {stable_mosaic.version = 14 : i64} {
  func.func @_lambda_(%arg0: i32, %arg1: memref<16384x512xf32, #tpu.memory_space<any>>, %arg2: memref<1024x8x128xf32, #tpu.memory_space<vmem>>, %arg3: memref<1024x512xf32, #tpu.memory_space<vmem>>, %arg4: memref<1536x1024xbf16, #tpu.memory_space<vmem>>, %arg5: memref<1536x512xbf16, #tpu.memory_space<vmem>>, %arg6: memref<1x1536xf32, #tpu.memory_space<vmem>>, %arg7: memref<1x1536xf32, #tpu.memory_space<vmem>>, %arg8: memref<1024x512xf32, #tpu.memory_space<vmem>>) attributes {dimension_semantics = [#tpu.dimension_semantics<parallel>], iteration_bounds = array<i64: 2>, scalar_prefetch = 0 : i64, scratch_operands = 0 : i64, tpu.core_type = #tpu.core_type<tc>, window_params = [{}, {transform_indices = @transform_1, window_bounds = array<i64: 1024, 8, 128>}, {transform_indices = @transform_2, window_bounds = array<i64: 1024, 512>}, {pipeline_mode = #tpu.pipeline_mode<synchronous>, transform_indices = @transform_3, window_bounds = array<i64: 1536, 1024>}, {pipeline_mode = #tpu.pipeline_mode<synchronous>, transform_indices = @transform_4, window_bounds = array<i64: 1536, 512>}, {pipeline_mode = #tpu.pipeline_mode<synchronous>, transform_indices = @transform_5, window_bounds = array<i64: 1, 1536>}, {pipeline_mode = #tpu.pipeline_mode<synchronous>, transform_indices = @transform_6, window_bounds = array<i64: 1, 1536>}, {transform_indices = @transform_7, window_bounds = array<i64: 1024, 512>}]} {
    %get3A = arith.constant 0 : index
    %get3A_0 = arith.constant 0 : index
    %get3A_1 = vector.load %arg3[%get3A, %get3A_0] : memref<1024x512xf32, #tpu.memory_space<vmem>>, vector<1024x512xf32>
    %get3A_2 = arith.constant 0 : index
    %get3A_3 = arith.constant 0 : index
    %get3A_4 = arith.constant 0 : index
    %get3A_5 = vector.load %arg2[%get3A_2, %get3A_3, %get3A_4] : memref<1024x8x128xf32, #tpu.memory_space<vmem>>, vector<1024x8x128xf32>
    %reshape3A = vector.shape_cast %get3A_5 : vector<1024x8x128xf32> to vector<1024x1024xf32>
    %convert_element_type3A = arith.truncf %reshape3A : vector<1024x1024xf32> to vector<1024x1024xbf16>
    %get3A_6 = arith.constant 0 : index
    %get3A_7 = arith.constant 0 : index
    %get3A_8 = vector.load %arg4[%get3A_6, %get3A_7] : memref<1536x1024xbf16, #tpu.memory_space<vmem>>, vector<1536x1024xbf16>
    %dot_general3A = arith.constant dense<0.000000e+00> : vector<1024x1536xf32>
    %dot_general3A_9 = tpu.matmul %convert_element_type3A, %get3A_8, %dot_general3A {dimension_numbers = #tpu.dot_dimension_numbers<[1], [1], [0], [0], [0, 0, 1, 0], [], []>, transpose_lhs_hint = false} : vector<1024x1024xbf16>, vector<1536x1024xbf16>, vector<1024x1536xf32> -> vector<1024x1536xf32>
    %get3A_10 = arith.constant 0 : index
    %get3A_11 = arith.constant 0 : index
    %get3A_12 = vector.load %arg6[%get3A_10, %get3A_11] : memref<1x1536xf32, #tpu.memory_space<vmem>>, vector<1x1536xf32>
    %add3A = vector.broadcast %get3A_12 : vector<1x1536xf32> to vector<1024x1536xf32>
    %add3A_13 = arith.addf %dot_general3A_9, %add3A : vector<1024x1536xf32>
    %convert_element_type3A_14 = arith.truncf %get3A_1 : vector<1024x512xf32> to vector<1024x512xbf16>
    %get3A_15 = arith.constant 0 : index
    %get3A_16 = arith.constant 0 : index
    %get3A_17 = vector.load %arg5[%get3A_15, %get3A_16] : memref<1536x512xbf16, #tpu.memory_space<vmem>>, vector<1536x512xbf16>
    %dot_general3A_18 = arith.constant dense<0.000000e+00> : vector<1024x1536xf32>
    %dot_general3A_19 = tpu.matmul %convert_element_type3A_14, %get3A_17, %dot_general3A_18 {dimension_numbers = #tpu.dot_dimension_numbers<[1], [1], [0], [0], [0, 0, 1, 0], [], []>, transpose_lhs_hint = false} : vector<1024x512xbf16>, vector<1536x512xbf16>, vector<1024x1536xf32> -> vector<1024x1536xf32>
    %get3A_20 = arith.constant 0 : index
    %get3A_21 = arith.constant 0 : index
    %get3A_22 = vector.load %arg7[%get3A_20, %get3A_21] : memref<1x1536xf32, #tpu.memory_space<vmem>>, vector<1x1536xf32>
    %add3A_23 = vector.broadcast %get3A_22 : vector<1x1536xf32> to vector<1024x1536xf32>
    %add3A_24 = arith.addf %dot_general3A_19, %add3A_23 : vector<1024x1536xf32>
    %slice3A = vector.extract_strided_slice %add3A_13 {offsets = [0, 0], sizes = [1024, 512], strides = [1, 1]} : vector<1024x1536xf32> to vector<1024x512xf32>
    %slice3A_25 = vector.extract_strided_slice %add3A_24 {offsets = [0, 0], sizes = [1024, 512], strides = [1, 1]} : vector<1024x1536xf32> to vector<1024x512xf32>
    %add3A_26 = arith.addf %slice3A, %slice3A_25 : vector<1024x512xf32>
    %logistic3A = arith.negf %add3A_26 : vector<1024x512xf32>
    %logistic3A_27 = math.exp %logistic3A : vector<1024x512xf32>
    %logistic3A_28 = arith.constant 1.000000e+00 : f32
    %logistic3A_29 = vector.broadcast %logistic3A_28 : f32 to vector<1024x512xf32>
    %logistic3A_30 = arith.addf %logistic3A_29, %logistic3A_27 : vector<1024x512xf32>
    %logistic3A_31 = arith.divf %logistic3A_29, %logistic3A_30 : vector<1024x512xf32>
    %slice3A_32 = vector.extract_strided_slice %add3A_13 {offsets = [0, 512], sizes = [1024, 512], strides = [1, 1]} : vector<1024x1536xf32> to vector<1024x512xf32>
    %slice3A_33 = vector.extract_strided_slice %add3A_24 {offsets = [0, 512], sizes = [1024, 512], strides = [1, 1]} : vector<1024x1536xf32> to vector<1024x512xf32>
    %add3A_34 = arith.addf %slice3A_32, %slice3A_33 : vector<1024x512xf32>
    %logistic3A_35 = arith.negf %add3A_34 : vector<1024x512xf32>
    %logistic3A_36 = math.exp %logistic3A_35 : vector<1024x512xf32>
    %logistic3A_37 = arith.constant 1.000000e+00 : f32
    %logistic3A_38 = vector.broadcast %logistic3A_37 : f32 to vector<1024x512xf32>
    %logistic3A_39 = arith.addf %logistic3A_38, %logistic3A_36 : vector<1024x512xf32>
    %logistic3A_40 = arith.divf %logistic3A_38, %logistic3A_39 : vector<1024x512xf32>
    %slice3A_41 = vector.extract_strided_slice %add3A_13 {offsets = [0, 1024], sizes = [1024, 512], strides = [1, 1]} : vector<1024x1536xf32> to vector<1024x512xf32>
    %slice3A_42 = vector.extract_strided_slice %add3A_24 {offsets = [0, 1024], sizes = [1024, 512], strides = [1, 1]} : vector<1024x1536xf32> to vector<1024x512xf32>
    %mul3A = arith.mulf %logistic3A_31, %slice3A_42 : vector<1024x512xf32>
    %add3A_43 = arith.addf %slice3A_41, %mul3A : vector<1024x512xf32>
    %tanh3A = math.tanh %add3A_43 : vector<1024x512xf32>
    %sub3A = arith.constant 1.000000e+00 : f32
    %sub3A_44 = vector.broadcast %sub3A : f32 to vector<1024x512xf32>
    %sub3A_45 = arith.subf %sub3A_44, %logistic3A_40 : vector<1024x512xf32>
    %mul3A_46 = arith.mulf %sub3A_45, %tanh3A : vector<1024x512xf32>
    %mul3A_47 = arith.mulf %logistic3A_40, %get3A_1 : vector<1024x512xf32>
    %add3A_48 = arith.addf %mul3A_46, %mul3A_47 : vector<1024x512xf32>
    %swap3A = arith.constant 0 : index
    %swap3A_49 = arith.constant 0 : index
    %swap3A_50 = vector.load %arg8[%swap3A, %swap3A_49] : memref<1024x512xf32, #tpu.memory_space<vmem>>, vector<1024x512xf32>
    tpu.vector_store %arg8[%swap3A, %swap3A_49], %add3A_48 {strides = array<i32>} : memref<1024x512xf32, #tpu.memory_space<vmem>>, vector<1024x512xf32>,
    return
  }
  func.func @transform_1(%arg0: i32) -> (i32, i32, i32) {
    %c0_i32 = arith.constant 0 : i32
    %c0_i32_0 = arith.constant 0 : i32
    %c0_i32_1 = arith.constant 0 : i32
    return %arg0, %c0_i32, %c0_i32_0 : i32, i32, i32
  }
  func.func @transform_2(%arg0: i32) -> (i32, i32) {
    %c0_i32 = arith.constant 0 : i32
    %c0_i32_0 = arith.constant 0 : i32
    return %arg0, %c0_i32 : i32, i32
  }
  func.func @transform_3(%arg0: i32) -> (i32, i32) {
    %c0_i32 = arith.constant 0 : i32
    %c0_i32_0 = arith.constant 0 : i32
    %c0_i32_1 = arith.constant 0 : i32
    return %c0_i32, %c0_i32_0 : i32, i32
  }
  func.func @transform_4(%arg0: i32) -> (i32, i32) {
    %c0_i32 = arith.constant 0 : i32
    %c0_i32_0 = arith.constant 0 : i32
    %c0_i32_1 = arith.constant 0 : i32
    return %c0_i32, %c0_i32_0 : i32, i32
  }
  func.func @transform_5(%arg0: i32) -> (i32, i32) {
    %c0_i32 = arith.constant 0 : i32
    %c0_i32_0 = arith.constant 0 : i32
    %c0_i32_1 = arith.constant 0 : i32
    return %c0_i32, %c0_i32_0 : i32, i32
  }
  func.func @transform_6(%arg0: i32) -> (i32, i32) {
    %c0_i32 = arith.constant 0 : i32
    %c0_i32_0 = arith.constant 0 : i32
    %c0_i32_1 = arith.constant 0 : i32
    return %c0_i32, %c0_i32_0 : i32, i32
  }
  func.func @transform_7(%arg0: i32) -> (i32, i32) {
    %add3A = arith.constant 2 : i32
    %add3A_0 = arith.addi %add3A, %arg0 : i32
    %c0_i32 = arith.constant 0 : i32
    %c0_i32_1 = arith.constant 0 : i32
    return %add3A_0, %c0_i32 : i32, i32
  }
}

module attributes {stable_mosaic.version = 14 : i64} {
  func.func @_lambda_(%arg0: i32, %arg1: memref<16384x512xf32, #tpu.memory_space<any>>, %arg2: memref<1024x8x128xf32, #tpu.memory_space<vmem>>, %arg3: memref<1024x512xf32, #tpu.memory_space<vmem>>, %arg4: memref<1536x1024xbf16, #tpu.memory_space<vmem>>, %arg5: memref<1536x512xbf16, #tpu.memory_space<vmem>>, %arg6: memref<1x1536xf32, #tpu.memory_space<vmem>>, %arg7: memref<1x1536xf32, #tpu.memory_space<vmem>>, %arg8: memref<1024x512xf32, #tpu.memory_space<vmem>>) attributes {dimension_semantics = [#tpu.dimension_semantics<parallel>], iteration_bounds = array<i64: 2>, scalar_prefetch = 0 : i64, scratch_operands = 0 : i64, tpu.core_type = #tpu.core_type<tc>, window_params = [{}, {transform_indices = @transform_1, window_bounds = array<i64: 1024, 8, 128>}, {transform_indices = @transform_2, window_bounds = array<i64: 1024, 512>}, {pipeline_mode = #tpu.pipeline_mode<synchronous>, transform_indices = @transform_3, window_bounds = array<i64: 1536, 1024>}, {pipeline_mode = #tpu.pipeline_mode<synchronous>, transform_indices = @transform_4, window_bounds = array<i64: 1536, 512>}, {pipeline_mode = #tpu.pipeline_mode<synchronous>, transform_indices = @transform_5, window_bounds = array<i64: 1, 1536>}, {pipeline_mode = #tpu.pipeline_mode<synchronous>, transform_indices = @transform_6, window_bounds = array<i64: 1, 1536>}, {transform_indices = @transform_7, window_bounds = array<i64: 1024, 512>}]} {
    %get3A = arith.constant 0 : index
    %get3A_0 = arith.constant 0 : index
    %get3A_1 = vector.load %arg3[%get3A, %get3A_0] : memref<1024x512xf32, #tpu.memory_space<vmem>>, vector<1024x512xf32>
    %get3A_2 = arith.constant 0 : index
    %get3A_3 = arith.constant 0 : index
    %get3A_4 = arith.constant 0 : index
    %get3A_5 = vector.load %arg2[%get3A_2, %get3A_3, %get3A_4] : memref<1024x8x128xf32, #tpu.memory_space<vmem>>, vector<1024x8x128xf32>
    %reshape3A = vector.shape_cast %get3A_5 : vector<1024x8x128xf32> to vector<1024x1024xf32>
    %convert_element_type3A = arith.truncf %reshape3A : vector<1024x1024xf32> to vector<1024x1024xbf16>
    %get3A_6 = arith.constant 0 : index
    %get3A_7 = arith.constant 0 : index
    %get3A_8 = vector.load %arg4[%get3A_6, %get3A_7] : memref<1536x1024xbf16, #tpu.memory_space<vmem>>, vector<1536x1024xbf16>
    %dot_general3A = arith.constant dense<0.000000e+00> : vector<1024x1536xf32>
    %dot_general3A_9 = tpu.matmul %convert_element_type3A, %get3A_8, %dot_general3A {dimension_numbers = #tpu.dot_dimension_numbers<[1], [1], [0], [0], [0, 0, 1, 0], [], []>, transpose_lhs_hint = false} : vector<1024x1024xbf16>, vector<1536x1024xbf16>, vector<1024x1536xf32> -> vector<1024x1536xf32>
    %get3A_10 = arith.constant 0 : index
    %get3A_11 = arith.constant 0 : index
    %get3A_12 = vector.load %arg6[%get3A_10, %get3A_11] : memref<1x1536xf32, #tpu.memory_space<vmem>>, vector<1x1536xf32>
    %add3A = vector.broadcast %get3A_12 : vector<1x1536xf32> to vector<1024x1536xf32>
    %add3A_13 = arith.addf %dot_general3A_9, %add3A : vector<1024x1536xf32>
    %convert_element_type3A_14 = arith.truncf %get3A_1 : vector<1024x512xf32> to vector<1024x512xbf16>
    %get3A_15 = arith.constant 0 : index
    %get3A_16 = arith.constant 0 : index
    %get3A_17 = vector.load %arg5[%get3A_15, %get3A_16] : memref<1536x512xbf16, #tpu.memory_space<vmem>>, vector<1536x512xbf16>
    %dot_general3A_18 = arith.constant dense<0.000000e+00> : vector<1024x1536xf32>
    %dot_general3A_19 = tpu.matmul %convert_element_type3A_14, %get3A_17, %dot_general3A_18 {dimension_numbers = #tpu.dot_dimension_numbers<[1], [1], [0], [0], [0, 0, 1, 0], [], []>, transpose_lhs_hint = false} : vector<1024x512xbf16>, vector<1536x512xbf16>, vector<1024x1536xf32> -> vector<1024x1536xf32>
    %get3A_20 = arith.constant 0 : index
    %get3A_21 = arith.constant 0 : index
    %get3A_22 = vector.load %arg7[%get3A_20, %get3A_21] : memref<1x1536xf32, #tpu.memory_space<vmem>>, vector<1x1536xf32>
    %add3A_23 = vector.broadcast %get3A_22 : vector<1x1536xf32> to vector<1024x1536xf32>
    %add3A_24 = arith.addf %dot_general3A_19, %add3A_23 : vector<1024x1536xf32>
    %slice3A = vector.extract_strided_slice %add3A_13 {offsets = [0, 0], sizes = [1024, 512], strides = [1, 1]} : vector<1024x1536xf32> to vector<1024x512xf32>
    %slice3A_25 = vector.extract_strided_slice %add3A_24 {offsets = [0, 0], sizes = [1024, 512], strides = [1, 1]} : vector<1024x1536xf32> to vector<1024x512xf32>
    %add3A_26 = arith.addf %slice3A, %slice3A_25 : vector<1024x512xf32>
    %logistic3A = arith.negf %add3A_26 : vector<1024x512xf32>
    %logistic3A_27 = math.exp %logistic3A : vector<1024x512xf32>
    %logistic3A_28 = arith.constant 1.000000e+00 : f32
    %logistic3A_29 = vector.broadcast %logistic3A_28 : f32 to vector<1024x512xf32>
    %logistic3A_30 = arith.addf %logistic3A_29, %logistic3A_27 : vector<1024x512xf32>
    %logistic3A_31 = arith.divf %logistic3A_29, %logistic3A_30 : vector<1024x512xf32>
    %slice3A_32 = vector.extract_strided_slice %add3A_13 {offsets = [0, 512], sizes = [1024, 512], strides = [1, 1]} : vector<1024x1536xf32> to vector<1024x512xf32>
    %slice3A_33 = vector.extract_strided_slice %add3A_24 {offsets = [0, 512], sizes = [1024, 512], strides = [1, 1]} : vector<1024x1536xf32> to vector<1024x512xf32>
    %add3A_34 = arith.addf %slice3A_32, %slice3A_33 : vector<1024x512xf32>
    %logistic3A_35 = arith.negf %add3A_34 : vector<1024x512xf32>
    %logistic3A_36 = math.exp %logistic3A_35 : vector<1024x512xf32>
    %logistic3A_37 = arith.constant 1.000000e+00 : f32
    %logistic3A_38 = vector.broadcast %logistic3A_37 : f32 to vector<1024x512xf32>
    %logistic3A_39 = arith.addf %logistic3A_38, %logistic3A_36 : vector<1024x512xf32>
    %logistic3A_40 = arith.divf %logistic3A_38, %logistic3A_39 : vector<1024x512xf32>
    %slice3A_41 = vector.extract_strided_slice %add3A_13 {offsets = [0, 1024], sizes = [1024, 512], strides = [1, 1]} : vector<1024x1536xf32> to vector<1024x512xf32>
    %slice3A_42 = vector.extract_strided_slice %add3A_24 {offsets = [0, 1024], sizes = [1024, 512], strides = [1, 1]} : vector<1024x1536xf32> to vector<1024x512xf32>
    %mul3A = arith.mulf %logistic3A_31, %slice3A_42 : vector<1024x512xf32>
    %add3A_43 = arith.addf %slice3A_41, %mul3A : vector<1024x512xf32>
    %tanh3A = math.tanh %add3A_43 : vector<1024x512xf32>
    %sub3A = arith.constant 1.000000e+00 : f32
    %sub3A_44 = vector.broadcast %sub3A : f32 to vector<1024x512xf32>
    %sub3A_45 = arith.subf %sub3A_44, %logistic3A_40 : vector<1024x512xf32>
    %mul3A_46 = arith.mulf %sub3A_45, %tanh3A : vector<1024x512xf32>
    %mul3A_47 = arith.mulf %logistic3A_40, %get3A_1 : vector<1024x512xf32>
    %add3A_48 = arith.addf %mul3A_46, %mul3A_47 : vector<1024x512xf32>
    %swap3A = arith.constant 0 : index
    %swap3A_49 = arith.constant 0 : index
    %swap3A_50 = vector.load %arg8[%swap3A, %swap3A_49] : memref<1024x512xf32, #tpu.memory_space<vmem>>, vector<1024x512xf32>
    tpu.vector_store %arg8[%swap3A, %swap3A_49], %add3A_48 {strides = array<i32>} : memref<1024x512xf32, #tpu.memory_space<vmem>>, vector<1024x512xf32>,
    return
  }
  func.func @transform_1(%arg0: i32) -> (i32, i32, i32) {
    %c0_i32 = arith.constant 0 : i32
    %c0_i32_0 = arith.constant 0 : i32
    %c0_i32_1 = arith.constant 0 : i32
    return %arg0, %c0_i32, %c0_i32_0 : i32, i32, i32
  }
  func.func @transform_2(%arg0: i32) -> (i32, i32) {
    %c0_i32 = arith.constant 0 : i32
    %c0_i32_0 = arith.constant 0 : i32
    return %arg0, %c0_i32 : i32, i32
  }
  func.func @transform_3(%arg0: i32) -> (i32, i32) {
    %c0_i32 = arith.constant 0 : i32
    %c0_i32_0 = arith.constant 0 : i32
    %c0_i32_1 = arith.constant 0 : i32
    return %c0_i32, %c0_i32_0 : i32, i32
  }
  func.func @transform_4(%arg0: i32) -> (i32, i32) {
    %c0_i32 = arith.constant 0 : i32
    %c0_i32_0 = arith.constant 0 : i32
    %c0_i32_1 = arith.constant 0 : i32
    return %c0_i32, %c0_i32_0 : i32, i32
  }
  func.func @transform_5(%arg0: i32) -> (i32, i32) {
    %c0_i32 = arith.constant 0 : i32
    %c0_i32_0 = arith.constant 0 : i32
    %c0_i32_1 = arith.constant 0 : i32
    return %c0_i32, %c0_i32_0 : i32, i32
  }
  func.func @transform_6(%arg0: i32) -> (i32, i32) {
    %c0_i32 = arith.constant 0 : i32
    %c0_i32_0 = arith.constant 0 : i32
    %c0_i32_1 = arith.constant 0 : i32
    return %c0_i32, %c0_i32_0 : i32, i32
  }
  func.func @transform_7(%arg0: i32) -> (i32, i32) {
    %add3A = arith.constant 4 : i32
    %add3A_0 = arith.addi %add3A, %arg0 : i32
    %c0_i32 = arith.constant 0 : i32
    %c0_i32_1 = arith.constant 0 : i32
    return %add3A_0, %c0_i32 : i32, i32
  }
}

module attributes {stable_mosaic.version = 14 : i64} {
  func.func @_lambda_(%arg0: i32, %arg1: memref<16384x512xf32, #tpu.memory_space<any>>, %arg2: memref<1024x8x128xf32, #tpu.memory_space<vmem>>, %arg3: memref<1024x512xf32, #tpu.memory_space<vmem>>, %arg4: memref<1536x1024xbf16, #tpu.memory_space<vmem>>, %arg5: memref<1536x512xbf16, #tpu.memory_space<vmem>>, %arg6: memref<1x1536xf32, #tpu.memory_space<vmem>>, %arg7: memref<1x1536xf32, #tpu.memory_space<vmem>>, %arg8: memref<1024x512xf32, #tpu.memory_space<vmem>>) attributes {dimension_semantics = [#tpu.dimension_semantics<parallel>], iteration_bounds = array<i64: 2>, scalar_prefetch = 0 : i64, scratch_operands = 0 : i64, tpu.core_type = #tpu.core_type<tc>, window_params = [{}, {transform_indices = @transform_1, window_bounds = array<i64: 1024, 8, 128>}, {transform_indices = @transform_2, window_bounds = array<i64: 1024, 512>}, {pipeline_mode = #tpu.pipeline_mode<synchronous>, transform_indices = @transform_3, window_bounds = array<i64: 1536, 1024>}, {pipeline_mode = #tpu.pipeline_mode<synchronous>, transform_indices = @transform_4, window_bounds = array<i64: 1536, 512>}, {pipeline_mode = #tpu.pipeline_mode<synchronous>, transform_indices = @transform_5, window_bounds = array<i64: 1, 1536>}, {pipeline_mode = #tpu.pipeline_mode<synchronous>, transform_indices = @transform_6, window_bounds = array<i64: 1, 1536>}, {transform_indices = @transform_7, window_bounds = array<i64: 1024, 512>}]} {
    %get3A = arith.constant 0 : index
    %get3A_0 = arith.constant 0 : index
    %get3A_1 = vector.load %arg3[%get3A, %get3A_0] : memref<1024x512xf32, #tpu.memory_space<vmem>>, vector<1024x512xf32>
    %get3A_2 = arith.constant 0 : index
    %get3A_3 = arith.constant 0 : index
    %get3A_4 = arith.constant 0 : index
    %get3A_5 = vector.load %arg2[%get3A_2, %get3A_3, %get3A_4] : memref<1024x8x128xf32, #tpu.memory_space<vmem>>, vector<1024x8x128xf32>
    %reshape3A = vector.shape_cast %get3A_5 : vector<1024x8x128xf32> to vector<1024x1024xf32>
    %convert_element_type3A = arith.truncf %reshape3A : vector<1024x1024xf32> to vector<1024x1024xbf16>
    %get3A_6 = arith.constant 0 : index
    %get3A_7 = arith.constant 0 : index
    %get3A_8 = vector.load %arg4[%get3A_6, %get3A_7] : memref<1536x1024xbf16, #tpu.memory_space<vmem>>, vector<1536x1024xbf16>
    %dot_general3A = arith.constant dense<0.000000e+00> : vector<1024x1536xf32>
    %dot_general3A_9 = tpu.matmul %convert_element_type3A, %get3A_8, %dot_general3A {dimension_numbers = #tpu.dot_dimension_numbers<[1], [1], [0], [0], [0, 0, 1, 0], [], []>, transpose_lhs_hint = false} : vector<1024x1024xbf16>, vector<1536x1024xbf16>, vector<1024x1536xf32> -> vector<1024x1536xf32>
    %get3A_10 = arith.constant 0 : index
    %get3A_11 = arith.constant 0 : index
    %get3A_12 = vector.load %arg6[%get3A_10, %get3A_11] : memref<1x1536xf32, #tpu.memory_space<vmem>>, vector<1x1536xf32>
    %add3A = vector.broadcast %get3A_12 : vector<1x1536xf32> to vector<1024x1536xf32>
    %add3A_13 = arith.addf %dot_general3A_9, %add3A : vector<1024x1536xf32>
    %convert_element_type3A_14 = arith.truncf %get3A_1 : vector<1024x512xf32> to vector<1024x512xbf16>
    %get3A_15 = arith.constant 0 : index
    %get3A_16 = arith.constant 0 : index
    %get3A_17 = vector.load %arg5[%get3A_15, %get3A_16] : memref<1536x512xbf16, #tpu.memory_space<vmem>>, vector<1536x512xbf16>
    %dot_general3A_18 = arith.constant dense<0.000000e+00> : vector<1024x1536xf32>
    %dot_general3A_19 = tpu.matmul %convert_element_type3A_14, %get3A_17, %dot_general3A_18 {dimension_numbers = #tpu.dot_dimension_numbers<[1], [1], [0], [0], [0, 0, 1, 0], [], []>, transpose_lhs_hint = false} : vector<1024x512xbf16>, vector<1536x512xbf16>, vector<1024x1536xf32> -> vector<1024x1536xf32>
    %get3A_20 = arith.constant 0 : index
    %get3A_21 = arith.constant 0 : index
    %get3A_22 = vector.load %arg7[%get3A_20, %get3A_21] : memref<1x1536xf32, #tpu.memory_space<vmem>>, vector<1x1536xf32>
    %add3A_23 = vector.broadcast %get3A_22 : vector<1x1536xf32> to vector<1024x1536xf32>
    %add3A_24 = arith.addf %dot_general3A_19, %add3A_23 : vector<1024x1536xf32>
    %slice3A = vector.extract_strided_slice %add3A_13 {offsets = [0, 0], sizes = [1024, 512], strides = [1, 1]} : vector<1024x1536xf32> to vector<1024x512xf32>
    %slice3A_25 = vector.extract_strided_slice %add3A_24 {offsets = [0, 0], sizes = [1024, 512], strides = [1, 1]} : vector<1024x1536xf32> to vector<1024x512xf32>
    %add3A_26 = arith.addf %slice3A, %slice3A_25 : vector<1024x512xf32>
    %logistic3A = arith.negf %add3A_26 : vector<1024x512xf32>
    %logistic3A_27 = math.exp %logistic3A : vector<1024x512xf32>
    %logistic3A_28 = arith.constant 1.000000e+00 : f32
    %logistic3A_29 = vector.broadcast %logistic3A_28 : f32 to vector<1024x512xf32>
    %logistic3A_30 = arith.addf %logistic3A_29, %logistic3A_27 : vector<1024x512xf32>
    %logistic3A_31 = arith.divf %logistic3A_29, %logistic3A_30 : vector<1024x512xf32>
    %slice3A_32 = vector.extract_strided_slice %add3A_13 {offsets = [0, 512], sizes = [1024, 512], strides = [1, 1]} : vector<1024x1536xf32> to vector<1024x512xf32>
    %slice3A_33 = vector.extract_strided_slice %add3A_24 {offsets = [0, 512], sizes = [1024, 512], strides = [1, 1]} : vector<1024x1536xf32> to vector<1024x512xf32>
    %add3A_34 = arith.addf %slice3A_32, %slice3A_33 : vector<1024x512xf32>
    %logistic3A_35 = arith.negf %add3A_34 : vector<1024x512xf32>
    %logistic3A_36 = math.exp %logistic3A_35 : vector<1024x512xf32>
    %logistic3A_37 = arith.constant 1.000000e+00 : f32
    %logistic3A_38 = vector.broadcast %logistic3A_37 : f32 to vector<1024x512xf32>
    %logistic3A_39 = arith.addf %logistic3A_38, %logistic3A_36 : vector<1024x512xf32>
    %logistic3A_40 = arith.divf %logistic3A_38, %logistic3A_39 : vector<1024x512xf32>
    %slice3A_41 = vector.extract_strided_slice %add3A_13 {offsets = [0, 1024], sizes = [1024, 512], strides = [1, 1]} : vector<1024x1536xf32> to vector<1024x512xf32>
    %slice3A_42 = vector.extract_strided_slice %add3A_24 {offsets = [0, 1024], sizes = [1024, 512], strides = [1, 1]} : vector<1024x1536xf32> to vector<1024x512xf32>
    %mul3A = arith.mulf %logistic3A_31, %slice3A_42 : vector<1024x512xf32>
    %add3A_43 = arith.addf %slice3A_41, %mul3A : vector<1024x512xf32>
    %tanh3A = math.tanh %add3A_43 : vector<1024x512xf32>
    %sub3A = arith.constant 1.000000e+00 : f32
    %sub3A_44 = vector.broadcast %sub3A : f32 to vector<1024x512xf32>
    %sub3A_45 = arith.subf %sub3A_44, %logistic3A_40 : vector<1024x512xf32>
    %mul3A_46 = arith.mulf %sub3A_45, %tanh3A : vector<1024x512xf32>
    %mul3A_47 = arith.mulf %logistic3A_40, %get3A_1 : vector<1024x512xf32>
    %add3A_48 = arith.addf %mul3A_46, %mul3A_47 : vector<1024x512xf32>
    %swap3A = arith.constant 0 : index
    %swap3A_49 = arith.constant 0 : index
    %swap3A_50 = vector.load %arg8[%swap3A, %swap3A_49] : memref<1024x512xf32, #tpu.memory_space<vmem>>, vector<1024x512xf32>
    tpu.vector_store %arg8[%swap3A, %swap3A_49], %add3A_48 {strides = array<i32>} : memref<1024x512xf32, #tpu.memory_space<vmem>>, vector<1024x512xf32>,
    return
  }
  func.func @transform_1(%arg0: i32) -> (i32, i32, i32) {
    %c0_i32 = arith.constant 0 : i32
    %c0_i32_0 = arith.constant 0 : i32
    %c0_i32_1 = arith.constant 0 : i32
    return %arg0, %c0_i32, %c0_i32_0 : i32, i32, i32
  }
  func.func @transform_2(%arg0: i32) -> (i32, i32) {
    %c0_i32 = arith.constant 0 : i32
    %c0_i32_0 = arith.constant 0 : i32
    return %arg0, %c0_i32 : i32, i32
  }
  func.func @transform_3(%arg0: i32) -> (i32, i32) {
    %c0_i32 = arith.constant 0 : i32
    %c0_i32_0 = arith.constant 0 : i32
    %c0_i32_1 = arith.constant 0 : i32
    return %c0_i32, %c0_i32_0 : i32, i32
  }
  func.func @transform_4(%arg0: i32) -> (i32, i32) {
    %c0_i32 = arith.constant 0 : i32
    %c0_i32_0 = arith.constant 0 : i32
    %c0_i32_1 = arith.constant 0 : i32
    return %c0_i32, %c0_i32_0 : i32, i32
  }
  func.func @transform_5(%arg0: i32) -> (i32, i32) {
    %c0_i32 = arith.constant 0 : i32
    %c0_i32_0 = arith.constant 0 : i32
    %c0_i32_1 = arith.constant 0 : i32
    return %c0_i32, %c0_i32_0 : i32, i32
  }
  func.func @transform_6(%arg0: i32) -> (i32, i32) {
    %c0_i32 = arith.constant 0 : i32
    %c0_i32_0 = arith.constant 0 : i32
    %c0_i32_1 = arith.constant 0 : i32
    return %c0_i32, %c0_i32_0 : i32, i32
  }
  func.func @transform_7(%arg0: i32) -> (i32, i32) {
    %add3A = arith.constant 6 : i32
    %add3A_0 = arith.addi %add3A, %arg0 : i32
    %c0_i32 = arith.constant 0 : i32
    %c0_i32_1 = arith.constant 0 : i32
    return %add3A_0, %c0_i32 : i32, i32
  }
}

module attributes {stable_mosaic.version = 14 : i64} {
  func.func @_lambda_(%arg0: i32, %arg1: memref<16384x512xf32, #tpu.memory_space<any>>, %arg2: memref<1024x8x128xf32, #tpu.memory_space<vmem>>, %arg3: memref<1024x512xf32, #tpu.memory_space<vmem>>, %arg4: memref<1536x1024xbf16, #tpu.memory_space<vmem>>, %arg5: memref<1536x512xbf16, #tpu.memory_space<vmem>>, %arg6: memref<1x1536xf32, #tpu.memory_space<vmem>>, %arg7: memref<1x1536xf32, #tpu.memory_space<vmem>>, %arg8: memref<1024x512xf32, #tpu.memory_space<vmem>>) attributes {dimension_semantics = [#tpu.dimension_semantics<parallel>], iteration_bounds = array<i64: 2>, scalar_prefetch = 0 : i64, scratch_operands = 0 : i64, tpu.core_type = #tpu.core_type<tc>, window_params = [{}, {transform_indices = @transform_1, window_bounds = array<i64: 1024, 8, 128>}, {transform_indices = @transform_2, window_bounds = array<i64: 1024, 512>}, {pipeline_mode = #tpu.pipeline_mode<synchronous>, transform_indices = @transform_3, window_bounds = array<i64: 1536, 1024>}, {pipeline_mode = #tpu.pipeline_mode<synchronous>, transform_indices = @transform_4, window_bounds = array<i64: 1536, 512>}, {pipeline_mode = #tpu.pipeline_mode<synchronous>, transform_indices = @transform_5, window_bounds = array<i64: 1, 1536>}, {pipeline_mode = #tpu.pipeline_mode<synchronous>, transform_indices = @transform_6, window_bounds = array<i64: 1, 1536>}, {transform_indices = @transform_7, window_bounds = array<i64: 1024, 512>}]} {
    %get3A = arith.constant 0 : index
    %get3A_0 = arith.constant 0 : index
    %get3A_1 = vector.load %arg3[%get3A, %get3A_0] : memref<1024x512xf32, #tpu.memory_space<vmem>>, vector<1024x512xf32>
    %get3A_2 = arith.constant 0 : index
    %get3A_3 = arith.constant 0 : index
    %get3A_4 = arith.constant 0 : index
    %get3A_5 = vector.load %arg2[%get3A_2, %get3A_3, %get3A_4] : memref<1024x8x128xf32, #tpu.memory_space<vmem>>, vector<1024x8x128xf32>
    %reshape3A = vector.shape_cast %get3A_5 : vector<1024x8x128xf32> to vector<1024x1024xf32>
    %convert_element_type3A = arith.truncf %reshape3A : vector<1024x1024xf32> to vector<1024x1024xbf16>
    %get3A_6 = arith.constant 0 : index
    %get3A_7 = arith.constant 0 : index
    %get3A_8 = vector.load %arg4[%get3A_6, %get3A_7] : memref<1536x1024xbf16, #tpu.memory_space<vmem>>, vector<1536x1024xbf16>
    %dot_general3A = arith.constant dense<0.000000e+00> : vector<1024x1536xf32>
    %dot_general3A_9 = tpu.matmul %convert_element_type3A, %get3A_8, %dot_general3A {dimension_numbers = #tpu.dot_dimension_numbers<[1], [1], [0], [0], [0, 0, 1, 0], [], []>, transpose_lhs_hint = false} : vector<1024x1024xbf16>, vector<1536x1024xbf16>, vector<1024x1536xf32> -> vector<1024x1536xf32>
    %get3A_10 = arith.constant 0 : index
    %get3A_11 = arith.constant 0 : index
    %get3A_12 = vector.load %arg6[%get3A_10, %get3A_11] : memref<1x1536xf32, #tpu.memory_space<vmem>>, vector<1x1536xf32>
    %add3A = vector.broadcast %get3A_12 : vector<1x1536xf32> to vector<1024x1536xf32>
    %add3A_13 = arith.addf %dot_general3A_9, %add3A : vector<1024x1536xf32>
    %convert_element_type3A_14 = arith.truncf %get3A_1 : vector<1024x512xf32> to vector<1024x512xbf16>
    %get3A_15 = arith.constant 0 : index
    %get3A_16 = arith.constant 0 : index
    %get3A_17 = vector.load %arg5[%get3A_15, %get3A_16] : memref<1536x512xbf16, #tpu.memory_space<vmem>>, vector<1536x512xbf16>
    %dot_general3A_18 = arith.constant dense<0.000000e+00> : vector<1024x1536xf32>
    %dot_general3A_19 = tpu.matmul %convert_element_type3A_14, %get3A_17, %dot_general3A_18 {dimension_numbers = #tpu.dot_dimension_numbers<[1], [1], [0], [0], [0, 0, 1, 0], [], []>, transpose_lhs_hint = false} : vector<1024x512xbf16>, vector<1536x512xbf16>, vector<1024x1536xf32> -> vector<1024x1536xf32>
    %get3A_20 = arith.constant 0 : index
    %get3A_21 = arith.constant 0 : index
    %get3A_22 = vector.load %arg7[%get3A_20, %get3A_21] : memref<1x1536xf32, #tpu.memory_space<vmem>>, vector<1x1536xf32>
    %add3A_23 = vector.broadcast %get3A_22 : vector<1x1536xf32> to vector<1024x1536xf32>
    %add3A_24 = arith.addf %dot_general3A_19, %add3A_23 : vector<1024x1536xf32>
    %slice3A = vector.extract_strided_slice %add3A_13 {offsets = [0, 0], sizes = [1024, 512], strides = [1, 1]} : vector<1024x1536xf32> to vector<1024x512xf32>
    %slice3A_25 = vector.extract_strided_slice %add3A_24 {offsets = [0, 0], sizes = [1024, 512], strides = [1, 1]} : vector<1024x1536xf32> to vector<1024x512xf32>
    %add3A_26 = arith.addf %slice3A, %slice3A_25 : vector<1024x512xf32>
    %logistic3A = arith.negf %add3A_26 : vector<1024x512xf32>
    %logistic3A_27 = math.exp %logistic3A : vector<1024x512xf32>
    %logistic3A_28 = arith.constant 1.000000e+00 : f32
    %logistic3A_29 = vector.broadcast %logistic3A_28 : f32 to vector<1024x512xf32>
    %logistic3A_30 = arith.addf %logistic3A_29, %logistic3A_27 : vector<1024x512xf32>
    %logistic3A_31 = arith.divf %logistic3A_29, %logistic3A_30 : vector<1024x512xf32>
    %slice3A_32 = vector.extract_strided_slice %add3A_13 {offsets = [0, 512], sizes = [1024, 512], strides = [1, 1]} : vector<1024x1536xf32> to vector<1024x512xf32>
    %slice3A_33 = vector.extract_strided_slice %add3A_24 {offsets = [0, 512], sizes = [1024, 512], strides = [1, 1]} : vector<1024x1536xf32> to vector<1024x512xf32>
    %add3A_34 = arith.addf %slice3A_32, %slice3A_33 : vector<1024x512xf32>
    %logistic3A_35 = arith.negf %add3A_34 : vector<1024x512xf32>
    %logistic3A_36 = math.exp %logistic3A_35 : vector<1024x512xf32>
    %logistic3A_37 = arith.constant 1.000000e+00 : f32
    %logistic3A_38 = vector.broadcast %logistic3A_37 : f32 to vector<1024x512xf32>
    %logistic3A_39 = arith.addf %logistic3A_38, %logistic3A_36 : vector<1024x512xf32>
    %logistic3A_40 = arith.divf %logistic3A_38, %logistic3A_39 : vector<1024x512xf32>
    %slice3A_41 = vector.extract_strided_slice %add3A_13 {offsets = [0, 1024], sizes = [1024, 512], strides = [1, 1]} : vector<1024x1536xf32> to vector<1024x512xf32>
    %slice3A_42 = vector.extract_strided_slice %add3A_24 {offsets = [0, 1024], sizes = [1024, 512], strides = [1, 1]} : vector<1024x1536xf32> to vector<1024x512xf32>
    %mul3A = arith.mulf %logistic3A_31, %slice3A_42 : vector<1024x512xf32>
    %add3A_43 = arith.addf %slice3A_41, %mul3A : vector<1024x512xf32>
    %tanh3A = math.tanh %add3A_43 : vector<1024x512xf32>
    %sub3A = arith.constant 1.000000e+00 : f32
    %sub3A_44 = vector.broadcast %sub3A : f32 to vector<1024x512xf32>
    %sub3A_45 = arith.subf %sub3A_44, %logistic3A_40 : vector<1024x512xf32>
    %mul3A_46 = arith.mulf %sub3A_45, %tanh3A : vector<1024x512xf32>
    %mul3A_47 = arith.mulf %logistic3A_40, %get3A_1 : vector<1024x512xf32>
    %add3A_48 = arith.addf %mul3A_46, %mul3A_47 : vector<1024x512xf32>
    %swap3A = arith.constant 0 : index
    %swap3A_49 = arith.constant 0 : index
    %swap3A_50 = vector.load %arg8[%swap3A, %swap3A_49] : memref<1024x512xf32, #tpu.memory_space<vmem>>, vector<1024x512xf32>
    tpu.vector_store %arg8[%swap3A, %swap3A_49], %add3A_48 {strides = array<i32>} : memref<1024x512xf32, #tpu.memory_space<vmem>>, vector<1024x512xf32>,
    return
  }
  func.func @transform_1(%arg0: i32) -> (i32, i32, i32) {
    %c0_i32 = arith.constant 0 : i32
    %c0_i32_0 = arith.constant 0 : i32
    %c0_i32_1 = arith.constant 0 : i32
    return %arg0, %c0_i32, %c0_i32_0 : i32, i32, i32
  }
  func.func @transform_2(%arg0: i32) -> (i32, i32) {
    %c0_i32 = arith.constant 0 : i32
    %c0_i32_0 = arith.constant 0 : i32
    return %arg0, %c0_i32 : i32, i32
  }
  func.func @transform_3(%arg0: i32) -> (i32, i32) {
    %c0_i32 = arith.constant 0 : i32
    %c0_i32_0 = arith.constant 0 : i32
    %c0_i32_1 = arith.constant 0 : i32
    return %c0_i32, %c0_i32_0 : i32, i32
  }
  func.func @transform_4(%arg0: i32) -> (i32, i32) {
    %c0_i32 = arith.constant 0 : i32
    %c0_i32_0 = arith.constant 0 : i32
    %c0_i32_1 = arith.constant 0 : i32
    return %c0_i32, %c0_i32_0 : i32, i32
  }
  func.func @transform_5(%arg0: i32) -> (i32, i32) {
    %c0_i32 = arith.constant 0 : i32
    %c0_i32_0 = arith.constant 0 : i32
    %c0_i32_1 = arith.constant 0 : i32
    return %c0_i32, %c0_i32_0 : i32, i32
  }
  func.func @transform_6(%arg0: i32) -> (i32, i32) {
    %c0_i32 = arith.constant 0 : i32
    %c0_i32_0 = arith.constant 0 : i32
    %c0_i32_1 = arith.constant 0 : i32
    return %c0_i32, %c0_i32_0 : i32, i32
  }
  func.func @transform_7(%arg0: i32) -> (i32, i32) {
    %add3A = arith.constant 8 : i32
    %add3A_0 = arith.addi %add3A, %arg0 : i32
    %c0_i32 = arith.constant 0 : i32
    %c0_i32_1 = arith.constant 0 : i32
    return %add3A_0, %c0_i32 : i32, i32
  }
}

module attributes {stable_mosaic.version = 14 : i64} {
  func.func @_lambda_(%arg0: i32, %arg1: memref<16384x512xf32, #tpu.memory_space<any>>, %arg2: memref<1024x8x128xf32, #tpu.memory_space<vmem>>, %arg3: memref<1024x512xf32, #tpu.memory_space<vmem>>, %arg4: memref<1536x1024xbf16, #tpu.memory_space<vmem>>, %arg5: memref<1536x512xbf16, #tpu.memory_space<vmem>>, %arg6: memref<1x1536xf32, #tpu.memory_space<vmem>>, %arg7: memref<1x1536xf32, #tpu.memory_space<vmem>>, %arg8: memref<1024x512xf32, #tpu.memory_space<vmem>>) attributes {dimension_semantics = [#tpu.dimension_semantics<parallel>], iteration_bounds = array<i64: 2>, scalar_prefetch = 0 : i64, scratch_operands = 0 : i64, tpu.core_type = #tpu.core_type<tc>, window_params = [{}, {transform_indices = @transform_1, window_bounds = array<i64: 1024, 8, 128>}, {transform_indices = @transform_2, window_bounds = array<i64: 1024, 512>}, {pipeline_mode = #tpu.pipeline_mode<synchronous>, transform_indices = @transform_3, window_bounds = array<i64: 1536, 1024>}, {pipeline_mode = #tpu.pipeline_mode<synchronous>, transform_indices = @transform_4, window_bounds = array<i64: 1536, 512>}, {pipeline_mode = #tpu.pipeline_mode<synchronous>, transform_indices = @transform_5, window_bounds = array<i64: 1, 1536>}, {pipeline_mode = #tpu.pipeline_mode<synchronous>, transform_indices = @transform_6, window_bounds = array<i64: 1, 1536>}, {transform_indices = @transform_7, window_bounds = array<i64: 1024, 512>}]} {
    %get3A = arith.constant 0 : index
    %get3A_0 = arith.constant 0 : index
    %get3A_1 = vector.load %arg3[%get3A, %get3A_0] : memref<1024x512xf32, #tpu.memory_space<vmem>>, vector<1024x512xf32>
    %get3A_2 = arith.constant 0 : index
    %get3A_3 = arith.constant 0 : index
    %get3A_4 = arith.constant 0 : index
    %get3A_5 = vector.load %arg2[%get3A_2, %get3A_3, %get3A_4] : memref<1024x8x128xf32, #tpu.memory_space<vmem>>, vector<1024x8x128xf32>
    %reshape3A = vector.shape_cast %get3A_5 : vector<1024x8x128xf32> to vector<1024x1024xf32>
    %convert_element_type3A = arith.truncf %reshape3A : vector<1024x1024xf32> to vector<1024x1024xbf16>
    %get3A_6 = arith.constant 0 : index
    %get3A_7 = arith.constant 0 : index
    %get3A_8 = vector.load %arg4[%get3A_6, %get3A_7] : memref<1536x1024xbf16, #tpu.memory_space<vmem>>, vector<1536x1024xbf16>
    %dot_general3A = arith.constant dense<0.000000e+00> : vector<1024x1536xf32>
    %dot_general3A_9 = tpu.matmul %convert_element_type3A, %get3A_8, %dot_general3A {dimension_numbers = #tpu.dot_dimension_numbers<[1], [1], [0], [0], [0, 0, 1, 0], [], []>, transpose_lhs_hint = false} : vector<1024x1024xbf16>, vector<1536x1024xbf16>, vector<1024x1536xf32> -> vector<1024x1536xf32>
    %get3A_10 = arith.constant 0 : index
    %get3A_11 = arith.constant 0 : index
    %get3A_12 = vector.load %arg6[%get3A_10, %get3A_11] : memref<1x1536xf32, #tpu.memory_space<vmem>>, vector<1x1536xf32>
    %add3A = vector.broadcast %get3A_12 : vector<1x1536xf32> to vector<1024x1536xf32>
    %add3A_13 = arith.addf %dot_general3A_9, %add3A : vector<1024x1536xf32>
    %convert_element_type3A_14 = arith.truncf %get3A_1 : vector<1024x512xf32> to vector<1024x512xbf16>
    %get3A_15 = arith.constant 0 : index
    %get3A_16 = arith.constant 0 : index
    %get3A_17 = vector.load %arg5[%get3A_15, %get3A_16] : memref<1536x512xbf16, #tpu.memory_space<vmem>>, vector<1536x512xbf16>
    %dot_general3A_18 = arith.constant dense<0.000000e+00> : vector<1024x1536xf32>
    %dot_general3A_19 = tpu.matmul %convert_element_type3A_14, %get3A_17, %dot_general3A_18 {dimension_numbers = #tpu.dot_dimension_numbers<[1], [1], [0], [0], [0, 0, 1, 0], [], []>, transpose_lhs_hint = false} : vector<1024x512xbf16>, vector<1536x512xbf16>, vector<1024x1536xf32> -> vector<1024x1536xf32>
    %get3A_20 = arith.constant 0 : index
    %get3A_21 = arith.constant 0 : index
    %get3A_22 = vector.load %arg7[%get3A_20, %get3A_21] : memref<1x1536xf32, #tpu.memory_space<vmem>>, vector<1x1536xf32>
    %add3A_23 = vector.broadcast %get3A_22 : vector<1x1536xf32> to vector<1024x1536xf32>
    %add3A_24 = arith.addf %dot_general3A_19, %add3A_23 : vector<1024x1536xf32>
    %slice3A = vector.extract_strided_slice %add3A_13 {offsets = [0, 0], sizes = [1024, 512], strides = [1, 1]} : vector<1024x1536xf32> to vector<1024x512xf32>
    %slice3A_25 = vector.extract_strided_slice %add3A_24 {offsets = [0, 0], sizes = [1024, 512], strides = [1, 1]} : vector<1024x1536xf32> to vector<1024x512xf32>
    %add3A_26 = arith.addf %slice3A, %slice3A_25 : vector<1024x512xf32>
    %logistic3A = arith.negf %add3A_26 : vector<1024x512xf32>
    %logistic3A_27 = math.exp %logistic3A : vector<1024x512xf32>
    %logistic3A_28 = arith.constant 1.000000e+00 : f32
    %logistic3A_29 = vector.broadcast %logistic3A_28 : f32 to vector<1024x512xf32>
    %logistic3A_30 = arith.addf %logistic3A_29, %logistic3A_27 : vector<1024x512xf32>
    %logistic3A_31 = arith.divf %logistic3A_29, %logistic3A_30 : vector<1024x512xf32>
    %slice3A_32 = vector.extract_strided_slice %add3A_13 {offsets = [0, 512], sizes = [1024, 512], strides = [1, 1]} : vector<1024x1536xf32> to vector<1024x512xf32>
    %slice3A_33 = vector.extract_strided_slice %add3A_24 {offsets = [0, 512], sizes = [1024, 512], strides = [1, 1]} : vector<1024x1536xf32> to vector<1024x512xf32>
    %add3A_34 = arith.addf %slice3A_32, %slice3A_33 : vector<1024x512xf32>
    %logistic3A_35 = arith.negf %add3A_34 : vector<1024x512xf32>
    %logistic3A_36 = math.exp %logistic3A_35 : vector<1024x512xf32>
    %logistic3A_37 = arith.constant 1.000000e+00 : f32
    %logistic3A_38 = vector.broadcast %logistic3A_37 : f32 to vector<1024x512xf32>
    %logistic3A_39 = arith.addf %logistic3A_38, %logistic3A_36 : vector<1024x512xf32>
    %logistic3A_40 = arith.divf %logistic3A_38, %logistic3A_39 : vector<1024x512xf32>
    %slice3A_41 = vector.extract_strided_slice %add3A_13 {offsets = [0, 1024], sizes = [1024, 512], strides = [1, 1]} : vector<1024x1536xf32> to vector<1024x512xf32>
    %slice3A_42 = vector.extract_strided_slice %add3A_24 {offsets = [0, 1024], sizes = [1024, 512], strides = [1, 1]} : vector<1024x1536xf32> to vector<1024x512xf32>
    %mul3A = arith.mulf %logistic3A_31, %slice3A_42 : vector<1024x512xf32>
    %add3A_43 = arith.addf %slice3A_41, %mul3A : vector<1024x512xf32>
    %tanh3A = math.tanh %add3A_43 : vector<1024x512xf32>
    %sub3A = arith.constant 1.000000e+00 : f32
    %sub3A_44 = vector.broadcast %sub3A : f32 to vector<1024x512xf32>
    %sub3A_45 = arith.subf %sub3A_44, %logistic3A_40 : vector<1024x512xf32>
    %mul3A_46 = arith.mulf %sub3A_45, %tanh3A : vector<1024x512xf32>
    %mul3A_47 = arith.mulf %logistic3A_40, %get3A_1 : vector<1024x512xf32>
    %add3A_48 = arith.addf %mul3A_46, %mul3A_47 : vector<1024x512xf32>
    %swap3A = arith.constant 0 : index
    %swap3A_49 = arith.constant 0 : index
    %swap3A_50 = vector.load %arg8[%swap3A, %swap3A_49] : memref<1024x512xf32, #tpu.memory_space<vmem>>, vector<1024x512xf32>
    tpu.vector_store %arg8[%swap3A, %swap3A_49], %add3A_48 {strides = array<i32>} : memref<1024x512xf32, #tpu.memory_space<vmem>>, vector<1024x512xf32>,
    return
  }
  func.func @transform_1(%arg0: i32) -> (i32, i32, i32) {
    %c0_i32 = arith.constant 0 : i32
    %c0_i32_0 = arith.constant 0 : i32
    %c0_i32_1 = arith.constant 0 : i32
    return %arg0, %c0_i32, %c0_i32_0 : i32, i32, i32
  }
  func.func @transform_2(%arg0: i32) -> (i32, i32) {
    %c0_i32 = arith.constant 0 : i32
    %c0_i32_0 = arith.constant 0 : i32
    return %arg0, %c0_i32 : i32, i32
  }
  func.func @transform_3(%arg0: i32) -> (i32, i32) {
    %c0_i32 = arith.constant 0 : i32
    %c0_i32_0 = arith.constant 0 : i32
    %c0_i32_1 = arith.constant 0 : i32
    return %c0_i32, %c0_i32_0 : i32, i32
  }
  func.func @transform_4(%arg0: i32) -> (i32, i32) {
    %c0_i32 = arith.constant 0 : i32
    %c0_i32_0 = arith.constant 0 : i32
    %c0_i32_1 = arith.constant 0 : i32
    return %c0_i32, %c0_i32_0 : i32, i32
  }
  func.func @transform_5(%arg0: i32) -> (i32, i32) {
    %c0_i32 = arith.constant 0 : i32
    %c0_i32_0 = arith.constant 0 : i32
    %c0_i32_1 = arith.constant 0 : i32
    return %c0_i32, %c0_i32_0 : i32, i32
  }
  func.func @transform_6(%arg0: i32) -> (i32, i32) {
    %c0_i32 = arith.constant 0 : i32
    %c0_i32_0 = arith.constant 0 : i32
    %c0_i32_1 = arith.constant 0 : i32
    return %c0_i32, %c0_i32_0 : i32, i32
  }
  func.func @transform_7(%arg0: i32) -> (i32, i32) {
    %add3A = arith.constant 10 : i32
    %add3A_0 = arith.addi %add3A, %arg0 : i32
    %c0_i32 = arith.constant 0 : i32
    %c0_i32_1 = arith.constant 0 : i32
    return %add3A_0, %c0_i32 : i32, i32
  }
}

module attributes {stable_mosaic.version = 14 : i64} {
  func.func @_lambda_(%arg0: i32, %arg1: memref<16384x512xf32, #tpu.memory_space<any>>, %arg2: memref<1024x8x128xf32, #tpu.memory_space<vmem>>, %arg3: memref<1024x512xf32, #tpu.memory_space<vmem>>, %arg4: memref<1536x1024xbf16, #tpu.memory_space<vmem>>, %arg5: memref<1536x512xbf16, #tpu.memory_space<vmem>>, %arg6: memref<1x1536xf32, #tpu.memory_space<vmem>>, %arg7: memref<1x1536xf32, #tpu.memory_space<vmem>>, %arg8: memref<1024x512xf32, #tpu.memory_space<vmem>>) attributes {dimension_semantics = [#tpu.dimension_semantics<parallel>], iteration_bounds = array<i64: 2>, scalar_prefetch = 0 : i64, scratch_operands = 0 : i64, tpu.core_type = #tpu.core_type<tc>, window_params = [{}, {transform_indices = @transform_1, window_bounds = array<i64: 1024, 8, 128>}, {transform_indices = @transform_2, window_bounds = array<i64: 1024, 512>}, {pipeline_mode = #tpu.pipeline_mode<synchronous>, transform_indices = @transform_3, window_bounds = array<i64: 1536, 1024>}, {pipeline_mode = #tpu.pipeline_mode<synchronous>, transform_indices = @transform_4, window_bounds = array<i64: 1536, 512>}, {pipeline_mode = #tpu.pipeline_mode<synchronous>, transform_indices = @transform_5, window_bounds = array<i64: 1, 1536>}, {pipeline_mode = #tpu.pipeline_mode<synchronous>, transform_indices = @transform_6, window_bounds = array<i64: 1, 1536>}, {transform_indices = @transform_7, window_bounds = array<i64: 1024, 512>}]} {
    %get3A = arith.constant 0 : index
    %get3A_0 = arith.constant 0 : index
    %get3A_1 = vector.load %arg3[%get3A, %get3A_0] : memref<1024x512xf32, #tpu.memory_space<vmem>>, vector<1024x512xf32>
    %get3A_2 = arith.constant 0 : index
    %get3A_3 = arith.constant 0 : index
    %get3A_4 = arith.constant 0 : index
    %get3A_5 = vector.load %arg2[%get3A_2, %get3A_3, %get3A_4] : memref<1024x8x128xf32, #tpu.memory_space<vmem>>, vector<1024x8x128xf32>
    %reshape3A = vector.shape_cast %get3A_5 : vector<1024x8x128xf32> to vector<1024x1024xf32>
    %convert_element_type3A = arith.truncf %reshape3A : vector<1024x1024xf32> to vector<1024x1024xbf16>
    %get3A_6 = arith.constant 0 : index
    %get3A_7 = arith.constant 0 : index
    %get3A_8 = vector.load %arg4[%get3A_6, %get3A_7] : memref<1536x1024xbf16, #tpu.memory_space<vmem>>, vector<1536x1024xbf16>
    %dot_general3A = arith.constant dense<0.000000e+00> : vector<1024x1536xf32>
    %dot_general3A_9 = tpu.matmul %convert_element_type3A, %get3A_8, %dot_general3A {dimension_numbers = #tpu.dot_dimension_numbers<[1], [1], [0], [0], [0, 0, 1, 0], [], []>, transpose_lhs_hint = false} : vector<1024x1024xbf16>, vector<1536x1024xbf16>, vector<1024x1536xf32> -> vector<1024x1536xf32>
    %get3A_10 = arith.constant 0 : index
    %get3A_11 = arith.constant 0 : index
    %get3A_12 = vector.load %arg6[%get3A_10, %get3A_11] : memref<1x1536xf32, #tpu.memory_space<vmem>>, vector<1x1536xf32>
    %add3A = vector.broadcast %get3A_12 : vector<1x1536xf32> to vector<1024x1536xf32>
    %add3A_13 = arith.addf %dot_general3A_9, %add3A : vector<1024x1536xf32>
    %convert_element_type3A_14 = arith.truncf %get3A_1 : vector<1024x512xf32> to vector<1024x512xbf16>
    %get3A_15 = arith.constant 0 : index
    %get3A_16 = arith.constant 0 : index
    %get3A_17 = vector.load %arg5[%get3A_15, %get3A_16] : memref<1536x512xbf16, #tpu.memory_space<vmem>>, vector<1536x512xbf16>
    %dot_general3A_18 = arith.constant dense<0.000000e+00> : vector<1024x1536xf32>
    %dot_general3A_19 = tpu.matmul %convert_element_type3A_14, %get3A_17, %dot_general3A_18 {dimension_numbers = #tpu.dot_dimension_numbers<[1], [1], [0], [0], [0, 0, 1, 0], [], []>, transpose_lhs_hint = false} : vector<1024x512xbf16>, vector<1536x512xbf16>, vector<1024x1536xf32> -> vector<1024x1536xf32>
    %get3A_20 = arith.constant 0 : index
    %get3A_21 = arith.constant 0 : index
    %get3A_22 = vector.load %arg7[%get3A_20, %get3A_21] : memref<1x1536xf32, #tpu.memory_space<vmem>>, vector<1x1536xf32>
    %add3A_23 = vector.broadcast %get3A_22 : vector<1x1536xf32> to vector<1024x1536xf32>
    %add3A_24 = arith.addf %dot_general3A_19, %add3A_23 : vector<1024x1536xf32>
    %slice3A = vector.extract_strided_slice %add3A_13 {offsets = [0, 0], sizes = [1024, 512], strides = [1, 1]} : vector<1024x1536xf32> to vector<1024x512xf32>
    %slice3A_25 = vector.extract_strided_slice %add3A_24 {offsets = [0, 0], sizes = [1024, 512], strides = [1, 1]} : vector<1024x1536xf32> to vector<1024x512xf32>
    %add3A_26 = arith.addf %slice3A, %slice3A_25 : vector<1024x512xf32>
    %logistic3A = arith.negf %add3A_26 : vector<1024x512xf32>
    %logistic3A_27 = math.exp %logistic3A : vector<1024x512xf32>
    %logistic3A_28 = arith.constant 1.000000e+00 : f32
    %logistic3A_29 = vector.broadcast %logistic3A_28 : f32 to vector<1024x512xf32>
    %logistic3A_30 = arith.addf %logistic3A_29, %logistic3A_27 : vector<1024x512xf32>
    %logistic3A_31 = arith.divf %logistic3A_29, %logistic3A_30 : vector<1024x512xf32>
    %slice3A_32 = vector.extract_strided_slice %add3A_13 {offsets = [0, 512], sizes = [1024, 512], strides = [1, 1]} : vector<1024x1536xf32> to vector<1024x512xf32>
    %slice3A_33 = vector.extract_strided_slice %add3A_24 {offsets = [0, 512], sizes = [1024, 512], strides = [1, 1]} : vector<1024x1536xf32> to vector<1024x512xf32>
    %add3A_34 = arith.addf %slice3A_32, %slice3A_33 : vector<1024x512xf32>
    %logistic3A_35 = arith.negf %add3A_34 : vector<1024x512xf32>
    %logistic3A_36 = math.exp %logistic3A_35 : vector<1024x512xf32>
    %logistic3A_37 = arith.constant 1.000000e+00 : f32
    %logistic3A_38 = vector.broadcast %logistic3A_37 : f32 to vector<1024x512xf32>
    %logistic3A_39 = arith.addf %logistic3A_38, %logistic3A_36 : vector<1024x512xf32>
    %logistic3A_40 = arith.divf %logistic3A_38, %logistic3A_39 : vector<1024x512xf32>
    %slice3A_41 = vector.extract_strided_slice %add3A_13 {offsets = [0, 1024], sizes = [1024, 512], strides = [1, 1]} : vector<1024x1536xf32> to vector<1024x512xf32>
    %slice3A_42 = vector.extract_strided_slice %add3A_24 {offsets = [0, 1024], sizes = [1024, 512], strides = [1, 1]} : vector<1024x1536xf32> to vector<1024x512xf32>
    %mul3A = arith.mulf %logistic3A_31, %slice3A_42 : vector<1024x512xf32>
    %add3A_43 = arith.addf %slice3A_41, %mul3A : vector<1024x512xf32>
    %tanh3A = math.tanh %add3A_43 : vector<1024x512xf32>
    %sub3A = arith.constant 1.000000e+00 : f32
    %sub3A_44 = vector.broadcast %sub3A : f32 to vector<1024x512xf32>
    %sub3A_45 = arith.subf %sub3A_44, %logistic3A_40 : vector<1024x512xf32>
    %mul3A_46 = arith.mulf %sub3A_45, %tanh3A : vector<1024x512xf32>
    %mul3A_47 = arith.mulf %logistic3A_40, %get3A_1 : vector<1024x512xf32>
    %add3A_48 = arith.addf %mul3A_46, %mul3A_47 : vector<1024x512xf32>
    %swap3A = arith.constant 0 : index
    %swap3A_49 = arith.constant 0 : index
    %swap3A_50 = vector.load %arg8[%swap3A, %swap3A_49] : memref<1024x512xf32, #tpu.memory_space<vmem>>, vector<1024x512xf32>
    tpu.vector_store %arg8[%swap3A, %swap3A_49], %add3A_48 {strides = array<i32>} : memref<1024x512xf32, #tpu.memory_space<vmem>>, vector<1024x512xf32>,
    return
  }
  func.func @transform_1(%arg0: i32) -> (i32, i32, i32) {
    %c0_i32 = arith.constant 0 : i32
    %c0_i32_0 = arith.constant 0 : i32
    %c0_i32_1 = arith.constant 0 : i32
    return %arg0, %c0_i32, %c0_i32_0 : i32, i32, i32
  }
  func.func @transform_2(%arg0: i32) -> (i32, i32) {
    %c0_i32 = arith.constant 0 : i32
    %c0_i32_0 = arith.constant 0 : i32
    return %arg0, %c0_i32 : i32, i32
  }
  func.func @transform_3(%arg0: i32) -> (i32, i32) {
    %c0_i32 = arith.constant 0 : i32
    %c0_i32_0 = arith.constant 0 : i32
    %c0_i32_1 = arith.constant 0 : i32
    return %c0_i32, %c0_i32_0 : i32, i32
  }
  func.func @transform_4(%arg0: i32) -> (i32, i32) {
    %c0_i32 = arith.constant 0 : i32
    %c0_i32_0 = arith.constant 0 : i32
    %c0_i32_1 = arith.constant 0 : i32
    return %c0_i32, %c0_i32_0 : i32, i32
  }
  func.func @transform_5(%arg0: i32) -> (i32, i32) {
    %c0_i32 = arith.constant 0 : i32
    %c0_i32_0 = arith.constant 0 : i32
    %c0_i32_1 = arith.constant 0 : i32
    return %c0_i32, %c0_i32_0 : i32, i32
  }
  func.func @transform_6(%arg0: i32) -> (i32, i32) {
    %c0_i32 = arith.constant 0 : i32
    %c0_i32_0 = arith.constant 0 : i32
    %c0_i32_1 = arith.constant 0 : i32
    return %c0_i32, %c0_i32_0 : i32, i32
  }
  func.func @transform_7(%arg0: i32) -> (i32, i32) {
    %add3A = arith.constant 12 : i32
    %add3A_0 = arith.addi %add3A, %arg0 : i32
    %c0_i32 = arith.constant 0 : i32
    %c0_i32_1 = arith.constant 0 : i32
    return %add3A_0, %c0_i32 : i32, i32
  }
}

module attributes {stable_mosaic.version = 14 : i64} {
  func.func @_lambda_(%arg0: i32, %arg1: memref<16384x512xf32, #tpu.memory_space<any>>, %arg2: memref<1024x8x128xf32, #tpu.memory_space<vmem>>, %arg3: memref<1024x512xf32, #tpu.memory_space<vmem>>, %arg4: memref<1536x1024xbf16, #tpu.memory_space<vmem>>, %arg5: memref<1536x512xbf16, #tpu.memory_space<vmem>>, %arg6: memref<1x1536xf32, #tpu.memory_space<vmem>>, %arg7: memref<1x1536xf32, #tpu.memory_space<vmem>>, %arg8: memref<1024x512xf32, #tpu.memory_space<vmem>>) attributes {dimension_semantics = [#tpu.dimension_semantics<parallel>], iteration_bounds = array<i64: 2>, scalar_prefetch = 0 : i64, scratch_operands = 0 : i64, tpu.core_type = #tpu.core_type<tc>, window_params = [{}, {transform_indices = @transform_1, window_bounds = array<i64: 1024, 8, 128>}, {transform_indices = @transform_2, window_bounds = array<i64: 1024, 512>}, {pipeline_mode = #tpu.pipeline_mode<synchronous>, transform_indices = @transform_3, window_bounds = array<i64: 1536, 1024>}, {pipeline_mode = #tpu.pipeline_mode<synchronous>, transform_indices = @transform_4, window_bounds = array<i64: 1536, 512>}, {pipeline_mode = #tpu.pipeline_mode<synchronous>, transform_indices = @transform_5, window_bounds = array<i64: 1, 1536>}, {pipeline_mode = #tpu.pipeline_mode<synchronous>, transform_indices = @transform_6, window_bounds = array<i64: 1, 1536>}, {transform_indices = @transform_7, window_bounds = array<i64: 1024, 512>}]} {
    %get3A = arith.constant 0 : index
    %get3A_0 = arith.constant 0 : index
    %get3A_1 = vector.load %arg3[%get3A, %get3A_0] : memref<1024x512xf32, #tpu.memory_space<vmem>>, vector<1024x512xf32>
    %get3A_2 = arith.constant 0 : index
    %get3A_3 = arith.constant 0 : index
    %get3A_4 = arith.constant 0 : index
    %get3A_5 = vector.load %arg2[%get3A_2, %get3A_3, %get3A_4] : memref<1024x8x128xf32, #tpu.memory_space<vmem>>, vector<1024x8x128xf32>
    %reshape3A = vector.shape_cast %get3A_5 : vector<1024x8x128xf32> to vector<1024x1024xf32>
    %convert_element_type3A = arith.truncf %reshape3A : vector<1024x1024xf32> to vector<1024x1024xbf16>
    %get3A_6 = arith.constant 0 : index
    %get3A_7 = arith.constant 0 : index
    %get3A_8 = vector.load %arg4[%get3A_6, %get3A_7] : memref<1536x1024xbf16, #tpu.memory_space<vmem>>, vector<1536x1024xbf16>
    %dot_general3A = arith.constant dense<0.000000e+00> : vector<1024x1536xf32>
    %dot_general3A_9 = tpu.matmul %convert_element_type3A, %get3A_8, %dot_general3A {dimension_numbers = #tpu.dot_dimension_numbers<[1], [1], [0], [0], [0, 0, 1, 0], [], []>, transpose_lhs_hint = false} : vector<1024x1024xbf16>, vector<1536x1024xbf16>, vector<1024x1536xf32> -> vector<1024x1536xf32>
    %get3A_10 = arith.constant 0 : index
    %get3A_11 = arith.constant 0 : index
    %get3A_12 = vector.load %arg6[%get3A_10, %get3A_11] : memref<1x1536xf32, #tpu.memory_space<vmem>>, vector<1x1536xf32>
    %add3A = vector.broadcast %get3A_12 : vector<1x1536xf32> to vector<1024x1536xf32>
    %add3A_13 = arith.addf %dot_general3A_9, %add3A : vector<1024x1536xf32>
    %convert_element_type3A_14 = arith.truncf %get3A_1 : vector<1024x512xf32> to vector<1024x512xbf16>
    %get3A_15 = arith.constant 0 : index
    %get3A_16 = arith.constant 0 : index
    %get3A_17 = vector.load %arg5[%get3A_15, %get3A_16] : memref<1536x512xbf16, #tpu.memory_space<vmem>>, vector<1536x512xbf16>
    %dot_general3A_18 = arith.constant dense<0.000000e+00> : vector<1024x1536xf32>
    %dot_general3A_19 = tpu.matmul %convert_element_type3A_14, %get3A_17, %dot_general3A_18 {dimension_numbers = #tpu.dot_dimension_numbers<[1], [1], [0], [0], [0, 0, 1, 0], [], []>, transpose_lhs_hint = false} : vector<1024x512xbf16>, vector<1536x512xbf16>, vector<1024x1536xf32> -> vector<1024x1536xf32>
    %get3A_20 = arith.constant 0 : index
    %get3A_21 = arith.constant 0 : index
    %get3A_22 = vector.load %arg7[%get3A_20, %get3A_21] : memref<1x1536xf32, #tpu.memory_space<vmem>>, vector<1x1536xf32>
    %add3A_23 = vector.broadcast %get3A_22 : vector<1x1536xf32> to vector<1024x1536xf32>
    %add3A_24 = arith.addf %dot_general3A_19, %add3A_23 : vector<1024x1536xf32>
    %slice3A = vector.extract_strided_slice %add3A_13 {offsets = [0, 0], sizes = [1024, 512], strides = [1, 1]} : vector<1024x1536xf32> to vector<1024x512xf32>
    %slice3A_25 = vector.extract_strided_slice %add3A_24 {offsets = [0, 0], sizes = [1024, 512], strides = [1, 1]} : vector<1024x1536xf32> to vector<1024x512xf32>
    %add3A_26 = arith.addf %slice3A, %slice3A_25 : vector<1024x512xf32>
    %logistic3A = arith.negf %add3A_26 : vector<1024x512xf32>
    %logistic3A_27 = math.exp %logistic3A : vector<1024x512xf32>
    %logistic3A_28 = arith.constant 1.000000e+00 : f32
    %logistic3A_29 = vector.broadcast %logistic3A_28 : f32 to vector<1024x512xf32>
    %logistic3A_30 = arith.addf %logistic3A_29, %logistic3A_27 : vector<1024x512xf32>
    %logistic3A_31 = arith.divf %logistic3A_29, %logistic3A_30 : vector<1024x512xf32>
    %slice3A_32 = vector.extract_strided_slice %add3A_13 {offsets = [0, 512], sizes = [1024, 512], strides = [1, 1]} : vector<1024x1536xf32> to vector<1024x512xf32>
    %slice3A_33 = vector.extract_strided_slice %add3A_24 {offsets = [0, 512], sizes = [1024, 512], strides = [1, 1]} : vector<1024x1536xf32> to vector<1024x512xf32>
    %add3A_34 = arith.addf %slice3A_32, %slice3A_33 : vector<1024x512xf32>
    %logistic3A_35 = arith.negf %add3A_34 : vector<1024x512xf32>
    %logistic3A_36 = math.exp %logistic3A_35 : vector<1024x512xf32>
    %logistic3A_37 = arith.constant 1.000000e+00 : f32
    %logistic3A_38 = vector.broadcast %logistic3A_37 : f32 to vector<1024x512xf32>
    %logistic3A_39 = arith.addf %logistic3A_38, %logistic3A_36 : vector<1024x512xf32>
    %logistic3A_40 = arith.divf %logistic3A_38, %logistic3A_39 : vector<1024x512xf32>
    %slice3A_41 = vector.extract_strided_slice %add3A_13 {offsets = [0, 1024], sizes = [1024, 512], strides = [1, 1]} : vector<1024x1536xf32> to vector<1024x512xf32>
    %slice3A_42 = vector.extract_strided_slice %add3A_24 {offsets = [0, 1024], sizes = [1024, 512], strides = [1, 1]} : vector<1024x1536xf32> to vector<1024x512xf32>
    %mul3A = arith.mulf %logistic3A_31, %slice3A_42 : vector<1024x512xf32>
    %add3A_43 = arith.addf %slice3A_41, %mul3A : vector<1024x512xf32>
    %tanh3A = math.tanh %add3A_43 : vector<1024x512xf32>
    %sub3A = arith.constant 1.000000e+00 : f32
    %sub3A_44 = vector.broadcast %sub3A : f32 to vector<1024x512xf32>
    %sub3A_45 = arith.subf %sub3A_44, %logistic3A_40 : vector<1024x512xf32>
    %mul3A_46 = arith.mulf %sub3A_45, %tanh3A : vector<1024x512xf32>
    %mul3A_47 = arith.mulf %logistic3A_40, %get3A_1 : vector<1024x512xf32>
    %add3A_48 = arith.addf %mul3A_46, %mul3A_47 : vector<1024x512xf32>
    %swap3A = arith.constant 0 : index
    %swap3A_49 = arith.constant 0 : index
    %swap3A_50 = vector.load %arg8[%swap3A, %swap3A_49] : memref<1024x512xf32, #tpu.memory_space<vmem>>, vector<1024x512xf32>
    tpu.vector_store %arg8[%swap3A, %swap3A_49], %add3A_48 {strides = array<i32>} : memref<1024x512xf32, #tpu.memory_space<vmem>>, vector<1024x512xf32>,
    return
  }
  func.func @transform_1(%arg0: i32) -> (i32, i32, i32) {
    %c0_i32 = arith.constant 0 : i32
    %c0_i32_0 = arith.constant 0 : i32
    %c0_i32_1 = arith.constant 0 : i32
    return %arg0, %c0_i32, %c0_i32_0 : i32, i32, i32
  }
  func.func @transform_2(%arg0: i32) -> (i32, i32) {
    %c0_i32 = arith.constant 0 : i32
    %c0_i32_0 = arith.constant 0 : i32
    return %arg0, %c0_i32 : i32, i32
  }
  func.func @transform_3(%arg0: i32) -> (i32, i32) {
    %c0_i32 = arith.constant 0 : i32
    %c0_i32_0 = arith.constant 0 : i32
    %c0_i32_1 = arith.constant 0 : i32
    return %c0_i32, %c0_i32_0 : i32, i32
  }
  func.func @transform_4(%arg0: i32) -> (i32, i32) {
    %c0_i32 = arith.constant 0 : i32
    %c0_i32_0 = arith.constant 0 : i32
    %c0_i32_1 = arith.constant 0 : i32
    return %c0_i32, %c0_i32_0 : i32, i32
  }
  func.func @transform_5(%arg0: i32) -> (i32, i32) {
    %c0_i32 = arith.constant 0 : i32
    %c0_i32_0 = arith.constant 0 : i32
    %c0_i32_1 = arith.constant 0 : i32
    return %c0_i32, %c0_i32_0 : i32, i32
  }
  func.func @transform_6(%arg0: i32) -> (i32, i32) {
    %c0_i32 = arith.constant 0 : i32
    %c0_i32_0 = arith.constant 0 : i32
    %c0_i32_1 = arith.constant 0 : i32
    return %c0_i32, %c0_i32_0 : i32, i32
  }
  func.func @transform_7(%arg0: i32) -> (i32, i32) {
    %add3A = arith.constant 14 : i32
    %add3A_0 = arith.addi %add3A, %arg0 : i32
    %c0_i32 = arith.constant 0 : i32
    %c0_i32_1 = arith.constant 0 : i32
    return %add3A_0, %c0_i32 : i32, i32
  }
}

</mosaic_0001>

<sc_bundles>
// kernel: kernel.18.cloned.1.call-start
scs
__scs_entry_jumppad:
0x0: {  	(pc) =	sbr.rel $0x88, $3  }
0x1: {  	(tag) =	ssettag $0x0;
	lr =	simm.s32 $0x1  }
0x2: {  	[smem:$0x3F99] =	sst lr;
	_ =	strace $0xD0000000  }
0x3: {  	_ = 	snop  }
0x4: {  	_ = 	snop  }
0x5: {  	_ = 	snop  }
0x6: {  	_ = 	snop  }
0x7: {  	_ = 	snop  }
__scs_overlays_trampoline_lowered:
0x8: {  	[smem:$0x3FA8] =	sst s0  }
0x9: {  	[smem:$0x3FA9] =	sst s1  }
0xa: {  	[smem:$0x3FAA] =	sst s2  }
0xb: {  	[smem:$0x3FAB] =	sst s3  }
0xc: {  	[smem:$0x3FAC] =	sst s4  }
0xd: {  	[smem:$0x3FAD] =	sst s5  }
0xe: {  	[smem:$0x3FAE] =	sst s6  }
0xf: {  	[smem:$0x3FAF] =	sst s7  }
0x10: {  	[smem:$0x3FB0] =	sst s8  }
0x11: {  	[smem:$0x3FB1] =	sst s9;
	s0 =	simm.s32 @!p0 $0x0  }
0x12: {  	s1 =	sld [smem:$0x3F97];
	s0 =	simm.s32 @p0 $0x1  }
0x13: {  	[smem:$0x3FB2] =	sst s0;
	s0 =	simm.s32 @!p1 $0x0  }
0x14: {  	s2 =	sld [smem:$0x3F96];
	s0 =	simm.s32 @p1 $0x1  }
0x15: {  	[smem:$0x3FB3] =	sst s0;
	s0 =	simm.s32 @!p2 $0x0  }
0x16: {  	s3 =	sld [smem:$0x3FDB];
	s0 =	simm.s32 @p2 $0x1  }
0x17: {  	s4 =	simm.s32 $0x1BF5;
	[smem:$0x3FB5] =	sst s0  }
0x18: {  	s0 =	sld [smem:$0x3F98];
	_ =	swait.ge [sflag:s4], $0x0  }
0x19: {  	s7 =	sld [smem:$0x3F99]  }
0x1a: {  	s8 =	sadd.s32 $0xFFFFE003, lr  }
0x1b: {  	s9 =	sadd.s32 $0xFFFFFEF7, lr;
	s5 =	simm.s32 $0xFFFFFFFF;
	p2 =	slt.u32 s8, $0xFFFFF086  }
0x1c: {  	p1 =	slt.u32 s9, $0xF7A;
	s5 =	simm.s32 @!p2 $0x0  }
0x1d: {  	s5 =	simm.s32 @p1 $0x1;
	p0 =	seq.s32 s7, s2  }
0x1e: {  	s7 =	smul.u32 @!p0 $0xF7A, s2;
	p2 =	seq.s32 @!p0 s5, $0x0  }
0x1f: {  	s9 =	smul.u32 $0xF7A, s1;
	s8 =	simm.s32 @!p0 $0x1BF5;
	p2 =	por !p2, p0  }
0x20: {  	[sflag:s8] =	ssyncset.s32 @!p0 $0xFFFFF086;
	s6 =	sadd.s32 @!p0 s3, s7;
	s7 =	simm.s32 @!p0 $0x108  }
0x21: {  	s3 =	sadd.s32 s3, s9;
	s6 =	sadd.s32 @!p0 $0x88, s6;
	s7 =	simm.s32 @p2 $0x1082  }
0x22: {  	[simem:s7], [sflag:s8] =	dma.local @!p0 [hbm:s6], $0xF7A  }
0x23: {  	s9 =	sor.u32 $0xD0000000, s2;
	s6 =	simm.s32 $0x108;
	_ =	swait.ge @!p0 [sflag:s8], $0x0  }
0x24: {  	s3 =	sadd.s32 $0x88, s3;
	s6 =	simm.s32 @!p1 $0x1082;
	[sflag:s4] =	ssyncset.s32 $0xFFFFF086  }
0x25: {  	[simem:s6], [sflag:s4] =	dma.local [hbm:s3], $0xF7A  }
0x26: {  	[smem:$0x3F99] =	sst s1;
	(tag) =	ssettag s2;
	_ =	strace s9  }
0x27: {  	s1 =	sld [smem:$0x3FA9]  }
0x28: {  	s2 =	sld [smem:$0x3FAA]  }
0x29: {  	s4 =	sld [smem:$0x3FAC]  }
0x2a: {  	p0 =	seq.s32 s5, $0x0;
	s5 =	sld [smem:$0x3FAD]  }
0x2b: {  	s6 =	sld [smem:$0x3FAE]  }
0x2c: {  	s7 =	sld [smem:$0x3FAF]  }
0x2d: {  	s3 =	simm.s32 $0x108;
	s8 =	sld [smem:$0x3FB0]  }
0x2e: {  	s3 =	simm.s32 @!p0 $0x1082;
	s9 =	sld [smem:$0x3FB1]  }
0x2f: {  	lr =	sadd.s32 s0, s3;
	s0 =	sld [smem:$0x3FA8]  }
0x30: {  	s3 =	sld [smem:$0x3FAB]  }
0x31: {  	[smem:$0x3FB4] =	sst s10  }
0x32: {  	s10 =	sld [smem:$0x3FB2];
	_ =	sdelay $0x3  }
0x33: {  	p0 =	seq.s32 s10, $0x1;
	s10 =	sld [smem:$0x3FB4];
	_ =	sdelay $0x3  }
0x34: {  	[smem:$0x3FB4] =	sst s10  }
0x35: {  	s10 =	sld [smem:$0x3FB3];
	_ =	sdelay $0x3  }
0x36: {  	p1 =	seq.s32 s10, $0x1;
	s10 =	sld [smem:$0x3FB4];
	_ =	sdelay $0x3  }
0x37: {  	[smem:$0x3FB4] =	sst s10  }
0x38: {  	s10 =	sld [smem:$0x3FB5]  }
0x39: {  	_ = 	snop;
	(pc) =	sbr.ind lr, $3  }
0x3a: {  	_ = 	snop  }
0x3b: {  	_ = 	snop  }
0x3c: {  	p2 =	seq.s32 s10, $0x1;
	s10 =	sld [smem:$0x3FB4]  }
0x3d: {  	_ =	shalt  }
0x3e: {  	_ =	shalt  }
0x3f: {  	_ =	shalt  }
0x40: {  	_ =	shalt  }
0x41: {  	_ =	shalt  }
0x42: {  	_ =	shalt  }
0x43: {  	_ =	shalt  }
0x44: {  	_ =	shalt  }
0x45: {  	_ =	shalt  }
0x46: {  	_ =	shalt  }
0x47: {  	_ =	shalt  }
0x48: {  	_ =	shalt  }
0x49: {  	_ =	shalt  }
0x4a: {  	_ =	shalt  }
0x4b: {  	_ =	shalt  }
0x4c: {  	_ =	shalt  }
0x4d: {  	_ =	shalt  }
0x4e: {  	_ =	shalt  }
0x4f: {  	_ =	shalt  }
0x50: {  	_ =	shalt  }
0x51: {  	_ =	shalt  }
0x52: {  	_ =	shalt  }
0x53: {  	_ =	shalt  }
0x54: {  	_ =	shalt  }
0x55: {  	_ =	shalt  }
0x56: {  	_ =	shalt  }
0x57: {  	_ =	shalt  }
0x58: {  	_ =	shalt  }
0x59: {  	_ =	shalt  }
0x5a: {  	_ =	shalt  }
0x5b: {  	_ =	shalt  }
0x5c: {  	_ =	shalt  }
0x5d: {  	_ =	shalt  }
0x5e: {  	_ =	shalt  }
0x5f: {  	_ =	shalt  }
0x60: {  	_ =	shalt  }
0x61: {  	_ =	shalt  }
0x62: {  	_ =	shalt  }
0x63: {  	_ =	shalt  }
0x64: {  	_ =	shalt  }
0x65: {  	_ =	shalt  }
0x66: {  	_ =	shalt  }
0x67: {  	_ =	shalt  }
0x68: {  	_ =	shalt  }
0x69: {  	_ =	shalt  }
0x6a: {  	_ =	shalt  }
0x6b: {  	_ =	shalt  }
0x6c: {  	_ =	shalt  }
0x6d: {  	_ =	shalt  }
0x6e: {  	_ =	shalt  }
0x6f: {  	_ =	shalt  }
0x70: {  	_ =	shalt  }
0x71: {  	_ =	shalt  }
0x72: {  	_ =	shalt  }
0x73: {  	_ =	shalt  }
0x74: {  	_ =	shalt  }
0x75: {  	_ =	shalt  }
0x76: {  	_ =	shalt  }
0x77: {  	_ =	shalt  }
0x78: {  	_ =	shalt  }
0x79: {  	_ =	shalt  }
0x7a: {  	_ =	shalt  }
0x7b: {  	_ =	shalt  }
0x7c: {  	_ =	shalt  }
0x7d: {  	_ =	shalt  }
0x7e: {  	_ =	shalt  }
0x7f: {  	_ =	shalt  }
0x80: {  	_ =	shalt  }
0x81: {  	_ =	shalt  }
0x82: {  	_ =	shalt  }
0x83: {  	_ =	shalt  }
0x84: {  	_ =	shalt  }
0x85: {  	_ =	shalt  }
0x86: {  	_ =	shalt  }
0x87: {  	_ =	shalt  }
.Lfunc_end0:
.L_simem_size_0:
called_computation_lowered:
.L_overlay_start_0:
0x88: {  	s2 =	sld [smem:$0x3FD9]  }
0x89: {  	s3 =	sld [smem:$0x3FFE];
	_ =	sdelay $0x1  }
0x8a: {  	s1 =	srdreg.scid  }
0x8b: {  	s0 =	sand.u32 $0x1, s1  }
0x8c: {  	s15 =	sshll.u32 s0, $0xA;
	s2 =	sadd.s32 s3, s2  }
0x8d: {  	s2 =	sadd.s32 s2, s15  }
0x8e: {  	[smem:$0x3FC0] =	sst s2  }
0x8f: {  	_ = 	snop  }
0x90: {  	s2 =	sld [smem:$0x3FD0]  }
0x91: {  	s16 =	sld [smem:$0x3FC8]  }
0x92: {  	s4 =	sld [smem:$0x3FC7]  }
0x93: {  	s6 =	simm.s32 $0x11;
	s7 =	simm.s32 $0x10;
	s5 =	sld [smem:$0x3FC6]  }
0x94: {  	[smem:s7], [sflag:s6] =	dma.local [hbm:s2], $0x1  }
0x95: {  	_ =	swait.eq [sflag:s6], $0x1  }
0x96: {  	[sflag:s6] =	ssyncset.done $0x0  }
0x97: {  	[sflag:s6] =	ssyncadd.s32 $0xFFFFFFFF  }
0x98: {  	s17 =	sld [smem:$0x10]  }
0x99: {  	s6 =	sld [smem:$0x11];
	(tm) =	ssettm $0x1  }
0x9a: {  	s18 =	sld [smem:$0x3FFB];
	_ =	sdelay $0x3  }
0x9b: {  	_ =	strace s18  }
0x9c: {  	s7 =	sld [smem:$0x3FFC];
	_ =	sdelay $0x3  }
0x9d: {  	_ =	strace s7  }
0x9e: {  	s7 =	sld [smem:$0x3FFD];
	_ =	sdelay $0x3  }
0x9f: {  	_ =	strace s7  }
0xa0: {  	_ =	strace $0x8FFFFFFF  }
0xa1: {  	s19 =	sld [smem:$0x3FDB];
	_ =	sdelay $0x1  }
0xa2: {  	s8 =	simm.s32 $_scs_section_size  }
0xa3: {  	s9 =	simm.s32 $_size__tile_overlayer_lowered;
	s10 =	simm.s32 $_tile_overlayer_lowered  }
0xa4: {  	s22 =	simm.s32 $0x1BFF;
	s21 =	sshll.u32 s10, $0x1;
	s7 =	sadd.s32 s8, s19  }
0xa5: {  	s11 =	simm.s32 $0x0;
	s20 =	sshll.u32 s9, $0x1;
	s9 =	sadd.s32 s21, s7  }
0xa6: {  	[timem:s11], [sflag:s22] =	dma.local [hbm:s9], s20  }
0xa7: {  	_ =	swait.ge [sflag:s22], s20  }
0xa8: {  	s8 =	ssub.s32 $0x0, s20;
	[sflag:s22] =	ssyncset.done $0x0  }
0xa9: {  	[sflag:s22] =	ssyncadd.s32 s8;
	_ =	sdelay $0x1  }
0xaa: {  	s23 =	simm.s32 $0x1B8B  }
0xab: {  	_ =	swait.ge [sflag:s23], $0x1  }
0xac: {  	[sflag:s23] =	ssyncset.done $0x0  }
0xad: {  	s25 =	simm.s32 $0x1B8E;
	s24 =	sld [smem:$0x3FFE];
	[sflag:s23] =	ssyncadd.s32 $0xFFFFFFFF  }
0xae: {  	s26 =	simm.s32 $execute0_lowered;
	[smem:$0x3FD2] =	sst s25  }
0xaf: {  	s9 =	sshll.u32 s26, $0x1;
	_ =	strace $0x80000046;
	[dreg:$0x1] =	wrdreg $0xFFFFFFFF  }
0xb0: {  	s28 =	simm.s32 $_size_execute0_lowered;
	s7 =	sadd.s32 s7, s9;
	[dreg:$0x0] =	wrdreg $0x0  }
0xb1: {  	s9 =	sshll.u32 s28, $0x1;
	[dreg:$0x2] =	wrdreg s7  }
0xb2: {  	[dreg:$0x3] =	wrdreg s9  }
0xb3: {  	[dreg:$0x4] =	wrdreg $0xC0  }
0xb4: {  	_ =	task [dreg:s11], $0x5FFFF  }
0xb5: {  	[dreg:$0x1] =	wrdreg $0xFFFFFFFF  }
0xb6: {  	[dreg:$0x0] =	wrdreg $0x60  }
0xb7: {  	[dreg:$0x2] =	wrdreg s6  }
0xb8: {  	[dreg:$0x3] =	wrdreg s4  }
0xb9: {  	[dreg:$0x4] =	wrdreg s16  }
0xba: {  	[dreg:$0x5] =	wrdreg s5  }
0xbb: {  	[dreg:$0x6] =	wrdreg s17  }
0xbc: {  	[dreg:$0x7] =	wrdreg s24  }
0xbd: {  	[dreg:$0x8] =	wrdreg $0x9  }
0xbe: {  	_ =	task.clear_ibuf [dreg:s11], $0x9FFFF;
	_ =	strace $0x90000046  }
0xbf: {  	s29 =	simm.s32 $0x9;
	_ =	strace $0x80000048  }
0xc0: {  	_ =	swait.ge [sflag:s29], $0x1  }
0xc1: {  	[sflag:s29] =	ssyncadd.s32 $0xFFFFFFFF  }
0xc2: {  	_ =	strace $0x90000048  }
0xc3: {  	_ =	sfence  }
0xc4: {  	s30 =	sld [smem:$0x0];
	_ =	sdelay $0x2  }
0xc5: {  	s31 =	sshll.u32 s1, $0xD;
	s1 =	sshrl.u32 s1, $0x2  }
0xc6: {  	s3 =	sand.u32 $0x4000, s31;
	s1 =	sadd.s32 s1, s30  }
0xc7: {  	s0 =	sor.u32 s3, s0;
	s1 =	sshll.u32 s1, $0x11  }
0xc8: {  	s0 =	sor.u32 s1, s0  }
0xc9: {  	s0 =	sadd.s32 $0x8F2B, s0  }
0xca: {  	[sflag:s0] =	ssyncadd.remote.s32 $0x1  }
0xcb: {  	_ =	sfence.sel $0xFFFF  }
0xcc: {  	[dreg:$0x0] =	wrdreg $0xFFFFFFFF;
	(pc) =	sbr.abs _section_cstart, $3  }
0xcd: {  	[dreg:$0x1] =	wrdreg $0xFFFFFFFF  }
0xce: {  	_ =	task.clear_ibuf [dreg:s11], $0x2FFFF;
	_ =	strace $0x9FFFFFFF  }
0xcf: {  	(tm) =	ssettm $0x7FFFFFFF  }
tec
execute0_lowered:
.L_overlay_start_1:
0x0: {  	(tag) =	ssettag $0x1  }
0x1: {  	s2 =	rddreg [dreg:$0x0]  }
0x2: {  	s0 =	rddreg [dreg:$0x1]  }
0x3: {  	s1 =	rddreg [dreg:$0x3]  }
0x4: {  	s5 =	rddreg [dreg:$0x4];
	s3 =	srdreg.scid  }
0x5: {  	s25 =	stileid.u32;
	s4 =	rddreg [dreg:$0x5]  }
0x6: {  	s12 =	simm.s32 $0x10080;
	s13 =	simm.s32 $0x10880;
	s14 =	simm.s32 $0x11080  }
0x7: {  	s15 =	simm.s32 $0x11880;
	s16 =	simm.s32 $0x12080;
	s17 =	simm.s32 $0x12880  }
0x8: {  	s18 =	simm.s32 $0x13080;
	s19 =	simm.s32 $0x13880;
	s20 =	simm.s32 $0x14080  }
0x9: {  	s21 =	simm.s32 $0x14880;
	s22 =	simm.s32 $0x15080;
	s23 =	simm.s32 $0x15880  }
0xa: {  	s24 =	simm.s32 $0x16080;
	s28 =	simm.s32 $0x17880;
	[dreg:$0x7] =	wrdreg s0  }
0xb: {  	s29 =	simm.s32 $0x18080;
	s30 =	simm.s32 $0x1;
	s0 =	rddreg [dreg:$0x2]  }
0xc: {  	s31 =	simm.s32 $0x2;
	[dreg:$0x8] =	wrdreg s1;
	s6 =	sand.u32 $0x1, s3  }
0xd: {  	s7 =	sshll.u32 s25, $0x1;
	s3 =	simm.s32 $0x0;
	s25 =	simm.s32 $0x16880  }
0xe: {  	s7 =	sor.u32 s6, s7;
	[smem:$0x7FF] =	sst s3;
	s6 =	ssub.s32 $0x2, s6  }
0xf: {  	s8 =	sshll.u32 s7, $0xC;
	_ =	strace $0x80000047;
	s9 =	sshll.u32 s7, $0x3  }
0x10: {  	s10 =	sshrl.u32 s6, $0x1;
	s11 =	sshll.u32 s7, $0x4;
	s26 =	sshll.u32 s7, $0xD  }
0x11: {  	s8 =	sadd.s32 s8, s4;
	s9 =	sadd.s32 s9, s4;
	s10 =	ssub.s32 s6, s10  }
0x12: {  	s2 =	sadd.s32 s2, s11;
	s4 =	sadd.s32 $0x100, s0;
	s5 =	sadd.s32 s5, s26  }
0x13: {  	v2 =	vlaneseq.u32;
	s11 =	simm.s32 $0x80;
	s26 =	simm.s32 $0x17080;
	[dreg:$0x9] =	wrdreg s2  }
0x14: {  	vm0 =	vmmov $0xffff;
	v1 =	vshrl.u32 v2, $0x3;
	s6 =	sadd.s32 $0x8200, s8;
	s7 =	sadd.s32 $0x8000, s9;
	s8 =	smax.u32 s10, $0x1  }
0x15: {  	v0 =	vand.u32 $0x7, v2;
	v2 =	vor.u32 $0x8, v2;
	v1 =	vmul.u32 $0x8, v1;
	s9 =	simm.s32 $0x4;
	s10 =	simm.s32 $0x40;
	s2 =	simm.s32 $0x3  }
.LBB2_1:
0x16: {  	s1 =	rddreg [dreg:$0x9]  }
0x17: {  	[tilespmem:s3], [sflag:$0x4] =	stream.linear.gather [hbm4b:s1+s3], $0x80, $0x38;
	[tilespmem:$0x18100] =	vst v63  }
0x18: {  	_ =	swait.ge [sflag:s9], $0x80  }
0x19: {  	[sflag:s9] =	ssyncset.done $0x0  }
0x1a: {  	s1 =	rddreg [dreg:$0x7];
	[sflag:s9] =	ssyncadd.s32 $0xFFFFFF80  }
0x1b: {  	[tilespmem:s11], [sflag:$0x1] =	stream.indirect.gather [hbm4b:s1+s10], $0x400, s3, s10, $0xb8;
	[tilespmem:$0x18100] =	vst v63  }
0x1c: {  	v3 =	vld [tilespmem:$0x0];
	_ =	sdelay $0x4  }
0x1d: {  	v4 =	vshll.u32 v3, $0x2  }
0x1e: {  	v3 =	vand.u32 $0x7, v3;
	v4 =	vand.u32 $0xFFFFFFE0, v4  }
0x1f: {  	v3 =	vor.u32 v3, v4  }
0x20: {  	v4 =	vperm.xlane v3, v0;
	_ =	sdelay $0x1  }
0x21: {  	v4 =	vadd.s32 v1, v4;
	_ =	sdelay $0x1  }
0x22: {  	v3 =	vperm.xlane v3, v2;
	_ =	sdelay $0x1  }
0x23: {  	v3 =	vadd.s32 v1, v3  }
0x24: {  	[tilespmem:s12], [sflag:$0x2] =	stream.indirect_vreg.gather [hbm4b:s0+s3], $0x80, v4, vm0, $0xb8;
	[tilespmem:$0x18100] =	vst v63  }
0x25: {  	_ = 	snop  }
0x26: {  	[tilespmem:s13], [sflag:$0x2] =	stream.indirect_vreg.gather [hbm4b:s4+s3], $0x80, v4, vm0, $0xb8;
	[tilespmem:$0x18100] =	vst v63  }
0x27: {  	_ = 	snop  }
0x28: {  	[tilespmem:s14], [sflag:$0x2] =	stream.indirect_vreg.gather [hbm4b:s0+s3], $0x80, v3, vm0, $0xb8;
	[tilespmem:$0x18100] =	vst v63  }
0x29: {  	_ = 	snop  }
0x2a: {  	[tilespmem:s15], [sflag:$0x2] =	stream.indirect_vreg.gather [hbm4b:s4+s3], $0x80, v3, vm0, $0xb8;
	[tilespmem:$0x18100] =	vst v63  }
0x2b: {  	v3 =	vld [tilespmem:$0x10];
	_ =	sdelay $0x4  }
0x2c: {  	v61 =	vshll.u32 v3, $0x2  }
0x2d: {  	v3 =	vand.u32 $0x7, v3;
	v4 =	vand.u32 $0xFFFFFFE0, v61  }
0x2e: {  	v3 =	vor.u32 v3, v4  }
0x2f: {  	v4 =	vperm.xlane v3, v0;
	_ =	sdelay $0x1  }
0x30: {  	v4 =	vadd.s32 v1, v4;
	_ =	sdelay $0x1  }
0x31: {  	v3 =	vperm.xlane v3, v2;
	_ =	sdelay $0x1  }
0x32: {  	v3 =	vadd.s32 v1, v3  }
0x33: {  	[tilespmem:s16], [sflag:$0x2] =	stream.indirect_vreg.gather [hbm4b:s0+s3], $0x80, v4, vm0, $0xb8;
	[tilespmem:$0x18100] =	vst v63  }
0x34: {  	_ = 	snop  }
0x35: {  	[tilespmem:s17], [sflag:$0x2] =	stream.indirect_vreg.gather [hbm4b:s4+s3], $0x80, v4, vm0, $0xb8;
	[tilespmem:$0x18100] =	vst v63  }
0x36: {  	_ = 	snop  }
0x37: {  	[tilespmem:s18], [sflag:$0x2] =	stream.indirect_vreg.gather [hbm4b:s0+s3], $0x80, v3, vm0, $0xb8;
	[tilespmem:$0x18100] =	vst v63  }
0x38: {  	_ = 	snop  }
0x39: {  	[tilespmem:s19], [sflag:$0x2] =	stream.indirect_vreg.gather [hbm4b:s4+s3], $0x80, v3, vm0, $0xb8;
	[tilespmem:$0x18100] =	vst v63  }
0x3a: {  	v3 =	vld [tilespmem:$0x20];
	_ =	sdelay $0x4  }
0x3b: {  	v62 =	vshll.u32 v3, $0x2  }
0x3c: {  	v3 =	vand.u32 $0x7, v3;
	v4 =	vand.u32 $0xFFFFFFE0, v62  }
0x3d: {  	v3 =	vor.u32 v3, v4  }
0x3e: {  	v4 =	vperm.xlane v3, v0;
	_ =	sdelay $0x1  }
0x3f: {  	v4 =	vadd.s32 v1, v4;
	_ =	sdelay $0x1  }
0x40: {  	v3 =	vperm.xlane v3, v2;
	_ =	sdelay $0x1  }
0x41: {  	v3 =	vadd.s32 v1, v3  }
0x42: {  	[tilespmem:s20], [sflag:$0x2] =	stream.indirect_vreg.gather [hbm4b:s0+s3], $0x80, v4, vm0, $0xb8;
	[tilespmem:$0x18100] =	vst v63  }
0x43: {  	_ = 	snop  }
0x44: {  	[tilespmem:s21], [sflag:$0x2] =	stream.indirect_vreg.gather [hbm4b:s4+s3], $0x80, v4, vm0, $0xb8;
	[tilespmem:$0x18100] =	vst v63  }
0x45: {  	_ = 	snop  }
0x46: {  	[tilespmem:s22], [sflag:$0x2] =	stream.indirect_vreg.gather [hbm4b:s0+s3], $0x80, v3, vm0, $0xb8;
	[tilespmem:$0x18100] =	vst v63  }
0x47: {  	_ = 	snop  }
0x48: {  	[tilespmem:s23], [sflag:$0x2] =	stream.indirect_vreg.gather [hbm4b:s4+s3], $0x80, v3, vm0, $0xb8;
	[tilespmem:$0x18100] =	vst v63  }
0x49: {  	v3 =	vld [tilespmem:$0x30];
	_ =	sdelay $0x4  }
0x4a: {  	v63 =	vshll.u32 v3, $0x2  }
0x4b: {  	v3 =	vand.u32 $0x7, v3;
	v4 =	vand.u32 $0xFFFFFFE0, v63  }
0x4c: {  	v3 =	vor.u32 v3, v4  }
0x4d: {  	v4 =	vperm.xlane v3, v0;
	_ =	sdelay $0x1  }
0x4e: {  	v4 =	vadd.s32 v1, v4;
	_ =	sdelay $0x1  }
0x4f: {  	v3 =	vperm.xlane v3, v2;
	_ =	sdelay $0x1  }
0x50: {  	v3 =	vadd.s32 v1, v3  }
0x51: {  	[tilespmem:s24], [sflag:$0x2] =	stream.indirect_vreg.gather [hbm4b:s0+s3], $0x80, v4, vm0, $0xb8;
	[tilespmem:$0x18100] =	vst v63  }
0x52: {  	_ = 	snop  }
0x53: {  	[tilespmem:s25], [sflag:$0x2] =	stream.indirect_vreg.gather [hbm4b:s4+s3], $0x80, v4, vm0, $0xb8;
	[tilespmem:$0x18100] =	vst v63  }
0x54: {  	_ = 	snop  }
0x55: {  	[tilespmem:s26], [sflag:$0x2] =	stream.indirect_vreg.gather [hbm4b:s0+s3], $0x80, v3, vm0, $0xb8;
	[tilespmem:$0x18100] =	vst v63  }
0x56: {  	_ = 	snop  }
0x57: {  	[tilespmem:s28], [sflag:$0x2] =	stream.indirect_vreg.gather [hbm4b:s4+s3], $0x80, v3, vm0, $0xb8;
	[tilespmem:$0x18100] =	vst v63  }
0x58: {  	s1 =	rddreg [dreg:$0x8]  }
0x59: {  	[tilespmem:s29], [sflag:$0x3] =	stream.indirect.gather [hbm4b:s1+s10], $0x1, s3, s10, $0xb8;
	[tilespmem:$0x18100] =	vst v63  }
0x5a: {  	_ =	swait.ge [sflag:s30], $0x10000  }
0x5b: {  	[sflag:s30] =	ssyncset.done $0x0  }
0x5c: {  	[sflag:s30] =	ssyncadd.s32 $0xFFFF0000  }
0x5d: {  	_ =	swait.ge [sflag:s31], $0x8000  }
0x5e: {  	[sflag:s31] =	ssyncset.done $0x0  }
0x5f: {  	[sflag:s31] =	ssyncadd.s32 $0xFFFF8000  }
0x60: {  	_ =	swait.ge [sflag:s2], $0x40  }
0x61: {  	[sflag:s2] =	ssyncset.done $0x0  }
0x62: {  	[sflag:s2] =	ssyncadd.s32 $0xFFFFFFC0  }
0x63: {  	[hbm4b:s5+s3] =	stream.linear.scatter [tilespmem:s11], [sflag:$0x4], $0x10000, $0x38;
	[tilespmem:$0x18100] =	vst v63  }
0x64: {  	_ =	swait.ge [sflag:s9], $0x10000  }
0x65: {  	[sflag:s9] =	ssyncset.done $0x0  }
0x66: {  	[sflag:s9] =	ssyncadd.s32 $0xFFFF0000  }
0x67: {  	[hbm4b:s6+s3] =	stream.linear.scatter [tilespmem:s12], [sflag:$0x4], $0x8000, $0x38;
	[tilespmem:$0x18100] =	vst v63  }
0x68: {  	_ =	swait.ge [sflag:s9], $0x8000  }
0x69: {  	p0 =	sne.s32 s8, $0x1;
	[sflag:s9] =	ssyncset.done $0x0  }
.Ltmp0:
0x6a: {  	[sflag:s9] =	ssyncadd.s32 $0xFFFF8000;
	(pc) =	sbr.rel @p0 .LBB2_1-.Ltmp0, $4  }
0x6b: {  	[hbm4b:s7+s3] =	stream.linear.scatter [tilespmem:s29], [sflag:$0x4], $0x40, $0x38;
	[tilespmem:$0x18100] =	vst v63  }
0x6c: {  	_ =	swait.ge [sflag:s9], $0x40  }
0x6d: {  	[sflag:s9] =	ssyncset.done $0x0  }
0x6e: {  	s8 =	sadd.s32 $0xFFFFFFFF, s8;
	[sflag:s9] =	ssyncadd.s32 $0xFFFFFFC0  }
0x6f: {  	_ =	sfence.sel $0x180000  }
0x70: {  	[bflag:$0x0] =	sbarrier.arrive $0xFFFF  }
0x71: {  	_ =	strace $0x90000047  }
0x72: {  	s0 =	stileid.u32;
	[bflag:$0x2] =	sbarrier.arrive $0xFFFF  }
0x73: {  	p0 =	sne.s32 s0, $0x0;
	s0 =	rddreg [dreg:$0x6]  }
0x74: {  	s0 =	sadd.s32 @!p0 $0x100000, s0  }
0x75: {  	[sflag:s0] =	ssyncadd.tile.s32 @!p0 $0x1;
	_ =	shalt  }
.Lfunc_end2:
_tile_overlayer_lowered:
.L_overlay_start_2:
0x76: {  	(tag) =	ssettag $0x2  }
0x77: {  	s0 =	rddreg [dreg:$0x0];
	s2 =	stileid.u32  }
0x78: {  	s1 =	rddreg [dreg:$0x1];
	p0 =	sne.s32 s2, $0x0  }
0x79: {  	s3 =	rddreg [dreg:$0x2];
	[bflag:$0x3] =	sbarrier.arrive $0xFFFF;
	s2 =	simm.s32 @!p0 $0x1C04  }
0x7a: {  	[timem:s3], [sflag:s2] =	dma.local @!p0 [hbm:s0], s1  }
0x7b: {  	s0 =	simm.s32 @!p0 $0x4  }
0x7c: {  	_ =	swait.ge @!p0 [sflag:s0], s1  }
0x7d: {  	s1 =	ssub.s32 @!p0 $0x0, s1;
	[sflag:s0] =	ssyncset.done @!p0 $0x0  }
0x7e: {  	[sflag:s0] =	ssyncadd.s32 @!p0 s1  }
0x7f: {  	[bflag:$0x3] =	sbarrier.arrive $0xFFFF  }
0x80: {  	_ =	shalt  }

// kernel: kernel.21.cloned.1.call-start
scs
__scs_entry_jumppad:
0x0: {  	(pc) =	sbr.rel $0x88, $3  }
0x1: {  	(tag) =	ssettag $0x0;
	lr =	simm.s32 $0x1  }
0x2: {  	[smem:$0x3F99] =	sst lr;
	_ =	strace $0xD0000000  }
0x3: {  	_ = 	snop  }
0x4: {  	_ = 	snop  }
0x5: {  	_ = 	snop  }
0x6: {  	_ = 	snop  }
0x7: {  	_ = 	snop  }
__scs_overlays_trampoline_lowered:
0x8: {  	[smem:$0x3FA8] =	sst s0  }
0x9: {  	[smem:$0x3FA9] =	sst s1  }
0xa: {  	[smem:$0x3FAA] =	sst s2  }
0xb: {  	[smem:$0x3FAB] =	sst s3  }
0xc: {  	[smem:$0x3FAC] =	sst s4  }
0xd: {  	[smem:$0x3FAD] =	sst s5  }
0xe: {  	[smem:$0x3FAE] =	sst s6  }
0xf: {  	[smem:$0x3FAF] =	sst s7  }
0x10: {  	[smem:$0x3FB0] =	sst s8  }
0x11: {  	[smem:$0x3FB1] =	sst s9;
	s0 =	simm.s32 @!p0 $0x0  }
0x12: {  	s1 =	sld [smem:$0x3F97];
	s0 =	simm.s32 @p0 $0x1  }
0x13: {  	[smem:$0x3FB2] =	sst s0;
	s0 =	simm.s32 @!p1 $0x0  }
0x14: {  	s2 =	sld [smem:$0x3F96];
	s0 =	simm.s32 @p1 $0x1  }
0x15: {  	[smem:$0x3FB3] =	sst s0;
	s0 =	simm.s32 @!p2 $0x0  }
0x16: {  	s3 =	sld [smem:$0x3FDB];
	s0 =	simm.s32 @p2 $0x1  }
0x17: {  	s4 =	simm.s32 $0x1BF5;
	[smem:$0x3FB5] =	sst s0  }
0x18: {  	s0 =	sld [smem:$0x3F98];
	_ =	swait.ge [sflag:s4], $0x0  }
0x19: {  	s7 =	sld [smem:$0x3F99]  }
0x1a: {  	s8 =	sadd.s32 $0xFFFFE003, lr  }
0x1b: {  	s9 =	sadd.s32 $0xFFFFFEF7, lr;
	s5 =	simm.s32 $0xFFFFFFFF;
	p2 =	slt.u32 s8, $0xFFFFF086  }
0x1c: {  	p1 =	slt.u32 s9, $0xF7A;
	s5 =	simm.s32 @!p2 $0x0  }
0x1d: {  	s5 =	simm.s32 @p1 $0x1;
	p0 =	seq.s32 s7, s2  }
0x1e: {  	s7 =	smul.u32 @!p0 $0xF7A, s2;
	p2 =	seq.s32 @!p0 s5, $0x0  }
0x1f: {  	s9 =	smul.u32 $0xF7A, s1;
	s8 =	simm.s32 @!p0 $0x1BF5;
	p2 =	por !p2, p0  }
0x20: {  	[sflag:s8] =	ssyncset.s32 @!p0 $0xFFFFF086;
	s6 =	sadd.s32 @!p0 s3, s7;
	s7 =	simm.s32 @!p0 $0x108  }
0x21: {  	s3 =	sadd.s32 s3, s9;
	s6 =	sadd.s32 @!p0 $0x88, s6;
	s7 =	simm.s32 @p2 $0x1082  }
0x22: {  	[simem:s7], [sflag:s8] =	dma.local @!p0 [hbm:s6], $0xF7A  }
0x23: {  	s9 =	sor.u32 $0xD0000000, s2;
	s6 =	simm.s32 $0x108;
	_ =	swait.ge @!p0 [sflag:s8], $0x0  }
0x24: {  	s3 =	sadd.s32 $0x88, s3;
	s6 =	simm.s32 @!p1 $0x1082;
	[sflag:s4] =	ssyncset.s32 $0xFFFFF086  }
0x25: {  	[simem:s6], [sflag:s4] =	dma.local [hbm:s3], $0xF7A  }
0x26: {  	[smem:$0x3F99] =	sst s1;
	(tag) =	ssettag s2;
	_ =	strace s9  }
0x27: {  	s1 =	sld [smem:$0x3FA9]  }
0x28: {  	s2 =	sld [smem:$0x3FAA]  }
0x29: {  	s4 =	sld [smem:$0x3FAC]  }
0x2a: {  	p0 =	seq.s32 s5, $0x0;
	s5 =	sld [smem:$0x3FAD]  }
0x2b: {  	s6 =	sld [smem:$0x3FAE]  }
0x2c: {  	s7 =	sld [smem:$0x3FAF]  }
0x2d: {  	s3 =	simm.s32 $0x108;
	s8 =	sld [smem:$0x3FB0]  }
0x2e: {  	s3 =	simm.s32 @!p0 $0x1082;
	s9 =	sld [smem:$0x3FB1]  }
0x2f: {  	lr =	sadd.s32 s0, s3;
	s0 =	sld [smem:$0x3FA8]  }
0x30: {  	s3 =	sld [smem:$0x3FAB]  }
0x31: {  	[smem:$0x3FB4] =	sst s10  }
0x32: {  	s10 =	sld [smem:$0x3FB2];
	_ =	sdelay $0x3  }
0x33: {  	p0 =	seq.s32 s10, $0x1;
	s10 =	sld [smem:$0x3FB4];
	_ =	sdelay $0x3  }
0x34: {  	[smem:$0x3FB4] =	sst s10  }
0x35: {  	s10 =	sld [smem:$0x3FB3];
	_ =	sdelay $0x3  }
0x36: {  	p1 =	seq.s32 s10, $0x1;
	s10 =	sld [smem:$0x3FB4];
	_ =	sdelay $0x3  }
0x37: {  	[smem:$0x3FB4] =	sst s10  }
0x38: {  	s10 =	sld [smem:$0x3FB5]  }
0x39: {  	_ = 	snop;
	(pc) =	sbr.ind lr, $3  }
0x3a: {  	_ = 	snop  }
0x3b: {  	_ = 	snop  }
0x3c: {  	p2 =	seq.s32 s10, $0x1;
	s10 =	sld [smem:$0x3FB4]  }
0x3d: {  	_ =	shalt  }
0x3e: {  	_ =	shalt  }
0x3f: {  	_ =	shalt  }
0x40: {  	_ =	shalt  }
0x41: {  	_ =	shalt  }
0x42: {  	_ =	shalt  }
0x43: {  	_ =	shalt  }
0x44: {  	_ =	shalt  }
0x45: {  	_ =	shalt  }
0x46: {  	_ =	shalt  }
0x47: {  	_ =	shalt  }
0x48: {  	_ =	shalt  }
0x49: {  	_ =	shalt  }
0x4a: {  	_ =	shalt  }
0x4b: {  	_ =	shalt  }
0x4c: {  	_ =	shalt  }
0x4d: {  	_ =	shalt  }
0x4e: {  	_ =	shalt  }
0x4f: {  	_ =	shalt  }
0x50: {  	_ =	shalt  }
0x51: {  	_ =	shalt  }
0x52: {  	_ =	shalt  }
0x53: {  	_ =	shalt  }
0x54: {  	_ =	shalt  }
0x55: {  	_ =	shalt  }
0x56: {  	_ =	shalt  }
0x57: {  	_ =	shalt  }
0x58: {  	_ =	shalt  }
0x59: {  	_ =	shalt  }
0x5a: {  	_ =	shalt  }
0x5b: {  	_ =	shalt  }
0x5c: {  	_ =	shalt  }
0x5d: {  	_ =	shalt  }
0x5e: {  	_ =	shalt  }
0x5f: {  	_ =	shalt  }
0x60: {  	_ =	shalt  }
0x61: {  	_ =	shalt  }
0x62: {  	_ =	shalt  }
0x63: {  	_ =	shalt  }
0x64: {  	_ =	shalt  }
0x65: {  	_ =	shalt  }
0x66: {  	_ =	shalt  }
0x67: {  	_ =	shalt  }
0x68: {  	_ =	shalt  }
0x69: {  	_ =	shalt  }
0x6a: {  	_ =	shalt  }
0x6b: {  	_ =	shalt  }
0x6c: {  	_ =	shalt  }
0x6d: {  	_ =	shalt  }
0x6e: {  	_ =	shalt  }
0x6f: {  	_ =	shalt  }
0x70: {  	_ =	shalt  }
0x71: {  	_ =	shalt  }
0x72: {  	_ =	shalt  }
0x73: {  	_ =	shalt  }
0x74: {  	_ =	shalt  }
0x75: {  	_ =	shalt  }
0x76: {  	_ =	shalt  }
0x77: {  	_ =	shalt  }
0x78: {  	_ =	shalt  }
0x79: {  	_ =	shalt  }
0x7a: {  	_ =	shalt  }
0x7b: {  	_ =	shalt  }
0x7c: {  	_ =	shalt  }
0x7d: {  	_ =	shalt  }
0x7e: {  	_ =	shalt  }
0x7f: {  	_ =	shalt  }
0x80: {  	_ =	shalt  }
0x81: {  	_ =	shalt  }
0x82: {  	_ =	shalt  }
0x83: {  	_ =	shalt  }
0x84: {  	_ =	shalt  }
0x85: {  	_ =	shalt  }
0x86: {  	_ =	shalt  }
0x87: {  	_ =	shalt  }
.Lfunc_end0:
.L_simem_size_0:
called_computation.1_lowered:
.L_overlay_start_0:
0x88: {  	s2 =	sld [smem:$0x3FD9]  }
0x89: {  	s3 =	sld [smem:$0x3FFE];
	_ =	sdelay $0x1  }
0x8a: {  	s1 =	srdreg.scid  }
0x8b: {  	s0 =	sand.u32 $0x1, s1  }
0x8c: {  	s17 =	sshll.u32 s0, $0xA;
	s2 =	sadd.s32 s3, s2  }
0x8d: {  	s2 =	sadd.s32 s2, s17  }
0x8e: {  	[smem:$0x3FC0] =	sst s2  }
0x8f: {  	_ = 	snop  }
0x90: {  	s18 =	sld [smem:$0x3FC8]  }
0x91: {  	s5 =	sld [smem:$0x3FC7]  }
0x92: {  	s4 =	sld [smem:$0x3FC6];
	(tm) =	ssettm $0x1  }
0x93: {  	s19 =	sld [smem:$0x3FFB];
	_ =	sdelay $0x3  }
0x94: {  	_ =	strace s19  }
0x95: {  	s2 =	sld [smem:$0x3FFC];
	_ =	sdelay $0x3  }
0x96: {  	_ =	strace s2  }
0x97: {  	s2 =	sld [smem:$0x3FFD];
	_ =	sdelay $0x3  }
0x98: {  	_ =	strace s2  }
0x99: {  	_ =	strace $0x8FFFFFFF  }
0x9a: {  	s20 =	sld [smem:$0x3FDB];
	_ =	sdelay $0x1  }
0x9b: {  	s6 =	simm.s32 $_scs_section_size  }
0x9c: {  	s7 =	simm.s32 $_size__tile_overlayer_lowered;
	s8 =	simm.s32 $_tile_overlayer_lowered  }
0x9d: {  	s9 =	simm.s32 $0x1BFF;
	s21 =	sshll.u32 s8, $0x1;
	s6 =	sadd.s32 s6, s20  }
0x9e: {  	s22 =	simm.s32 $0x0;
	s7 =	sshll.u32 s7, $0x1;
	s8 =	sadd.s32 s21, s6  }
0x9f: {  	[timem:s22], [sflag:s9] =	dma.local [hbm:s8], s7  }
0xa0: {  	_ =	swait.ge [sflag:s9], s7  }
0xa1: {  	s7 =	ssub.s32 $0x0, s7;
	[sflag:s9] =	ssyncset.done $0x0  }
0xa2: {  	[sflag:s9] =	ssyncadd.s32 s7;
	_ =	sdelay $0x1  }
0xa3: {  	s23 =	simm.s32 $0x1B8B  }
0xa4: {  	_ =	swait.ge [sflag:s23], $0x1  }
0xa5: {  	[sflag:s23] =	ssyncset.done $0x0  }
0xa6: {  	[sflag:s23] =	ssyncadd.s32 $0xFFFFFFFF  }
0xa7: {  	s7 =	sld [smem:$0x0]  }
0xa8: {  	s8 =	sand.u32 $0xFFFFFFFE, s1  }
0xa9: {  	p0 =	sne.s32 s1, s8  }
0xaa: {  	s8 =	sshll.u32 @p0 s8, $0xE  }
0xab: {  	s8 =	sadd.s32 @p0 $0x11B8D, s8;
	s9 =	sshll.u32 @p0 s7, $0x11  }
0xac: {  	s8 =	sor.u32 @p0 s9, s8  }
0xad: {  	[sflag:s8] =	ssyncadd.remote.s32 @p0 $0x1;
	_ =	sdelay $0x1  }
0xae: {  	s8 =	simm.s32 @p0 $0x1B8D  }
0xaf: {  	_ =	swait.eq @p0 [sflag:s8], $0x1  }
0xb0: {  	[sflag:s8] =	ssyncadd.s32 @p0 $0xFFFFFFFF  }
0xb1: {  	s9 =	sshll.u32 @!p0 s1, $0xE  }
0xb2: {  	s9 =	sor.u32 @!p0 $0x4000, s9;
	s8 =	simm.s32 @!p0 $0x1B8D  }
0xb3: {  	s7 =	sshll.u32 @!p0 s7, $0x11;
	s9 =	sadd.s32 @!p0 $0x11B8D, s9;
	_ =	swait.eq @!p0 [sflag:s8], $0x1  }
0xb4: {  	s7 =	sor.u32 @!p0 s7, s9;
	[sflag:s8] =	ssyncadd.s32 @!p0 $0xFFFFFFFF  }
0xb5: {  	s25 =	simm.s32 $0x1B8E;
	s24 =	sld [smem:$0x3FFE];
	[sflag:s7] =	ssyncadd.remote.s32 @!p0 $0x1  }
0xb6: {  	s26 =	simm.s32 $execute0_lowered;
	[smem:$0x3FD2] =	sst s25  }
0xb7: {  	s8 =	sshll.u32 s26, $0x1;
	_ =	strace $0x80000049;
	[dreg:$0x1] =	wrdreg $0xFFFFFFFF  }
0xb8: {  	s28 =	simm.s32 $_size_execute0_lowered;
	s6 =	sadd.s32 s6, s8;
	[dreg:$0x0] =	wrdreg $0x0  }
0xb9: {  	s8 =	sshll.u32 s28, $0x1;
	[dreg:$0x2] =	wrdreg s6  }
0xba: {  	[dreg:$0x3] =	wrdreg s8  }
0xbb: {  	[dreg:$0x4] =	wrdreg $0xC0  }
0xbc: {  	_ =	task [dreg:s22], $0x5FFFF  }
0xbd: {  	[dreg:$0x1] =	wrdreg $0xFFFFFFFF  }
0xbe: {  	[dreg:$0x0] =	wrdreg $0x60  }
0xbf: {  	[dreg:$0x2] =	wrdreg s24  }
0xc0: {  	[dreg:$0x3] =	wrdreg s5  }
0xc1: {  	[dreg:$0x4] =	wrdreg s18  }
0xc2: {  	[dreg:$0x5] =	wrdreg s4  }
0xc3: {  	[dreg:$0x6] =	wrdreg $0xA  }
0xc4: {  	_ =	task.clear_ibuf [dreg:s22], $0x7FFFF;
	_ =	strace $0x90000049  }
0xc5: {  	s29 =	simm.s32 $0xA;
	_ =	strace $0x8000004B  }
0xc6: {  	_ =	swait.ge [sflag:s29], $0x1  }
0xc7: {  	[sflag:s29] =	ssyncadd.s32 $0xFFFFFFFF  }
0xc8: {  	_ =	strace $0x9000004B  }
0xc9: {  	_ =	sfence  }
0xca: {  	s30 =	sld [smem:$0x0];
	_ =	sdelay $0x2  }
0xcb: {  	s31 =	sshll.u32 s1, $0xD;
	s1 =	sshrl.u32 s1, $0x2  }
0xcc: {  	s4 =	sand.u32 $0x4000, s31;
	s1 =	sadd.s32 s1, s30  }
0xcd: {  	s0 =	sor.u32 s4, s0;
	s1 =	sshll.u32 s1, $0x11  }
0xce: {  	s0 =	sor.u32 s1, s0  }
0xcf: {  	s0 =	sadd.s32 $0x8F2B, s0  }
0xd0: {  	[sflag:s0] =	ssyncadd.remote.s32 $0x1  }
0xd1: {  	_ =	sfence.sel $0xFFFF  }
0xd2: {  	[dreg:$0x0] =	wrdreg $0xFFFFFFFF;
	(pc) =	sbr.abs _section_cstart, $3  }
0xd3: {  	[dreg:$0x1] =	wrdreg $0xFFFFFFFF  }
0xd4: {  	_ =	task.clear_ibuf [dreg:s22], $0x2FFFF;
	_ =	strace $0x9FFFFFFF  }
0xd5: {  	(tm) =	ssettm $0x7FFFFFFF  }
tec
execute0_lowered:
.L_overlay_start_1:
0x0: {  	(tag) =	ssettag $0x1  }
0x1: {  	s0 =	rddreg [dreg:$0x0]  }
0x2: {  	s1 =	rddreg [dreg:$0x1]  }
0x3: {  	s2 =	rddreg [dreg:$0x3];
	s4 =	srdreg.scid  }
0x4: {  	s25 =	stileid.u32;
	s3 =	simm.s32 $0x0;
	s10 =	simm.s32 $0x40  }
0x5: {  	s11 =	simm.s32 $0x80;
	s12 =	simm.s32 $0x10080;
	s13 =	simm.s32 $0x10880  }
0x6: {  	s14 =	simm.s32 $0x11080;
	s15 =	simm.s32 $0x11880;
	s16 =	simm.s32 $0x12080  }
0x7: {  	s17 =	simm.s32 $0x12880;
	s18 =	simm.s32 $0x13080;
	s19 =	simm.s32 $0x13880  }
0x8: {  	s20 =	simm.s32 $0x14080;
	s21 =	simm.s32 $0x14880;
	s22 =	simm.s32 $0x15080  }
0x9: {  	s23 =	simm.s32 $0x15880;
	s24 =	simm.s32 $0x16080;
	[dreg:$0x5] =	wrdreg s1  }
0xa: {  	s28 =	simm.s32 $0x17880;
	s29 =	simm.s32 $0x18080;
	s1 =	rddreg [dreg:$0x2]  }
0xb: {  	s30 =	simm.s32 $0x1;
	s31 =	simm.s32 $0x2;
	[dreg:$0x6] =	wrdreg s2  }
0xc: {  	s4 =	sand.u32 $0x1, s4;
	s5 =	sshll.u32 s25, $0x1;
	[smem:$0x7FF] =	sst s3  }
0xd: {  	s25 =	simm.s32 $0x16880;
	s5 =	sor.u32 s4, s5;
	_ =	strace $0x8000004A  }
0xe: {  	s4 =	ssub.s32 $0x2, s4;
	s6 =	sshll.u32 s5, $0x4;
	s7 =	sshll.u32 s5, $0xD  }
0xf: {  	s8 =	sshll.u32 s5, $0xC;
	s5 =	sshll.u32 s5, $0x3;
	s26 =	sshrl.u32 s4, $0x1  }
0x10: {  	s6 =	sadd.s32 s6, s0;
	s7 =	sadd.s32 s7, s0;
	s8 =	sadd.s32 s8, s0  }
0x11: {  	s0 =	sadd.s32 s5, s0;
	s9 =	ssub.s32 s4, s26;
	s4 =	sadd.s32 $0x100, s1  }
0x12: {  	v2 =	vlaneseq.u32;
	s26 =	simm.s32 $0x17080;
	s6 =	sadd.s32 $0x28200, s6;
	s5 =	sadd.s32 $0x29200, s7  }
0x13: {  	vm0 =	vmmov $0xffff;
	v1 =	vshrl.u32 v2, $0x3;
	s7 =	sadd.s32 $0x29000, s0;
	s0 =	simm.s32 $0x3;
	[dreg:$0x7] =	wrdreg s6  }
0x14: {  	v0 =	vand.u32 $0x7, v2;
	v2 =	vor.u32 $0x8, v2;
	v1 =	vmul.u32 $0x8, v1;
	s6 =	sadd.s32 $0x69200, s8;
	s8 =	smax.u32 s9, $0x1;
	s9 =	simm.s32 $0x4  }
.LBB2_1:
0x15: {  	s2 =	rddreg [dreg:$0x7]  }
0x16: {  	[tilespmem:s3], [sflag:$0x4] =	stream.linear.gather [hbm4b:s2+s3], $0x80, $0x38;
	[tilespmem:$0x18100] =	vst v63  }
0x17: {  	_ =	swait.ge [sflag:s9], $0x80  }
0x18: {  	[sflag:s9] =	ssyncset.done $0x0  }
0x19: {  	s2 =	rddreg [dreg:$0x5];
	[sflag:s9] =	ssyncadd.s32 $0xFFFFFF80  }
0x1a: {  	[tilespmem:s11], [sflag:$0x1] =	stream.indirect.gather [hbm4b:s2+s10], $0x400, s3, s10, $0xb8;
	[tilespmem:$0x18100] =	vst v63  }
0x1b: {  	v3 =	vld [tilespmem:$0x0];
	_ =	sdelay $0x4  }
0x1c: {  	v4 =	vshll.u32 v3, $0x2  }
0x1d: {  	v3 =	vand.u32 $0x7, v3;
	v4 =	vand.u32 $0xFFFFFFE0, v4  }
0x1e: {  	v3 =	vor.u32 v3, v4  }
0x1f: {  	v4 =	vperm.xlane v3, v0;
	_ =	sdelay $0x1  }
0x20: {  	v4 =	vadd.s32 v1, v4;
	_ =	sdelay $0x1  }
0x21: {  	v3 =	vperm.xlane v3, v2;
	_ =	sdelay $0x1  }
0x22: {  	v3 =	vadd.s32 v1, v3  }
0x23: {  	[tilespmem:s12], [sflag:$0x2] =	stream.indirect_vreg.gather [hbm4b:s1+s3], $0x80, v4, vm0, $0xb8;
	[tilespmem:$0x18100] =	vst v63  }
0x24: {  	_ = 	snop  }
0x25: {  	[tilespmem:s13], [sflag:$0x2] =	stream.indirect_vreg.gather [hbm4b:s4+s3], $0x80, v4, vm0, $0xb8;
	[tilespmem:$0x18100] =	vst v63  }
0x26: {  	_ = 	snop  }
0x27: {  	[tilespmem:s14], [sflag:$0x2] =	stream.indirect_vreg.gather [hbm4b:s1+s3], $0x80, v3, vm0, $0xb8;
	[tilespmem:$0x18100] =	vst v63  }
0x28: {  	_ = 	snop  }
0x29: {  	[tilespmem:s15], [sflag:$0x2] =	stream.indirect_vreg.gather [hbm4b:s4+s3], $0x80, v3, vm0, $0xb8;
	[tilespmem:$0x18100] =	vst v63  }
0x2a: {  	v3 =	vld [tilespmem:$0x10];
	_ =	sdelay $0x4  }
0x2b: {  	v61 =	vshll.u32 v3, $0x2  }
0x2c: {  	v3 =	vand.u32 $0x7, v3;
	v4 =	vand.u32 $0xFFFFFFE0, v61  }
0x2d: {  	v3 =	vor.u32 v3, v4  }
0x2e: {  	v4 =	vperm.xlane v3, v0;
	_ =	sdelay $0x1  }
0x2f: {  	v4 =	vadd.s32 v1, v4;
	_ =	sdelay $0x1  }
0x30: {  	v3 =	vperm.xlane v3, v2;
	_ =	sdelay $0x1  }
0x31: {  	v3 =	vadd.s32 v1, v3  }
0x32: {  	[tilespmem:s16], [sflag:$0x2] =	stream.indirect_vreg.gather [hbm4b:s1+s3], $0x80, v4, vm0, $0xb8;
	[tilespmem:$0x18100] =	vst v63  }
0x33: {  	_ = 	snop  }
0x34: {  	[tilespmem:s17], [sflag:$0x2] =	stream.indirect_vreg.gather [hbm4b:s4+s3], $0x80, v4, vm0, $0xb8;
	[tilespmem:$0x18100] =	vst v63  }
0x35: {  	_ = 	snop  }
0x36: {  	[tilespmem:s18], [sflag:$0x2] =	stream.indirect_vreg.gather [hbm4b:s1+s3], $0x80, v3, vm0, $0xb8;
	[tilespmem:$0x18100] =	vst v63  }
0x37: {  	_ = 	snop  }
0x38: {  	[tilespmem:s19], [sflag:$0x2] =	stream.indirect_vreg.gather [hbm4b:s4+s3], $0x80, v3, vm0, $0xb8;
	[tilespmem:$0x18100] =	vst v63  }
0x39: {  	v3 =	vld [tilespmem:$0x20];
	_ =	sdelay $0x4  }
0x3a: {  	v62 =	vshll.u32 v3, $0x2  }
0x3b: {  	v3 =	vand.u32 $0x7, v3;
	v4 =	vand.u32 $0xFFFFFFE0, v62  }
0x3c: {  	v3 =	vor.u32 v3, v4  }
0x3d: {  	v4 =	vperm.xlane v3, v0;
	_ =	sdelay $0x1  }
0x3e: {  	v4 =	vadd.s32 v1, v4;
	_ =	sdelay $0x1  }
0x3f: {  	v3 =	vperm.xlane v3, v2;
	_ =	sdelay $0x1  }
0x40: {  	v3 =	vadd.s32 v1, v3  }
0x41: {  	[tilespmem:s20], [sflag:$0x2] =	stream.indirect_vreg.gather [hbm4b:s1+s3], $0x80, v4, vm0, $0xb8;
	[tilespmem:$0x18100] =	vst v63  }
0x42: {  	_ = 	snop  }
0x43: {  	[tilespmem:s21], [sflag:$0x2] =	stream.indirect_vreg.gather [hbm4b:s4+s3], $0x80, v4, vm0, $0xb8;
	[tilespmem:$0x18100] =	vst v63  }
0x44: {  	_ = 	snop  }
0x45: {  	[tilespmem:s22], [sflag:$0x2] =	stream.indirect_vreg.gather [hbm4b:s1+s3], $0x80, v3, vm0, $0xb8;
	[tilespmem:$0x18100] =	vst v63  }
0x46: {  	_ = 	snop  }
0x47: {  	[tilespmem:s23], [sflag:$0x2] =	stream.indirect_vreg.gather [hbm4b:s4+s3], $0x80, v3, vm0, $0xb8;
	[tilespmem:$0x18100] =	vst v63  }
0x48: {  	v3 =	vld [tilespmem:$0x30];
	_ =	sdelay $0x4  }
0x49: {  	v63 =	vshll.u32 v3, $0x2  }
0x4a: {  	v3 =	vand.u32 $0x7, v3;
	v4 =	vand.u32 $0xFFFFFFE0, v63  }
0x4b: {  	v3 =	vor.u32 v3, v4  }
0x4c: {  	v4 =	vperm.xlane v3, v0;
	_ =	sdelay $0x1  }
0x4d: {  	v4 =	vadd.s32 v1, v4;
	_ =	sdelay $0x1  }
0x4e: {  	v3 =	vperm.xlane v3, v2;
	_ =	sdelay $0x1  }
0x4f: {  	v3 =	vadd.s32 v1, v3  }
0x50: {  	[tilespmem:s24], [sflag:$0x2] =	stream.indirect_vreg.gather [hbm4b:s1+s3], $0x80, v4, vm0, $0xb8;
	[tilespmem:$0x18100] =	vst v63  }
0x51: {  	_ = 	snop  }
0x52: {  	[tilespmem:s25], [sflag:$0x2] =	stream.indirect_vreg.gather [hbm4b:s4+s3], $0x80, v4, vm0, $0xb8;
	[tilespmem:$0x18100] =	vst v63  }
0x53: {  	_ = 	snop  }
0x54: {  	[tilespmem:s26], [sflag:$0x2] =	stream.indirect_vreg.gather [hbm4b:s1+s3], $0x80, v3, vm0, $0xb8;
	[tilespmem:$0x18100] =	vst v63  }
0x55: {  	_ = 	snop  }
0x56: {  	[tilespmem:s28], [sflag:$0x2] =	stream.indirect_vreg.gather [hbm4b:s4+s3], $0x80, v3, vm0, $0xb8;
	[tilespmem:$0x18100] =	vst v63  }
0x57: {  	s2 =	rddreg [dreg:$0x6]  }
0x58: {  	[tilespmem:s29], [sflag:$0x3] =	stream.indirect.gather [hbm4b:s2+s10], $0x1, s3, s10, $0xb8;
	[tilespmem:$0x18100] =	vst v63  }
0x59: {  	_ =	swait.ge [sflag:s30], $0x10000  }
0x5a: {  	[sflag:s30] =	ssyncset.done $0x0  }
0x5b: {  	[sflag:s30] =	ssyncadd.s32 $0xFFFF0000  }
0x5c: {  	_ =	swait.ge [sflag:s31], $0x8000  }
0x5d: {  	[sflag:s31] =	ssyncset.done $0x0  }
0x5e: {  	[sflag:s31] =	ssyncadd.s32 $0xFFFF8000  }
0x5f: {  	_ =	swait.ge [sflag:s0], $0x40  }
0x60: {  	[sflag:s0] =	ssyncset.done $0x0  }
0x61: {  	[sflag:s0] =	ssyncadd.s32 $0xFFFFFFC0  }
0x62: {  	[hbm4b:s5+s3] =	stream.linear.scatter [tilespmem:s11], [sflag:$0x4], $0x10000, $0x38;
	[tilespmem:$0x18100] =	vst v63  }
0x63: {  	_ =	swait.ge [sflag:s9], $0x10000  }
0x64: {  	[sflag:s9] =	ssyncset.done $0x0  }
0x65: {  	[sflag:s9] =	ssyncadd.s32 $0xFFFF0000  }
0x66: {  	[hbm4b:s6+s3] =	stream.linear.scatter [tilespmem:s12], [sflag:$0x4], $0x8000, $0x38;
	[tilespmem:$0x18100] =	vst v63  }
0x67: {  	_ =	swait.ge [sflag:s9], $0x8000  }
0x68: {  	p0 =	sne.s32 s8, $0x1;
	[sflag:s9] =	ssyncset.done $0x0  }
.Ltmp0:
0x69: {  	[sflag:s9] =	ssyncadd.s32 $0xFFFF8000;
	(pc) =	sbr.rel @p0 .LBB2_1-.Ltmp0, $4  }
0x6a: {  	[hbm4b:s7+s3] =	stream.linear.scatter [tilespmem:s29], [sflag:$0x4], $0x40, $0x38;
	[tilespmem:$0x18100] =	vst v63  }
0x6b: {  	_ =	swait.ge [sflag:s9], $0x40  }
0x6c: {  	[sflag:s9] =	ssyncset.done $0x0  }
0x6d: {  	s8 =	sadd.s32 $0xFFFFFFFF, s8;
	[sflag:s9] =	ssyncadd.s32 $0xFFFFFFC0  }
0x6e: {  	_ =	sfence.sel $0x180000  }
0x6f: {  	[bflag:$0x0] =	sbarrier.arrive $0xFFFF  }
0x70: {  	_ =	strace $0x9000004A  }
0x71: {  	s0 =	stileid.u32;
	[bflag:$0x2] =	sbarrier.arrive $0xFFFF  }
0x72: {  	p0 =	sne.s32 s0, $0x0;
	s0 =	rddreg [dreg:$0x4]  }
0x73: {  	s0 =	sadd.s32 @!p0 $0x100000, s0  }
0x74: {  	[sflag:s0] =	ssyncadd.tile.s32 @!p0 $0x1;
	_ =	shalt  }
.Lfunc_end2:
_tile_overlayer_lowered:
.L_overlay_start_2:
0x75: {  	(tag) =	ssettag $0x2  }
0x76: {  	s0 =	rddreg [dreg:$0x0];
	s2 =	stileid.u32  }
0x77: {  	s1 =	rddreg [dreg:$0x1];
	p0 =	sne.s32 s2, $0x0  }
0x78: {  	s3 =	rddreg [dreg:$0x2];
	[bflag:$0x3] =	sbarrier.arrive $0xFFFF;
	s2 =	simm.s32 @!p0 $0x1C04  }
0x79: {  	[timem:s3], [sflag:s2] =	dma.local @!p0 [hbm:s0], s1  }
0x7a: {  	s0 =	simm.s32 @!p0 $0x4  }
0x7b: {  	_ =	swait.ge @!p0 [sflag:s0], s1  }
0x7c: {  	s1 =	ssub.s32 @!p0 $0x0, s1;
	[sflag:s0] =	ssyncset.done @!p0 $0x0  }
0x7d: {  	[sflag:s0] =	ssyncadd.s32 @!p0 s1  }
0x7e: {  	[bflag:$0x3] =	sbarrier.arrive $0xFFFF  }
0x7f: {  	_ =	shalt  }

// kernel: kernel.24.cloned.1.call-start
scs
__scs_entry_jumppad:
0x0: {  	(pc) =	sbr.rel $0x88, $3  }
0x1: {  	(tag) =	ssettag $0x0;
	lr =	simm.s32 $0x1  }
0x2: {  	[smem:$0x3F99] =	sst lr;
	_ =	strace $0xD0000000  }
0x3: {  	_ = 	snop  }
0x4: {  	_ = 	snop  }
0x5: {  	_ = 	snop  }
0x6: {  	_ = 	snop  }
0x7: {  	_ = 	snop  }
__scs_overlays_trampoline_lowered:
0x8: {  	[smem:$0x3FA8] =	sst s0  }
0x9: {  	[smem:$0x3FA9] =	sst s1  }
0xa: {  	[smem:$0x3FAA] =	sst s2  }
0xb: {  	[smem:$0x3FAB] =	sst s3  }
0xc: {  	[smem:$0x3FAC] =	sst s4  }
0xd: {  	[smem:$0x3FAD] =	sst s5  }
0xe: {  	[smem:$0x3FAE] =	sst s6  }
0xf: {  	[smem:$0x3FAF] =	sst s7  }
0x10: {  	[smem:$0x3FB0] =	sst s8  }
0x11: {  	[smem:$0x3FB1] =	sst s9;
	s0 =	simm.s32 @!p0 $0x0  }
0x12: {  	s1 =	sld [smem:$0x3F97];
	s0 =	simm.s32 @p0 $0x1  }
0x13: {  	[smem:$0x3FB2] =	sst s0;
	s0 =	simm.s32 @!p1 $0x0  }
0x14: {  	s2 =	sld [smem:$0x3F96];
	s0 =	simm.s32 @p1 $0x1  }
0x15: {  	[smem:$0x3FB3] =	sst s0;
	s0 =	simm.s32 @!p2 $0x0  }
0x16: {  	s3 =	sld [smem:$0x3FDB];
	s0 =	simm.s32 @p2 $0x1  }
0x17: {  	s4 =	simm.s32 $0x1BF5;
	[smem:$0x3FB5] =	sst s0  }
0x18: {  	s0 =	sld [smem:$0x3F98];
	_ =	swait.ge [sflag:s4], $0x0  }
0x19: {  	s7 =	sld [smem:$0x3F99]  }
0x1a: {  	s8 =	sadd.s32 $0xFFFFE003, lr  }
0x1b: {  	s9 =	sadd.s32 $0xFFFFFEF7, lr;
	s5 =	simm.s32 $0xFFFFFFFF;
	p2 =	slt.u32 s8, $0xFFFFF086  }
0x1c: {  	p1 =	slt.u32 s9, $0xF7A;
	s5 =	simm.s32 @!p2 $0x0  }
0x1d: {  	s5 =	simm.s32 @p1 $0x1;
	p0 =	seq.s32 s7, s2  }
0x1e: {  	s7 =	smul.u32 @!p0 $0xF7A, s2;
	p2 =	seq.s32 @!p0 s5, $0x0  }
0x1f: {  	s9 =	smul.u32 $0xF7A, s1;
	s8 =	simm.s32 @!p0 $0x1BF5;
	p2 =	por !p2, p0  }
0x20: {  	[sflag:s8] =	ssyncset.s32 @!p0 $0xFFFFF086;
	s6 =	sadd.s32 @!p0 s3, s7;
	s7 =	simm.s32 @!p0 $0x108  }
0x21: {  	s3 =	sadd.s32 s3, s9;
	s6 =	sadd.s32 @!p0 $0x88, s6;
	s7 =	simm.s32 @p2 $0x1082  }
0x22: {  	[simem:s7], [sflag:s8] =	dma.local @!p0 [hbm:s6], $0xF7A  }
0x23: {  	s9 =	sor.u32 $0xD0000000, s2;
	s6 =	simm.s32 $0x108;
	_ =	swait.ge @!p0 [sflag:s8], $0x0  }
0x24: {  	s3 =	sadd.s32 $0x88, s3;
	s6 =	simm.s32 @!p1 $0x1082;
	[sflag:s4] =	ssyncset.s32 $0xFFFFF086  }
0x25: {  	[simem:s6], [sflag:s4] =	dma.local [hbm:s3], $0xF7A  }
0x26: {  	[smem:$0x3F99] =	sst s1;
	(tag) =	ssettag s2;
	_ =	strace s9  }
0x27: {  	s1 =	sld [smem:$0x3FA9]  }
0x28: {  	s2 =	sld [smem:$0x3FAA]  }
0x29: {  	s4 =	sld [smem:$0x3FAC]  }
0x2a: {  	p0 =	seq.s32 s5, $0x0;
	s5 =	sld [smem:$0x3FAD]  }
0x2b: {  	s6 =	sld [smem:$0x3FAE]  }
0x2c: {  	s7 =	sld [smem:$0x3FAF]  }
0x2d: {  	s3 =	simm.s32 $0x108;
	s8 =	sld [smem:$0x3FB0]  }
0x2e: {  	s3 =	simm.s32 @!p0 $0x1082;
	s9 =	sld [smem:$0x3FB1]  }
0x2f: {  	lr =	sadd.s32 s0, s3;
	s0 =	sld [smem:$0x3FA8]  }
0x30: {  	s3 =	sld [smem:$0x3FAB]  }
0x31: {  	[smem:$0x3FB4] =	sst s10  }
0x32: {  	s10 =	sld [smem:$0x3FB2];
	_ =	sdelay $0x3  }
0x33: {  	p0 =	seq.s32 s10, $0x1;
	s10 =	sld [smem:$0x3FB4];
	_ =	sdelay $0x3  }
0x34: {  	[smem:$0x3FB4] =	sst s10  }
0x35: {  	s10 =	sld [smem:$0x3FB3];
	_ =	sdelay $0x3  }
0x36: {  	p1 =	seq.s32 s10, $0x1;
	s10 =	sld [smem:$0x3FB4];
	_ =	sdelay $0x3  }
0x37: {  	[smem:$0x3FB4] =	sst s10  }
0x38: {  	s10 =	sld [smem:$0x3FB5]  }
0x39: {  	_ = 	snop;
	(pc) =	sbr.ind lr, $3  }
0x3a: {  	_ = 	snop  }
0x3b: {  	_ = 	snop  }
0x3c: {  	p2 =	seq.s32 s10, $0x1;
	s10 =	sld [smem:$0x3FB4]  }
0x3d: {  	_ =	shalt  }
0x3e: {  	_ =	shalt  }
0x3f: {  	_ =	shalt  }
0x40: {  	_ =	shalt  }
0x41: {  	_ =	shalt  }
0x42: {  	_ =	shalt  }
0x43: {  	_ =	shalt  }
0x44: {  	_ =	shalt  }
0x45: {  	_ =	shalt  }
0x46: {  	_ =	shalt  }
0x47: {  	_ =	shalt  }
0x48: {  	_ =	shalt  }
0x49: {  	_ =	shalt  }
0x4a: {  	_ =	shalt  }
0x4b: {  	_ =	shalt  }
0x4c: {  	_ =	shalt  }
0x4d: {  	_ =	shalt  }
0x4e: {  	_ =	shalt  }
0x4f: {  	_ =	shalt  }
0x50: {  	_ =	shalt  }
0x51: {  	_ =	shalt  }
0x52: {  	_ =	shalt  }
0x53: {  	_ =	shalt  }
0x54: {  	_ =	shalt  }
0x55: {  	_ =	shalt  }
0x56: {  	_ =	shalt  }
0x57: {  	_ =	shalt  }
0x58: {  	_ =	shalt  }
0x59: {  	_ =	shalt  }
0x5a: {  	_ =	shalt  }
0x5b: {  	_ =	shalt  }
0x5c: {  	_ =	shalt  }
0x5d: {  	_ =	shalt  }
0x5e: {  	_ =	shalt  }
0x5f: {  	_ =	shalt  }
0x60: {  	_ =	shalt  }
0x61: {  	_ =	shalt  }
0x62: {  	_ =	shalt  }
0x63: {  	_ =	shalt  }
0x64: {  	_ =	shalt  }
0x65: {  	_ =	shalt  }
0x66: {  	_ =	shalt  }
0x67: {  	_ =	shalt  }
0x68: {  	_ =	shalt  }
0x69: {  	_ =	shalt  }
0x6a: {  	_ =	shalt  }
0x6b: {  	_ =	shalt  }
0x6c: {  	_ =	shalt  }
0x6d: {  	_ =	shalt  }
0x6e: {  	_ =	shalt  }
0x6f: {  	_ =	shalt  }
0x70: {  	_ =	shalt  }
0x71: {  	_ =	shalt  }
0x72: {  	_ =	shalt  }
0x73: {  	_ =	shalt  }
0x74: {  	_ =	shalt  }
0x75: {  	_ =	shalt  }
0x76: {  	_ =	shalt  }
0x77: {  	_ =	shalt  }
0x78: {  	_ =	shalt  }
0x79: {  	_ =	shalt  }
0x7a: {  	_ =	shalt  }
0x7b: {  	_ =	shalt  }
0x7c: {  	_ =	shalt  }
0x7d: {  	_ =	shalt  }
0x7e: {  	_ =	shalt  }
0x7f: {  	_ =	shalt  }
0x80: {  	_ =	shalt  }
0x81: {  	_ =	shalt  }
0x82: {  	_ =	shalt  }
0x83: {  	_ =	shalt  }
0x84: {  	_ =	shalt  }
0x85: {  	_ =	shalt  }
0x86: {  	_ =	shalt  }
0x87: {  	_ =	shalt  }
.Lfunc_end0:
.L_simem_size_0:
called_computation.2_lowered:
.L_overlay_start_0:
0x88: {  	s2 =	sld [smem:$0x3FD9]  }
0x89: {  	s3 =	sld [smem:$0x3FFE];
	_ =	sdelay $0x1  }
0x8a: {  	s1 =	srdreg.scid  }
0x8b: {  	s0 =	sand.u32 $0x1, s1  }
0x8c: {  	s17 =	sshll.u32 s0, $0xA;
	s2 =	sadd.s32 s3, s2  }
0x8d: {  	s2 =	sadd.s32 s2, s17  }
0x8e: {  	[smem:$0x3FC0] =	sst s2  }
0x8f: {  	_ = 	snop  }
0x90: {  	s18 =	sld [smem:$0x3FC8]  }
0x91: {  	s5 =	sld [smem:$0x3FC7]  }
0x92: {  	s4 =	sld [smem:$0x3FC6];
	(tm) =	ssettm $0x1  }
0x93: {  	s19 =	sld [smem:$0x3FFB];
	_ =	sdelay $0x3  }
0x94: {  	_ =	strace s19  }
0x95: {  	s2 =	sld [smem:$0x3FFC];
	_ =	sdelay $0x3  }
0x96: {  	_ =	strace s2  }
0x97: {  	s2 =	sld [smem:$0x3FFD];
	_ =	sdelay $0x3  }
0x98: {  	_ =	strace s2  }
0x99: {  	_ =	strace $0x8FFFFFFF  }
0x9a: {  	s20 =	sld [smem:$0x3FDB];
	_ =	sdelay $0x1  }
0x9b: {  	s6 =	simm.s32 $_scs_section_size  }
0x9c: {  	s7 =	simm.s32 $_size__tile_overlayer_lowered;
	s8 =	simm.s32 $_tile_overlayer_lowered  }
0x9d: {  	s9 =	simm.s32 $0x1BFF;
	s21 =	sshll.u32 s8, $0x1;
	s6 =	sadd.s32 s6, s20  }
0x9e: {  	s22 =	simm.s32 $0x0;
	s7 =	sshll.u32 s7, $0x1;
	s8 =	sadd.s32 s21, s6  }
0x9f: {  	[timem:s22], [sflag:s9] =	dma.local [hbm:s8], s7  }
0xa0: {  	_ =	swait.ge [sflag:s9], s7  }
0xa1: {  	s7 =	ssub.s32 $0x0, s7;
	[sflag:s9] =	ssyncset.done $0x0  }
0xa2: {  	[sflag:s9] =	ssyncadd.s32 s7;
	_ =	sdelay $0x1  }
0xa3: {  	s23 =	simm.s32 $0x1B8B  }
0xa4: {  	_ =	swait.ge [sflag:s23], $0x1  }
0xa5: {  	[sflag:s23] =	ssyncset.done $0x0  }
0xa6: {  	[sflag:s23] =	ssyncadd.s32 $0xFFFFFFFF  }
0xa7: {  	s7 =	sld [smem:$0x0]  }
0xa8: {  	s8 =	sand.u32 $0xFFFFFFFE, s1  }
0xa9: {  	p0 =	sne.s32 s1, s8  }
0xaa: {  	s8 =	sshll.u32 @p0 s8, $0xE  }
0xab: {  	s8 =	sadd.s32 @p0 $0x11B8D, s8;
	s9 =	sshll.u32 @p0 s7, $0x11  }
0xac: {  	s8 =	sor.u32 @p0 s9, s8  }
0xad: {  	[sflag:s8] =	ssyncadd.remote.s32 @p0 $0x1;
	_ =	sdelay $0x1  }
0xae: {  	s8 =	simm.s32 @p0 $0x1B8D  }
0xaf: {  	_ =	swait.eq @p0 [sflag:s8], $0x1  }
0xb0: {  	[sflag:s8] =	ssyncadd.s32 @p0 $0xFFFFFFFF  }
0xb1: {  	s9 =	sshll.u32 @!p0 s1, $0xE  }
0xb2: {  	s9 =	sor.u32 @!p0 $0x4000, s9;
	s8 =	simm.s32 @!p0 $0x1B8D  }
0xb3: {  	s7 =	sshll.u32 @!p0 s7, $0x11;
	s9 =	sadd.s32 @!p0 $0x11B8D, s9;
	_ =	swait.eq @!p0 [sflag:s8], $0x1  }
0xb4: {  	s7 =	sor.u32 @!p0 s7, s9;
	[sflag:s8] =	ssyncadd.s32 @!p0 $0xFFFFFFFF  }
0xb5: {  	s25 =	simm.s32 $0x1B8E;
	s24 =	sld [smem:$0x3FFE];
	[sflag:s7] =	ssyncadd.remote.s32 @!p0 $0x1  }
0xb6: {  	s26 =	simm.s32 $execute0_lowered;
	[smem:$0x3FD2] =	sst s25  }
0xb7: {  	s8 =	sshll.u32 s26, $0x1;
	_ =	strace $0x8000004C;
	[dreg:$0x1] =	wrdreg $0xFFFFFFFF  }
0xb8: {  	s28 =	simm.s32 $_size_execute0_lowered;
	s6 =	sadd.s32 s6, s8;
	[dreg:$0x0] =	wrdreg $0x0  }
0xb9: {  	s8 =	sshll.u32 s28, $0x1;
	[dreg:$0x2] =	wrdreg s6  }
0xba: {  	[dreg:$0x3] =	wrdreg s8  }
0xbb: {  	[dreg:$0x4] =	wrdreg $0xC0  }
0xbc: {  	_ =	task [dreg:s22], $0x5FFFF  }
0xbd: {  	[dreg:$0x1] =	wrdreg $0xFFFFFFFF  }
0xbe: {  	[dreg:$0x0] =	wrdreg $0x60  }
0xbf: {  	[dreg:$0x2] =	wrdreg s24  }
0xc0: {  	[dreg:$0x3] =	wrdreg s5  }
0xc1: {  	[dreg:$0x4] =	wrdreg s18  }
0xc2: {  	[dreg:$0x5] =	wrdreg s4  }
0xc3: {  	[dreg:$0x6] =	wrdreg $0xB  }
0xc4: {  	_ =	task.clear_ibuf [dreg:s22], $0x7FFFF;
	_ =	strace $0x9000004C  }
0xc5: {  	s29 =	simm.s32 $0xB;
	_ =	strace $0x8000004E  }
0xc6: {  	_ =	swait.ge [sflag:s29], $0x1  }
0xc7: {  	[sflag:s29] =	ssyncadd.s32 $0xFFFFFFFF  }
0xc8: {  	_ =	strace $0x9000004E  }
0xc9: {  	_ =	sfence  }
0xca: {  	s30 =	sld [smem:$0x0];
	_ =	sdelay $0x2  }
0xcb: {  	s31 =	sshll.u32 s1, $0xD;
	s1 =	sshrl.u32 s1, $0x2  }
0xcc: {  	s4 =	sand.u32 $0x4000, s31;
	s1 =	sadd.s32 s1, s30  }
0xcd: {  	s0 =	sor.u32 s4, s0;
	s1 =	sshll.u32 s1, $0x11  }
0xce: {  	s0 =	sor.u32 s1, s0  }
0xcf: {  	s0 =	sadd.s32 $0x8F2B, s0  }
0xd0: {  	[sflag:s0] =	ssyncadd.remote.s32 $0x1  }
0xd1: {  	_ =	sfence.sel $0xFFFF  }
0xd2: {  	[dreg:$0x0] =	wrdreg $0xFFFFFFFF;
	(pc) =	sbr.abs _section_cstart, $3  }
0xd3: {  	[dreg:$0x1] =	wrdreg $0xFFFFFFFF  }
0xd4: {  	_ =	task.clear_ibuf [dreg:s22], $0x2FFFF;
	_ =	strace $0x9FFFFFFF  }
0xd5: {  	(tm) =	ssettm $0x7FFFFFFF  }
tec
execute0_lowered:
.L_overlay_start_1:
0x0: {  	(tag) =	ssettag $0x1  }
0x1: {  	s0 =	rddreg [dreg:$0x0]  }
0x2: {  	s1 =	rddreg [dreg:$0x1]  }
0x3: {  	s2 =	rddreg [dreg:$0x3];
	s4 =	srdreg.scid  }
0x4: {  	s25 =	stileid.u32;
	s3 =	simm.s32 $0x0;
	s10 =	simm.s32 $0x40  }
0x5: {  	s11 =	simm.s32 $0x80;
	s12 =	simm.s32 $0x10080;
	s13 =	simm.s32 $0x10880  }
0x6: {  	s14 =	simm.s32 $0x11080;
	s15 =	simm.s32 $0x11880;
	s16 =	simm.s32 $0x12080  }
0x7: {  	s17 =	simm.s32 $0x12880;
	s18 =	simm.s32 $0x13080;
	s19 =	simm.s32 $0x13880  }
0x8: {  	s20 =	simm.s32 $0x14080;
	s21 =	simm.s32 $0x14880;
	s22 =	simm.s32 $0x15080  }
0x9: {  	s23 =	simm.s32 $0x15880;
	s24 =	simm.s32 $0x16080;
	[dreg:$0x5] =	wrdreg s1  }
0xa: {  	s28 =	simm.s32 $0x17880;
	s29 =	simm.s32 $0x18080;
	s1 =	rddreg [dreg:$0x2]  }
0xb: {  	s30 =	simm.s32 $0x1;
	s31 =	simm.s32 $0x2;
	[dreg:$0x6] =	wrdreg s2  }
0xc: {  	s4 =	sand.u32 $0x1, s4;
	s5 =	sshll.u32 s25, $0x1;
	[smem:$0x7FF] =	sst s3  }
0xd: {  	s25 =	simm.s32 $0x16880;
	s5 =	sor.u32 s4, s5;
	_ =	strace $0x8000004D  }
0xe: {  	s4 =	ssub.s32 $0x2, s4;
	s6 =	sshll.u32 s5, $0x4;
	s7 =	sshll.u32 s5, $0xD  }
0xf: {  	s8 =	sshll.u32 s5, $0xC;
	s5 =	sshll.u32 s5, $0x3;
	s26 =	sshrl.u32 s4, $0x1  }
0x10: {  	s6 =	sadd.s32 s6, s0;
	s7 =	sadd.s32 s7, s0;
	s8 =	sadd.s32 s8, s0  }
0x11: {  	s0 =	sadd.s32 s5, s0;
	s9 =	ssub.s32 s4, s26;
	s4 =	sadd.s32 $0x100, s1  }
0x12: {  	v2 =	vlaneseq.u32;
	s26 =	simm.s32 $0x17080;
	s6 =	sadd.s32 $0x28400, s6;
	s5 =	sadd.s32 $0x89400, s7  }
0x13: {  	vm0 =	vmmov $0xffff;
	v1 =	vshrl.u32 v2, $0x3;
	s7 =	sadd.s32 $0x89200, s0;
	s0 =	simm.s32 $0x3;
	[dreg:$0x7] =	wrdreg s6  }
0x14: {  	v0 =	vand.u32 $0x7, v2;
	v2 =	vor.u32 $0x8, v2;
	v1 =	vmul.u32 $0x8, v1;
	s6 =	sadd.s32 $0xC9400, s8;
	s8 =	smax.u32 s9, $0x1;
	s9 =	simm.s32 $0x4  }
.LBB2_1:
0x15: {  	s2 =	rddreg [dreg:$0x7]  }
0x16: {  	[tilespmem:s3], [sflag:$0x4] =	stream.linear.gather [hbm4b:s2+s3], $0x80, $0x38;
	[tilespmem:$0x18100] =	vst v63  }
0x17: {  	_ =	swait.ge [sflag:s9], $0x80  }
0x18: {  	[sflag:s9] =	ssyncset.done $0x0  }
0x19: {  	s2 =	rddreg [dreg:$0x5];
	[sflag:s9] =	ssyncadd.s32 $0xFFFFFF80  }
0x1a: {  	[tilespmem:s11], [sflag:$0x1] =	stream.indirect.gather [hbm4b:s2+s10], $0x400, s3, s10, $0xb8;
	[tilespmem:$0x18100] =	vst v63  }
0x1b: {  	v3 =	vld [tilespmem:$0x0];
	_ =	sdelay $0x4  }
0x1c: {  	v4 =	vshll.u32 v3, $0x2  }
0x1d: {  	v3 =	vand.u32 $0x7, v3;
	v4 =	vand.u32 $0xFFFFFFE0, v4  }
0x1e: {  	v3 =	vor.u32 v3, v4  }
0x1f: {  	v4 =	vperm.xlane v3, v0;
	_ =	sdelay $0x1  }
0x20: {  	v4 =	vadd.s32 v1, v4;
	_ =	sdelay $0x1  }
0x21: {  	v3 =	vperm.xlane v3, v2;
	_ =	sdelay $0x1  }
0x22: {  	v3 =	vadd.s32 v1, v3  }
0x23: {  	[tilespmem:s12], [sflag:$0x2] =	stream.indirect_vreg.gather [hbm4b:s1+s3], $0x80, v4, vm0, $0xb8;
	[tilespmem:$0x18100] =	vst v63  }
0x24: {  	_ = 	snop  }
0x25: {  	[tilespmem:s13], [sflag:$0x2] =	stream.indirect_vreg.gather [hbm4b:s4+s3], $0x80, v4, vm0, $0xb8;
	[tilespmem:$0x18100] =	vst v63  }
0x26: {  	_ = 	snop  }
0x27: {  	[tilespmem:s14], [sflag:$0x2] =	stream.indirect_vreg.gather [hbm4b:s1+s3], $0x80, v3, vm0, $0xb8;
	[tilespmem:$0x18100] =	vst v63  }
0x28: {  	_ = 	snop  }
0x29: {  	[tilespmem:s15], [sflag:$0x2] =	stream.indirect_vreg.gather [hbm4b:s4+s3], $0x80, v3, vm0, $0xb8;
	[tilespmem:$0x18100] =	vst v63  }
0x2a: {  	v3 =	vld [tilespmem:$0x10];
	_ =	sdelay $0x4  }
0x2b: {  	v61 =	vshll.u32 v3, $0x2  }
0x2c: {  	v3 =	vand.u32 $0x7, v3;
	v4 =	vand.u32 $0xFFFFFFE0, v61  }
0x2d: {  	v3 =	vor.u32 v3, v4  }
0x2e: {  	v4 =	vperm.xlane v3, v0;
	_ =	sdelay $0x1  }
0x2f: {  	v4 =	vadd.s32 v1, v4;
	_ =	sdelay $0x1  }
0x30: {  	v3 =	vperm.xlane v3, v2;
	_ =	sdelay $0x1  }
0x31: {  	v3 =	vadd.s32 v1, v3  }
0x32: {  	[tilespmem:s16], [sflag:$0x2] =	stream.indirect_vreg.gather [hbm4b:s1+s3], $0x80, v4, vm0, $0xb8;
	[tilespmem:$0x18100] =	vst v63  }
0x33: {  	_ = 	snop  }
0x34: {  	[tilespmem:s17], [sflag:$0x2] =	stream.indirect_vreg.gather [hbm4b:s4+s3], $0x80, v4, vm0, $0xb8;
	[tilespmem:$0x18100] =	vst v63  }
0x35: {  	_ = 	snop  }
0x36: {  	[tilespmem:s18], [sflag:$0x2] =	stream.indirect_vreg.gather [hbm4b:s1+s3], $0x80, v3, vm0, $0xb8;
	[tilespmem:$0x18100] =	vst v63  }
0x37: {  	_ = 	snop  }
0x38: {  	[tilespmem:s19], [sflag:$0x2] =	stream.indirect_vreg.gather [hbm4b:s4+s3], $0x80, v3, vm0, $0xb8;
	[tilespmem:$0x18100] =	vst v63  }
0x39: {  	v3 =	vld [tilespmem:$0x20];
	_ =	sdelay $0x4  }
0x3a: {  	v62 =	vshll.u32 v3, $0x2  }
0x3b: {  	v3 =	vand.u32 $0x7, v3;
	v4 =	vand.u32 $0xFFFFFFE0, v62  }
0x3c: {  	v3 =	vor.u32 v3, v4  }
0x3d: {  	v4 =	vperm.xlane v3, v0;
	_ =	sdelay $0x1  }
0x3e: {  	v4 =	vadd.s32 v1, v4;
	_ =	sdelay $0x1  }
0x3f: {  	v3 =	vperm.xlane v3, v2;
	_ =	sdelay $0x1  }
0x40: {  	v3 =	vadd.s32 v1, v3  }
0x41: {  	[tilespmem:s20], [sflag:$0x2] =	stream.indirect_vreg.gather [hbm4b:s1+s3], $0x80, v4, vm0, $0xb8;
	[tilespmem:$0x18100] =	vst v63  }
0x42: {  	_ = 	snop  }
0x43: {  	[tilespmem:s21], [sflag:$0x2] =	stream.indirect_vreg.gather [hbm4b:s4+s3], $0x80, v4, vm0, $0xb8;
	[tilespmem:$0x18100] =	vst v63  }
0x44: {  	_ = 	snop  }
0x45: {  	[tilespmem:s22], [sflag:$0x2] =	stream.indirect_vreg.gather [hbm4b:s1+s3], $0x80, v3, vm0, $0xb8;
	[tilespmem:$0x18100] =	vst v63  }
0x46: {  	_ = 	snop  }
0x47: {  	[tilespmem:s23], [sflag:$0x2] =	stream.indirect_vreg.gather [hbm4b:s4+s3], $0x80, v3, vm0, $0xb8;
	[tilespmem:$0x18100] =	vst v63  }
0x48: {  	v3 =	vld [tilespmem:$0x30];
	_ =	sdelay $0x4  }
0x49: {  	v63 =	vshll.u32 v3, $0x2  }
0x4a: {  	v3 =	vand.u32 $0x7, v3;
	v4 =	vand.u32 $0xFFFFFFE0, v63  }
0x4b: {  	v3 =	vor.u32 v3, v4  }
0x4c: {  	v4 =	vperm.xlane v3, v0;
	_ =	sdelay $0x1  }
0x4d: {  	v4 =	vadd.s32 v1, v4;
	_ =	sdelay $0x1  }
0x4e: {  	v3 =	vperm.xlane v3, v2;
	_ =	sdelay $0x1  }
0x4f: {  	v3 =	vadd.s32 v1, v3  }
0x50: {  	[tilespmem:s24], [sflag:$0x2] =	stream.indirect_vreg.gather [hbm4b:s1+s3], $0x80, v4, vm0, $0xb8;
	[tilespmem:$0x18100] =	vst v63  }
0x51: {  	_ = 	snop  }
0x52: {  	[tilespmem:s25], [sflag:$0x2] =	stream.indirect_vreg.gather [hbm4b:s4+s3], $0x80, v4, vm0, $0xb8;
	[tilespmem:$0x18100] =	vst v63  }
0x53: {  	_ = 	snop  }
0x54: {  	[tilespmem:s26], [sflag:$0x2] =	stream.indirect_vreg.gather [hbm4b:s1+s3], $0x80, v3, vm0, $0xb8;
	[tilespmem:$0x18100] =	vst v63  }
0x55: {  	_ = 	snop  }
0x56: {  	[tilespmem:s28], [sflag:$0x2] =	stream.indirect_vreg.gather [hbm4b:s4+s3], $0x80, v3, vm0, $0xb8;
	[tilespmem:$0x18100] =	vst v63  }
0x57: {  	s2 =	rddreg [dreg:$0x6]  }
0x58: {  	[tilespmem:s29], [sflag:$0x3] =	stream.indirect.gather [hbm4b:s2+s10], $0x1, s3, s10, $0xb8;
	[tilespmem:$0x18100] =	vst v63  }
0x59: {  	_ =	swait.ge [sflag:s30], $0x10000  }
0x5a: {  	[sflag:s30] =	ssyncset.done $0x0  }
0x5b: {  	[sflag:s30] =	ssyncadd.s32 $0xFFFF0000  }
0x5c: {  	_ =	swait.ge [sflag:s31], $0x8000  }
0x5d: {  	[sflag:s31] =	ssyncset.done $0x0  }
0x5e: {  	[sflag:s31] =	ssyncadd.s32 $0xFFFF8000  }
0x5f: {  	_ =	swait.ge [sflag:s0], $0x40  }
0x60: {  	[sflag:s0] =	ssyncset.done $0x0  }
0x61: {  	[sflag:s0] =	ssyncadd.s32 $0xFFFFFFC0  }
0x62: {  	[hbm4b:s5+s3] =	stream.linear.scatter [tilespmem:s11], [sflag:$0x4], $0x10000, $0x38;
	[tilespmem:$0x18100] =	vst v63  }
0x63: {  	_ =	swait.ge [sflag:s9], $0x10000  }
0x64: {  	[sflag:s9] =	ssyncset.done $0x0  }
0x65: {  	[sflag:s9] =	ssyncadd.s32 $0xFFFF0000  }
0x66: {  	[hbm4b:s6+s3] =	stream.linear.scatter [tilespmem:s12], [sflag:$0x4], $0x8000, $0x38;
	[tilespmem:$0x18100] =	vst v63  }
0x67: {  	_ =	swait.ge [sflag:s9], $0x8000  }
0x68: {  	p0 =	sne.s32 s8, $0x1;
	[sflag:s9] =	ssyncset.done $0x0  }
.Ltmp0:
0x69: {  	[sflag:s9] =	ssyncadd.s32 $0xFFFF8000;
	(pc) =	sbr.rel @p0 .LBB2_1-.Ltmp0, $4  }
0x6a: {  	[hbm4b:s7+s3] =	stream.linear.scatter [tilespmem:s29], [sflag:$0x4], $0x40, $0x38;
	[tilespmem:$0x18100] =	vst v63  }
0x6b: {  	_ =	swait.ge [sflag:s9], $0x40  }
0x6c: {  	[sflag:s9] =	ssyncset.done $0x0  }
0x6d: {  	s8 =	sadd.s32 $0xFFFFFFFF, s8;
	[sflag:s9] =	ssyncadd.s32 $0xFFFFFFC0  }
0x6e: {  	_ =	sfence.sel $0x180000  }
0x6f: {  	[bflag:$0x0] =	sbarrier.arrive $0xFFFF  }
0x70: {  	_ =	strace $0x9000004D  }
0x71: {  	s0 =	stileid.u32;
	[bflag:$0x2] =	sbarrier.arrive $0xFFFF  }
0x72: {  	p0 =	sne.s32 s0, $0x0;
	s0 =	rddreg [dreg:$0x4]  }
0x73: {  	s0 =	sadd.s32 @!p0 $0x100000, s0  }
0x74: {  	[sflag:s0] =	ssyncadd.tile.s32 @!p0 $0x1;
	_ =	shalt  }
.Lfunc_end2:
_tile_overlayer_lowered:
.L_overlay_start_2:
0x75: {  	(tag) =	ssettag $0x2  }
0x76: {  	s0 =	rddreg [dreg:$0x0];
	s2 =	stileid.u32  }
0x77: {  	s1 =	rddreg [dreg:$0x1];
	p0 =	sne.s32 s2, $0x0  }
0x78: {  	s3 =	rddreg [dreg:$0x2];
	[bflag:$0x3] =	sbarrier.arrive $0xFFFF;
	s2 =	simm.s32 @!p0 $0x1C04  }
0x79: {  	[timem:s3], [sflag:s2] =	dma.local @!p0 [hbm:s0], s1  }
0x7a: {  	s0 =	simm.s32 @!p0 $0x4  }
0x7b: {  	_ =	swait.ge @!p0 [sflag:s0], s1  }
0x7c: {  	s1 =	ssub.s32 @!p0 $0x0, s1;
	[sflag:s0] =	ssyncset.done @!p0 $0x0  }
0x7d: {  	[sflag:s0] =	ssyncadd.s32 @!p0 s1  }
0x7e: {  	[bflag:$0x3] =	sbarrier.arrive $0xFFFF  }
0x7f: {  	_ =	shalt  }

// kernel: kernel.27.cloned.1.call-start
scs
__scs_entry_jumppad:
0x0: {  	(pc) =	sbr.rel $0x88, $3  }
0x1: {  	(tag) =	ssettag $0x0;
	lr =	simm.s32 $0x1  }
0x2: {  	[smem:$0x3F99] =	sst lr;
	_ =	strace $0xD0000000  }
0x3: {  	_ = 	snop  }
0x4: {  	_ = 	snop  }
0x5: {  	_ = 	snop  }
0x6: {  	_ = 	snop  }
0x7: {  	_ = 	snop  }
__scs_overlays_trampoline_lowered:
0x8: {  	[smem:$0x3FA8] =	sst s0  }
0x9: {  	[smem:$0x3FA9] =	sst s1  }
0xa: {  	[smem:$0x3FAA] =	sst s2  }
0xb: {  	[smem:$0x3FAB] =	sst s3  }
0xc: {  	[smem:$0x3FAC] =	sst s4  }
0xd: {  	[smem:$0x3FAD] =	sst s5  }
0xe: {  	[smem:$0x3FAE] =	sst s6  }
0xf: {  	[smem:$0x3FAF] =	sst s7  }
0x10: {  	[smem:$0x3FB0] =	sst s8  }
0x11: {  	[smem:$0x3FB1] =	sst s9;
	s0 =	simm.s32 @!p0 $0x0  }
0x12: {  	s1 =	sld [smem:$0x3F97];
	s0 =	simm.s32 @p0 $0x1  }
0x13: {  	[smem:$0x3FB2] =	sst s0;
	s0 =	simm.s32 @!p1 $0x0  }
0x14: {  	s2 =	sld [smem:$0x3F96];
	s0 =	simm.s32 @p1 $0x1  }
0x15: {  	[smem:$0x3FB3] =	sst s0;
	s0 =	simm.s32 @!p2 $0x0  }
0x16: {  	s3 =	sld [smem:$0x3FDB];
	s0 =	simm.s32 @p2 $0x1  }
0x17: {  	s4 =	simm.s32 $0x1BF5;
	[smem:$0x3FB5] =	sst s0  }
0x18: {  	s0 =	sld [smem:$0x3F98];
	_ =	swait.ge [sflag:s4], $0x0  }
0x19: {  	s7 =	sld [smem:$0x3F99]  }
0x1a: {  	s8 =	sadd.s32 $0xFFFFE003, lr  }
0x1b: {  	s9 =	sadd.s32 $0xFFFFFEF7, lr;
	s5 =	simm.s32 $0xFFFFFFFF;
	p2 =	slt.u32 s8, $0xFFFFF086  }
0x1c: {  	p1 =	slt.u32 s9, $0xF7A;
	s5 =	simm.s32 @!p2 $0x0  }
0x1d: {  	s5 =	simm.s32 @p1 $0x1;
	p0 =	seq.s32 s7, s2  }
0x1e: {  	s7 =	smul.u32 @!p0 $0xF7A, s2;
	p2 =	seq.s32 @!p0 s5, $0x0  }
0x1f: {  	s9 =	smul.u32 $0xF7A, s1;
	s8 =	simm.s32 @!p0 $0x1BF5;
	p2 =	por !p2, p0  }
0x20: {  	[sflag:s8] =	ssyncset.s32 @!p0 $0xFFFFF086;
	s6 =	sadd.s32 @!p0 s3, s7;
	s7 =	simm.s32 @!p0 $0x108  }
0x21: {  	s3 =	sadd.s32 s3, s9;
	s6 =	sadd.s32 @!p0 $0x88, s6;
	s7 =	simm.s32 @p2 $0x1082  }
0x22: {  	[simem:s7], [sflag:s8] =	dma.local @!p0 [hbm:s6], $0xF7A  }
0x23: {  	s9 =	sor.u32 $0xD0000000, s2;
	s6 =	simm.s32 $0x108;
	_ =	swait.ge @!p0 [sflag:s8], $0x0  }
0x24: {  	s3 =	sadd.s32 $0x88, s3;
	s6 =	simm.s32 @!p1 $0x1082;
	[sflag:s4] =	ssyncset.s32 $0xFFFFF086  }
0x25: {  	[simem:s6], [sflag:s4] =	dma.local [hbm:s3], $0xF7A  }
0x26: {  	[smem:$0x3F99] =	sst s1;
	(tag) =	ssettag s2;
	_ =	strace s9  }
0x27: {  	s1 =	sld [smem:$0x3FA9]  }
0x28: {  	s2 =	sld [smem:$0x3FAA]  }
0x29: {  	s4 =	sld [smem:$0x3FAC]  }
0x2a: {  	p0 =	seq.s32 s5, $0x0;
	s5 =	sld [smem:$0x3FAD]  }
0x2b: {  	s6 =	sld [smem:$0x3FAE]  }
0x2c: {  	s7 =	sld [smem:$0x3FAF]  }
0x2d: {  	s3 =	simm.s32 $0x108;
	s8 =	sld [smem:$0x3FB0]  }
0x2e: {  	s3 =	simm.s32 @!p0 $0x1082;
	s9 =	sld [smem:$0x3FB1]  }
0x2f: {  	lr =	sadd.s32 s0, s3;
	s0 =	sld [smem:$0x3FA8]  }
0x30: {  	s3 =	sld [smem:$0x3FAB]  }
0x31: {  	[smem:$0x3FB4] =	sst s10  }
0x32: {  	s10 =	sld [smem:$0x3FB2];
	_ =	sdelay $0x3  }
0x33: {  	p0 =	seq.s32 s10, $0x1;
	s10 =	sld [smem:$0x3FB4];
	_ =	sdelay $0x3  }
0x34: {  	[smem:$0x3FB4] =	sst s10  }
0x35: {  	s10 =	sld [smem:$0x3FB3];
	_ =	sdelay $0x3  }
0x36: {  	p1 =	seq.s32 s10, $0x1;
	s10 =	sld [smem:$0x3FB4];
	_ =	sdelay $0x3  }
0x37: {  	[smem:$0x3FB4] =	sst s10  }
0x38: {  	s10 =	sld [smem:$0x3FB5]  }
0x39: {  	_ = 	snop;
	(pc) =	sbr.ind lr, $3  }
0x3a: {  	_ = 	snop  }
0x3b: {  	_ = 	snop  }
0x3c: {  	p2 =	seq.s32 s10, $0x1;
	s10 =	sld [smem:$0x3FB4]  }
0x3d: {  	_ =	shalt  }
0x3e: {  	_ =	shalt  }
0x3f: {  	_ =	shalt  }
0x40: {  	_ =	shalt  }
0x41: {  	_ =	shalt  }
0x42: {  	_ =	shalt  }
0x43: {  	_ =	shalt  }
0x44: {  	_ =	shalt  }
0x45: {  	_ =	shalt  }
0x46: {  	_ =	shalt  }
0x47: {  	_ =	shalt  }
0x48: {  	_ =	shalt  }
0x49: {  	_ =	shalt  }
0x4a: {  	_ =	shalt  }
0x4b: {  	_ =	shalt  }
0x4c: {  	_ =	shalt  }
0x4d: {  	_ =	shalt  }
0x4e: {  	_ =	shalt  }
0x4f: {  	_ =	shalt  }
0x50: {  	_ =	shalt  }
0x51: {  	_ =	shalt  }
0x52: {  	_ =	shalt  }
0x53: {  	_ =	shalt  }
0x54: {  	_ =	shalt  }
0x55: {  	_ =	shalt  }
0x56: {  	_ =	shalt  }
0x57: {  	_ =	shalt  }
0x58: {  	_ =	shalt  }
0x59: {  	_ =	shalt  }
0x5a: {  	_ =	shalt  }
0x5b: {  	_ =	shalt  }
0x5c: {  	_ =	shalt  }
0x5d: {  	_ =	shalt  }
0x5e: {  	_ =	shalt  }
0x5f: {  	_ =	shalt  }
0x60: {  	_ =	shalt  }
0x61: {  	_ =	shalt  }
0x62: {  	_ =	shalt  }
0x63: {  	_ =	shalt  }
0x64: {  	_ =	shalt  }
0x65: {  	_ =	shalt  }
0x66: {  	_ =	shalt  }
0x67: {  	_ =	shalt  }
0x68: {  	_ =	shalt  }
0x69: {  	_ =	shalt  }
0x6a: {  	_ =	shalt  }
0x6b: {  	_ =	shalt  }
0x6c: {  	_ =	shalt  }
0x6d: {  	_ =	shalt  }
0x6e: {  	_ =	shalt  }
0x6f: {  	_ =	shalt  }
0x70: {  	_ =	shalt  }
0x71: {  	_ =	shalt  }
0x72: {  	_ =	shalt  }
0x73: {  	_ =	shalt  }
0x74: {  	_ =	shalt  }
0x75: {  	_ =	shalt  }
0x76: {  	_ =	shalt  }
0x77: {  	_ =	shalt  }
0x78: {  	_ =	shalt  }
0x79: {  	_ =	shalt  }
0x7a: {  	_ =	shalt  }
0x7b: {  	_ =	shalt  }
0x7c: {  	_ =	shalt  }
0x7d: {  	_ =	shalt  }
0x7e: {  	_ =	shalt  }
0x7f: {  	_ =	shalt  }
0x80: {  	_ =	shalt  }
0x81: {  	_ =	shalt  }
0x82: {  	_ =	shalt  }
0x83: {  	_ =	shalt  }
0x84: {  	_ =	shalt  }
0x85: {  	_ =	shalt  }
0x86: {  	_ =	shalt  }
0x87: {  	_ =	shalt  }
.Lfunc_end0:
.L_simem_size_0:
called_computation.3_lowered:
.L_overlay_start_0:
0x88: {  	s2 =	sld [smem:$0x3FD9]  }
0x89: {  	s3 =	sld [smem:$0x3FFE];
	_ =	sdelay $0x1  }
0x8a: {  	s1 =	srdreg.scid  }
0x8b: {  	s0 =	sand.u32 $0x1, s1  }
0x8c: {  	s17 =	sshll.u32 s0, $0xA;
	s2 =	sadd.s32 s3, s2  }
0x8d: {  	s2 =	sadd.s32 s2, s17  }
0x8e: {  	[smem:$0x3FC0] =	sst s2  }
0x8f: {  	_ = 	snop  }
0x90: {  	s18 =	sld [smem:$0x3FC8]  }
0x91: {  	s5 =	sld [smem:$0x3FC7]  }
0x92: {  	s4 =	sld [smem:$0x3FC6];
	(tm) =	ssettm $0x1  }
0x93: {  	s19 =	sld [smem:$0x3FFB];
	_ =	sdelay $0x3  }
0x94: {  	_ =	strace s19  }
0x95: {  	s2 =	sld [smem:$0x3FFC];
	_ =	sdelay $0x3  }
0x96: {  	_ =	strace s2  }
0x97: {  	s2 =	sld [smem:$0x3FFD];
	_ =	sdelay $0x3  }
0x98: {  	_ =	strace s2  }
0x99: {  	_ =	strace $0x8FFFFFFF  }
0x9a: {  	s20 =	sld [smem:$0x3FDB];
	_ =	sdelay $0x1  }
0x9b: {  	s6 =	simm.s32 $_scs_section_size  }
0x9c: {  	s7 =	simm.s32 $_size__tile_overlayer_lowered;
	s8 =	simm.s32 $_tile_overlayer_lowered  }
0x9d: {  	s9 =	simm.s32 $0x1BFF;
	s21 =	sshll.u32 s8, $0x1;
	s6 =	sadd.s32 s6, s20  }
0x9e: {  	s22 =	simm.s32 $0x0;
	s7 =	sshll.u32 s7, $0x1;
	s8 =	sadd.s32 s21, s6  }
0x9f: {  	[timem:s22], [sflag:s9] =	dma.local [hbm:s8], s7  }
0xa0: {  	_ =	swait.ge [sflag:s9], s7  }
0xa1: {  	s7 =	ssub.s32 $0x0, s7;
	[sflag:s9] =	ssyncset.done $0x0  }
0xa2: {  	[sflag:s9] =	ssyncadd.s32 s7;
	_ =	sdelay $0x1  }
0xa3: {  	s23 =	simm.s32 $0x1B8B  }
0xa4: {  	_ =	swait.ge [sflag:s23], $0x1  }
0xa5: {  	[sflag:s23] =	ssyncset.done $0x0  }
0xa6: {  	[sflag:s23] =	ssyncadd.s32 $0xFFFFFFFF  }
0xa7: {  	s7 =	sld [smem:$0x0]  }
0xa8: {  	s8 =	sand.u32 $0xFFFFFFFE, s1  }
0xa9: {  	p0 =	sne.s32 s1, s8  }
0xaa: {  	s8 =	sshll.u32 @p0 s8, $0xE  }
0xab: {  	s8 =	sadd.s32 @p0 $0x11B8D, s8;
	s9 =	sshll.u32 @p0 s7, $0x11  }
0xac: {  	s8 =	sor.u32 @p0 s9, s8  }
0xad: {  	[sflag:s8] =	ssyncadd.remote.s32 @p0 $0x1;
	_ =	sdelay $0x1  }
0xae: {  	s8 =	simm.s32 @p0 $0x1B8D  }
0xaf: {  	_ =	swait.eq @p0 [sflag:s8], $0x1  }
0xb0: {  	[sflag:s8] =	ssyncadd.s32 @p0 $0xFFFFFFFF  }
0xb1: {  	s9 =	sshll.u32 @!p0 s1, $0xE  }
0xb2: {  	s9 =	sor.u32 @!p0 $0x4000, s9;
	s8 =	simm.s32 @!p0 $0x1B8D  }
0xb3: {  	s7 =	sshll.u32 @!p0 s7, $0x11;
	s9 =	sadd.s32 @!p0 $0x11B8D, s9;
	_ =	swait.eq @!p0 [sflag:s8], $0x1  }
0xb4: {  	s7 =	sor.u32 @!p0 s7, s9;
	[sflag:s8] =	ssyncadd.s32 @!p0 $0xFFFFFFFF  }
0xb5: {  	s25 =	simm.s32 $0x1B8E;
	s24 =	sld [smem:$0x3FFE];
	[sflag:s7] =	ssyncadd.remote.s32 @!p0 $0x1  }
0xb6: {  	s26 =	simm.s32 $execute0_lowered;
	[smem:$0x3FD2] =	sst s25  }
0xb7: {  	s8 =	sshll.u32 s26, $0x1;
	_ =	strace $0x8000004F;
	[dreg:$0x1] =	wrdreg $0xFFFFFFFF  }
0xb8: {  	s28 =	simm.s32 $_size_execute0_lowered;
	s6 =	sadd.s32 s6, s8;
	[dreg:$0x0] =	wrdreg $0x0  }
0xb9: {  	s8 =	sshll.u32 s28, $0x1;
	[dreg:$0x2] =	wrdreg s6  }
0xba: {  	[dreg:$0x3] =	wrdreg s8  }
0xbb: {  	[dreg:$0x4] =	wrdreg $0xC0  }
0xbc: {  	_ =	task [dreg:s22], $0x5FFFF  }
0xbd: {  	[dreg:$0x1] =	wrdreg $0xFFFFFFFF  }
0xbe: {  	[dreg:$0x0] =	wrdreg $0x60  }
0xbf: {  	[dreg:$0x2] =	wrdreg s24  }
0xc0: {  	[dreg:$0x3] =	wrdreg s5  }
0xc1: {  	[dreg:$0x4] =	wrdreg s18  }
0xc2: {  	[dreg:$0x5] =	wrdreg s4  }
0xc3: {  	[dreg:$0x6] =	wrdreg $0xC  }
0xc4: {  	_ =	task.clear_ibuf [dreg:s22], $0x7FFFF;
	_ =	strace $0x9000004F  }
0xc5: {  	s29 =	simm.s32 $0xC;
	_ =	strace $0x80000051  }
0xc6: {  	_ =	swait.ge [sflag:s29], $0x1  }
0xc7: {  	[sflag:s29] =	ssyncadd.s32 $0xFFFFFFFF  }
0xc8: {  	_ =	strace $0x90000051  }
0xc9: {  	_ =	sfence  }
0xca: {  	s30 =	sld [smem:$0x0];
	_ =	sdelay $0x2  }
0xcb: {  	s31 =	sshll.u32 s1, $0xD;
	s1 =	sshrl.u32 s1, $0x2  }
0xcc: {  	s4 =	sand.u32 $0x4000, s31;
	s1 =	sadd.s32 s1, s30  }
0xcd: {  	s0 =	sor.u32 s4, s0;
	s1 =	sshll.u32 s1, $0x11  }
0xce: {  	s0 =	sor.u32 s1, s0  }
0xcf: {  	s0 =	sadd.s32 $0x8F2B, s0  }
0xd0: {  	[sflag:s0] =	ssyncadd.remote.s32 $0x1  }
0xd1: {  	_ =	sfence.sel $0xFFFF  }
0xd2: {  	[dreg:$0x0] =	wrdreg $0xFFFFFFFF;
	(pc) =	sbr.abs _section_cstart, $3  }
0xd3: {  	[dreg:$0x1] =	wrdreg $0xFFFFFFFF  }
0xd4: {  	_ =	task.clear_ibuf [dreg:s22], $0x2FFFF;
	_ =	strace $0x9FFFFFFF  }
0xd5: {  	(tm) =	ssettm $0x7FFFFFFF  }
tec
execute0_lowered:
.L_overlay_start_1:
0x0: {  	(tag) =	ssettag $0x1  }
0x1: {  	s0 =	rddreg [dreg:$0x0]  }
0x2: {  	s1 =	rddreg [dreg:$0x1]  }
0x3: {  	s2 =	rddreg [dreg:$0x3];
	s4 =	srdreg.scid  }
0x4: {  	s25 =	stileid.u32;
	s3 =	simm.s32 $0x0;
	s10 =	simm.s32 $0x40  }
0x5: {  	s11 =	simm.s32 $0x80;
	s12 =	simm.s32 $0x10080;
	s13 =	simm.s32 $0x10880  }
0x6: {  	s14 =	simm.s32 $0x11080;
	s15 =	simm.s32 $0x11880;
	s16 =	simm.s32 $0x12080  }
0x7: {  	s17 =	simm.s32 $0x12880;
	s18 =	simm.s32 $0x13080;
	s19 =	simm.s32 $0x13880  }
0x8: {  	s20 =	simm.s32 $0x14080;
	s21 =	simm.s32 $0x14880;
	s22 =	simm.s32 $0x15080  }
0x9: {  	s23 =	simm.s32 $0x15880;
	s24 =	simm.s32 $0x16080;
	[dreg:$0x5] =	wrdreg s1  }
0xa: {  	s28 =	simm.s32 $0x17880;
	s29 =	simm.s32 $0x18080;
	s1 =	rddreg [dreg:$0x2]  }
0xb: {  	s30 =	simm.s32 $0x1;
	s31 =	simm.s32 $0x2;
	[dreg:$0x6] =	wrdreg s2  }
0xc: {  	s4 =	sand.u32 $0x1, s4;
	s5 =	sshll.u32 s25, $0x1;
	[smem:$0x7FF] =	sst s3  }
0xd: {  	s25 =	simm.s32 $0x16880;
	s5 =	sor.u32 s4, s5;
	_ =	strace $0x80000050  }
0xe: {  	s4 =	ssub.s32 $0x2, s4;
	s6 =	sshll.u32 s5, $0x4;
	s7 =	sshll.u32 s5, $0xD  }
0xf: {  	s8 =	sshll.u32 s5, $0xC;
	s5 =	sshll.u32 s5, $0x3;
	s26 =	sshrl.u32 s4, $0x1  }
0x10: {  	s6 =	sadd.s32 s6, s0;
	s7 =	sadd.s32 s7, s0;
	s8 =	sadd.s32 s8, s0  }
0x11: {  	s0 =	sadd.s32 s5, s0;
	s9 =	ssub.s32 s4, s26;
	s4 =	sadd.s32 $0x100, s1  }
0x12: {  	v2 =	vlaneseq.u32;
	s26 =	simm.s32 $0x17080;
	s6 =	sadd.s32 $0x28600, s6;
	s5 =	sadd.s32 $0xE9600, s7  }
0x13: {  	vm0 =	vmmov $0xffff;
	v1 =	vshrl.u32 v2, $0x3;
	s7 =	sadd.s32 $0xE9400, s0;
	s0 =	simm.s32 $0x3;
	[dreg:$0x7] =	wrdreg s6  }
0x14: {  	v0 =	vand.u32 $0x7, v2;
	v2 =	vor.u32 $0x8, v2;
	v1 =	vmul.u32 $0x8, v1;
	s6 =	sadd.s32 $0x129600, s8;
	s8 =	smax.u32 s9, $0x1;
	s9 =	simm.s32 $0x4  }
.LBB2_1:
0x15: {  	s2 =	rddreg [dreg:$0x7]  }
0x16: {  	[tilespmem:s3], [sflag:$0x4] =	stream.linear.gather [hbm4b:s2+s3], $0x80, $0x38;
	[tilespmem:$0x18100] =	vst v63  }
0x17: {  	_ =	swait.ge [sflag:s9], $0x80  }
0x18: {  	[sflag:s9] =	ssyncset.done $0x0  }
0x19: {  	s2 =	rddreg [dreg:$0x5];
	[sflag:s9] =	ssyncadd.s32 $0xFFFFFF80  }
0x1a: {  	[tilespmem:s11], [sflag:$0x1] =	stream.indirect.gather [hbm4b:s2+s10], $0x400, s3, s10, $0xb8;
	[tilespmem:$0x18100] =	vst v63  }
0x1b: {  	v3 =	vld [tilespmem:$0x0];
	_ =	sdelay $0x4  }
0x1c: {  	v4 =	vshll.u32 v3, $0x2  }
0x1d: {  	v3 =	vand.u32 $0x7, v3;
	v4 =	vand.u32 $0xFFFFFFE0, v4  }
0x1e: {  	v3 =	vor.u32 v3, v4  }
0x1f: {  	v4 =	vperm.xlane v3, v0;
	_ =	sdelay $0x1  }
0x20: {  	v4 =	vadd.s32 v1, v4;
	_ =	sdelay $0x1  }
0x21: {  	v3 =	vperm.xlane v3, v2;
	_ =	sdelay $0x1  }
0x22: {  	v3 =	vadd.s32 v1, v3  }
0x23: {  	[tilespmem:s12], [sflag:$0x2] =	stream.indirect_vreg.gather [hbm4b:s1+s3], $0x80, v4, vm0, $0xb8;
	[tilespmem:$0x18100] =	vst v63  }
0x24: {  	_ = 	snop  }
0x25: {  	[tilespmem:s13], [sflag:$0x2] =	stream.indirect_vreg.gather [hbm4b:s4+s3], $0x80, v4, vm0, $0xb8;
	[tilespmem:$0x18100] =	vst v63  }
0x26: {  	_ = 	snop  }
0x27: {  	[tilespmem:s14], [sflag:$0x2] =	stream.indirect_vreg.gather [hbm4b:s1+s3], $0x80, v3, vm0, $0xb8;
	[tilespmem:$0x18100] =	vst v63  }
0x28: {  	_ = 	snop  }
0x29: {  	[tilespmem:s15], [sflag:$0x2] =	stream.indirect_vreg.gather [hbm4b:s4+s3], $0x80, v3, vm0, $0xb8;
	[tilespmem:$0x18100] =	vst v63  }
0x2a: {  	v3 =	vld [tilespmem:$0x10];
	_ =	sdelay $0x4  }
0x2b: {  	v61 =	vshll.u32 v3, $0x2  }
0x2c: {  	v3 =	vand.u32 $0x7, v3;
	v4 =	vand.u32 $0xFFFFFFE0, v61  }
0x2d: {  	v3 =	vor.u32 v3, v4  }
0x2e: {  	v4 =	vperm.xlane v3, v0;
	_ =	sdelay $0x1  }
0x2f: {  	v4 =	vadd.s32 v1, v4;
	_ =	sdelay $0x1  }
0x30: {  	v3 =	vperm.xlane v3, v2;
	_ =	sdelay $0x1  }
0x31: {  	v3 =	vadd.s32 v1, v3  }
0x32: {  	[tilespmem:s16], [sflag:$0x2] =	stream.indirect_vreg.gather [hbm4b:s1+s3], $0x80, v4, vm0, $0xb8;
	[tilespmem:$0x18100] =	vst v63  }
0x33: {  	_ = 	snop  }
0x34: {  	[tilespmem:s17], [sflag:$0x2] =	stream.indirect_vreg.gather [hbm4b:s4+s3], $0x80, v4, vm0, $0xb8;
	[tilespmem:$0x18100] =	vst v63  }
0x35: {  	_ = 	snop  }
0x36: {  	[tilespmem:s18], [sflag:$0x2] =	stream.indirect_vreg.gather [hbm4b:s1+s3], $0x80, v3, vm0, $0xb8;
	[tilespmem:$0x18100] =	vst v63  }
0x37: {  	_ = 	snop  }
0x38: {  	[tilespmem:s19], [sflag:$0x2] =	stream.indirect_vreg.gather [hbm4b:s4+s3], $0x80, v3, vm0, $0xb8;
	[tilespmem:$0x18100] =	vst v63  }
0x39: {  	v3 =	vld [tilespmem:$0x20];
	_ =	sdelay $0x4  }
0x3a: {  	v62 =	vshll.u32 v3, $0x2  }
0x3b: {  	v3 =	vand.u32 $0x7, v3;
	v4 =	vand.u32 $0xFFFFFFE0, v62  }
0x3c: {  	v3 =	vor.u32 v3, v4  }
0x3d: {  	v4 =	vperm.xlane v3, v0;
	_ =	sdelay $0x1  }
0x3e: {  	v4 =	vadd.s32 v1, v4;
	_ =	sdelay $0x1  }
0x3f: {  	v3 =	vperm.xlane v3, v2;
	_ =	sdelay $0x1  }
0x40: {  	v3 =	vadd.s32 v1, v3  }
0x41: {  	[tilespmem:s20], [sflag:$0x2] =	stream.indirect_vreg.gather [hbm4b:s1+s3], $0x80, v4, vm0, $0xb8;
	[tilespmem:$0x18100] =	vst v63  }
0x42: {  	_ = 	snop  }
0x43: {  	[tilespmem:s21], [sflag:$0x2] =	stream.indirect_vreg.gather [hbm4b:s4+s3], $0x80, v4, vm0, $0xb8;
	[tilespmem:$0x18100] =	vst v63  }
0x44: {  	_ = 	snop  }
0x45: {  	[tilespmem:s22], [sflag:$0x2] =	stream.indirect_vreg.gather [hbm4b:s1+s3], $0x80, v3, vm0, $0xb8;
	[tilespmem:$0x18100] =	vst v63  }
0x46: {  	_ = 	snop  }
0x47: {  	[tilespmem:s23], [sflag:$0x2] =	stream.indirect_vreg.gather [hbm4b:s4+s3], $0x80, v3, vm0, $0xb8;
	[tilespmem:$0x18100] =	vst v63  }
0x48: {  	v3 =	vld [tilespmem:$0x30];
	_ =	sdelay $0x4  }
0x49: {  	v63 =	vshll.u32 v3, $0x2  }
0x4a: {  	v3 =	vand.u32 $0x7, v3;
	v4 =	vand.u32 $0xFFFFFFE0, v63  }
0x4b: {  	v3 =	vor.u32 v3, v4  }
0x4c: {  	v4 =	vperm.xlane v3, v0;
	_ =	sdelay $0x1  }
0x4d: {  	v4 =	vadd.s32 v1, v4;
	_ =	sdelay $0x1  }
0x4e: {  	v3 =	vperm.xlane v3, v2;
	_ =	sdelay $0x1  }
0x4f: {  	v3 =	vadd.s32 v1, v3  }
0x50: {  	[tilespmem:s24], [sflag:$0x2] =	stream.indirect_vreg.gather [hbm4b:s1+s3], $0x80, v4, vm0, $0xb8;
	[tilespmem:$0x18100] =	vst v63  }
0x51: {  	_ = 	snop  }
0x52: {  	[tilespmem:s25], [sflag:$0x2] =	stream.indirect_vreg.gather [hbm4b:s4+s3], $0x80, v4, vm0, $0xb8;
	[tilespmem:$0x18100] =	vst v63  }
0x53: {  	_ = 	snop  }
0x54: {  	[tilespmem:s26], [sflag:$0x2] =	stream.indirect_vreg.gather [hbm4b:s1+s3], $0x80, v3, vm0, $0xb8;
	[tilespmem:$0x18100] =	vst v63  }
0x55: {  	_ = 	snop  }
0x56: {  	[tilespmem:s28], [sflag:$0x2] =	stream.indirect_vreg.gather [hbm4b:s4+s3], $0x80, v3, vm0, $0xb8;
	[tilespmem:$0x18100] =	vst v63  }
0x57: {  	s2 =	rddreg [dreg:$0x6]  }
0x58: {  	[tilespmem:s29], [sflag:$0x3] =	stream.indirect.gather [hbm4b:s2+s10], $0x1, s3, s10, $0xb8;
	[tilespmem:$0x18100] =	vst v63  }
0x59: {  	_ =	swait.ge [sflag:s30], $0x10000  }
0x5a: {  	[sflag:s30] =	ssyncset.done $0x0  }
0x5b: {  	[sflag:s30] =	ssyncadd.s32 $0xFFFF0000  }
0x5c: {  	_ =	swait.ge [sflag:s31], $0x8000  }
0x5d: {  	[sflag:s31] =	ssyncset.done $0x0  }
0x5e: {  	[sflag:s31] =	ssyncadd.s32 $0xFFFF8000  }
0x5f: {  	_ =	swait.ge [sflag:s0], $0x40  }
0x60: {  	[sflag:s0] =	ssyncset.done $0x0  }
0x61: {  	[sflag:s0] =	ssyncadd.s32 $0xFFFFFFC0  }
0x62: {  	[hbm4b:s5+s3] =	stream.linear.scatter [tilespmem:s11], [sflag:$0x4], $0x10000, $0x38;
	[tilespmem:$0x18100] =	vst v63  }
0x63: {  	_ =	swait.ge [sflag:s9], $0x10000  }
0x64: {  	[sflag:s9] =	ssyncset.done $0x0  }
0x65: {  	[sflag:s9] =	ssyncadd.s32 $0xFFFF0000  }
0x66: {  	[hbm4b:s6+s3] =	stream.linear.scatter [tilespmem:s12], [sflag:$0x4], $0x8000, $0x38;
	[tilespmem:$0x18100] =	vst v63  }
0x67: {  	_ =	swait.ge [sflag:s9], $0x8000  }
0x68: {  	p0 =	sne.s32 s8, $0x1;
	[sflag:s9] =	ssyncset.done $0x0  }
.Ltmp0:
0x69: {  	[sflag:s9] =	ssyncadd.s32 $0xFFFF8000;
	(pc) =	sbr.rel @p0 .LBB2_1-.Ltmp0, $4  }
0x6a: {  	[hbm4b:s7+s3] =	stream.linear.scatter [tilespmem:s29], [sflag:$0x4], $0x40, $0x38;
	[tilespmem:$0x18100] =	vst v63  }
0x6b: {  	_ =	swait.ge [sflag:s9], $0x40  }
0x6c: {  	[sflag:s9] =	ssyncset.done $0x0  }
0x6d: {  	s8 =	sadd.s32 $0xFFFFFFFF, s8;
	[sflag:s9] =	ssyncadd.s32 $0xFFFFFFC0  }
0x6e: {  	_ =	sfence.sel $0x180000  }
0x6f: {  	[bflag:$0x0] =	sbarrier.arrive $0xFFFF  }
0x70: {  	_ =	strace $0x90000050  }
0x71: {  	s0 =	stileid.u32;
	[bflag:$0x2] =	sbarrier.arrive $0xFFFF  }
0x72: {  	p0 =	sne.s32 s0, $0x0;
	s0 =	rddreg [dreg:$0x4]  }
0x73: {  	s0 =	sadd.s32 @!p0 $0x100000, s0  }
0x74: {  	[sflag:s0] =	ssyncadd.tile.s32 @!p0 $0x1;
	_ =	shalt  }
.Lfunc_end2:
_tile_overlayer_lowered:
.L_overlay_start_2:
0x75: {  	(tag) =	ssettag $0x2  }
0x76: {  	s0 =	rddreg [dreg:$0x0];
	s2 =	stileid.u32  }
0x77: {  	s1 =	rddreg [dreg:$0x1];
	p0 =	sne.s32 s2, $0x0  }
0x78: {  	s3 =	rddreg [dreg:$0x2];
	[bflag:$0x3] =	sbarrier.arrive $0xFFFF;
	s2 =	simm.s32 @!p0 $0x1C04  }
0x79: {  	[timem:s3], [sflag:s2] =	dma.local @!p0 [hbm:s0], s1  }
0x7a: {  	s0 =	simm.s32 @!p0 $0x4  }
0x7b: {  	_ =	swait.ge @!p0 [sflag:s0], s1  }
0x7c: {  	s1 =	ssub.s32 @!p0 $0x0, s1;
	[sflag:s0] =	ssyncset.done @!p0 $0x0  }
0x7d: {  	[sflag:s0] =	ssyncadd.s32 @!p0 s1  }
0x7e: {  	[bflag:$0x3] =	sbarrier.arrive $0xFFFF  }
0x7f: {  	_ =	shalt  }

// kernel: kernel.30.cloned.1.call-start
scs
__scs_entry_jumppad:
0x0: {  	(pc) =	sbr.rel $0x88, $3  }
0x1: {  	(tag) =	ssettag $0x0;
	lr =	simm.s32 $0x1  }
0x2: {  	[smem:$0x3F99] =	sst lr;
	_ =	strace $0xD0000000  }
0x3: {  	_ = 	snop  }
0x4: {  	_ = 	snop  }
0x5: {  	_ = 	snop  }
0x6: {  	_ = 	snop  }
0x7: {  	_ = 	snop  }
__scs_overlays_trampoline_lowered:
0x8: {  	[smem:$0x3FA8] =	sst s0  }
0x9: {  	[smem:$0x3FA9] =	sst s1  }
0xa: {  	[smem:$0x3FAA] =	sst s2  }
0xb: {  	[smem:$0x3FAB] =	sst s3  }
0xc: {  	[smem:$0x3FAC] =	sst s4  }
0xd: {  	[smem:$0x3FAD] =	sst s5  }
0xe: {  	[smem:$0x3FAE] =	sst s6  }
0xf: {  	[smem:$0x3FAF] =	sst s7  }
0x10: {  	[smem:$0x3FB0] =	sst s8  }
0x11: {  	[smem:$0x3FB1] =	sst s9;
	s0 =	simm.s32 @!p0 $0x0  }
0x12: {  	s1 =	sld [smem:$0x3F97];
	s0 =	simm.s32 @p0 $0x1  }
0x13: {  	[smem:$0x3FB2] =	sst s0;
	s0 =	simm.s32 @!p1 $0x0  }
0x14: {  	s2 =	sld [smem:$0x3F96];
	s0 =	simm.s32 @p1 $0x1  }
0x15: {  	[smem:$0x3FB3] =	sst s0;
	s0 =	simm.s32 @!p2 $0x0  }
0x16: {  	s3 =	sld [smem:$0x3FDB];
	s0 =	simm.s32 @p2 $0x1  }
0x17: {  	s4 =	simm.s32 $0x1BF5;
	[smem:$0x3FB5] =	sst s0  }
0x18: {  	s0 =	sld [smem:$0x3F98];
	_ =	swait.ge [sflag:s4], $0x0  }
0x19: {  	s7 =	sld [smem:$0x3F99]  }
0x1a: {  	s8 =	sadd.s32 $0xFFFFE003, lr  }
0x1b: {  	s9 =	sadd.s32 $0xFFFFFEF7, lr;
	s5 =	simm.s32 $0xFFFFFFFF;
	p2 =	slt.u32 s8, $0xFFFFF086  }
0x1c: {  	p1 =	slt.u32 s9, $0xF7A;
	s5 =	simm.s32 @!p2 $0x0  }
0x1d: {  	s5 =	simm.s32 @p1 $0x1;
	p0 =	seq.s32 s7, s2  }
0x1e: {  	s7 =	smul.u32 @!p0 $0xF7A, s2;
	p2 =	seq.s32 @!p0 s5, $0x0  }
0x1f: {  	s9 =	smul.u32 $0xF7A, s1;
	s8 =	simm.s32 @!p0 $0x1BF5;
	p2 =	por !p2, p0  }
0x20: {  	[sflag:s8] =	ssyncset.s32 @!p0 $0xFFFFF086;
	s6 =	sadd.s32 @!p0 s3, s7;
	s7 =	simm.s32 @!p0 $0x108  }
0x21: {  	s3 =	sadd.s32 s3, s9;
	s6 =	sadd.s32 @!p0 $0x88, s6;
	s7 =	simm.s32 @p2 $0x1082  }
0x22: {  	[simem:s7], [sflag:s8] =	dma.local @!p0 [hbm:s6], $0xF7A  }
0x23: {  	s9 =	sor.u32 $0xD0000000, s2;
	s6 =	simm.s32 $0x108;
	_ =	swait.ge @!p0 [sflag:s8], $0x0  }
0x24: {  	s3 =	sadd.s32 $0x88, s3;
	s6 =	simm.s32 @!p1 $0x1082;
	[sflag:s4] =	ssyncset.s32 $0xFFFFF086  }
0x25: {  	[simem:s6], [sflag:s4] =	dma.local [hbm:s3], $0xF7A  }
0x26: {  	[smem:$0x3F99] =	sst s1;
	(tag) =	ssettag s2;
	_ =	strace s9  }
0x27: {  	s1 =	sld [smem:$0x3FA9]  }
0x28: {  	s2 =	sld [smem:$0x3FAA]  }
0x29: {  	s4 =	sld [smem:$0x3FAC]  }
0x2a: {  	p0 =	seq.s32 s5, $0x0;
	s5 =	sld [smem:$0x3FAD]  }
0x2b: {  	s6 =	sld [smem:$0x3FAE]  }
0x2c: {  	s7 =	sld [smem:$0x3FAF]  }
0x2d: {  	s3 =	simm.s32 $0x108;
	s8 =	sld [smem:$0x3FB0]  }
0x2e: {  	s3 =	simm.s32 @!p0 $0x1082;
	s9 =	sld [smem:$0x3FB1]  }
0x2f: {  	lr =	sadd.s32 s0, s3;
	s0 =	sld [smem:$0x3FA8]  }
0x30: {  	s3 =	sld [smem:$0x3FAB]  }
0x31: {  	[smem:$0x3FB4] =	sst s10  }
0x32: {  	s10 =	sld [smem:$0x3FB2];
	_ =	sdelay $0x3  }
0x33: {  	p0 =	seq.s32 s10, $0x1;
	s10 =	sld [smem:$0x3FB4];
	_ =	sdelay $0x3  }
0x34: {  	[smem:$0x3FB4] =	sst s10  }
0x35: {  	s10 =	sld [smem:$0x3FB3];
	_ =	sdelay $0x3  }
0x36: {  	p1 =	seq.s32 s10, $0x1;
	s10 =	sld [smem:$0x3FB4];
	_ =	sdelay $0x3  }
0x37: {  	[smem:$0x3FB4] =	sst s10  }
0x38: {  	s10 =	sld [smem:$0x3FB5]  }
0x39: {  	_ = 	snop;
	(pc) =	sbr.ind lr, $3  }
0x3a: {  	_ = 	snop  }
0x3b: {  	_ = 	snop  }
0x3c: {  	p2 =	seq.s32 s10, $0x1;
	s10 =	sld [smem:$0x3FB4]  }
0x3d: {  	_ =	shalt  }
0x3e: {  	_ =	shalt  }
0x3f: {  	_ =	shalt  }
0x40: {  	_ =	shalt  }
0x41: {  	_ =	shalt  }
0x42: {  	_ =	shalt  }
0x43: {  	_ =	shalt  }
0x44: {  	_ =	shalt  }
0x45: {  	_ =	shalt  }
0x46: {  	_ =	shalt  }
0x47: {  	_ =	shalt  }
0x48: {  	_ =	shalt  }
0x49: {  	_ =	shalt  }
0x4a: {  	_ =	shalt  }
0x4b: {  	_ =	shalt  }
0x4c: {  	_ =	shalt  }
0x4d: {  	_ =	shalt  }
0x4e: {  	_ =	shalt  }
0x4f: {  	_ =	shalt  }
0x50: {  	_ =	shalt  }
0x51: {  	_ =	shalt  }
0x52: {  	_ =	shalt  }
0x53: {  	_ =	shalt  }
0x54: {  	_ =	shalt  }
0x55: {  	_ =	shalt  }
0x56: {  	_ =	shalt  }
0x57: {  	_ =	shalt  }
0x58: {  	_ =	shalt  }
0x59: {  	_ =	shalt  }
0x5a: {  	_ =	shalt  }
0x5b: {  	_ =	shalt  }
0x5c: {  	_ =	shalt  }
0x5d: {  	_ =	shalt  }
0x5e: {  	_ =	shalt  }
0x5f: {  	_ =	shalt  }
0x60: {  	_ =	shalt  }
0x61: {  	_ =	shalt  }
0x62: {  	_ =	shalt  }
0x63: {  	_ =	shalt  }
0x64: {  	_ =	shalt  }
0x65: {  	_ =	shalt  }
0x66: {  	_ =	shalt  }
0x67: {  	_ =	shalt  }
0x68: {  	_ =	shalt  }
0x69: {  	_ =	shalt  }
0x6a: {  	_ =	shalt  }
0x6b: {  	_ =	shalt  }
0x6c: {  	_ =	shalt  }
0x6d: {  	_ =	shalt  }
0x6e: {  	_ =	shalt  }
0x6f: {  	_ =	shalt  }
0x70: {  	_ =	shalt  }
0x71: {  	_ =	shalt  }
0x72: {  	_ =	shalt  }
0x73: {  	_ =	shalt  }
0x74: {  	_ =	shalt  }
0x75: {  	_ =	shalt  }
0x76: {  	_ =	shalt  }
0x77: {  	_ =	shalt  }
0x78: {  	_ =	shalt  }
0x79: {  	_ =	shalt  }
0x7a: {  	_ =	shalt  }
0x7b: {  	_ =	shalt  }
0x7c: {  	_ =	shalt  }
0x7d: {  	_ =	shalt  }
0x7e: {  	_ =	shalt  }
0x7f: {  	_ =	shalt  }
0x80: {  	_ =	shalt  }
0x81: {  	_ =	shalt  }
0x82: {  	_ =	shalt  }
0x83: {  	_ =	shalt  }
0x84: {  	_ =	shalt  }
0x85: {  	_ =	shalt  }
0x86: {  	_ =	shalt  }
0x87: {  	_ =	shalt  }
.Lfunc_end0:
.L_simem_size_0:
called_computation.4_lowered:
.L_overlay_start_0:
0x88: {  	s2 =	sld [smem:$0x3FD9]  }
0x89: {  	s3 =	sld [smem:$0x3FFE];
	_ =	sdelay $0x1  }
0x8a: {  	s1 =	srdreg.scid  }
0x8b: {  	s0 =	sand.u32 $0x1, s1  }
0x8c: {  	s17 =	sshll.u32 s0, $0xA;
	s2 =	sadd.s32 s3, s2  }
0x8d: {  	s2 =	sadd.s32 s2, s17  }
0x8e: {  	[smem:$0x3FC0] =	sst s2  }
0x8f: {  	_ = 	snop  }
0x90: {  	s18 =	sld [smem:$0x3FC8]  }
0x91: {  	s5 =	sld [smem:$0x3FC7]  }
0x92: {  	s4 =	sld [smem:$0x3FC6];
	(tm) =	ssettm $0x1  }
0x93: {  	s19 =	sld [smem:$0x3FFB];
	_ =	sdelay $0x3  }
0x94: {  	_ =	strace s19  }
0x95: {  	s2 =	sld [smem:$0x3FFC];
	_ =	sdelay $0x3  }
0x96: {  	_ =	strace s2  }
0x97: {  	s2 =	sld [smem:$0x3FFD];
	_ =	sdelay $0x3  }
0x98: {  	_ =	strace s2  }
0x99: {  	_ =	strace $0x8FFFFFFF  }
0x9a: {  	s20 =	sld [smem:$0x3FDB];
	_ =	sdelay $0x1  }
0x9b: {  	s6 =	simm.s32 $_scs_section_size  }
0x9c: {  	s7 =	simm.s32 $_size__tile_overlayer_lowered;
	s8 =	simm.s32 $_tile_overlayer_lowered  }
0x9d: {  	s9 =	simm.s32 $0x1BFF;
	s21 =	sshll.u32 s8, $0x1;
	s6 =	sadd.s32 s6, s20  }
0x9e: {  	s22 =	simm.s32 $0x0;
	s7 =	sshll.u32 s7, $0x1;
	s8 =	sadd.s32 s21, s6  }
0x9f: {  	[timem:s22], [sflag:s9] =	dma.local [hbm:s8], s7  }
0xa0: {  	_ =	swait.ge [sflag:s9], s7  }
0xa1: {  	s7 =	ssub.s32 $0x0, s7;
	[sflag:s9] =	ssyncset.done $0x0  }
0xa2: {  	[sflag:s9] =	ssyncadd.s32 s7;
	_ =	sdelay $0x1  }
0xa3: {  	s23 =	simm.s32 $0x1B8B  }
0xa4: {  	_ =	swait.ge [sflag:s23], $0x1  }
0xa5: {  	[sflag:s23] =	ssyncset.done $0x0  }
0xa6: {  	[sflag:s23] =	ssyncadd.s32 $0xFFFFFFFF  }
0xa7: {  	s7 =	sld [smem:$0x0]  }
0xa8: {  	s8 =	sand.u32 $0xFFFFFFFE, s1  }
0xa9: {  	p0 =	sne.s32 s1, s8  }
0xaa: {  	s8 =	sshll.u32 @p0 s8, $0xE  }
0xab: {  	s8 =	sadd.s32 @p0 $0x11B8D, s8;
	s9 =	sshll.u32 @p0 s7, $0x11  }
0xac: {  	s8 =	sor.u32 @p0 s9, s8  }
0xad: {  	[sflag:s8] =	ssyncadd.remote.s32 @p0 $0x1;
	_ =	sdelay $0x1  }
0xae: {  	s8 =	simm.s32 @p0 $0x1B8D  }
0xaf: {  	_ =	swait.eq @p0 [sflag:s8], $0x1  }
0xb0: {  	[sflag:s8] =	ssyncadd.s32 @p0 $0xFFFFFFFF  }
0xb1: {  	s9 =	sshll.u32 @!p0 s1, $0xE  }
0xb2: {  	s9 =	sor.u32 @!p0 $0x4000, s9;
	s8 =	simm.s32 @!p0 $0x1B8D  }
0xb3: {  	s7 =	sshll.u32 @!p0 s7, $0x11;
	s9 =	sadd.s32 @!p0 $0x11B8D, s9;
	_ =	swait.eq @!p0 [sflag:s8], $0x1  }
0xb4: {  	s7 =	sor.u32 @!p0 s7, s9;
	[sflag:s8] =	ssyncadd.s32 @!p0 $0xFFFFFFFF  }
0xb5: {  	s25 =	simm.s32 $0x1B8E;
	s24 =	sld [smem:$0x3FFE];
	[sflag:s7] =	ssyncadd.remote.s32 @!p0 $0x1  }
0xb6: {  	s26 =	simm.s32 $execute0_lowered;
	[smem:$0x3FD2] =	sst s25  }
0xb7: {  	s8 =	sshll.u32 s26, $0x1;
	_ =	strace $0x80000052;
	[dreg:$0x1] =	wrdreg $0xFFFFFFFF  }
0xb8: {  	s28 =	simm.s32 $_size_execute0_lowered;
	s6 =	sadd.s32 s6, s8;
	[dreg:$0x0] =	wrdreg $0x0  }
0xb9: {  	s8 =	sshll.u32 s28, $0x1;
	[dreg:$0x2] =	wrdreg s6  }
0xba: {  	[dreg:$0x3] =	wrdreg s8  }
0xbb: {  	[dreg:$0x4] =	wrdreg $0xC0  }
0xbc: {  	_ =	task [dreg:s22], $0x5FFFF  }
0xbd: {  	[dreg:$0x1] =	wrdreg $0xFFFFFFFF  }
0xbe: {  	[dreg:$0x0] =	wrdreg $0x60  }
0xbf: {  	[dreg:$0x2] =	wrdreg s24  }
0xc0: {  	[dreg:$0x3] =	wrdreg s5  }
0xc1: {  	[dreg:$0x4] =	wrdreg s18  }
0xc2: {  	[dreg:$0x5] =	wrdreg s4  }
0xc3: {  	[dreg:$0x6] =	wrdreg $0xD  }
0xc4: {  	_ =	task.clear_ibuf [dreg:s22], $0x7FFFF;
	_ =	strace $0x90000052  }
0xc5: {  	s29 =	simm.s32 $0xD;
	_ =	strace $0x80000054  }
0xc6: {  	_ =	swait.ge [sflag:s29], $0x1  }
0xc7: {  	[sflag:s29] =	ssyncadd.s32 $0xFFFFFFFF  }
0xc8: {  	_ =	strace $0x90000054  }
0xc9: {  	_ =	sfence  }
0xca: {  	s30 =	sld [smem:$0x0];
	_ =	sdelay $0x2  }
0xcb: {  	s31 =	sshll.u32 s1, $0xD;
	s1 =	sshrl.u32 s1, $0x2  }
0xcc: {  	s4 =	sand.u32 $0x4000, s31;
	s1 =	sadd.s32 s1, s30  }
0xcd: {  	s0 =	sor.u32 s4, s0;
	s1 =	sshll.u32 s1, $0x11  }
0xce: {  	s0 =	sor.u32 s1, s0  }
0xcf: {  	s0 =	sadd.s32 $0x8F2B, s0  }
0xd0: {  	[sflag:s0] =	ssyncadd.remote.s32 $0x1  }
0xd1: {  	_ =	sfence.sel $0xFFFF  }
0xd2: {  	[dreg:$0x0] =	wrdreg $0xFFFFFFFF;
	(pc) =	sbr.abs _section_cstart, $3  }
0xd3: {  	[dreg:$0x1] =	wrdreg $0xFFFFFFFF  }
0xd4: {  	_ =	task.clear_ibuf [dreg:s22], $0x2FFFF;
	_ =	strace $0x9FFFFFFF  }
0xd5: {  	(tm) =	ssettm $0x7FFFFFFF  }
tec
execute0_lowered:
.L_overlay_start_1:
0x0: {  	(tag) =	ssettag $0x1  }
0x1: {  	s0 =	rddreg [dreg:$0x0]  }
0x2: {  	s1 =	rddreg [dreg:$0x1]  }
0x3: {  	s2 =	rddreg [dreg:$0x3];
	s4 =	srdreg.scid  }
0x4: {  	s25 =	stileid.u32;
	s3 =	simm.s32 $0x0;
	s10 =	simm.s32 $0x40  }
0x5: {  	s11 =	simm.s32 $0x80;
	s12 =	simm.s32 $0x10080;
	s13 =	simm.s32 $0x10880  }
0x6: {  	s14 =	simm.s32 $0x11080;
	s15 =	simm.s32 $0x11880;
	s16 =	simm.s32 $0x12080  }
0x7: {  	s17 =	simm.s32 $0x12880;
	s18 =	simm.s32 $0x13080;
	s19 =	simm.s32 $0x13880  }
0x8: {  	s20 =	simm.s32 $0x14080;
	s21 =	simm.s32 $0x14880;
	s22 =	simm.s32 $0x15080  }
0x9: {  	s23 =	simm.s32 $0x15880;
	s24 =	simm.s32 $0x16080;
	[dreg:$0x5] =	wrdreg s1  }
0xa: {  	s28 =	simm.s32 $0x17880;
	s29 =	simm.s32 $0x18080;
	s1 =	rddreg [dreg:$0x2]  }
0xb: {  	s30 =	simm.s32 $0x1;
	s31 =	simm.s32 $0x2;
	[dreg:$0x6] =	wrdreg s2  }
0xc: {  	s4 =	sand.u32 $0x1, s4;
	s5 =	sshll.u32 s25, $0x1;
	[smem:$0x7FF] =	sst s3  }
0xd: {  	s25 =	simm.s32 $0x16880;
	s5 =	sor.u32 s4, s5;
	_ =	strace $0x80000053  }
0xe: {  	s4 =	ssub.s32 $0x2, s4;
	s6 =	sshll.u32 s5, $0x4;
	s7 =	sshll.u32 s5, $0xD  }
0xf: {  	s8 =	sshll.u32 s5, $0xC;
	s5 =	sshll.u32 s5, $0x3;
	s26 =	sshrl.u32 s4, $0x1  }
0x10: {  	s6 =	sadd.s32 s6, s0;
	s7 =	sadd.s32 s7, s0;
	s8 =	sadd.s32 s8, s0  }
0x11: {  	s0 =	sadd.s32 s5, s0;
	s9 =	ssub.s32 s4, s26;
	s5 =	sadd.s32 $0x100, s1  }
0x12: {  	v2 =	vlaneseq.u32;
	s26 =	simm.s32 $0x17080;
	s6 =	sadd.s32 $0x28800, s6;
	s4 =	sadd.s32 $0x169800, s7  }
0x13: {  	vm0 =	vmmov $0xffff;
	v1 =	vshrl.u32 v2, $0x3;
	s7 =	sadd.s32 $0x149600, s0;
	s0 =	simm.s32 $0x3;
	[dreg:$0x7] =	wrdreg s6  }
0x14: {  	v0 =	vand.u32 $0x7, v2;
	v2 =	vor.u32 $0x8, v2;
	v1 =	vmul.u32 $0x8, v1;
	s6 =	sadd.s32 $0x149800, s8;
	s8 =	smax.u32 s9, $0x1;
	s9 =	simm.s32 $0x4  }
.LBB2_1:
0x15: {  	s2 =	rddreg [dreg:$0x7]  }
0x16: {  	[tilespmem:s3], [sflag:$0x4] =	stream.linear.gather [hbm4b:s2+s3], $0x80, $0x38;
	[tilespmem:$0x18100] =	vst v63  }
0x17: {  	_ =	swait.ge [sflag:s9], $0x80  }
0x18: {  	[sflag:s9] =	ssyncset.done $0x0  }
0x19: {  	s2 =	rddreg [dreg:$0x5];
	[sflag:s9] =	ssyncadd.s32 $0xFFFFFF80  }
0x1a: {  	[tilespmem:s11], [sflag:$0x1] =	stream.indirect.gather [hbm4b:s2+s10], $0x400, s3, s10, $0xb8;
	[tilespmem:$0x18100] =	vst v63  }
0x1b: {  	v3 =	vld [tilespmem:$0x0];
	_ =	sdelay $0x4  }
0x1c: {  	v4 =	vshll.u32 v3, $0x2  }
0x1d: {  	v3 =	vand.u32 $0x7, v3;
	v4 =	vand.u32 $0xFFFFFFE0, v4  }
0x1e: {  	v3 =	vor.u32 v3, v4  }
0x1f: {  	v4 =	vperm.xlane v3, v0;
	_ =	sdelay $0x1  }
0x20: {  	v4 =	vadd.s32 v1, v4;
	_ =	sdelay $0x1  }
0x21: {  	v3 =	vperm.xlane v3, v2;
	_ =	sdelay $0x1  }
0x22: {  	v3 =	vadd.s32 v1, v3  }
0x23: {  	[tilespmem:s12], [sflag:$0x2] =	stream.indirect_vreg.gather [hbm4b:s1+s3], $0x80, v4, vm0, $0xb8;
	[tilespmem:$0x18100] =	vst v63  }
0x24: {  	_ = 	snop  }
0x25: {  	[tilespmem:s13], [sflag:$0x2] =	stream.indirect_vreg.gather [hbm4b:s5+s3], $0x80, v4, vm0, $0xb8;
	[tilespmem:$0x18100] =	vst v63  }
0x26: {  	_ = 	snop  }
0x27: {  	[tilespmem:s14], [sflag:$0x2] =	stream.indirect_vreg.gather [hbm4b:s1+s3], $0x80, v3, vm0, $0xb8;
	[tilespmem:$0x18100] =	vst v63  }
0x28: {  	_ = 	snop  }
0x29: {  	[tilespmem:s15], [sflag:$0x2] =	stream.indirect_vreg.gather [hbm4b:s5+s3], $0x80, v3, vm0, $0xb8;
	[tilespmem:$0x18100] =	vst v63  }
0x2a: {  	v3 =	vld [tilespmem:$0x10];
	_ =	sdelay $0x4  }
0x2b: {  	v61 =	vshll.u32 v3, $0x2  }
0x2c: {  	v3 =	vand.u32 $0x7, v3;
	v4 =	vand.u32 $0xFFFFFFE0, v61  }
0x2d: {  	v3 =	vor.u32 v3, v4  }
0x2e: {  	v4 =	vperm.xlane v3, v0;
	_ =	sdelay $0x1  }
0x2f: {  	v4 =	vadd.s32 v1, v4;
	_ =	sdelay $0x1  }
0x30: {  	v3 =	vperm.xlane v3, v2;
	_ =	sdelay $0x1  }
0x31: {  	v3 =	vadd.s32 v1, v3  }
0x32: {  	[tilespmem:s16], [sflag:$0x2] =	stream.indirect_vreg.gather [hbm4b:s1+s3], $0x80, v4, vm0, $0xb8;
	[tilespmem:$0x18100] =	vst v63  }
0x33: {  	_ = 	snop  }
0x34: {  	[tilespmem:s17], [sflag:$0x2] =	stream.indirect_vreg.gather [hbm4b:s5+s3], $0x80, v4, vm0, $0xb8;
	[tilespmem:$0x18100] =	vst v63  }
0x35: {  	_ = 	snop  }
0x36: {  	[tilespmem:s18], [sflag:$0x2] =	stream.indirect_vreg.gather [hbm4b:s1+s3], $0x80, v3, vm0, $0xb8;
	[tilespmem:$0x18100] =	vst v63  }
0x37: {  	_ = 	snop  }
0x38: {  	[tilespmem:s19], [sflag:$0x2] =	stream.indirect_vreg.gather [hbm4b:s5+s3], $0x80, v3, vm0, $0xb8;
	[tilespmem:$0x18100] =	vst v63  }
0x39: {  	v3 =	vld [tilespmem:$0x20];
	_ =	sdelay $0x4  }
0x3a: {  	v62 =	vshll.u32 v3, $0x2  }
0x3b: {  	v3 =	vand.u32 $0x7, v3;
	v4 =	vand.u32 $0xFFFFFFE0, v62  }
0x3c: {  	v3 =	vor.u32 v3, v4  }
0x3d: {  	v4 =	vperm.xlane v3, v0;
	_ =	sdelay $0x1  }
0x3e: {  	v4 =	vadd.s32 v1, v4;
	_ =	sdelay $0x1  }
0x3f: {  	v3 =	vperm.xlane v3, v2;
	_ =	sdelay $0x1  }
0x40: {  	v3 =	vadd.s32 v1, v3  }
0x41: {  	[tilespmem:s20], [sflag:$0x2] =	stream.indirect_vreg.gather [hbm4b:s1+s3], $0x80, v4, vm0, $0xb8;
	[tilespmem:$0x18100] =	vst v63  }
0x42: {  	_ = 	snop  }
0x43: {  	[tilespmem:s21], [sflag:$0x2] =	stream.indirect_vreg.gather [hbm4b:s5+s3], $0x80, v4, vm0, $0xb8;
	[tilespmem:$0x18100] =	vst v63  }
0x44: {  	_ = 	snop  }
0x45: {  	[tilespmem:s22], [sflag:$0x2] =	stream.indirect_vreg.gather [hbm4b:s1+s3], $0x80, v3, vm0, $0xb8;
	[tilespmem:$0x18100] =	vst v63  }
0x46: {  	_ = 	snop  }
0x47: {  	[tilespmem:s23], [sflag:$0x2] =	stream.indirect_vreg.gather [hbm4b:s5+s3], $0x80, v3, vm0, $0xb8;
	[tilespmem:$0x18100] =	vst v63  }
0x48: {  	v3 =	vld [tilespmem:$0x30];
	_ =	sdelay $0x4  }
0x49: {  	v63 =	vshll.u32 v3, $0x2  }
0x4a: {  	v3 =	vand.u32 $0x7, v3;
	v4 =	vand.u32 $0xFFFFFFE0, v63  }
0x4b: {  	v3 =	vor.u32 v3, v4  }
0x4c: {  	v4 =	vperm.xlane v3, v0;
	_ =	sdelay $0x1  }
0x4d: {  	v4 =	vadd.s32 v1, v4;
	_ =	sdelay $0x1  }
0x4e: {  	v3 =	vperm.xlane v3, v2;
	_ =	sdelay $0x1  }
0x4f: {  	v3 =	vadd.s32 v1, v3  }
0x50: {  	[tilespmem:s24], [sflag:$0x2] =	stream.indirect_vreg.gather [hbm4b:s1+s3], $0x80, v4, vm0, $0xb8;
	[tilespmem:$0x18100] =	vst v63  }
0x51: {  	_ = 	snop  }
0x52: {  	[tilespmem:s25], [sflag:$0x2] =	stream.indirect_vreg.gather [hbm4b:s5+s3], $0x80, v4, vm0, $0xb8;
	[tilespmem:$0x18100] =	vst v63  }
0x53: {  	_ = 	snop  }
0x54: {  	[tilespmem:s26], [sflag:$0x2] =	stream.indirect_vreg.gather [hbm4b:s1+s3], $0x80, v3, vm0, $0xb8;
	[tilespmem:$0x18100] =	vst v63  }
0x55: {  	_ = 	snop  }
0x56: {  	[tilespmem:s28], [sflag:$0x2] =	stream.indirect_vreg.gather [hbm4b:s5+s3], $0x80, v3, vm0, $0xb8;
	[tilespmem:$0x18100] =	vst v63  }
0x57: {  	s2 =	rddreg [dreg:$0x6]  }
0x58: {  	[tilespmem:s29], [sflag:$0x3] =	stream.indirect.gather [hbm4b:s2+s10], $0x1, s3, s10, $0xb8;
	[tilespmem:$0x18100] =	vst v63  }
0x59: {  	_ =	swait.ge [sflag:s30], $0x10000  }
0x5a: {  	[sflag:s30] =	ssyncset.done $0x0  }
0x5b: {  	[sflag:s30] =	ssyncadd.s32 $0xFFFF0000  }
0x5c: {  	_ =	swait.ge [sflag:s31], $0x8000  }
0x5d: {  	[sflag:s31] =	ssyncset.done $0x0  }
0x5e: {  	[sflag:s31] =	ssyncadd.s32 $0xFFFF8000  }
0x5f: {  	_ =	swait.ge [sflag:s0], $0x40  }
0x60: {  	[sflag:s0] =	ssyncset.done $0x0  }
0x61: {  	[sflag:s0] =	ssyncadd.s32 $0xFFFFFFC0  }
0x62: {  	[hbm4b:s4+s3] =	stream.linear.scatter [tilespmem:s11], [sflag:$0x4], $0x10000, $0x38;
	[tilespmem:$0x18100] =	vst v63  }
0x63: {  	_ =	swait.ge [sflag:s9], $0x10000  }
0x64: {  	[sflag:s9] =	ssyncset.done $0x0  }
0x65: {  	[sflag:s9] =	ssyncadd.s32 $0xFFFF0000  }
0x66: {  	[hbm4b:s6+s3] =	stream.linear.scatter [tilespmem:s12], [sflag:$0x4], $0x8000, $0x38;
	[tilespmem:$0x18100] =	vst v63  }
0x67: {  	_ =	swait.ge [sflag:s9], $0x8000  }
0x68: {  	p0 =	sne.s32 s8, $0x1;
	[sflag:s9] =	ssyncset.done $0x0  }
.Ltmp0:
0x69: {  	[sflag:s9] =	ssyncadd.s32 $0xFFFF8000;
	(pc) =	sbr.rel @p0 .LBB2_1-.Ltmp0, $4  }
0x6a: {  	[hbm4b:s7+s3] =	stream.linear.scatter [tilespmem:s29], [sflag:$0x4], $0x40, $0x38;
	[tilespmem:$0x18100] =	vst v63  }
0x6b: {  	_ =	swait.ge [sflag:s9], $0x40  }
0x6c: {  	[sflag:s9] =	ssyncset.done $0x0  }
0x6d: {  	s8 =	sadd.s32 $0xFFFFFFFF, s8;
	[sflag:s9] =	ssyncadd.s32 $0xFFFFFFC0  }
0x6e: {  	_ =	sfence.sel $0x180000  }
0x6f: {  	[bflag:$0x0] =	sbarrier.arrive $0xFFFF  }
0x70: {  	_ =	strace $0x90000053  }
0x71: {  	s0 =	stileid.u32;
	[bflag:$0x2] =	sbarrier.arrive $0xFFFF  }
0x72: {  	p0 =	sne.s32 s0, $0x0;
	s0 =	rddreg [dreg:$0x4]  }
0x73: {  	s0 =	sadd.s32 @!p0 $0x100000, s0  }
0x74: {  	[sflag:s0] =	ssyncadd.tile.s32 @!p0 $0x1;
	_ =	shalt  }
.Lfunc_end2:
_tile_overlayer_lowered:
.L_overlay_start_2:
0x75: {  	(tag) =	ssettag $0x2  }
0x76: {  	s0 =	rddreg [dreg:$0x0];
	s2 =	stileid.u32  }
0x77: {  	s1 =	rddreg [dreg:$0x1];
	p0 =	sne.s32 s2, $0x0  }
0x78: {  	s3 =	rddreg [dreg:$0x2];
	[bflag:$0x3] =	sbarrier.arrive $0xFFFF;
	s2 =	simm.s32 @!p0 $0x1C04  }
0x79: {  	[timem:s3], [sflag:s2] =	dma.local @!p0 [hbm:s0], s1  }
0x7a: {  	s0 =	simm.s32 @!p0 $0x4  }
0x7b: {  	_ =	swait.ge @!p0 [sflag:s0], s1  }
0x7c: {  	s1 =	ssub.s32 @!p0 $0x0, s1;
	[sflag:s0] =	ssyncset.done @!p0 $0x0  }
0x7d: {  	[sflag:s0] =	ssyncadd.s32 @!p0 s1  }
0x7e: {  	[bflag:$0x3] =	sbarrier.arrive $0xFFFF  }
0x7f: {  	_ =	shalt  }

// kernel: kernel.33.cloned.1.call-start
scs
__scs_entry_jumppad:
0x0: {  	(pc) =	sbr.rel $0x88, $3  }
0x1: {  	(tag) =	ssettag $0x0;
	lr =	simm.s32 $0x1  }
0x2: {  	[smem:$0x3F99] =	sst lr;
	_ =	strace $0xD0000000  }
0x3: {  	_ = 	snop  }
0x4: {  	_ = 	snop  }
0x5: {  	_ = 	snop  }
0x6: {  	_ = 	snop  }
0x7: {  	_ = 	snop  }
__scs_overlays_trampoline_lowered:
0x8: {  	[smem:$0x3FA8] =	sst s0  }
0x9: {  	[smem:$0x3FA9] =	sst s1  }
0xa: {  	[smem:$0x3FAA] =	sst s2  }
0xb: {  	[smem:$0x3FAB] =	sst s3  }
0xc: {  	[smem:$0x3FAC] =	sst s4  }
0xd: {  	[smem:$0x3FAD] =	sst s5  }
0xe: {  	[smem:$0x3FAE] =	sst s6  }
0xf: {  	[smem:$0x3FAF] =	sst s7  }
0x10: {  	[smem:$0x3FB0] =	sst s8  }
0x11: {  	[smem:$0x3FB1] =	sst s9;
	s0 =	simm.s32 @!p0 $0x0  }
0x12: {  	s1 =	sld [smem:$0x3F97];
	s0 =	simm.s32 @p0 $0x1  }
0x13: {  	[smem:$0x3FB2] =	sst s0;
	s0 =	simm.s32 @!p1 $0x0  }
0x14: {  	s2 =	sld [smem:$0x3F96];
	s0 =	simm.s32 @p1 $0x1  }
0x15: {  	[smem:$0x3FB3] =	sst s0;
	s0 =	simm.s32 @!p2 $0x0  }
0x16: {  	s3 =	sld [smem:$0x3FDB];
	s0 =	simm.s32 @p2 $0x1  }
0x17: {  	s4 =	simm.s32 $0x1BF5;
	[smem:$0x3FB5] =	sst s0  }
0x18: {  	s0 =	sld [smem:$0x3F98];
	_ =	swait.ge [sflag:s4], $0x0  }
0x19: {  	s7 =	sld [smem:$0x3F99]  }
0x1a: {  	s8 =	sadd.s32 $0xFFFFE003, lr  }
0x1b: {  	s9 =	sadd.s32 $0xFFFFFEF7, lr;
	s5 =	simm.s32 $0xFFFFFFFF;
	p2 =	slt.u32 s8, $0xFFFFF086  }
0x1c: {  	p1 =	slt.u32 s9, $0xF7A;
	s5 =	simm.s32 @!p2 $0x0  }
0x1d: {  	s5 =	simm.s32 @p1 $0x1;
	p0 =	seq.s32 s7, s2  }
0x1e: {  	s7 =	smul.u32 @!p0 $0xF7A, s2;
	p2 =	seq.s32 @!p0 s5, $0x0  }
0x1f: {  	s9 =	smul.u32 $0xF7A, s1;
	s8 =	simm.s32 @!p0 $0x1BF5;
	p2 =	por !p2, p0  }
0x20: {  	[sflag:s8] =	ssyncset.s32 @!p0 $0xFFFFF086;
	s6 =	sadd.s32 @!p0 s3, s7;
	s7 =	simm.s32 @!p0 $0x108  }
0x21: {  	s3 =	sadd.s32 s3, s9;
	s6 =	sadd.s32 @!p0 $0x88, s6;
	s7 =	simm.s32 @p2 $0x1082  }
0x22: {  	[simem:s7], [sflag:s8] =	dma.local @!p0 [hbm:s6], $0xF7A  }
0x23: {  	s9 =	sor.u32 $0xD0000000, s2;
	s6 =	simm.s32 $0x108;
	_ =	swait.ge @!p0 [sflag:s8], $0x0  }
0x24: {  	s3 =	sadd.s32 $0x88, s3;
	s6 =	simm.s32 @!p1 $0x1082;
	[sflag:s4] =	ssyncset.s32 $0xFFFFF086  }
0x25: {  	[simem:s6], [sflag:s4] =	dma.local [hbm:s3], $0xF7A  }
0x26: {  	[smem:$0x3F99] =	sst s1;
	(tag) =	ssettag s2;
	_ =	strace s9  }
0x27: {  	s1 =	sld [smem:$0x3FA9]  }
0x28: {  	s2 =	sld [smem:$0x3FAA]  }
0x29: {  	s4 =	sld [smem:$0x3FAC]  }
0x2a: {  	p0 =	seq.s32 s5, $0x0;
	s5 =	sld [smem:$0x3FAD]  }
0x2b: {  	s6 =	sld [smem:$0x3FAE]  }
0x2c: {  	s7 =	sld [smem:$0x3FAF]  }
0x2d: {  	s3 =	simm.s32 $0x108;
	s8 =	sld [smem:$0x3FB0]  }
0x2e: {  	s3 =	simm.s32 @!p0 $0x1082;
	s9 =	sld [smem:$0x3FB1]  }
0x2f: {  	lr =	sadd.s32 s0, s3;
	s0 =	sld [smem:$0x3FA8]  }
0x30: {  	s3 =	sld [smem:$0x3FAB]  }
0x31: {  	[smem:$0x3FB4] =	sst s10  }
0x32: {  	s10 =	sld [smem:$0x3FB2];
	_ =	sdelay $0x3  }
0x33: {  	p0 =	seq.s32 s10, $0x1;
	s10 =	sld [smem:$0x3FB4];
	_ =	sdelay $0x3  }
0x34: {  	[smem:$0x3FB4] =	sst s10  }
0x35: {  	s10 =	sld [smem:$0x3FB3];
	_ =	sdelay $0x3  }
0x36: {  	p1 =	seq.s32 s10, $0x1;
	s10 =	sld [smem:$0x3FB4];
	_ =	sdelay $0x3  }
0x37: {  	[smem:$0x3FB4] =	sst s10  }
0x38: {  	s10 =	sld [smem:$0x3FB5]  }
0x39: {  	_ = 	snop;
	(pc) =	sbr.ind lr, $3  }
0x3a: {  	_ = 	snop  }
0x3b: {  	_ = 	snop  }
0x3c: {  	p2 =	seq.s32 s10, $0x1;
	s10 =	sld [smem:$0x3FB4]  }
0x3d: {  	_ =	shalt  }
0x3e: {  	_ =	shalt  }
0x3f: {  	_ =	shalt  }
0x40: {  	_ =	shalt  }
0x41: {  	_ =	shalt  }
0x42: {  	_ =	shalt  }
0x43: {  	_ =	shalt  }
0x44: {  	_ =	shalt  }
0x45: {  	_ =	shalt  }
0x46: {  	_ =	shalt  }
0x47: {  	_ =	shalt  }
0x48: {  	_ =	shalt  }
0x49: {  	_ =	shalt  }
0x4a: {  	_ =	shalt  }
0x4b: {  	_ =	shalt  }
0x4c: {  	_ =	shalt  }
0x4d: {  	_ =	shalt  }
0x4e: {  	_ =	shalt  }
0x4f: {  	_ =	shalt  }
0x50: {  	_ =	shalt  }
0x51: {  	_ =	shalt  }
0x52: {  	_ =	shalt  }
0x53: {  	_ =	shalt  }
0x54: {  	_ =	shalt  }
0x55: {  	_ =	shalt  }
0x56: {  	_ =	shalt  }
0x57: {  	_ =	shalt  }
0x58: {  	_ =	shalt  }
0x59: {  	_ =	shalt  }
0x5a: {  	_ =	shalt  }
0x5b: {  	_ =	shalt  }
0x5c: {  	_ =	shalt  }
0x5d: {  	_ =	shalt  }
0x5e: {  	_ =	shalt  }
0x5f: {  	_ =	shalt  }
0x60: {  	_ =	shalt  }
0x61: {  	_ =	shalt  }
0x62: {  	_ =	shalt  }
0x63: {  	_ =	shalt  }
0x64: {  	_ =	shalt  }
0x65: {  	_ =	shalt  }
0x66: {  	_ =	shalt  }
0x67: {  	_ =	shalt  }
0x68: {  	_ =	shalt  }
0x69: {  	_ =	shalt  }
0x6a: {  	_ =	shalt  }
0x6b: {  	_ =	shalt  }
0x6c: {  	_ =	shalt  }
0x6d: {  	_ =	shalt  }
0x6e: {  	_ =	shalt  }
0x6f: {  	_ =	shalt  }
0x70: {  	_ =	shalt  }
0x71: {  	_ =	shalt  }
0x72: {  	_ =	shalt  }
0x73: {  	_ =	shalt  }
0x74: {  	_ =	shalt  }
0x75: {  	_ =	shalt  }
0x76: {  	_ =	shalt  }
0x77: {  	_ =	shalt  }
0x78: {  	_ =	shalt  }
0x79: {  	_ =	shalt  }
0x7a: {  	_ =	shalt  }
0x7b: {  	_ =	shalt  }
0x7c: {  	_ =	shalt  }
0x7d: {  	_ =	shalt  }
0x7e: {  	_ =	shalt  }
0x7f: {  	_ =	shalt  }
0x80: {  	_ =	shalt  }
0x81: {  	_ =	shalt  }
0x82: {  	_ =	shalt  }
0x83: {  	_ =	shalt  }
0x84: {  	_ =	shalt  }
0x85: {  	_ =	shalt  }
0x86: {  	_ =	shalt  }
0x87: {  	_ =	shalt  }
.Lfunc_end0:
.L_simem_size_0:
called_computation.5_lowered:
.L_overlay_start_0:
0x88: {  	s2 =	sld [smem:$0x3FD9]  }
0x89: {  	s3 =	sld [smem:$0x3FFE];
	_ =	sdelay $0x1  }
0x8a: {  	s1 =	srdreg.scid  }
0x8b: {  	s0 =	sand.u32 $0x1, s1  }
0x8c: {  	s17 =	sshll.u32 s0, $0xA;
	s2 =	sadd.s32 s3, s2  }
0x8d: {  	s2 =	sadd.s32 s2, s17  }
0x8e: {  	[smem:$0x3FC0] =	sst s2  }
0x8f: {  	_ = 	snop  }
0x90: {  	s18 =	sld [smem:$0x3FC8]  }
0x91: {  	s5 =	sld [smem:$0x3FC7]  }
0x92: {  	s4 =	sld [smem:$0x3FC6];
	(tm) =	ssettm $0x1  }
0x93: {  	s19 =	sld [smem:$0x3FFB];
	_ =	sdelay $0x3  }
0x94: {  	_ =	strace s19  }
0x95: {  	s2 =	sld [smem:$0x3FFC];
	_ =	sdelay $0x3  }
0x96: {  	_ =	strace s2  }
0x97: {  	s2 =	sld [smem:$0x3FFD];
	_ =	sdelay $0x3  }
0x98: {  	_ =	strace s2  }
0x99: {  	_ =	strace $0x8FFFFFFF  }
0x9a: {  	s20 =	sld [smem:$0x3FDB];
	_ =	sdelay $0x1  }
0x9b: {  	s6 =	simm.s32 $_scs_section_size  }
0x9c: {  	s7 =	simm.s32 $_size__tile_overlayer_lowered;
	s8 =	simm.s32 $_tile_overlayer_lowered  }
0x9d: {  	s9 =	simm.s32 $0x1BFF;
	s21 =	sshll.u32 s8, $0x1;
	s6 =	sadd.s32 s6, s20  }
0x9e: {  	s22 =	simm.s32 $0x0;
	s7 =	sshll.u32 s7, $0x1;
	s8 =	sadd.s32 s21, s6  }
0x9f: {  	[timem:s22], [sflag:s9] =	dma.local [hbm:s8], s7  }
0xa0: {  	_ =	swait.ge [sflag:s9], s7  }
0xa1: {  	s7 =	ssub.s32 $0x0, s7;
	[sflag:s9] =	ssyncset.done $0x0  }
0xa2: {  	[sflag:s9] =	ssyncadd.s32 s7;
	_ =	sdelay $0x1  }
0xa3: {  	s23 =	simm.s32 $0x1B8B  }
0xa4: {  	_ =	swait.ge [sflag:s23], $0x1  }
0xa5: {  	[sflag:s23] =	ssyncset.done $0x0  }
0xa6: {  	[sflag:s23] =	ssyncadd.s32 $0xFFFFFFFF  }
0xa7: {  	s7 =	sld [smem:$0x0]  }
0xa8: {  	s8 =	sand.u32 $0xFFFFFFFE, s1  }
0xa9: {  	p0 =	sne.s32 s1, s8  }
0xaa: {  	s8 =	sshll.u32 @p0 s8, $0xE  }
0xab: {  	s8 =	sadd.s32 @p0 $0x11B8D, s8;
	s9 =	sshll.u32 @p0 s7, $0x11  }
0xac: {  	s8 =	sor.u32 @p0 s9, s8  }
0xad: {  	[sflag:s8] =	ssyncadd.remote.s32 @p0 $0x1;
	_ =	sdelay $0x1  }
0xae: {  	s8 =	simm.s32 @p0 $0x1B8D  }
0xaf: {  	_ =	swait.eq @p0 [sflag:s8], $0x1  }
0xb0: {  	[sflag:s8] =	ssyncadd.s32 @p0 $0xFFFFFFFF  }
0xb1: {  	s9 =	sshll.u32 @!p0 s1, $0xE  }
0xb2: {  	s9 =	sor.u32 @!p0 $0x4000, s9;
	s8 =	simm.s32 @!p0 $0x1B8D  }
0xb3: {  	s7 =	sshll.u32 @!p0 s7, $0x11;
	s9 =	sadd.s32 @!p0 $0x11B8D, s9;
	_ =	swait.eq @!p0 [sflag:s8], $0x1  }
0xb4: {  	s7 =	sor.u32 @!p0 s7, s9;
	[sflag:s8] =	ssyncadd.s32 @!p0 $0xFFFFFFFF  }
0xb5: {  	s25 =	simm.s32 $0x1B8E;
	s24 =	sld [smem:$0x3FFE];
	[sflag:s7] =	ssyncadd.remote.s32 @!p0 $0x1  }
0xb6: {  	s26 =	simm.s32 $execute0_lowered;
	[smem:$0x3FD2] =	sst s25  }
0xb7: {  	s8 =	sshll.u32 s26, $0x1;
	_ =	strace $0x80000055;
	[dreg:$0x1] =	wrdreg $0xFFFFFFFF  }
0xb8: {  	s28 =	simm.s32 $_size_execute0_lowered;
	s6 =	sadd.s32 s6, s8;
	[dreg:$0x0] =	wrdreg $0x0  }
0xb9: {  	s8 =	sshll.u32 s28, $0x1;
	[dreg:$0x2] =	wrdreg s6  }
0xba: {  	[dreg:$0x3] =	wrdreg s8  }
0xbb: {  	[dreg:$0x4] =	wrdreg $0xC0  }
0xbc: {  	_ =	task [dreg:s22], $0x5FFFF  }
0xbd: {  	[dreg:$0x1] =	wrdreg $0xFFFFFFFF  }
0xbe: {  	[dreg:$0x0] =	wrdreg $0x60  }
0xbf: {  	[dreg:$0x2] =	wrdreg s24  }
0xc0: {  	[dreg:$0x3] =	wrdreg s5  }
0xc1: {  	[dreg:$0x4] =	wrdreg s18  }
0xc2: {  	[dreg:$0x5] =	wrdreg s4  }
0xc3: {  	[dreg:$0x6] =	wrdreg $0xE  }
0xc4: {  	_ =	task.clear_ibuf [dreg:s22], $0x7FFFF;
	_ =	strace $0x90000055  }
0xc5: {  	s29 =	simm.s32 $0xE;
	_ =	strace $0x80000057  }
0xc6: {  	_ =	swait.ge [sflag:s29], $0x1  }
0xc7: {  	[sflag:s29] =	ssyncadd.s32 $0xFFFFFFFF  }
0xc8: {  	_ =	strace $0x90000057  }
0xc9: {  	_ =	sfence  }
0xca: {  	s30 =	sld [smem:$0x0];
	_ =	sdelay $0x2  }
0xcb: {  	s31 =	sshll.u32 s1, $0xD;
	s1 =	sshrl.u32 s1, $0x2  }
0xcc: {  	s4 =	sand.u32 $0x4000, s31;
	s1 =	sadd.s32 s1, s30  }
0xcd: {  	s0 =	sor.u32 s4, s0;
	s1 =	sshll.u32 s1, $0x11  }
0xce: {  	s0 =	sor.u32 s1, s0  }
0xcf: {  	s0 =	sadd.s32 $0x8F2B, s0  }
0xd0: {  	[sflag:s0] =	ssyncadd.remote.s32 $0x1  }
0xd1: {  	_ =	sfence.sel $0xFFFF  }
0xd2: {  	[dreg:$0x0] =	wrdreg $0xFFFFFFFF;
	(pc) =	sbr.abs _section_cstart, $3  }
0xd3: {  	[dreg:$0x1] =	wrdreg $0xFFFFFFFF  }
0xd4: {  	_ =	task.clear_ibuf [dreg:s22], $0x2FFFF;
	_ =	strace $0x9FFFFFFF  }
0xd5: {  	(tm) =	ssettm $0x7FFFFFFF  }
tec
execute0_lowered:
.L_overlay_start_1:
0x0: {  	(tag) =	ssettag $0x1  }
0x1: {  	s0 =	rddreg [dreg:$0x0]  }
0x2: {  	s1 =	rddreg [dreg:$0x1]  }
0x3: {  	s2 =	rddreg [dreg:$0x3];
	s4 =	srdreg.scid  }
0x4: {  	s25 =	stileid.u32;
	s3 =	simm.s32 $0x0;
	s10 =	simm.s32 $0x40  }
0x5: {  	s11 =	simm.s32 $0x80;
	s12 =	simm.s32 $0x10080;
	s13 =	simm.s32 $0x10880  }
0x6: {  	s14 =	simm.s32 $0x11080;
	s15 =	simm.s32 $0x11880;
	s16 =	simm.s32 $0x12080  }
0x7: {  	s17 =	simm.s32 $0x12880;
	s18 =	simm.s32 $0x13080;
	s19 =	simm.s32 $0x13880  }
0x8: {  	s20 =	simm.s32 $0x14080;
	s21 =	simm.s32 $0x14880;
	s22 =	simm.s32 $0x15080  }
0x9: {  	s23 =	simm.s32 $0x15880;
	s24 =	simm.s32 $0x16080;
	[dreg:$0x5] =	wrdreg s1  }
0xa: {  	s28 =	simm.s32 $0x17880;
	s29 =	simm.s32 $0x18080;
	s1 =	rddreg [dreg:$0x2]  }
0xb: {  	s30 =	simm.s32 $0x1;
	s31 =	simm.s32 $0x2;
	[dreg:$0x6] =	wrdreg s2  }
0xc: {  	s4 =	sand.u32 $0x1, s4;
	s5 =	sshll.u32 s25, $0x1;
	[smem:$0x7FF] =	sst s3  }
0xd: {  	s25 =	simm.s32 $0x16880;
	s5 =	sor.u32 s4, s5;
	_ =	strace $0x80000056  }
0xe: {  	s4 =	ssub.s32 $0x2, s4;
	s6 =	sshll.u32 s5, $0x4;
	s7 =	sshll.u32 s5, $0xD  }
0xf: {  	s8 =	sshll.u32 s5, $0xC;
	s5 =	sshll.u32 s5, $0x3;
	s26 =	sshrl.u32 s4, $0x1  }
0x10: {  	s6 =	sadd.s32 s6, s0;
	s7 =	sadd.s32 s7, s0;
	s8 =	sadd.s32 s8, s0  }
0x11: {  	s0 =	sadd.s32 s5, s0;
	s9 =	ssub.s32 s4, s26;
	s5 =	sadd.s32 $0x100, s1  }
0x12: {  	v2 =	vlaneseq.u32;
	s26 =	simm.s32 $0x17080;
	s6 =	sadd.s32 $0x28A00, s6;
	s4 =	sadd.s32 $0x1A9A00, s7  }
0x13: {  	vm0 =	vmmov $0xffff;
	v1 =	vshrl.u32 v2, $0x3;
	s7 =	sadd.s32 $0x1A9800, s0;
	s0 =	simm.s32 $0x3;
	[dreg:$0x7] =	wrdreg s6  }
0x14: {  	v0 =	vand.u32 $0x7, v2;
	v2 =	vor.u32 $0x8, v2;
	v1 =	vmul.u32 $0x8, v1;
	s6 =	sadd.s32 $0x1E9A00, s8;
	s8 =	smax.u32 s9, $0x1;
	s9 =	simm.s32 $0x4  }
.LBB2_1:
0x15: {  	s2 =	rddreg [dreg:$0x7]  }
0x16: {  	[tilespmem:s3], [sflag:$0x4] =	stream.linear.gather [hbm4b:s2+s3], $0x80, $0x38;
	[tilespmem:$0x18100] =	vst v63  }
0x17: {  	_ =	swait.ge [sflag:s9], $0x80  }
0x18: {  	[sflag:s9] =	ssyncset.done $0x0  }
0x19: {  	s2 =	rddreg [dreg:$0x5];
	[sflag:s9] =	ssyncadd.s32 $0xFFFFFF80  }
0x1a: {  	[tilespmem:s11], [sflag:$0x1] =	stream.indirect.gather [hbm4b:s2+s10], $0x400, s3, s10, $0xb8;
	[tilespmem:$0x18100] =	vst v63  }
0x1b: {  	v3 =	vld [tilespmem:$0x0];
	_ =	sdelay $0x4  }
0x1c: {  	v4 =	vshll.u32 v3, $0x2  }
0x1d: {  	v3 =	vand.u32 $0x7, v3;
	v4 =	vand.u32 $0xFFFFFFE0, v4  }
0x1e: {  	v3 =	vor.u32 v3, v4  }
0x1f: {  	v4 =	vperm.xlane v3, v0;
	_ =	sdelay $0x1  }
0x20: {  	v4 =	vadd.s32 v1, v4;
	_ =	sdelay $0x1  }
0x21: {  	v3 =	vperm.xlane v3, v2;
	_ =	sdelay $0x1  }
0x22: {  	v3 =	vadd.s32 v1, v3  }
0x23: {  	[tilespmem:s12], [sflag:$0x2] =	stream.indirect_vreg.gather [hbm4b:s1+s3], $0x80, v4, vm0, $0xb8;
	[tilespmem:$0x18100] =	vst v63  }
0x24: {  	_ = 	snop  }
0x25: {  	[tilespmem:s13], [sflag:$0x2] =	stream.indirect_vreg.gather [hbm4b:s5+s3], $0x80, v4, vm0, $0xb8;
	[tilespmem:$0x18100] =	vst v63  }
0x26: {  	_ = 	snop  }
0x27: {  	[tilespmem:s14], [sflag:$0x2] =	stream.indirect_vreg.gather [hbm4b:s1+s3], $0x80, v3, vm0, $0xb8;
	[tilespmem:$0x18100] =	vst v63  }
0x28: {  	_ = 	snop  }
0x29: {  	[tilespmem:s15], [sflag:$0x2] =	stream.indirect_vreg.gather [hbm4b:s5+s3], $0x80, v3, vm0, $0xb8;
	[tilespmem:$0x18100] =	vst v63  }
0x2a: {  	v3 =	vld [tilespmem:$0x10];
	_ =	sdelay $0x4  }
0x2b: {  	v61 =	vshll.u32 v3, $0x2  }
0x2c: {  	v3 =	vand.u32 $0x7, v3;
	v4 =	vand.u32 $0xFFFFFFE0, v61  }
0x2d: {  	v3 =	vor.u32 v3, v4  }
0x2e: {  	v4 =	vperm.xlane v3, v0;
	_ =	sdelay $0x1  }
0x2f: {  	v4 =	vadd.s32 v1, v4;
	_ =	sdelay $0x1  }
0x30: {  	v3 =	vperm.xlane v3, v2;
	_ =	sdelay $0x1  }
0x31: {  	v3 =	vadd.s32 v1, v3  }
0x32: {  	[tilespmem:s16], [sflag:$0x2] =	stream.indirect_vreg.gather [hbm4b:s1+s3], $0x80, v4, vm0, $0xb8;
	[tilespmem:$0x18100] =	vst v63  }
0x33: {  	_ = 	snop  }
0x34: {  	[tilespmem:s17], [sflag:$0x2] =	stream.indirect_vreg.gather [hbm4b:s5+s3], $0x80, v4, vm0, $0xb8;
	[tilespmem:$0x18100] =	vst v63  }
0x35: {  	_ = 	snop  }
0x36: {  	[tilespmem:s18], [sflag:$0x2] =	stream.indirect_vreg.gather [hbm4b:s1+s3], $0x80, v3, vm0, $0xb8;
	[tilespmem:$0x18100] =	vst v63  }
0x37: {  	_ = 	snop  }
0x38: {  	[tilespmem:s19], [sflag:$0x2] =	stream.indirect_vreg.gather [hbm4b:s5+s3], $0x80, v3, vm0, $0xb8;
	[tilespmem:$0x18100] =	vst v63  }
0x39: {  	v3 =	vld [tilespmem:$0x20];
	_ =	sdelay $0x4  }
0x3a: {  	v62 =	vshll.u32 v3, $0x2  }
0x3b: {  	v3 =	vand.u32 $0x7, v3;
	v4 =	vand.u32 $0xFFFFFFE0, v62  }
0x3c: {  	v3 =	vor.u32 v3, v4  }
0x3d: {  	v4 =	vperm.xlane v3, v0;
	_ =	sdelay $0x1  }
0x3e: {  	v4 =	vadd.s32 v1, v4;
	_ =	sdelay $0x1  }
0x3f: {  	v3 =	vperm.xlane v3, v2;
	_ =	sdelay $0x1  }
0x40: {  	v3 =	vadd.s32 v1, v3  }
0x41: {  	[tilespmem:s20], [sflag:$0x2] =	stream.indirect_vreg.gather [hbm4b:s1+s3], $0x80, v4, vm0, $0xb8;
	[tilespmem:$0x18100] =	vst v63  }
0x42: {  	_ = 	snop  }
0x43: {  	[tilespmem:s21], [sflag:$0x2] =	stream.indirect_vreg.gather [hbm4b:s5+s3], $0x80, v4, vm0, $0xb8;
	[tilespmem:$0x18100] =	vst v63  }
0x44: {  	_ = 	snop  }
0x45: {  	[tilespmem:s22], [sflag:$0x2] =	stream.indirect_vreg.gather [hbm4b:s1+s3], $0x80, v3, vm0, $0xb8;
	[tilespmem:$0x18100] =	vst v63  }
0x46: {  	_ = 	snop  }
0x47: {  	[tilespmem:s23], [sflag:$0x2] =	stream.indirect_vreg.gather [hbm4b:s5+s3], $0x80, v3, vm0, $0xb8;
	[tilespmem:$0x18100] =	vst v63  }
0x48: {  	v3 =	vld [tilespmem:$0x30];
	_ =	sdelay $0x4  }
0x49: {  	v63 =	vshll.u32 v3, $0x2  }
0x4a: {  	v3 =	vand.u32 $0x7, v3;
	v4 =	vand.u32 $0xFFFFFFE0, v63  }
0x4b: {  	v3 =	vor.u32 v3, v4  }
0x4c: {  	v4 =	vperm.xlane v3, v0;
	_ =	sdelay $0x1  }
0x4d: {  	v4 =	vadd.s32 v1, v4;
	_ =	sdelay $0x1  }
0x4e: {  	v3 =	vperm.xlane v3, v2;
	_ =	sdelay $0x1  }
0x4f: {  	v3 =	vadd.s32 v1, v3  }
0x50: {  	[tilespmem:s24], [sflag:$0x2] =	stream.indirect_vreg.gather [hbm4b:s1+s3], $0x80, v4, vm0, $0xb8;
	[tilespmem:$0x18100] =	vst v63  }
0x51: {  	_ = 	snop  }
0x52: {  	[tilespmem:s25], [sflag:$0x2] =	stream.indirect_vreg.gather [hbm4b:s5+s3], $0x80, v4, vm0, $0xb8;
	[tilespmem:$0x18100] =	vst v63  }
0x53: {  	_ = 	snop  }
0x54: {  	[tilespmem:s26], [sflag:$0x2] =	stream.indirect_vreg.gather [hbm4b:s1+s3], $0x80, v3, vm0, $0xb8;
	[tilespmem:$0x18100] =	vst v63  }
0x55: {  	_ = 	snop  }
0x56: {  	[tilespmem:s28], [sflag:$0x2] =	stream.indirect_vreg.gather [hbm4b:s5+s3], $0x80, v3, vm0, $0xb8;
	[tilespmem:$0x18100] =	vst v63  }
0x57: {  	s2 =	rddreg [dreg:$0x6]  }
0x58: {  	[tilespmem:s29], [sflag:$0x3] =	stream.indirect.gather [hbm4b:s2+s10], $0x1, s3, s10, $0xb8;
	[tilespmem:$0x18100] =	vst v63  }
0x59: {  	_ =	swait.ge [sflag:s30], $0x10000  }
0x5a: {  	[sflag:s30] =	ssyncset.done $0x0  }
0x5b: {  	[sflag:s30] =	ssyncadd.s32 $0xFFFF0000  }
0x5c: {  	_ =	swait.ge [sflag:s31], $0x8000  }
0x5d: {  	[sflag:s31] =	ssyncset.done $0x0  }
0x5e: {  	[sflag:s31] =	ssyncadd.s32 $0xFFFF8000  }
0x5f: {  	_ =	swait.ge [sflag:s0], $0x40  }
0x60: {  	[sflag:s0] =	ssyncset.done $0x0  }
0x61: {  	[sflag:s0] =	ssyncadd.s32 $0xFFFFFFC0  }
0x62: {  	[hbm4b:s4+s3] =	stream.linear.scatter [tilespmem:s11], [sflag:$0x4], $0x10000, $0x38;
	[tilespmem:$0x18100] =	vst v63  }
0x63: {  	_ =	swait.ge [sflag:s9], $0x10000  }
0x64: {  	[sflag:s9] =	ssyncset.done $0x0  }
0x65: {  	[sflag:s9] =	ssyncadd.s32 $0xFFFF0000  }
0x66: {  	[hbm4b:s6+s3] =	stream.linear.scatter [tilespmem:s12], [sflag:$0x4], $0x8000, $0x38;
	[tilespmem:$0x18100] =	vst v63  }
0x67: {  	_ =	swait.ge [sflag:s9], $0x8000  }
0x68: {  	p0 =	sne.s32 s8, $0x1;
	[sflag:s9] =	ssyncset.done $0x0  }
.Ltmp0:
0x69: {  	[sflag:s9] =	ssyncadd.s32 $0xFFFF8000;
	(pc) =	sbr.rel @p0 .LBB2_1-.Ltmp0, $4  }
0x6a: {  	[hbm4b:s7+s3] =	stream.linear.scatter [tilespmem:s29], [sflag:$0x4], $0x40, $0x38;
	[tilespmem:$0x18100] =	vst v63  }
0x6b: {  	_ =	swait.ge [sflag:s9], $0x40  }
0x6c: {  	[sflag:s9] =	ssyncset.done $0x0  }
0x6d: {  	s8 =	sadd.s32 $0xFFFFFFFF, s8;
	[sflag:s9] =	ssyncadd.s32 $0xFFFFFFC0  }
0x6e: {  	_ =	sfence.sel $0x180000  }
0x6f: {  	[bflag:$0x0] =	sbarrier.arrive $0xFFFF  }
0x70: {  	_ =	strace $0x90000056  }
0x71: {  	s0 =	stileid.u32;
	[bflag:$0x2] =	sbarrier.arrive $0xFFFF  }
0x72: {  	p0 =	sne.s32 s0, $0x0;
	s0 =	rddreg [dreg:$0x4]  }
0x73: {  	s0 =	sadd.s32 @!p0 $0x100000, s0  }
0x74: {  	[sflag:s0] =	ssyncadd.tile.s32 @!p0 $0x1;
	_ =	shalt  }
.Lfunc_end2:
_tile_overlayer_lowered:
.L_overlay_start_2:
0x75: {  	(tag) =	ssettag $0x2  }
0x76: {  	s0 =	rddreg [dreg:$0x0];
	s2 =	stileid.u32  }
0x77: {  	s1 =	rddreg [dreg:$0x1];
	p0 =	sne.s32 s2, $0x0  }
0x78: {  	s3 =	rddreg [dreg:$0x2];
	[bflag:$0x3] =	sbarrier.arrive $0xFFFF;
	s2 =	simm.s32 @!p0 $0x1C04  }
0x79: {  	[timem:s3], [sflag:s2] =	dma.local @!p0 [hbm:s0], s1  }
0x7a: {  	s0 =	simm.s32 @!p0 $0x4  }
0x7b: {  	_ =	swait.ge @!p0 [sflag:s0], s1  }
0x7c: {  	s1 =	ssub.s32 @!p0 $0x0, s1;
	[sflag:s0] =	ssyncset.done @!p0 $0x0  }
0x7d: {  	[sflag:s0] =	ssyncadd.s32 @!p0 s1  }
0x7e: {  	[bflag:$0x3] =	sbarrier.arrive $0xFFFF  }
0x7f: {  	_ =	shalt  }

// kernel: kernel.36.cloned.1.call-start
scs
__scs_entry_jumppad:
0x0: {  	(pc) =	sbr.rel $0x88, $3  }
0x1: {  	(tag) =	ssettag $0x0;
	lr =	simm.s32 $0x1  }
0x2: {  	[smem:$0x3F99] =	sst lr;
	_ =	strace $0xD0000000  }
0x3: {  	_ = 	snop  }
0x4: {  	_ = 	snop  }
0x5: {  	_ = 	snop  }
0x6: {  	_ = 	snop  }
0x7: {  	_ = 	snop  }
__scs_overlays_trampoline_lowered:
0x8: {  	[smem:$0x3FA8] =	sst s0  }
0x9: {  	[smem:$0x3FA9] =	sst s1  }
0xa: {  	[smem:$0x3FAA] =	sst s2  }
0xb: {  	[smem:$0x3FAB] =	sst s3  }
0xc: {  	[smem:$0x3FAC] =	sst s4  }
0xd: {  	[smem:$0x3FAD] =	sst s5  }
0xe: {  	[smem:$0x3FAE] =	sst s6  }
0xf: {  	[smem:$0x3FAF] =	sst s7  }
0x10: {  	[smem:$0x3FB0] =	sst s8  }
0x11: {  	[smem:$0x3FB1] =	sst s9;
	s0 =	simm.s32 @!p0 $0x0  }
0x12: {  	s1 =	sld [smem:$0x3F97];
	s0 =	simm.s32 @p0 $0x1  }
0x13: {  	[smem:$0x3FB2] =	sst s0;
	s0 =	simm.s32 @!p1 $0x0  }
0x14: {  	s2 =	sld [smem:$0x3F96];
	s0 =	simm.s32 @p1 $0x1  }
0x15: {  	[smem:$0x3FB3] =	sst s0;
	s0 =	simm.s32 @!p2 $0x0  }
0x16: {  	s3 =	sld [smem:$0x3FDB];
	s0 =	simm.s32 @p2 $0x1  }
0x17: {  	s4 =	simm.s32 $0x1BF5;
	[smem:$0x3FB5] =	sst s0  }
0x18: {  	s0 =	sld [smem:$0x3F98];
	_ =	swait.ge [sflag:s4], $0x0  }
0x19: {  	s7 =	sld [smem:$0x3F99]  }
0x1a: {  	s8 =	sadd.s32 $0xFFFFE003, lr  }
0x1b: {  	s9 =	sadd.s32 $0xFFFFFEF7, lr;
	s5 =	simm.s32 $0xFFFFFFFF;
	p2 =	slt.u32 s8, $0xFFFFF086  }
0x1c: {  	p1 =	slt.u32 s9, $0xF7A;
	s5 =	simm.s32 @!p2 $0x0  }
0x1d: {  	s5 =	simm.s32 @p1 $0x1;
	p0 =	seq.s32 s7, s2  }
0x1e: {  	s7 =	smul.u32 @!p0 $0xF7A, s2;
	p2 =	seq.s32 @!p0 s5, $0x0  }
0x1f: {  	s9 =	smul.u32 $0xF7A, s1;
	s8 =	simm.s32 @!p0 $0x1BF5;
	p2 =	por !p2, p0  }
0x20: {  	[sflag:s8] =	ssyncset.s32 @!p0 $0xFFFFF086;
	s6 =	sadd.s32 @!p0 s3, s7;
	s7 =	simm.s32 @!p0 $0x108  }
0x21: {  	s3 =	sadd.s32 s3, s9;
	s6 =	sadd.s32 @!p0 $0x88, s6;
	s7 =	simm.s32 @p2 $0x1082  }
0x22: {  	[simem:s7], [sflag:s8] =	dma.local @!p0 [hbm:s6], $0xF7A  }
0x23: {  	s9 =	sor.u32 $0xD0000000, s2;
	s6 =	simm.s32 $0x108;
	_ =	swait.ge @!p0 [sflag:s8], $0x0  }
0x24: {  	s3 =	sadd.s32 $0x88, s3;
	s6 =	simm.s32 @!p1 $0x1082;
	[sflag:s4] =	ssyncset.s32 $0xFFFFF086  }
0x25: {  	[simem:s6], [sflag:s4] =	dma.local [hbm:s3], $0xF7A  }
0x26: {  	[smem:$0x3F99] =	sst s1;
	(tag) =	ssettag s2;
	_ =	strace s9  }
0x27: {  	s1 =	sld [smem:$0x3FA9]  }
0x28: {  	s2 =	sld [smem:$0x3FAA]  }
0x29: {  	s4 =	sld [smem:$0x3FAC]  }
0x2a: {  	p0 =	seq.s32 s5, $0x0;
	s5 =	sld [smem:$0x3FAD]  }
0x2b: {  	s6 =	sld [smem:$0x3FAE]  }
0x2c: {  	s7 =	sld [smem:$0x3FAF]  }
0x2d: {  	s3 =	simm.s32 $0x108;
	s8 =	sld [smem:$0x3FB0]  }
0x2e: {  	s3 =	simm.s32 @!p0 $0x1082;
	s9 =	sld [smem:$0x3FB1]  }
0x2f: {  	lr =	sadd.s32 s0, s3;
	s0 =	sld [smem:$0x3FA8]  }
0x30: {  	s3 =	sld [smem:$0x3FAB]  }
0x31: {  	[smem:$0x3FB4] =	sst s10  }
0x32: {  	s10 =	sld [smem:$0x3FB2];
	_ =	sdelay $0x3  }
0x33: {  	p0 =	seq.s32 s10, $0x1;
	s10 =	sld [smem:$0x3FB4];
	_ =	sdelay $0x3  }
0x34: {  	[smem:$0x3FB4] =	sst s10  }
0x35: {  	s10 =	sld [smem:$0x3FB3];
	_ =	sdelay $0x3  }
0x36: {  	p1 =	seq.s32 s10, $0x1;
	s10 =	sld [smem:$0x3FB4];
	_ =	sdelay $0x3  }
0x37: {  	[smem:$0x3FB4] =	sst s10  }
0x38: {  	s10 =	sld [smem:$0x3FB5]  }
0x39: {  	_ = 	snop;
	(pc) =	sbr.ind lr, $3  }
0x3a: {  	_ = 	snop  }
0x3b: {  	_ = 	snop  }
0x3c: {  	p2 =	seq.s32 s10, $0x1;
	s10 =	sld [smem:$0x3FB4]  }
0x3d: {  	_ =	shalt  }
0x3e: {  	_ =	shalt  }
0x3f: {  	_ =	shalt  }
0x40: {  	_ =	shalt  }
0x41: {  	_ =	shalt  }
0x42: {  	_ =	shalt  }
0x43: {  	_ =	shalt  }
0x44: {  	_ =	shalt  }
0x45: {  	_ =	shalt  }
0x46: {  	_ =	shalt  }
0x47: {  	_ =	shalt  }
0x48: {  	_ =	shalt  }
0x49: {  	_ =	shalt  }
0x4a: {  	_ =	shalt  }
0x4b: {  	_ =	shalt  }
0x4c: {  	_ =	shalt  }
0x4d: {  	_ =	shalt  }
0x4e: {  	_ =	shalt  }
0x4f: {  	_ =	shalt  }
0x50: {  	_ =	shalt  }
0x51: {  	_ =	shalt  }
0x52: {  	_ =	shalt  }
0x53: {  	_ =	shalt  }
0x54: {  	_ =	shalt  }
0x55: {  	_ =	shalt  }
0x56: {  	_ =	shalt  }
0x57: {  	_ =	shalt  }
0x58: {  	_ =	shalt  }
0x59: {  	_ =	shalt  }
0x5a: {  	_ =	shalt  }
0x5b: {  	_ =	shalt  }
0x5c: {  	_ =	shalt  }
0x5d: {  	_ =	shalt  }
0x5e: {  	_ =	shalt  }
0x5f: {  	_ =	shalt  }
0x60: {  	_ =	shalt  }
0x61: {  	_ =	shalt  }
0x62: {  	_ =	shalt  }
0x63: {  	_ =	shalt  }
0x64: {  	_ =	shalt  }
0x65: {  	_ =	shalt  }
0x66: {  	_ =	shalt  }
0x67: {  	_ =	shalt  }
0x68: {  	_ =	shalt  }
0x69: {  	_ =	shalt  }
0x6a: {  	_ =	shalt  }
0x6b: {  	_ =	shalt  }
0x6c: {  	_ =	shalt  }
0x6d: {  	_ =	shalt  }
0x6e: {  	_ =	shalt  }
0x6f: {  	_ =	shalt  }
0x70: {  	_ =	shalt  }
0x71: {  	_ =	shalt  }
0x72: {  	_ =	shalt  }
0x73: {  	_ =	shalt  }
0x74: {  	_ =	shalt  }
0x75: {  	_ =	shalt  }
0x76: {  	_ =	shalt  }
0x77: {  	_ =	shalt  }
0x78: {  	_ =	shalt  }
0x79: {  	_ =	shalt  }
0x7a: {  	_ =	shalt  }
0x7b: {  	_ =	shalt  }
0x7c: {  	_ =	shalt  }
0x7d: {  	_ =	shalt  }
0x7e: {  	_ =	shalt  }
0x7f: {  	_ =	shalt  }
0x80: {  	_ =	shalt  }
0x81: {  	_ =	shalt  }
0x82: {  	_ =	shalt  }
0x83: {  	_ =	shalt  }
0x84: {  	_ =	shalt  }
0x85: {  	_ =	shalt  }
0x86: {  	_ =	shalt  }
0x87: {  	_ =	shalt  }
.Lfunc_end0:
.L_simem_size_0:
called_computation.6_lowered:
.L_overlay_start_0:
0x88: {  	s2 =	sld [smem:$0x3FD9]  }
0x89: {  	s3 =	sld [smem:$0x3FFE];
	_ =	sdelay $0x1  }
0x8a: {  	s1 =	srdreg.scid  }
0x8b: {  	s0 =	sand.u32 $0x1, s1  }
0x8c: {  	s17 =	sshll.u32 s0, $0xA;
	s2 =	sadd.s32 s3, s2  }
0x8d: {  	s2 =	sadd.s32 s2, s17  }
0x8e: {  	[smem:$0x3FC0] =	sst s2  }
0x8f: {  	_ = 	snop  }
0x90: {  	s18 =	sld [smem:$0x3FC8]  }
0x91: {  	s5 =	sld [smem:$0x3FC7]  }
0x92: {  	s4 =	sld [smem:$0x3FC6];
	(tm) =	ssettm $0x1  }
0x93: {  	s19 =	sld [smem:$0x3FFB];
	_ =	sdelay $0x3  }
0x94: {  	_ =	strace s19  }
0x95: {  	s2 =	sld [smem:$0x3FFC];
	_ =	sdelay $0x3  }
0x96: {  	_ =	strace s2  }
0x97: {  	s2 =	sld [smem:$0x3FFD];
	_ =	sdelay $0x3  }
0x98: {  	_ =	strace s2  }
0x99: {  	_ =	strace $0x8FFFFFFF  }
0x9a: {  	s20 =	sld [smem:$0x3FDB];
	_ =	sdelay $0x1  }
0x9b: {  	s6 =	simm.s32 $_scs_section_size  }
0x9c: {  	s7 =	simm.s32 $_size__tile_overlayer_lowered;
	s8 =	simm.s32 $_tile_overlayer_lowered  }
0x9d: {  	s9 =	simm.s32 $0x1BFF;
	s21 =	sshll.u32 s8, $0x1;
	s6 =	sadd.s32 s6, s20  }
0x9e: {  	s22 =	simm.s32 $0x0;
	s7 =	sshll.u32 s7, $0x1;
	s8 =	sadd.s32 s21, s6  }
0x9f: {  	[timem:s22], [sflag:s9] =	dma.local [hbm:s8], s7  }
0xa0: {  	_ =	swait.ge [sflag:s9], s7  }
0xa1: {  	s7 =	ssub.s32 $0x0, s7;
	[sflag:s9] =	ssyncset.done $0x0  }
0xa2: {  	[sflag:s9] =	ssyncadd.s32 s7;
	_ =	sdelay $0x1  }
0xa3: {  	s23 =	simm.s32 $0x1B8B  }
0xa4: {  	_ =	swait.ge [sflag:s23], $0x1  }
0xa5: {  	[sflag:s23] =	ssyncset.done $0x0  }
0xa6: {  	[sflag:s23] =	ssyncadd.s32 $0xFFFFFFFF  }
0xa7: {  	s7 =	sld [smem:$0x0]  }
0xa8: {  	s8 =	sand.u32 $0xFFFFFFFE, s1  }
0xa9: {  	p0 =	sne.s32 s1, s8  }
0xaa: {  	s8 =	sshll.u32 @p0 s8, $0xE  }
0xab: {  	s8 =	sadd.s32 @p0 $0x11B8D, s8;
	s9 =	sshll.u32 @p0 s7, $0x11  }
0xac: {  	s8 =	sor.u32 @p0 s9, s8  }
0xad: {  	[sflag:s8] =	ssyncadd.remote.s32 @p0 $0x1;
	_ =	sdelay $0x1  }
0xae: {  	s8 =	simm.s32 @p0 $0x1B8D  }
0xaf: {  	_ =	swait.eq @p0 [sflag:s8], $0x1  }
0xb0: {  	[sflag:s8] =	ssyncadd.s32 @p0 $0xFFFFFFFF  }
0xb1: {  	s9 =	sshll.u32 @!p0 s1, $0xE  }
0xb2: {  	s9 =	sor.u32 @!p0 $0x4000, s9;
	s8 =	simm.s32 @!p0 $0x1B8D  }
0xb3: {  	s7 =	sshll.u32 @!p0 s7, $0x11;
	s9 =	sadd.s32 @!p0 $0x11B8D, s9;
	_ =	swait.eq @!p0 [sflag:s8], $0x1  }
0xb4: {  	s7 =	sor.u32 @!p0 s7, s9;
	[sflag:s8] =	ssyncadd.s32 @!p0 $0xFFFFFFFF  }
0xb5: {  	s25 =	simm.s32 $0x1B8E;
	s24 =	sld [smem:$0x3FFE];
	[sflag:s7] =	ssyncadd.remote.s32 @!p0 $0x1  }
0xb6: {  	s26 =	simm.s32 $execute0_lowered;
	[smem:$0x3FD2] =	sst s25  }
0xb7: {  	s8 =	sshll.u32 s26, $0x1;
	_ =	strace $0x80000058;
	[dreg:$0x1] =	wrdreg $0xFFFFFFFF  }
0xb8: {  	s28 =	simm.s32 $_size_execute0_lowered;
	s6 =	sadd.s32 s6, s8;
	[dreg:$0x0] =	wrdreg $0x0  }
0xb9: {  	s8 =	sshll.u32 s28, $0x1;
	[dreg:$0x2] =	wrdreg s6  }
0xba: {  	[dreg:$0x3] =	wrdreg s8  }
0xbb: {  	[dreg:$0x4] =	wrdreg $0xC0  }
0xbc: {  	_ =	task [dreg:s22], $0x5FFFF  }
0xbd: {  	[dreg:$0x1] =	wrdreg $0xFFFFFFFF  }
0xbe: {  	[dreg:$0x0] =	wrdreg $0x60  }
0xbf: {  	[dreg:$0x2] =	wrdreg s24  }
0xc0: {  	[dreg:$0x3] =	wrdreg s5  }
0xc1: {  	[dreg:$0x4] =	wrdreg s18  }
0xc2: {  	[dreg:$0x5] =	wrdreg s4  }
0xc3: {  	[dreg:$0x6] =	wrdreg $0xF  }
0xc4: {  	_ =	task.clear_ibuf [dreg:s22], $0x7FFFF;
	_ =	strace $0x90000058  }
0xc5: {  	s29 =	simm.s32 $0xF;
	_ =	strace $0x8000005A  }
0xc6: {  	_ =	swait.ge [sflag:s29], $0x1  }
0xc7: {  	[sflag:s29] =	ssyncadd.s32 $0xFFFFFFFF  }
0xc8: {  	_ =	strace $0x9000005A  }
0xc9: {  	_ =	sfence  }
0xca: {  	s30 =	sld [smem:$0x0];
	_ =	sdelay $0x2  }
0xcb: {  	s31 =	sshll.u32 s1, $0xD;
	s1 =	sshrl.u32 s1, $0x2  }
0xcc: {  	s4 =	sand.u32 $0x4000, s31;
	s1 =	sadd.s32 s1, s30  }
0xcd: {  	s0 =	sor.u32 s4, s0;
	s1 =	sshll.u32 s1, $0x11  }
0xce: {  	s0 =	sor.u32 s1, s0  }
0xcf: {  	s0 =	sadd.s32 $0x8F2B, s0  }
0xd0: {  	[sflag:s0] =	ssyncadd.remote.s32 $0x1  }
0xd1: {  	_ =	sfence.sel $0xFFFF  }
0xd2: {  	[dreg:$0x0] =	wrdreg $0xFFFFFFFF;
	(pc) =	sbr.abs _section_cstart, $3  }
0xd3: {  	[dreg:$0x1] =	wrdreg $0xFFFFFFFF  }
0xd4: {  	_ =	task.clear_ibuf [dreg:s22], $0x2FFFF;
	_ =	strace $0x9FFFFFFF  }
0xd5: {  	(tm) =	ssettm $0x7FFFFFFF  }
tec
execute0_lowered:
.L_overlay_start_1:
0x0: {  	(tag) =	ssettag $0x1  }
0x1: {  	s0 =	rddreg [dreg:$0x0]  }
0x2: {  	s1 =	rddreg [dreg:$0x1]  }
0x3: {  	s2 =	rddreg [dreg:$0x3];
	s4 =	srdreg.scid  }
0x4: {  	s25 =	stileid.u32;
	s3 =	simm.s32 $0x0;
	s10 =	simm.s32 $0x40  }
0x5: {  	s11 =	simm.s32 $0x80;
	s12 =	simm.s32 $0x10080;
	s13 =	simm.s32 $0x10880  }
0x6: {  	s14 =	simm.s32 $0x11080;
	s15 =	simm.s32 $0x11880;
	s16 =	simm.s32 $0x12080  }
0x7: {  	s17 =	simm.s32 $0x12880;
	s18 =	simm.s32 $0x13080;
	s19 =	simm.s32 $0x13880  }
0x8: {  	s20 =	simm.s32 $0x14080;
	s21 =	simm.s32 $0x14880;
	s22 =	simm.s32 $0x15080  }
0x9: {  	s23 =	simm.s32 $0x15880;
	s24 =	simm.s32 $0x16080;
	[dreg:$0x5] =	wrdreg s1  }
0xa: {  	s28 =	simm.s32 $0x17880;
	s29 =	simm.s32 $0x18080;
	s1 =	rddreg [dreg:$0x2]  }
0xb: {  	s30 =	simm.s32 $0x1;
	s31 =	simm.s32 $0x2;
	[dreg:$0x6] =	wrdreg s2  }
0xc: {  	s4 =	sand.u32 $0x1, s4;
	s5 =	sshll.u32 s25, $0x1;
	[smem:$0x7FF] =	sst s3  }
0xd: {  	s25 =	simm.s32 $0x16880;
	s5 =	sor.u32 s4, s5;
	_ =	strace $0x80000059  }
0xe: {  	s4 =	ssub.s32 $0x2, s4;
	s6 =	sshll.u32 s5, $0x4;
	s7 =	sshll.u32 s5, $0xD  }
0xf: {  	s8 =	sshll.u32 s5, $0xC;
	s5 =	sshll.u32 s5, $0x3;
	s26 =	sshrl.u32 s4, $0x1  }
0x10: {  	s6 =	sadd.s32 s6, s0;
	s7 =	sadd.s32 s7, s0;
	s8 =	sadd.s32 s8, s0  }
0x11: {  	s0 =	sadd.s32 s5, s0;
	s9 =	ssub.s32 s4, s26;
	s5 =	sadd.s32 $0x100, s1  }
0x12: {  	v2 =	vlaneseq.u32;
	s26 =	simm.s32 $0x17080;
	s6 =	sadd.s32 $0x28C00, s6;
	s4 =	sadd.s32 $0x229C00, s7  }
0x13: {  	vm0 =	vmmov $0xffff;
	v1 =	vshrl.u32 v2, $0x3;
	s7 =	sadd.s32 $0x209A00, s0;
	s0 =	simm.s32 $0x3;
	[dreg:$0x7] =	wrdreg s6  }
0x14: {  	v0 =	vand.u32 $0x7, v2;
	v2 =	vor.u32 $0x8, v2;
	v1 =	vmul.u32 $0x8, v1;
	s6 =	sadd.s32 $0x209C00, s8;
	s8 =	smax.u32 s9, $0x1;
	s9 =	simm.s32 $0x4  }
.LBB2_1:
0x15: {  	s2 =	rddreg [dreg:$0x7]  }
0x16: {  	[tilespmem:s3], [sflag:$0x4] =	stream.linear.gather [hbm4b:s2+s3], $0x80, $0x38;
	[tilespmem:$0x18100] =	vst v63  }
0x17: {  	_ =	swait.ge [sflag:s9], $0x80  }
0x18: {  	[sflag:s9] =	ssyncset.done $0x0  }
0x19: {  	s2 =	rddreg [dreg:$0x5];
	[sflag:s9] =	ssyncadd.s32 $0xFFFFFF80  }
0x1a: {  	[tilespmem:s11], [sflag:$0x1] =	stream.indirect.gather [hbm4b:s2+s10], $0x400, s3, s10, $0xb8;
	[tilespmem:$0x18100] =	vst v63  }
0x1b: {  	v3 =	vld [tilespmem:$0x0];
	_ =	sdelay $0x4  }
0x1c: {  	v4 =	vshll.u32 v3, $0x2  }
0x1d: {  	v3 =	vand.u32 $0x7, v3;
	v4 =	vand.u32 $0xFFFFFFE0, v4  }
0x1e: {  	v3 =	vor.u32 v3, v4  }
0x1f: {  	v4 =	vperm.xlane v3, v0;
	_ =	sdelay $0x1  }
0x20: {  	v4 =	vadd.s32 v1, v4;
	_ =	sdelay $0x1  }
0x21: {  	v3 =	vperm.xlane v3, v2;
	_ =	sdelay $0x1  }
0x22: {  	v3 =	vadd.s32 v1, v3  }
0x23: {  	[tilespmem:s12], [sflag:$0x2] =	stream.indirect_vreg.gather [hbm4b:s1+s3], $0x80, v4, vm0, $0xb8;
	[tilespmem:$0x18100] =	vst v63  }
0x24: {  	_ = 	snop  }
0x25: {  	[tilespmem:s13], [sflag:$0x2] =	stream.indirect_vreg.gather [hbm4b:s5+s3], $0x80, v4, vm0, $0xb8;
	[tilespmem:$0x18100] =	vst v63  }
0x26: {  	_ = 	snop  }
0x27: {  	[tilespmem:s14], [sflag:$0x2] =	stream.indirect_vreg.gather [hbm4b:s1+s3], $0x80, v3, vm0, $0xb8;
	[tilespmem:$0x18100] =	vst v63  }
0x28: {  	_ = 	snop  }
0x29: {  	[tilespmem:s15], [sflag:$0x2] =	stream.indirect_vreg.gather [hbm4b:s5+s3], $0x80, v3, vm0, $0xb8;
	[tilespmem:$0x18100] =	vst v63  }
0x2a: {  	v3 =	vld [tilespmem:$0x10];
	_ =	sdelay $0x4  }
0x2b: {  	v61 =	vshll.u32 v3, $0x2  }
0x2c: {  	v3 =	vand.u32 $0x7, v3;
	v4 =	vand.u32 $0xFFFFFFE0, v61  }
0x2d: {  	v3 =	vor.u32 v3, v4  }
0x2e: {  	v4 =	vperm.xlane v3, v0;
	_ =	sdelay $0x1  }
0x2f: {  	v4 =	vadd.s32 v1, v4;
	_ =	sdelay $0x1  }
0x30: {  	v3 =	vperm.xlane v3, v2;
	_ =	sdelay $0x1  }
0x31: {  	v3 =	vadd.s32 v1, v3  }
0x32: {  	[tilespmem:s16], [sflag:$0x2] =	stream.indirect_vreg.gather [hbm4b:s1+s3], $0x80, v4, vm0, $0xb8;
	[tilespmem:$0x18100] =	vst v63  }
0x33: {  	_ = 	snop  }
0x34: {  	[tilespmem:s17], [sflag:$0x2] =	stream.indirect_vreg.gather [hbm4b:s5+s3], $0x80, v4, vm0, $0xb8;
	[tilespmem:$0x18100] =	vst v63  }
0x35: {  	_ = 	snop  }
0x36: {  	[tilespmem:s18], [sflag:$0x2] =	stream.indirect_vreg.gather [hbm4b:s1+s3], $0x80, v3, vm0, $0xb8;
	[tilespmem:$0x18100] =	vst v63  }
0x37: {  	_ = 	snop  }
0x38: {  	[tilespmem:s19], [sflag:$0x2] =	stream.indirect_vreg.gather [hbm4b:s5+s3], $0x80, v3, vm0, $0xb8;
	[tilespmem:$0x18100] =	vst v63  }
0x39: {  	v3 =	vld [tilespmem:$0x20];
	_ =	sdelay $0x4  }
0x3a: {  	v62 =	vshll.u32 v3, $0x2  }
0x3b: {  	v3 =	vand.u32 $0x7, v3;
	v4 =	vand.u32 $0xFFFFFFE0, v62  }
0x3c: {  	v3 =	vor.u32 v3, v4  }
0x3d: {  	v4 =	vperm.xlane v3, v0;
	_ =	sdelay $0x1  }
0x3e: {  	v4 =	vadd.s32 v1, v4;
	_ =	sdelay $0x1  }
0x3f: {  	v3 =	vperm.xlane v3, v2;
	_ =	sdelay $0x1  }
0x40: {  	v3 =	vadd.s32 v1, v3  }
0x41: {  	[tilespmem:s20], [sflag:$0x2] =	stream.indirect_vreg.gather [hbm4b:s1+s3], $0x80, v4, vm0, $0xb8;
	[tilespmem:$0x18100] =	vst v63  }
0x42: {  	_ = 	snop  }
0x43: {  	[tilespmem:s21], [sflag:$0x2] =	stream.indirect_vreg.gather [hbm4b:s5+s3], $0x80, v4, vm0, $0xb8;
	[tilespmem:$0x18100] =	vst v63  }
0x44: {  	_ = 	snop  }
0x45: {  	[tilespmem:s22], [sflag:$0x2] =	stream.indirect_vreg.gather [hbm4b:s1+s3], $0x80, v3, vm0, $0xb8;
	[tilespmem:$0x18100] =	vst v63  }
0x46: {  	_ = 	snop  }
0x47: {  	[tilespmem:s23], [sflag:$0x2] =	stream.indirect_vreg.gather [hbm4b:s5+s3], $0x80, v3, vm0, $0xb8;
	[tilespmem:$0x18100] =	vst v63  }
0x48: {  	v3 =	vld [tilespmem:$0x30];
	_ =	sdelay $0x4  }
0x49: {  	v63 =	vshll.u32 v3, $0x2  }
0x4a: {  	v3 =	vand.u32 $0x7, v3;
	v4 =	vand.u32 $0xFFFFFFE0, v63  }
0x4b: {  	v3 =	vor.u32 v3, v4  }
0x4c: {  	v4 =	vperm.xlane v3, v0;
	_ =	sdelay $0x1  }
0x4d: {  	v4 =	vadd.s32 v1, v4;
	_ =	sdelay $0x1  }
0x4e: {  	v3 =	vperm.xlane v3, v2;
	_ =	sdelay $0x1  }
0x4f: {  	v3 =	vadd.s32 v1, v3  }
0x50: {  	[tilespmem:s24], [sflag:$0x2] =	stream.indirect_vreg.gather [hbm4b:s1+s3], $0x80, v4, vm0, $0xb8;
	[tilespmem:$0x18100] =	vst v63  }
0x51: {  	_ = 	snop  }
0x52: {  	[tilespmem:s25], [sflag:$0x2] =	stream.indirect_vreg.gather [hbm4b:s5+s3], $0x80, v4, vm0, $0xb8;
	[tilespmem:$0x18100] =	vst v63  }
0x53: {  	_ = 	snop  }
0x54: {  	[tilespmem:s26], [sflag:$0x2] =	stream.indirect_vreg.gather [hbm4b:s1+s3], $0x80, v3, vm0, $0xb8;
	[tilespmem:$0x18100] =	vst v63  }
0x55: {  	_ = 	snop  }
0x56: {  	[tilespmem:s28], [sflag:$0x2] =	stream.indirect_vreg.gather [hbm4b:s5+s3], $0x80, v3, vm0, $0xb8;
	[tilespmem:$0x18100] =	vst v63  }
0x57: {  	s2 =	rddreg [dreg:$0x6]  }
0x58: {  	[tilespmem:s29], [sflag:$0x3] =	stream.indirect.gather [hbm4b:s2+s10], $0x1, s3, s10, $0xb8;
	[tilespmem:$0x18100] =	vst v63  }
0x59: {  	_ =	swait.ge [sflag:s30], $0x10000  }
0x5a: {  	[sflag:s30] =	ssyncset.done $0x0  }
0x5b: {  	[sflag:s30] =	ssyncadd.s32 $0xFFFF0000  }
0x5c: {  	_ =	swait.ge [sflag:s31], $0x8000  }
0x5d: {  	[sflag:s31] =	ssyncset.done $0x0  }
0x5e: {  	[sflag:s31] =	ssyncadd.s32 $0xFFFF8000  }
0x5f: {  	_ =	swait.ge [sflag:s0], $0x40  }
0x60: {  	[sflag:s0] =	ssyncset.done $0x0  }
0x61: {  	[sflag:s0] =	ssyncadd.s32 $0xFFFFFFC0  }
0x62: {  	[hbm4b:s4+s3] =	stream.linear.scatter [tilespmem:s11], [sflag:$0x4], $0x10000, $0x38;
	[tilespmem:$0x18100] =	vst v63  }
0x63: {  	_ =	swait.ge [sflag:s9], $0x10000  }
0x64: {  	[sflag:s9] =	ssyncset.done $0x0  }
0x65: {  	[sflag:s9] =	ssyncadd.s32 $0xFFFF0000  }
0x66: {  	[hbm4b:s6+s3] =	stream.linear.scatter [tilespmem:s12], [sflag:$0x4], $0x8000, $0x38;
	[tilespmem:$0x18100] =	vst v63  }
0x67: {  	_ =	swait.ge [sflag:s9], $0x8000  }
0x68: {  	p0 =	sne.s32 s8, $0x1;
	[sflag:s9] =	ssyncset.done $0x0  }
.Ltmp0:
0x69: {  	[sflag:s9] =	ssyncadd.s32 $0xFFFF8000;
	(pc) =	sbr.rel @p0 .LBB2_1-.Ltmp0, $4  }
0x6a: {  	[hbm4b:s7+s3] =	stream.linear.scatter [tilespmem:s29], [sflag:$0x4], $0x40, $0x38;
	[tilespmem:$0x18100] =	vst v63  }
0x6b: {  	_ =	swait.ge [sflag:s9], $0x40  }
0x6c: {  	[sflag:s9] =	ssyncset.done $0x0  }
0x6d: {  	s8 =	sadd.s32 $0xFFFFFFFF, s8;
	[sflag:s9] =	ssyncadd.s32 $0xFFFFFFC0  }
0x6e: {  	_ =	sfence.sel $0x180000  }
0x6f: {  	[bflag:$0x0] =	sbarrier.arrive $0xFFFF  }
0x70: {  	_ =	strace $0x90000059  }
0x71: {  	s0 =	stileid.u32;
	[bflag:$0x2] =	sbarrier.arrive $0xFFFF  }
0x72: {  	p0 =	sne.s32 s0, $0x0;
	s0 =	rddreg [dreg:$0x4]  }
0x73: {  	s0 =	sadd.s32 @!p0 $0x100000, s0  }
0x74: {  	[sflag:s0] =	ssyncadd.tile.s32 @!p0 $0x1;
	_ =	shalt  }
.Lfunc_end2:
_tile_overlayer_lowered:
.L_overlay_start_2:
0x75: {  	(tag) =	ssettag $0x2  }
0x76: {  	s0 =	rddreg [dreg:$0x0];
	s2 =	stileid.u32  }
0x77: {  	s1 =	rddreg [dreg:$0x1];
	p0 =	sne.s32 s2, $0x0  }
0x78: {  	s3 =	rddreg [dreg:$0x2];
	[bflag:$0x3] =	sbarrier.arrive $0xFFFF;
	s2 =	simm.s32 @!p0 $0x1C04  }
0x79: {  	[timem:s3], [sflag:s2] =	dma.local @!p0 [hbm:s0], s1  }
0x7a: {  	s0 =	simm.s32 @!p0 $0x4  }
0x7b: {  	_ =	swait.ge @!p0 [sflag:s0], s1  }
0x7c: {  	s1 =	ssub.s32 @!p0 $0x0, s1;
	[sflag:s0] =	ssyncset.done @!p0 $0x0  }
0x7d: {  	[sflag:s0] =	ssyncadd.s32 @!p0 s1  }
0x7e: {  	[bflag:$0x3] =	sbarrier.arrive $0xFFFF  }
0x7f: {  	_ =	shalt  }

// kernel: kernel.39.cloned.1.call-start
scs
__scs_entry_jumppad:
0x0: {  	(pc) =	sbr.rel $0x88, $3  }
0x1: {  	(tag) =	ssettag $0x0;
	lr =	simm.s32 $0x1  }
0x2: {  	[smem:$0x3F99] =	sst lr;
	_ =	strace $0xD0000000  }
0x3: {  	_ = 	snop  }
0x4: {  	_ = 	snop  }
0x5: {  	_ = 	snop  }
0x6: {  	_ = 	snop  }
0x7: {  	_ = 	snop  }
__scs_overlays_trampoline_lowered:
0x8: {  	[smem:$0x3FA8] =	sst s0  }
0x9: {  	[smem:$0x3FA9] =	sst s1  }
0xa: {  	[smem:$0x3FAA] =	sst s2  }
0xb: {  	[smem:$0x3FAB] =	sst s3  }
0xc: {  	[smem:$0x3FAC] =	sst s4  }
0xd: {  	[smem:$0x3FAD] =	sst s5  }
0xe: {  	[smem:$0x3FAE] =	sst s6  }
0xf: {  	[smem:$0x3FAF] =	sst s7  }
0x10: {  	[smem:$0x3FB0] =	sst s8  }
0x11: {  	[smem:$0x3FB1] =	sst s9;
	s0 =	simm.s32 @!p0 $0x0  }
0x12: {  	s1 =	sld [smem:$0x3F97];
	s0 =	simm.s32 @p0 $0x1  }
0x13: {  	[smem:$0x3FB2] =	sst s0;
	s0 =	simm.s32 @!p1 $0x0  }
0x14: {  	s2 =	sld [smem:$0x3F96];
	s0 =	simm.s32 @p1 $0x1  }
0x15: {  	[smem:$0x3FB3] =	sst s0;
	s0 =	simm.s32 @!p2 $0x0  }
0x16: {  	s3 =	sld [smem:$0x3FDB];
	s0 =	simm.s32 @p2 $0x1  }
0x17: {  	s4 =	simm.s32 $0x1BF5;
	[smem:$0x3FB5] =	sst s0  }
0x18: {  	s0 =	sld [smem:$0x3F98];
	_ =	swait.ge [sflag:s4], $0x0  }
0x19: {  	s7 =	sld [smem:$0x3F99]  }
0x1a: {  	s8 =	sadd.s32 $0xFFFFE003, lr  }
0x1b: {  	s9 =	sadd.s32 $0xFFFFFEF7, lr;
	s5 =	simm.s32 $0xFFFFFFFF;
	p2 =	slt.u32 s8, $0xFFFFF086  }
0x1c: {  	p1 =	slt.u32 s9, $0xF7A;
	s5 =	simm.s32 @!p2 $0x0  }
0x1d: {  	s5 =	simm.s32 @p1 $0x1;
	p0 =	seq.s32 s7, s2  }
0x1e: {  	s7 =	smul.u32 @!p0 $0xF7A, s2;
	p2 =	seq.s32 @!p0 s5, $0x0  }
0x1f: {  	s9 =	smul.u32 $0xF7A, s1;
	s8 =	simm.s32 @!p0 $0x1BF5;
	p2 =	por !p2, p0  }
0x20: {  	[sflag:s8] =	ssyncset.s32 @!p0 $0xFFFFF086;
	s6 =	sadd.s32 @!p0 s3, s7;
	s7 =	simm.s32 @!p0 $0x108  }
0x21: {  	s3 =	sadd.s32 s3, s9;
	s6 =	sadd.s32 @!p0 $0x88, s6;
	s7 =	simm.s32 @p2 $0x1082  }
0x22: {  	[simem:s7], [sflag:s8] =	dma.local @!p0 [hbm:s6], $0xF7A  }
0x23: {  	s9 =	sor.u32 $0xD0000000, s2;
	s6 =	simm.s32 $0x108;
	_ =	swait.ge @!p0 [sflag:s8], $0x0  }
0x24: {  	s3 =	sadd.s32 $0x88, s3;
	s6 =	simm.s32 @!p1 $0x1082;
	[sflag:s4] =	ssyncset.s32 $0xFFFFF086  }
0x25: {  	[simem:s6], [sflag:s4] =	dma.local [hbm:s3], $0xF7A  }
0x26: {  	[smem:$0x3F99] =	sst s1;
	(tag) =	ssettag s2;
	_ =	strace s9  }
0x27: {  	s1 =	sld [smem:$0x3FA9]  }
0x28: {  	s2 =	sld [smem:$0x3FAA]  }
0x29: {  	s4 =	sld [smem:$0x3FAC]  }
0x2a: {  	p0 =	seq.s32 s5, $0x0;
	s5 =	sld [smem:$0x3FAD]  }
0x2b: {  	s6 =	sld [smem:$0x3FAE]  }
0x2c: {  	s7 =	sld [smem:$0x3FAF]  }
0x2d: {  	s3 =	simm.s32 $0x108;
	s8 =	sld [smem:$0x3FB0]  }
0x2e: {  	s3 =	simm.s32 @!p0 $0x1082;
	s9 =	sld [smem:$0x3FB1]  }
0x2f: {  	lr =	sadd.s32 s0, s3;
	s0 =	sld [smem:$0x3FA8]  }
0x30: {  	s3 =	sld [smem:$0x3FAB]  }
0x31: {  	[smem:$0x3FB4] =	sst s10  }
0x32: {  	s10 =	sld [smem:$0x3FB2];
	_ =	sdelay $0x3  }
0x33: {  	p0 =	seq.s32 s10, $0x1;
	s10 =	sld [smem:$0x3FB4];
	_ =	sdelay $0x3  }
0x34: {  	[smem:$0x3FB4] =	sst s10  }
0x35: {  	s10 =	sld [smem:$0x3FB3];
	_ =	sdelay $0x3  }
0x36: {  	p1 =	seq.s32 s10, $0x1;
	s10 =	sld [smem:$0x3FB4];
	_ =	sdelay $0x3  }
0x37: {  	[smem:$0x3FB4] =	sst s10  }
0x38: {  	s10 =	sld [smem:$0x3FB5]  }
0x39: {  	_ = 	snop;
	(pc) =	sbr.ind lr, $3  }
0x3a: {  	_ = 	snop  }
0x3b: {  	_ = 	snop  }
0x3c: {  	p2 =	seq.s32 s10, $0x1;
	s10 =	sld [smem:$0x3FB4]  }
0x3d: {  	_ =	shalt  }
0x3e: {  	_ =	shalt  }
0x3f: {  	_ =	shalt  }
0x40: {  	_ =	shalt  }
0x41: {  	_ =	shalt  }
0x42: {  	_ =	shalt  }
0x43: {  	_ =	shalt  }
0x44: {  	_ =	shalt  }
0x45: {  	_ =	shalt  }
0x46: {  	_ =	shalt  }
0x47: {  	_ =	shalt  }
0x48: {  	_ =	shalt  }
0x49: {  	_ =	shalt  }
0x4a: {  	_ =	shalt  }
0x4b: {  	_ =	shalt  }
0x4c: {  	_ =	shalt  }
0x4d: {  	_ =	shalt  }
0x4e: {  	_ =	shalt  }
0x4f: {  	_ =	shalt  }
0x50: {  	_ =	shalt  }
0x51: {  	_ =	shalt  }
0x52: {  	_ =	shalt  }
0x53: {  	_ =	shalt  }
0x54: {  	_ =	shalt  }
0x55: {  	_ =	shalt  }
0x56: {  	_ =	shalt  }
0x57: {  	_ =	shalt  }
0x58: {  	_ =	shalt  }
0x59: {  	_ =	shalt  }
0x5a: {  	_ =	shalt  }
0x5b: {  	_ =	shalt  }
0x5c: {  	_ =	shalt  }
0x5d: {  	_ =	shalt  }
0x5e: {  	_ =	shalt  }
0x5f: {  	_ =	shalt  }
0x60: {  	_ =	shalt  }
0x61: {  	_ =	shalt  }
0x62: {  	_ =	shalt  }
0x63: {  	_ =	shalt  }
0x64: {  	_ =	shalt  }
0x65: {  	_ =	shalt  }
0x66: {  	_ =	shalt  }
0x67: {  	_ =	shalt  }
0x68: {  	_ =	shalt  }
0x69: {  	_ =	shalt  }
0x6a: {  	_ =	shalt  }
0x6b: {  	_ =	shalt  }
0x6c: {  	_ =	shalt  }
0x6d: {  	_ =	shalt  }
0x6e: {  	_ =	shalt  }
0x6f: {  	_ =	shalt  }
0x70: {  	_ =	shalt  }
0x71: {  	_ =	shalt  }
0x72: {  	_ =	shalt  }
0x73: {  	_ =	shalt  }
0x74: {  	_ =	shalt  }
0x75: {  	_ =	shalt  }
0x76: {  	_ =	shalt  }
0x77: {  	_ =	shalt  }
0x78: {  	_ =	shalt  }
0x79: {  	_ =	shalt  }
0x7a: {  	_ =	shalt  }
0x7b: {  	_ =	shalt  }
0x7c: {  	_ =	shalt  }
0x7d: {  	_ =	shalt  }
0x7e: {  	_ =	shalt  }
0x7f: {  	_ =	shalt  }
0x80: {  	_ =	shalt  }
0x81: {  	_ =	shalt  }
0x82: {  	_ =	shalt  }
0x83: {  	_ =	shalt  }
0x84: {  	_ =	shalt  }
0x85: {  	_ =	shalt  }
0x86: {  	_ =	shalt  }
0x87: {  	_ =	shalt  }
.Lfunc_end0:
.L_simem_size_0:
called_computation.7_lowered:
.L_overlay_start_0:
0x88: {  	s2 =	sld [smem:$0x3FD9]  }
0x89: {  	s3 =	sld [smem:$0x3FFE];
	_ =	sdelay $0x1  }
0x8a: {  	s1 =	srdreg.scid  }
0x8b: {  	s0 =	sand.u32 $0x1, s1  }
0x8c: {  	s17 =	sshll.u32 s0, $0xA;
	s2 =	sadd.s32 s3, s2  }
0x8d: {  	s2 =	sadd.s32 s2, s17  }
0x8e: {  	[smem:$0x3FC0] =	sst s2  }
0x8f: {  	_ = 	snop  }
0x90: {  	s18 =	sld [smem:$0x3FC8]  }
0x91: {  	s5 =	sld [smem:$0x3FC7]  }
0x92: {  	s4 =	sld [smem:$0x3FC6];
	(tm) =	ssettm $0x1  }
0x93: {  	s19 =	sld [smem:$0x3FFB];
	_ =	sdelay $0x3  }
0x94: {  	_ =	strace s19  }
0x95: {  	s2 =	sld [smem:$0x3FFC];
	_ =	sdelay $0x3  }
0x96: {  	_ =	strace s2  }
0x97: {  	s2 =	sld [smem:$0x3FFD];
	_ =	sdelay $0x3  }
0x98: {  	_ =	strace s2  }
0x99: {  	_ =	strace $0x8FFFFFFF  }
0x9a: {  	s20 =	sld [smem:$0x3FDB];
	_ =	sdelay $0x1  }
0x9b: {  	s6 =	simm.s32 $_scs_section_size  }
0x9c: {  	s7 =	simm.s32 $_size__tile_overlayer_lowered;
	s8 =	simm.s32 $_tile_overlayer_lowered  }
0x9d: {  	s9 =	simm.s32 $0x1BFF;
	s21 =	sshll.u32 s8, $0x1;
	s6 =	sadd.s32 s6, s20  }
0x9e: {  	s22 =	simm.s32 $0x0;
	s7 =	sshll.u32 s7, $0x1;
	s8 =	sadd.s32 s21, s6  }
0x9f: {  	[timem:s22], [sflag:s9] =	dma.local [hbm:s8], s7  }
0xa0: {  	_ =	swait.ge [sflag:s9], s7  }
0xa1: {  	s7 =	ssub.s32 $0x0, s7;
	[sflag:s9] =	ssyncset.done $0x0  }
0xa2: {  	[sflag:s9] =	ssyncadd.s32 s7;
	_ =	sdelay $0x1  }
0xa3: {  	s23 =	simm.s32 $0x1B8B  }
0xa4: {  	_ =	swait.ge [sflag:s23], $0x1  }
0xa5: {  	[sflag:s23] =	ssyncset.done $0x0  }
0xa6: {  	[sflag:s23] =	ssyncadd.s32 $0xFFFFFFFF  }
0xa7: {  	s7 =	sld [smem:$0x0]  }
0xa8: {  	s8 =	sand.u32 $0xFFFFFFFE, s1  }
0xa9: {  	p0 =	sne.s32 s1, s8  }
0xaa: {  	s8 =	sshll.u32 @p0 s8, $0xE  }
0xab: {  	s8 =	sadd.s32 @p0 $0x11B8D, s8;
	s9 =	sshll.u32 @p0 s7, $0x11  }
0xac: {  	s8 =	sor.u32 @p0 s9, s8  }
0xad: {  	[sflag:s8] =	ssyncadd.remote.s32 @p0 $0x1;
	_ =	sdelay $0x1  }
0xae: {  	s8 =	simm.s32 @p0 $0x1B8D  }
0xaf: {  	_ =	swait.eq @p0 [sflag:s8], $0x1  }
0xb0: {  	[sflag:s8] =	ssyncadd.s32 @p0 $0xFFFFFFFF  }
0xb1: {  	s9 =	sshll.u32 @!p0 s1, $0xE  }
0xb2: {  	s9 =	sor.u32 @!p0 $0x4000, s9;
	s8 =	simm.s32 @!p0 $0x1B8D  }
0xb3: {  	s7 =	sshll.u32 @!p0 s7, $0x11;
	s9 =	sadd.s32 @!p0 $0x11B8D, s9;
	_ =	swait.eq @!p0 [sflag:s8], $0x1  }
0xb4: {  	s7 =	sor.u32 @!p0 s7, s9;
	[sflag:s8] =	ssyncadd.s32 @!p0 $0xFFFFFFFF  }
0xb5: {  	s25 =	simm.s32 $0x1B8E;
	s24 =	sld [smem:$0x3FFE];
	[sflag:s7] =	ssyncadd.remote.s32 @!p0 $0x1  }
0xb6: {  	s26 =	simm.s32 $execute0_lowered;
	[smem:$0x3FD2] =	sst s25  }
0xb7: {  	s8 =	sshll.u32 s26, $0x1;
	_ =	strace $0x8000005B;
	[dreg:$0x1] =	wrdreg $0xFFFFFFFF  }
0xb8: {  	s28 =	simm.s32 $_size_execute0_lowered;
	s6 =	sadd.s32 s6, s8;
	[dreg:$0x0] =	wrdreg $0x0  }
0xb9: {  	s8 =	sshll.u32 s28, $0x1;
	[dreg:$0x2] =	wrdreg s6  }
0xba: {  	[dreg:$0x3] =	wrdreg s8  }
0xbb: {  	[dreg:$0x4] =	wrdreg $0xC0  }
0xbc: {  	_ =	task [dreg:s22], $0x5FFFF  }
0xbd: {  	[dreg:$0x1] =	wrdreg $0xFFFFFFFF  }
0xbe: {  	[dreg:$0x0] =	wrdreg $0x60  }
0xbf: {  	[dreg:$0x2] =	wrdreg s24  }
0xc0: {  	[dreg:$0x3] =	wrdreg s5  }
0xc1: {  	[dreg:$0x4] =	wrdreg s18  }
0xc2: {  	[dreg:$0x5] =	wrdreg s4  }
0xc3: {  	[dreg:$0x6] =	wrdreg $0x10  }
0xc4: {  	_ =	task.clear_ibuf [dreg:s22], $0x7FFFF;
	_ =	strace $0x9000005B  }
0xc5: {  	s29 =	simm.s32 $0x10;
	_ =	strace $0x8000005D  }
0xc6: {  	_ =	swait.ge [sflag:s29], $0x1  }
0xc7: {  	[sflag:s29] =	ssyncadd.s32 $0xFFFFFFFF  }
0xc8: {  	_ =	strace $0x9000005D  }
0xc9: {  	_ =	sfence  }
0xca: {  	s30 =	sld [smem:$0x0];
	_ =	sdelay $0x2  }
0xcb: {  	s31 =	sshll.u32 s1, $0xD;
	s1 =	sshrl.u32 s1, $0x2  }
0xcc: {  	s4 =	sand.u32 $0x4000, s31;
	s1 =	sadd.s32 s1, s30  }
0xcd: {  	s0 =	sor.u32 s4, s0;
	s1 =	sshll.u32 s1, $0x11  }
0xce: {  	s0 =	sor.u32 s1, s0  }
0xcf: {  	s0 =	sadd.s32 $0x8F2B, s0  }
0xd0: {  	[sflag:s0] =	ssyncadd.remote.s32 $0x1  }
0xd1: {  	_ =	sfence.sel $0xFFFF  }
0xd2: {  	[dreg:$0x0] =	wrdreg $0xFFFFFFFF;
	(pc) =	sbr.abs _section_cstart, $3  }
0xd3: {  	[dreg:$0x1] =	wrdreg $0xFFFFFFFF  }
0xd4: {  	_ =	task.clear_ibuf [dreg:s22], $0x2FFFF;
	_ =	strace $0x9FFFFFFF  }
0xd5: {  	(tm) =	ssettm $0x7FFFFFFF  }
tec
execute0_lowered:
.L_overlay_start_1:
0x0: {  	(tag) =	ssettag $0x1  }
0x1: {  	s0 =	rddreg [dreg:$0x0]  }
0x2: {  	s1 =	rddreg [dreg:$0x1]  }
0x3: {  	s2 =	rddreg [dreg:$0x3];
	s4 =	srdreg.scid  }
0x4: {  	s25 =	stileid.u32;
	s3 =	simm.s32 $0x0;
	s10 =	simm.s32 $0x40  }
0x5: {  	s11 =	simm.s32 $0x80;
	s12 =	simm.s32 $0x10080;
	s13 =	simm.s32 $0x10880  }
0x6: {  	s14 =	simm.s32 $0x11080;
	s15 =	simm.s32 $0x11880;
	s16 =	simm.s32 $0x12080  }
0x7: {  	s17 =	simm.s32 $0x12880;
	s18 =	simm.s32 $0x13080;
	s19 =	simm.s32 $0x13880  }
0x8: {  	s20 =	simm.s32 $0x14080;
	s21 =	simm.s32 $0x14880;
	s22 =	simm.s32 $0x15080  }
0x9: {  	s23 =	simm.s32 $0x15880;
	s24 =	simm.s32 $0x16080;
	[dreg:$0x5] =	wrdreg s1  }
0xa: {  	s28 =	simm.s32 $0x17880;
	s29 =	simm.s32 $0x18080;
	s1 =	rddreg [dreg:$0x2]  }
0xb: {  	s30 =	simm.s32 $0x1;
	s31 =	simm.s32 $0x2;
	[dreg:$0x6] =	wrdreg s2  }
0xc: {  	s4 =	sand.u32 $0x1, s4;
	s5 =	sshll.u32 s25, $0x1;
	[smem:$0x7FF] =	sst s3  }
0xd: {  	s25 =	simm.s32 $0x16880;
	s5 =	sor.u32 s4, s5;
	_ =	strace $0x8000005C  }
0xe: {  	s4 =	ssub.s32 $0x2, s4;
	s6 =	sshll.u32 s5, $0x4;
	s7 =	sshll.u32 s5, $0xD  }
0xf: {  	s8 =	sshll.u32 s5, $0xC;
	s5 =	sshll.u32 s5, $0x3;
	s26 =	sshrl.u32 s4, $0x1  }
0x10: {  	s6 =	sadd.s32 s6, s0;
	s7 =	sadd.s32 s7, s0;
	s8 =	sadd.s32 s8, s0  }
0x11: {  	s0 =	sadd.s32 s5, s0;
	s9 =	ssub.s32 s4, s26;
	s5 =	sadd.s32 $0x100, s1  }
0x12: {  	v2 =	vlaneseq.u32;
	s26 =	simm.s32 $0x17080;
	s6 =	sadd.s32 $0x28E00, s6;
	s4 =	sadd.s32 $0x269E00, s7  }
0x13: {  	vm0 =	vmmov $0xffff;
	v1 =	vshrl.u32 v2, $0x3;
	s7 =	sadd.s32 $0x269C00, s0;
	s0 =	simm.s32 $0x3;
	[dreg:$0x7] =	wrdreg s6  }
0x14: {  	v0 =	vand.u32 $0x7, v2;
	v2 =	vor.u32 $0x8, v2;
	v1 =	vmul.u32 $0x8, v1;
	s6 =	sadd.s32 $0x2A9E00, s8;
	s8 =	smax.u32 s9, $0x1;
	s9 =	simm.s32 $0x4  }
.LBB2_1:
0x15: {  	s2 =	rddreg [dreg:$0x7]  }
0x16: {  	[tilespmem:s3], [sflag:$0x4] =	stream.linear.gather [hbm4b:s2+s3], $0x80, $0x38;
	[tilespmem:$0x18100] =	vst v63  }
0x17: {  	_ =	swait.ge [sflag:s9], $0x80  }
0x18: {  	[sflag:s9] =	ssyncset.done $0x0  }
0x19: {  	s2 =	rddreg [dreg:$0x5];
	[sflag:s9] =	ssyncadd.s32 $0xFFFFFF80  }
0x1a: {  	[tilespmem:s11], [sflag:$0x1] =	stream.indirect.gather [hbm4b:s2+s10], $0x400, s3, s10, $0xb8;
	[tilespmem:$0x18100] =	vst v63  }
0x1b: {  	v3 =	vld [tilespmem:$0x0];
	_ =	sdelay $0x4  }
0x1c: {  	v4 =	vshll.u32 v3, $0x2  }
0x1d: {  	v3 =	vand.u32 $0x7, v3;
	v4 =	vand.u32 $0xFFFFFFE0, v4  }
0x1e: {  	v3 =	vor.u32 v3, v4  }
0x1f: {  	v4 =	vperm.xlane v3, v0;
	_ =	sdelay $0x1  }
0x20: {  	v4 =	vadd.s32 v1, v4;
	_ =	sdelay $0x1  }
0x21: {  	v3 =	vperm.xlane v3, v2;
	_ =	sdelay $0x1  }
0x22: {  	v3 =	vadd.s32 v1, v3  }
0x23: {  	[tilespmem:s12], [sflag:$0x2] =	stream.indirect_vreg.gather [hbm4b:s1+s3], $0x80, v4, vm0, $0xb8;
	[tilespmem:$0x18100] =	vst v63  }
0x24: {  	_ = 	snop  }
0x25: {  	[tilespmem:s13], [sflag:$0x2] =	stream.indirect_vreg.gather [hbm4b:s5+s3], $0x80, v4, vm0, $0xb8;
	[tilespmem:$0x18100] =	vst v63  }
0x26: {  	_ = 	snop  }
0x27: {  	[tilespmem:s14], [sflag:$0x2] =	stream.indirect_vreg.gather [hbm4b:s1+s3], $0x80, v3, vm0, $0xb8;
	[tilespmem:$0x18100] =	vst v63  }
0x28: {  	_ = 	snop  }
0x29: {  	[tilespmem:s15], [sflag:$0x2] =	stream.indirect_vreg.gather [hbm4b:s5+s3], $0x80, v3, vm0, $0xb8;
	[tilespmem:$0x18100] =	vst v63  }
0x2a: {  	v3 =	vld [tilespmem:$0x10];
	_ =	sdelay $0x4  }
0x2b: {  	v61 =	vshll.u32 v3, $0x2  }
0x2c: {  	v3 =	vand.u32 $0x7, v3;
	v4 =	vand.u32 $0xFFFFFFE0, v61  }
0x2d: {  	v3 =	vor.u32 v3, v4  }
0x2e: {  	v4 =	vperm.xlane v3, v0;
	_ =	sdelay $0x1  }
0x2f: {  	v4 =	vadd.s32 v1, v4;
	_ =	sdelay $0x1  }
0x30: {  	v3 =	vperm.xlane v3, v2;
	_ =	sdelay $0x1  }
0x31: {  	v3 =	vadd.s32 v1, v3  }
0x32: {  	[tilespmem:s16], [sflag:$0x2] =	stream.indirect_vreg.gather [hbm4b:s1+s3], $0x80, v4, vm0, $0xb8;
	[tilespmem:$0x18100] =	vst v63  }
0x33: {  	_ = 	snop  }
0x34: {  	[tilespmem:s17], [sflag:$0x2] =	stream.indirect_vreg.gather [hbm4b:s5+s3], $0x80, v4, vm0, $0xb8;
	[tilespmem:$0x18100] =	vst v63  }
0x35: {  	_ = 	snop  }
0x36: {  	[tilespmem:s18], [sflag:$0x2] =	stream.indirect_vreg.gather [hbm4b:s1+s3], $0x80, v3, vm0, $0xb8;
	[tilespmem:$0x18100] =	vst v63  }
0x37: {  	_ = 	snop  }
0x38: {  	[tilespmem:s19], [sflag:$0x2] =	stream.indirect_vreg.gather [hbm4b:s5+s3], $0x80, v3, vm0, $0xb8;
	[tilespmem:$0x18100] =	vst v63  }
0x39: {  	v3 =	vld [tilespmem:$0x20];
	_ =	sdelay $0x4  }
0x3a: {  	v62 =	vshll.u32 v3, $0x2  }
0x3b: {  	v3 =	vand.u32 $0x7, v3;
	v4 =	vand.u32 $0xFFFFFFE0, v62  }
0x3c: {  	v3 =	vor.u32 v3, v4  }
0x3d: {  	v4 =	vperm.xlane v3, v0;
	_ =	sdelay $0x1  }
0x3e: {  	v4 =	vadd.s32 v1, v4;
	_ =	sdelay $0x1  }
0x3f: {  	v3 =	vperm.xlane v3, v2;
	_ =	sdelay $0x1  }
0x40: {  	v3 =	vadd.s32 v1, v3  }
0x41: {  	[tilespmem:s20], [sflag:$0x2] =	stream.indirect_vreg.gather [hbm4b:s1+s3], $0x80, v4, vm0, $0xb8;
	[tilespmem:$0x18100] =	vst v63  }
0x42: {  	_ = 	snop  }
0x43: {  	[tilespmem:s21], [sflag:$0x2] =	stream.indirect_vreg.gather [hbm4b:s5+s3], $0x80, v4, vm0, $0xb8;
	[tilespmem:$0x18100] =	vst v63  }
0x44: {  	_ = 	snop  }
0x45: {  	[tilespmem:s22], [sflag:$0x2] =	stream.indirect_vreg.gather [hbm4b:s1+s3], $0x80, v3, vm0, $0xb8;
	[tilespmem:$0x18100] =	vst v63  }
0x46: {  	_ = 	snop  }
0x47: {  	[tilespmem:s23], [sflag:$0x2] =	stream.indirect_vreg.gather [hbm4b:s5+s3], $0x80, v3, vm0, $0xb8;
	[tilespmem:$0x18100] =	vst v63  }
0x48: {  	v3 =	vld [tilespmem:$0x30];
	_ =	sdelay $0x4  }
0x49: {  	v63 =	vshll.u32 v3, $0x2  }
0x4a: {  	v3 =	vand.u32 $0x7, v3;
	v4 =	vand.u32 $0xFFFFFFE0, v63  }
0x4b: {  	v3 =	vor.u32 v3, v4  }
0x4c: {  	v4 =	vperm.xlane v3, v0;
	_ =	sdelay $0x1  }
0x4d: {  	v4 =	vadd.s32 v1, v4;
	_ =	sdelay $0x1  }
0x4e: {  	v3 =	vperm.xlane v3, v2;
	_ =	sdelay $0x1  }
0x4f: {  	v3 =	vadd.s32 v1, v3  }
0x50: {  	[tilespmem:s24], [sflag:$0x2] =	stream.indirect_vreg.gather [hbm4b:s1+s3], $0x80, v4, vm0, $0xb8;
	[tilespmem:$0x18100] =	vst v63  }
0x51: {  	_ = 	snop  }
0x52: {  	[tilespmem:s25], [sflag:$0x2] =	stream.indirect_vreg.gather [hbm4b:s5+s3], $0x80, v4, vm0, $0xb8;
	[tilespmem:$0x18100] =	vst v63  }
0x53: {  	_ = 	snop  }
0x54: {  	[tilespmem:s26], [sflag:$0x2] =	stream.indirect_vreg.gather [hbm4b:s1+s3], $0x80, v3, vm0, $0xb8;
	[tilespmem:$0x18100] =	vst v63  }
0x55: {  	_ = 	snop  }
0x56: {  	[tilespmem:s28], [sflag:$0x2] =	stream.indirect_vreg.gather [hbm4b:s5+s3], $0x80, v3, vm0, $0xb8;
	[tilespmem:$0x18100] =	vst v63  }
0x57: {  	s2 =	rddreg [dreg:$0x6]  }
0x58: {  	[tilespmem:s29], [sflag:$0x3] =	stream.indirect.gather [hbm4b:s2+s10], $0x1, s3, s10, $0xb8;
	[tilespmem:$0x18100] =	vst v63  }
0x59: {  	_ =	swait.ge [sflag:s30], $0x10000  }
0x5a: {  	[sflag:s30] =	ssyncset.done $0x0  }
0x5b: {  	[sflag:s30] =	ssyncadd.s32 $0xFFFF0000  }
0x5c: {  	_ =	swait.ge [sflag:s31], $0x8000  }
0x5d: {  	[sflag:s31] =	ssyncset.done $0x0  }
0x5e: {  	[sflag:s31] =	ssyncadd.s32 $0xFFFF8000  }
0x5f: {  	_ =	swait.ge [sflag:s0], $0x40  }
0x60: {  	[sflag:s0] =	ssyncset.done $0x0  }
0x61: {  	[sflag:s0] =	ssyncadd.s32 $0xFFFFFFC0  }
0x62: {  	[hbm4b:s4+s3] =	stream.linear.scatter [tilespmem:s11], [sflag:$0x4], $0x10000, $0x38;
	[tilespmem:$0x18100] =	vst v63  }
0x63: {  	_ =	swait.ge [sflag:s9], $0x10000  }
0x64: {  	[sflag:s9] =	ssyncset.done $0x0  }
0x65: {  	[sflag:s9] =	ssyncadd.s32 $0xFFFF0000  }
0x66: {  	[hbm4b:s6+s3] =	stream.linear.scatter [tilespmem:s12], [sflag:$0x4], $0x8000, $0x38;
	[tilespmem:$0x18100] =	vst v63  }
0x67: {  	_ =	swait.ge [sflag:s9], $0x8000  }
0x68: {  	p0 =	sne.s32 s8, $0x1;
	[sflag:s9] =	ssyncset.done $0x0  }
.Ltmp0:
0x69: {  	[sflag:s9] =	ssyncadd.s32 $0xFFFF8000;
	(pc) =	sbr.rel @p0 .LBB2_1-.Ltmp0, $4  }
0x6a: {  	[hbm4b:s7+s3] =	stream.linear.scatter [tilespmem:s29], [sflag:$0x4], $0x40, $0x38;
	[tilespmem:$0x18100] =	vst v63  }
0x6b: {  	_ =	swait.ge [sflag:s9], $0x40  }
0x6c: {  	[sflag:s9] =	ssyncset.done $0x0  }
0x6d: {  	s8 =	sadd.s32 $0xFFFFFFFF, s8;
	[sflag:s9] =	ssyncadd.s32 $0xFFFFFFC0  }
0x6e: {  	_ =	sfence.sel $0x180000  }
0x6f: {  	[bflag:$0x0] =	sbarrier.arrive $0xFFFF  }
0x70: {  	_ =	strace $0x9000005C  }
0x71: {  	s0 =	stileid.u32;
	[bflag:$0x2] =	sbarrier.arrive $0xFFFF  }
0x72: {  	p0 =	sne.s32 s0, $0x0;
	s0 =	rddreg [dreg:$0x4]  }
0x73: {  	s0 =	sadd.s32 @!p0 $0x100000, s0  }
0x74: {  	[sflag:s0] =	ssyncadd.tile.s32 @!p0 $0x1;
	_ =	shalt  }
.Lfunc_end2:
_tile_overlayer_lowered:
.L_overlay_start_2:
0x75: {  	(tag) =	ssettag $0x2  }
0x76: {  	s0 =	rddreg [dreg:$0x0];
	s2 =	stileid.u32  }
0x77: {  	s1 =	rddreg [dreg:$0x1];
	p0 =	sne.s32 s2, $0x0  }
0x78: {  	s3 =	rddreg [dreg:$0x2];
	[bflag:$0x3] =	sbarrier.arrive $0xFFFF;
	s2 =	simm.s32 @!p0 $0x1C04  }
0x79: {  	[timem:s3], [sflag:s2] =	dma.local @!p0 [hbm:s0], s1  }
0x7a: {  	s0 =	simm.s32 @!p0 $0x4  }
0x7b: {  	_ =	swait.ge @!p0 [sflag:s0], s1  }
0x7c: {  	s1 =	ssub.s32 @!p0 $0x0, s1;
	[sflag:s0] =	ssyncset.done @!p0 $0x0  }
0x7d: {  	[sflag:s0] =	ssyncadd.s32 @!p0 s1  }
0x7e: {  	[bflag:$0x3] =	sbarrier.arrive $0xFFFF  }
0x7f: {  	_ =	shalt  }

</sc_bundles>
